<compile_context>
chip_gen: v7x
topology: tpu7x:2x2x1
jax: 0.10.2.dev20260603
libtpu: 0.0.44.dev20260713+nightly
codegen_flags: <defaults>
</compile_context>

<pallas_src>
import jax
import jax.numpy as jnp
from jax import lax
from jax.experimental import pallas as pl
from jax.experimental.pallas import tpu as pltpu
from jax.experimental.pallas import tpu_sc as plsc

_B = 16384
_D = 64
_NW = 32
_BPW = _B // _NW
_CHUNK = 128
_NCH = _BPW // _CHUNK
_GPC = _CHUNK // 16
_CB = 16384

_SLAB = 512
_NSLAB = 28
_CPT = _SLAB * _NSLAB
_SC_COLS = _CPT * _NW
_TC_FIRST = _SC_COLS // _CB


def _sc_matvec_body(tT, w_hbm, out_hbm, sl0, sl1, wv, ob0, ob1,
                    sem0, sem1, sem_o):
    cid = lax.axis_index("c")
    sid = lax.axis_index("s")
    wid = cid * 16 + sid
    c0 = wid * _CPT

    pltpu.sync_copy(w_hbm, wv)
    w_vecs = [wv[pl.ds(16 * t, 16)] for t in range(_D // 16)]

    def fire(s, buf, sem):
        return pltpu.async_copy(tT.at[:, pl.ds(c0 + s * _SLAB, _SLAB)],
                                buf, sem)

    def compute(buf, ob, s, p):
        @pl.when(p >= 1)
        def _():
            pltpu.make_async_copy(
                ob, out_hbm.at[pl.ds(c0, _SLAB)], sem_o).wait()

        def gbody(g, carry):
            cols = pl.ds(g * 16, 16)
            acc0 = jnp.zeros((16,), jnp.float32)
            acc1 = jnp.zeros((16,), jnp.float32)
            acc2 = jnp.zeros((16,), jnp.float32)
            acc3 = jnp.zeros((16,), jnp.float32)
            for d in range(_D):
                v = buf[d, cols] * w_vecs[d // 16][d % 16]
                if d % 4 == 0:
                    acc0 = acc0 + v
                elif d % 4 == 1:
                    acc1 = acc1 + v
                elif d % 4 == 2:
                    acc2 = acc2 + v
                else:
                    acc3 = acc3 + v
            ob[cols] = (acc0 + acc1) + (acc2 + acc3)
            return carry

        lax.fori_loop(0, _SLAB // 16, gbody, 0)
        pltpu.async_copy(ob, out_hbm.at[pl.ds(c0 + s * _SLAB, _SLAB)], sem_o)

    fire(0, sl0, sem0)
    fire(1, sl1, sem1)

    def pbody(p, carry):
        s0 = 2 * p
        pltpu.make_async_copy(tT.at[:, pl.ds(0, _SLAB)], sl0, sem0).wait()
        compute(sl0, ob0, s0, p)
        fire(s0 + 2, sl0, sem0)
        pltpu.make_async_copy(tT.at[:, pl.ds(0, _SLAB)], sl1, sem1).wait()
        compute(sl1, ob1, s0 + 1, p)
        fire(s0 + 3, sl1, sem1)
        return carry

    lax.fori_loop(0, _NSLAB // 2, pbody, 0)
    pltpu.make_async_copy(tT.at[:, pl.ds(0, _SLAB)], sl0, sem0).wait()
    pltpu.make_async_copy(tT.at[:, pl.ds(0, _SLAB)], sl1, sem1).wait()
    pltpu.make_async_copy(ob0, out_hbm.at[pl.ds(c0, _SLAB)], sem_o).wait()
    pltpu.make_async_copy(ob1, out_hbm.at[pl.ds(c0, _SLAB)], sem_o).wait()


def _sc_matvec(tT, wflat):
    run = pl.kernel(
        _sc_matvec_body,
        out_type=jax.ShapeDtypeStruct((_SC_COLS,), jnp.float32),
        mesh=plsc.VectorSubcoreMesh(core_axis_name="c", subcore_axis_name="s"),
        compiler_params=pltpu.CompilerParams(needs_layout_passes=False),
        scratch_types=[
            pltpu.VMEM((_D, _SLAB), jnp.float32),
            pltpu.VMEM((_D, _SLAB), jnp.float32),
            pltpu.VMEM((_D,), jnp.float32),
            pltpu.VMEM((_SLAB,), jnp.float32),
            pltpu.VMEM((_SLAB,), jnp.float32),
            pltpu.SemaphoreType.DMA,
            pltpu.SemaphoreType.DMA,
            pltpu.SemaphoreType.DMA,
        ],
    )
    return run(tT, wflat)


def _tc_matvec_body(w_ref, x_ref, o_ref):
    x = x_ref[...]
    w = w_ref[...]
    pieces = []
    for s in range(_CB // 128):
        xs = x[:, s * 128:(s + 1) * 128]
        pieces.append(jnp.sum(xs * w, axis=0, keepdims=True))
    o_ref[...] = jnp.concatenate(pieces, axis=0)


def _tc_scores(tT, wcol, first, nblk):
    return pl.pallas_call(
        _tc_matvec_body,
        grid=(nblk,),
        in_specs=[
            pl.BlockSpec((_D, 1), lambda i: (0, 0)),
            pl.BlockSpec((_D, _CB), lambda i: (0, first + i)),
        ],
        out_specs=pl.BlockSpec((_CB // 128, 128), lambda i: (i, 0)),
        out_shape=jax.ShapeDtypeStruct((nblk * (_CB // 128), 128), jnp.float32),
    )(wcol, tT)


def _sc_gather_body(user_hbm, item_hbm, su_hbm, si_hbm, b_hbm, out_hbm,
                    idx_u, idx_i, lane_u, lane_i, bu0, bu1, bi0, bi1,
                    b_v, out_v, sem_u, sem_i):
    cid = lax.axis_index("c")
    sid = lax.axis_index("s")
    wid = cid * 16 + sid
    base = wid * _BPW

    cu0 = pltpu.async_copy(user_hbm.at[pl.ds(base, _BPW)], idx_u, sem_u)
    ci0 = pltpu.async_copy(item_hbm.at[pl.ds(base, _BPW)], idx_i, sem_i)
    cb0 = pltpu.async_copy(b_hbm, b_v, sem_u)
    cu0.wait()
    ci0.wait()
    cb0.wait()

    for t in range(_BPW // 16):
        s = pl.ds(t * 16, 16)
        vu = idx_u[s]
        vi = idx_i[s]
        idx_u[s] = lax.shift_right_logical(vu, 7)
        idx_i[s] = lax.shift_right_logical(vi, 7)
        lane_u[s] = vu & 127
        lane_i[s] = vi & 127

    bus = [bu0, bu1]
    bis = [bi0, bi1]

    def fire(k):
        cu = pltpu.async_copy(
            su_hbm.at[idx_u.at[pl.ds(k * _CHUNK, _CHUNK)]], bus[k % 2], sem_u)
        ci = pltpu.async_copy(
            si_hbm.at[idx_i.at[pl.ds(k * _CHUNK, _CHUNK)]], bis[k % 2], sem_i)
        return cu, ci

    bias = b_v[pl.ds(0, 16)][0]

    pending = fire(0)
    for k in range(_NCH):
        nxt = fire(k + 1) if k + 1 < _NCH else None
        pending[0].wait()
        pending[1].wait()
        pending = nxt
        bu, bi = bus[k % 2], bis[k % 2]

        def group_body(g, carry, k=k, bu=bu, bi=bi):
            jvec = g * 16 + lax.iota(jnp.int32, 16)
            lu = lane_u[pl.ds(k * _CHUNK + g * 16, 16)]
            li = lane_i[pl.ds(k * _CHUNK + g * 16, 16)]
            gu = plsc.load_gather(bu, [jvec, lu])
            gi = plsc.load_gather(bi, [jvec, li])
            out_v[pl.ds(k * _CHUNK + g * 16, 16)] = gu + gi + bias
            return carry

        lax.fori_loop(0, _GPC, group_body, 0)

    pltpu.sync_copy(out_v, out_hbm.at[pl.ds(base, _BPW)])


@jax.jit
def kernel(user, item, user_table, item_table, W, b):
    utT = user_table.T
    itT = item_table.T
    wu_col = W[0, :_D].reshape(_D, 1)
    wi_col = W[0, _D:].reshape(_D, 1)
    wu_flat = W[0, :_D]

    su_sc = _sc_matvec(utT, wu_flat)
    nblk_u = (utT.shape[1] - _SC_COLS + _CB - 1) // _CB
    su_tc = _tc_scores(utT, wu_col, _TC_FIRST, nblk_u)
    nblk_i = (itT.shape[1] + _CB - 1) // _CB
    si = _tc_scores(itT, wi_col, 0, nblk_i)

    su = jnp.concatenate([su_sc.reshape(_SC_COLS // 128, 128), su_tc],
                         axis=0)

    bpad = jnp.concatenate([b, jnp.zeros((15,), jnp.float32)])

    run = pl.kernel(
        _sc_gather_body,
        out_type=jax.ShapeDtypeStruct((_B,), jnp.float32),
        mesh=plsc.VectorSubcoreMesh(core_axis_name="c", subcore_axis_name="s"),
        compiler_params=pltpu.CompilerParams(needs_layout_passes=False),
        scratch_types=[
            pltpu.VMEM((_BPW,), jnp.int32),
            pltpu.VMEM((_BPW,), jnp.int32),
            pltpu.VMEM((_BPW,), jnp.int32),
            pltpu.VMEM((_BPW,), jnp.int32),
            pltpu.VMEM((_CHUNK, 128), jnp.float32),
            pltpu.VMEM((_CHUNK, 128), jnp.float32),
            pltpu.VMEM((_CHUNK, 128), jnp.float32),
            pltpu.VMEM((_CHUNK, 128), jnp.float32),
            pltpu.VMEM((16,), jnp.float32),
            pltpu.VMEM((_BPW,), jnp.float32),
            pltpu.SemaphoreType.DMA,
            pltpu.SemaphoreType.DMA,
        ],
    )
    y = run(user.astype(jnp.int32), item.astype(jnp.int32), su, si, bpad)
    return y.reshape(_B, 1)

# --- scband reference (transcript-rebuilt; emitter-appended) ---
"""Pipeline reference for scband-neural-rec-sys-44229573214779 (READ-ONLY COPY).

The authoritative reference and input builder live on the scoring server;
editing this copy changes nothing except your own understanding.
"""

import jax, jax.numpy as jnp
import numpy as np

NUM_USERS = 1000000
NUM_ITEMS = 100000
D_USER = 64
D_ITEM = 64
BATCH = 16384

def setup_inputs(seed: int = 0) -> dict:
    key = jax.random.key(seed)
    k1, k2, k3, k4, k5, k6 = jax.random.split(key, 6)
    user = jax.random.randint(k1, (BATCH,), 0, NUM_USERS, dtype=jnp.int64 if jax.config.jax_enable_x64 else jnp.int32)
    item = jax.random.randint(k2, (BATCH,), 0, NUM_ITEMS, dtype=jnp.int64 if jax.config.jax_enable_x64 else jnp.int32)
    user_table = jax.random.normal(k3, (NUM_USERS, D_USER), dtype=jnp.float32)
    item_table = jax.random.normal(k4, (NUM_ITEMS, D_ITEM), dtype=jnp.float32)
    # nn.Linear(D_USER + D_ITEM, 1): weight [1, 128], bias [1]
    W = jax.random.normal(k5, (1, D_USER + D_ITEM), dtype=jnp.float32) * (1.0 / np.sqrt(D_USER + D_ITEM))
    b = jax.random.normal(k6, (1,), dtype=jnp.float32) * 0.01
    return {"user": user, "item": item, "user_table": user_table, "item_table": item_table, "W": W, "b": b}

def reference(user, item, user_table, item_table, W, b):
    user_embedding = jnp.take(user_table, user, axis=0)   # [B, D_USER]
    item_embedding = jnp.take(item_table, item, axis=0)   # [B, D_ITEM]
    x = jnp.concatenate([user_embedding, item_embedding], axis=1)  # [B, 128]
    return x @ W.T + b  # [B, 1]

if __name__ == "__main__":
    import jax
    _d = setup_inputs()
    print(jax.jit(kernel)(*tuple(_d.values())))

</pallas_src>

<mosaic_0001>
#map = affine_map<(d0, d1) -> (0, 0)>
#map1 = affine_map<(d0, d1) -> (0)>
module attributes {stable_mosaic.version = 14 : i64} {
  func.func @_sc_matvec_body(%arg0: i32, %arg1: i32, %arg2: memref<64x1000000xf32, #tpu.memory_space<hbm>>, %arg3: memref<64xf32, #tpu.memory_space<hbm>>, %arg4: memref<458752xf32, #tpu.memory_space<hbm>>, %arg5: memref<64x512xf32, #tpu.memory_space<vmem>>, %arg6: memref<64x512xf32, #tpu.memory_space<vmem>>, %arg7: memref<64xf32, #tpu.memory_space<vmem>>, %arg8: memref<512xf32, #tpu.memory_space<vmem>>, %arg9: memref<512xf32, #tpu.memory_space<vmem>>, %arg10: memref<!tpu.dma_semaphore, #tpu.memory_space<semaphore_mem>>, %arg11: memref<!tpu.dma_semaphore, #tpu.memory_space<semaphore_mem>>, %arg12: memref<!tpu.dma_semaphore, #tpu.memory_space<semaphore_mem>>) attributes {dimension_semantics = [#tpu.dimension_semantics<core_parallel>, #tpu.dimension_semantics<subcore_parallel>], iteration_bounds = array<i64: 2, 16>, scalar_prefetch = 0 : i64, scratch_operands = 8 : i64, tpu.core_type = #tpu.core_type<sc_vector_subcore>, window_params = [{transform_indices = #map}, {transform_indices = #map1}, {transform_indices = #map1}]} {
    %mul3A = arith.constant 16 : i32
    %mul3A_0 = arith.muli %arg0, %mul3A : i32
    %add3A = arith.addi %mul3A_0, %arg1 : i32
    %mul3A_1 = arith.constant 14336 : i32
    %mul3A_2 = arith.muli %add3A, %mul3A_1 : i32
    "tpu.region"() ({
      %run_scoped3A = tpu.sem_alloc : memref<!tpu.dma_semaphore, #tpu.memory_space<semaphore_mem>>
      tpu.enqueue_dma source(%arg3 : memref<64xf32, #tpu.memory_space<hbm>>) target(%arg7 : memref<64xf32, #tpu.memory_space<vmem>>) target_semaphore(%run_scoped3A : memref<!tpu.dma_semaphore, #tpu.memory_space<semaphore_mem>>)
      tpu.wait_dma2 semaphore(%run_scoped3A : memref<!tpu.dma_semaphore, #tpu.memory_space<semaphore_mem>>) src(%arg3 : memref<64xf32, #tpu.memory_space<hbm>>) dst(%arg7 : memref<64xf32, #tpu.memory_space<vmem>>)
      tpu.yield
    }) : () -> ()
    %get3A = arith.constant 0 : index
    %get3A_3 = tpu.vector_load %arg7[%get3A] {strides = array<i32>} : memref<64xf32, #tpu.memory_space<vmem>>, vector<16xf32>,
    %get3A_4 = arith.constant 16 : index
    %get3A_5 = tpu.vector_load %arg7[%get3A_4] {strides = array<i32>} : memref<64xf32, #tpu.memory_space<vmem>>, vector<16xf32>,
    %get3A_6 = arith.constant 32 : index
    %get3A_7 = tpu.vector_load %arg7[%get3A_6] {strides = array<i32>} : memref<64xf32, #tpu.memory_space<vmem>>, vector<16xf32>,
    %get3A_8 = arith.constant 48 : index
    %get3A_9 = tpu.vector_load %arg7[%get3A_8] {strides = array<i32>} : memref<64xf32, #tpu.memory_space<vmem>>, vector<16xf32>,
    %add3A_10 = arith.constant 0 : i32
    %add3A_11 = arith.addi %mul3A_2, %add3A_10 : i32
    %dma_start3A = arith.constant 0 : i32
    %dma_start3A_12 = tpu.memref_slice %arg2[%dma_start3A, %add3A_11] : memref<64x1000000xf32, #tpu.memory_space<hbm>> -> memref<64x512xf32, #tpu.memory_space<hbm>>
    %dma_start3A_13 = arith.constant 0 : i32
    %dma_start3A_14 = tpu.memref_slice %arg2[%dma_start3A_13, %add3A_11] : memref<64x1000000xf32, #tpu.memory_space<hbm>> -> memref<64x512xf32, #tpu.memory_space<hbm>>
    tpu.enqueue_dma source(%dma_start3A_14 : memref<64x512xf32, #tpu.memory_space<hbm>>) target(%arg5 : memref<64x512xf32, #tpu.memory_space<vmem>>) target_semaphore(%arg10 : memref<!tpu.dma_semaphore, #tpu.memory_space<semaphore_mem>>)
    %add3A_15 = arith.constant 512 : i32
    %add3A_16 = arith.addi %mul3A_2, %add3A_15 : i32
    %dma_start3A_17 = arith.constant 0 : i32
    %dma_start3A_18 = tpu.memref_slice %arg2[%dma_start3A_17, %add3A_16] : memref<64x1000000xf32, #tpu.memory_space<hbm>> -> memref<64x512xf32, #tpu.memory_space<hbm>>
    %dma_start3A_19 = arith.constant 0 : i32
    %dma_start3A_20 = tpu.memref_slice %arg2[%dma_start3A_19, %add3A_16] : memref<64x1000000xf32, #tpu.memory_space<hbm>> -> memref<64x512xf32, #tpu.memory_space<hbm>>
    tpu.enqueue_dma source(%dma_start3A_20 : memref<64x512xf32, #tpu.memory_space<hbm>>) target(%arg6 : memref<64x512xf32, #tpu.memory_space<vmem>>) target_semaphore(%arg11 : memref<!tpu.dma_semaphore, #tpu.memory_space<semaphore_mem>>)
    %scan3A = arith.constant 0 : i32
    %scan3A_21 = arith.constant 0 : i32
    %scan3A_22 = arith.constant 14 : i32
    %scan3A_23 = arith.addi %scan3A_21, %scan3A_22 : i32
    %scan3A_24 = arith.constant 1 : i32
    scf.for %scan3A_41 = %scan3A_21 to %scan3A_23 step %scan3A_24  : i32 {
      %mul3A_42 = arith.constant 2 : i32
      %mul3A_43 = arith.muli %mul3A_42, %scan3A_41 : i32
      %dma_wait3A_44 = arith.constant 0 : i32
      %dma_wait3A_45 = arith.constant 0 : i32
      %dma_wait3A_46 = tpu.memref_slice %arg2[%dma_wait3A_44, %dma_wait3A_45] : memref<64x1000000xf32, #tpu.memory_space<hbm>> -> memref<64x512xf32, #tpu.memory_space<hbm>>
      %dma_wait3A_47 = arith.constant 0 : i32
      %dma_wait3A_48 = arith.constant 0 : i32
      %dma_wait3A_49 = tpu.memref_slice %arg2[%dma_wait3A_47, %dma_wait3A_48] : memref<64x1000000xf32, #tpu.memory_space<hbm>> -> memref<64x512xf32, #tpu.memory_space<hbm>>
      tpu.wait_dma2 semaphore(%arg10 : memref<!tpu.dma_semaphore, #tpu.memory_space<semaphore_mem>>) src(%dma_wait3A_49 : memref<64x512xf32, #tpu.memory_space<hbm>>) dst(%arg5 : memref<64x512xf32, #tpu.memory_space<vmem>>)
      %ge3A = arith.constant 1 : i32
      %ge3A_50 = arith.cmpi sge, %scan3A_41, %ge3A : i32
      %convert_element_type3A = arith.extui %ge3A_50 : i1 to i32
      %cond3A = arith.constant 0 : i32
      %cond3A_51 = arith.cmpi ne, %convert_element_type3A, %cond3A : i32
      scf.if %cond3A_51 {
        %dma_wait3A_105 = tpu.memref_slice %arg4[%mul3A_2] : memref<458752xf32, #tpu.memory_space<hbm>> -> memref<512xf32, #tpu.memory_space<hbm>>
        %dma_wait3A_106 = tpu.memref_slice %arg4[%mul3A_2] : memref<458752xf32, #tpu.memory_space<hbm>> -> memref<512xf32, #tpu.memory_space<hbm>>
        tpu.wait_dma2 semaphore(%arg12 : memref<!tpu.dma_semaphore, #tpu.memory_space<semaphore_mem>>) src(%arg8 : memref<512xf32, #tpu.memory_space<vmem>>) dst(%dma_wait3A_106 : memref<512xf32, #tpu.memory_space<hbm>>)
      } else {
      }
      %scan3A_52 = arith.constant 0 : i32
      %scan3A_53 = arith.constant 0 : i32
      %scan3A_54 = arith.constant 32 : i32
      %scan3A_55 = arith.addi %scan3A_53, %scan3A_54 : i32
      %scan3A_56 = arith.constant 1 : i32
      scf.for %scan3A_105 = %scan3A_53 to %scan3A_55 step %scan3A_56  : i32 {
        %mul3A_106 = arith.constant 16 : i32
        %mul3A_107 = arith.muli %scan3A_105, %mul3A_106 : i32
        %broadcast_in_dim3A = arith.constant 0.000000e+00 : f32
        %broadcast_in_dim3A_108 = vector.broadcast %broadcast_in_dim3A : f32 to vector<16xf32>
        %broadcast_in_dim3A_109 = arith.constant 0.000000e+00 : f32
        %broadcast_in_dim3A_110 = vector.broadcast %broadcast_in_dim3A_109 : f32 to vector<16xf32>
        %broadcast_in_dim3A_111 = arith.constant 0.000000e+00 : f32
        %broadcast_in_dim3A_112 = vector.broadcast %broadcast_in_dim3A_111 : f32 to vector<16xf32>
        %broadcast_in_dim3A_113 = arith.constant 0.000000e+00 : f32
        %broadcast_in_dim3A_114 = vector.broadcast %broadcast_in_dim3A_113 : f32 to vector<16xf32>
        %get3A_115 = arith.constant 0 : i32
        %get3A_116 = arith.index_cast %get3A_115 : i32 to index
        %get3A_117 = arith.index_cast %mul3A_107 : i32 to index
        %get3A_118 = tpu.vector_load %arg5[%get3A_116, %get3A_117] {strides = array<i32>} : memref<64x512xf32, #tpu.memory_space<vmem>>, vector<16xf32>,
        %slice3A = vector.extract_strided_slice %get3A_3 {offsets = [0], sizes = [1], strides = [1]} : vector<16xf32> to vector<1xf32>
        %squeeze3A = vector.extract %slice3A[0] : f32 from vector<1xf32>
        %mul3A_119 = vector.broadcast %squeeze3A : f32 to vector<16xf32>
        %mul3A_120 = arith.mulf %get3A_118, %mul3A_119 : vector<16xf32>
        %add3A_121 = arith.addf %broadcast_in_dim3A_108, %mul3A_120 : vector<16xf32>
        %get3A_122 = arith.constant 1 : i32
        %get3A_123 = arith.index_cast %get3A_122 : i32 to index
        %get3A_124 = arith.index_cast %mul3A_107 : i32 to index
        %get3A_125 = tpu.vector_load %arg5[%get3A_123, %get3A_124] {strides = array<i32>} : memref<64x512xf32, #tpu.memory_space<vmem>>, vector<16xf32>,
        %slice3A_126 = vector.extract_strided_slice %get3A_3 {offsets = [1], sizes = [1], strides = [1]} : vector<16xf32> to vector<1xf32>
        %squeeze3A_127 = vector.extract %slice3A_126[0] : f32 from vector<1xf32>
        %mul3A_128 = vector.broadcast %squeeze3A_127 : f32 to vector<16xf32>
        %mul3A_129 = arith.mulf %get3A_125, %mul3A_128 : vector<16xf32>
        %add3A_130 = arith.addf %broadcast_in_dim3A_110, %mul3A_129 : vector<16xf32>
        %get3A_131 = arith.constant 2 : i32
        %get3A_132 = arith.index_cast %get3A_131 : i32 to index
        %get3A_133 = arith.index_cast %mul3A_107 : i32 to index
        %get3A_134 = tpu.vector_load %arg5[%get3A_132, %get3A_133] {strides = array<i32>} : memref<64x512xf32, #tpu.memory_space<vmem>>, vector<16xf32>,
        %slice3A_135 = vector.extract_strided_slice %get3A_3 {offsets = [2], sizes = [1], strides = [1]} : vector<16xf32> to vector<1xf32>
        %squeeze3A_136 = vector.extract %slice3A_135[0] : f32 from vector<1xf32>
        %mul3A_137 = vector.broadcast %squeeze3A_136 : f32 to vector<16xf32>
        %mul3A_138 = arith.mulf %get3A_134, %mul3A_137 : vector<16xf32>
        %add3A_139 = arith.addf %broadcast_in_dim3A_112, %mul3A_138 : vector<16xf32>
        %get3A_140 = arith.constant 3 : i32
        %get3A_141 = arith.index_cast %get3A_140 : i32 to index
        %get3A_142 = arith.index_cast %mul3A_107 : i32 to index
        %get3A_143 = tpu.vector_load %arg5[%get3A_141, %get3A_142] {strides = array<i32>} : memref<64x512xf32, #tpu.memory_space<vmem>>, vector<16xf32>,
        %slice3A_144 = vector.extract_strided_slice %get3A_3 {offsets = [3], sizes = [1], strides = [1]} : vector<16xf32> to vector<1xf32>
        %squeeze3A_145 = vector.extract %slice3A_144[0] : f32 from vector<1xf32>
        %mul3A_146 = vector.broadcast %squeeze3A_145 : f32 to vector<16xf32>
        %mul3A_147 = arith.mulf %get3A_143, %mul3A_146 : vector<16xf32>
        %add3A_148 = arith.addf %broadcast_in_dim3A_114, %mul3A_147 : vector<16xf32>
        %get3A_149 = arith.constant 4 : i32
        %get3A_150 = arith.index_cast %get3A_149 : i32 to index
        %get3A_151 = arith.index_cast %mul3A_107 : i32 to index
        %get3A_152 = tpu.vector_load %arg5[%get3A_150, %get3A_151] {strides = array<i32>} : memref<64x512xf32, #tpu.memory_space<vmem>>, vector<16xf32>,
        %slice3A_153 = vector.extract_strided_slice %get3A_3 {offsets = [4], sizes = [1], strides = [1]} : vector<16xf32> to vector<1xf32>
        %squeeze3A_154 = vector.extract %slice3A_153[0] : f32 from vector<1xf32>
        %mul3A_155 = vector.broadcast %squeeze3A_154 : f32 to vector<16xf32>
        %mul3A_156 = arith.mulf %get3A_152, %mul3A_155 : vector<16xf32>
        %add3A_157 = arith.addf %add3A_121, %mul3A_156 : vector<16xf32>
        %get3A_158 = arith.constant 5 : i32
        %get3A_159 = arith.index_cast %get3A_158 : i32 to index
        %get3A_160 = arith.index_cast %mul3A_107 : i32 to index
        %get3A_161 = tpu.vector_load %arg5[%get3A_159, %get3A_160] {strides = array<i32>} : memref<64x512xf32, #tpu.memory_space<vmem>>, vector<16xf32>,
        %slice3A_162 = vector.extract_strided_slice %get3A_3 {offsets = [5], sizes = [1], strides = [1]} : vector<16xf32> to vector<1xf32>
        %squeeze3A_163 = vector.extract %slice3A_162[0] : f32 from vector<1xf32>
        %mul3A_164 = vector.broadcast %squeeze3A_163 : f32 to vector<16xf32>
        %mul3A_165 = arith.mulf %get3A_161, %mul3A_164 : vector<16xf32>
        %add3A_166 = arith.addf %add3A_130, %mul3A_165 : vector<16xf32>
        %get3A_167 = arith.constant 6 : i32
        %get3A_168 = arith.index_cast %get3A_167 : i32 to index
        %get3A_169 = arith.index_cast %mul3A_107 : i32 to index
        %get3A_170 = tpu.vector_load %arg5[%get3A_168, %get3A_169] {strides = array<i32>} : memref<64x512xf32, #tpu.memory_space<vmem>>, vector<16xf32>,
        %slice3A_171 = vector.extract_strided_slice %get3A_3 {offsets = [6], sizes = [1], strides = [1]} : vector<16xf32> to vector<1xf32>
        %squeeze3A_172 = vector.extract %slice3A_171[0] : f32 from vector<1xf32>
        %mul3A_173 = vector.broadcast %squeeze3A_172 : f32 to vector<16xf32>
        %mul3A_174 = arith.mulf %get3A_170, %mul3A_173 : vector<16xf32>
        %add3A_175 = arith.addf %add3A_139, %mul3A_174 : vector<16xf32>
        %get3A_176 = arith.constant 7 : i32
        %get3A_177 = arith.index_cast %get3A_176 : i32 to index
        %get3A_178 = arith.index_cast %mul3A_107 : i32 to index
        %get3A_179 = tpu.vector_load %arg5[%get3A_177, %get3A_178] {strides = array<i32>} : memref<64x512xf32, #tpu.memory_space<vmem>>, vector<16xf32>,
        %slice3A_180 = vector.extract_strided_slice %get3A_3 {offsets = [7], sizes = [1], strides = [1]} : vector<16xf32> to vector<1xf32>
        %squeeze3A_181 = vector.extract %slice3A_180[0] : f32 from vector<1xf32>
        %mul3A_182 = vector.broadcast %squeeze3A_181 : f32 to vector<16xf32>
        %mul3A_183 = arith.mulf %get3A_179, %mul3A_182 : vector<16xf32>
        %add3A_184 = arith.addf %add3A_148, %mul3A_183 : vector<16xf32>
        %get3A_185 = arith.constant 8 : i32
        %get3A_186 = arith.index_cast %get3A_185 : i32 to index
        %get3A_187 = arith.index_cast %mul3A_107 : i32 to index
        %get3A_188 = tpu.vector_load %arg5[%get3A_186, %get3A_187] {strides = array<i32>} : memref<64x512xf32, #tpu.memory_space<vmem>>, vector<16xf32>,
        %slice3A_189 = vector.extract_strided_slice %get3A_3 {offsets = [8], sizes = [1], strides = [1]} : vector<16xf32> to vector<1xf32>
        %squeeze3A_190 = vector.extract %slice3A_189[0] : f32 from vector<1xf32>
        %mul3A_191 = vector.broadcast %squeeze3A_190 : f32 to vector<16xf32>
        %mul3A_192 = arith.mulf %get3A_188, %mul3A_191 : vector<16xf32>
        %add3A_193 = arith.addf %add3A_157, %mul3A_192 : vector<16xf32>
        %get3A_194 = arith.constant 9 : i32
        %get3A_195 = arith.index_cast %get3A_194 : i32 to index
        %get3A_196 = arith.index_cast %mul3A_107 : i32 to index
        %get3A_197 = tpu.vector_load %arg5[%get3A_195, %get3A_196] {strides = array<i32>} : memref<64x512xf32, #tpu.memory_space<vmem>>, vector<16xf32>,
        %slice3A_198 = vector.extract_strided_slice %get3A_3 {offsets = [9], sizes = [1], strides = [1]} : vector<16xf32> to vector<1xf32>
        %squeeze3A_199 = vector.extract %slice3A_198[0] : f32 from vector<1xf32>
        %mul3A_200 = vector.broadcast %squeeze3A_199 : f32 to vector<16xf32>
        %mul3A_201 = arith.mulf %get3A_197, %mul3A_200 : vector<16xf32>
        %add3A_202 = arith.addf %add3A_166, %mul3A_201 : vector<16xf32>
        %get3A_203 = arith.constant 10 : i32
        %get3A_204 = arith.index_cast %get3A_203 : i32 to index
        %get3A_205 = arith.index_cast %mul3A_107 : i32 to index
        %get3A_206 = tpu.vector_load %arg5[%get3A_204, %get3A_205] {strides = array<i32>} : memref<64x512xf32, #tpu.memory_space<vmem>>, vector<16xf32>,
        %slice3A_207 = vector.extract_strided_slice %get3A_3 {offsets = [10], sizes = [1], strides = [1]} : vector<16xf32> to vector<1xf32>
        %squeeze3A_208 = vector.extract %slice3A_207[0] : f32 from vector<1xf32>
        %mul3A_209 = vector.broadcast %squeeze3A_208 : f32 to vector<16xf32>
        %mul3A_210 = arith.mulf %get3A_206, %mul3A_209 : vector<16xf32>
        %add3A_211 = arith.addf %add3A_175, %mul3A_210 : vector<16xf32>
        %get3A_212 = arith.constant 11 : i32
        %get3A_213 = arith.index_cast %get3A_212 : i32 to index
        %get3A_214 = arith.index_cast %mul3A_107 : i32 to index
        %get3A_215 = tpu.vector_load %arg5[%get3A_213, %get3A_214] {strides = array<i32>} : memref<64x512xf32, #tpu.memory_space<vmem>>, vector<16xf32>,
        %slice3A_216 = vector.extract_strided_slice %get3A_3 {offsets = [11], sizes = [1], strides = [1]} : vector<16xf32> to vector<1xf32>
        %squeeze3A_217 = vector.extract %slice3A_216[0] : f32 from vector<1xf32>
        %mul3A_218 = vector.broadcast %squeeze3A_217 : f32 to vector<16xf32>
        %mul3A_219 = arith.mulf %get3A_215, %mul3A_218 : vector<16xf32>
        %add3A_220 = arith.addf %add3A_184, %mul3A_219 : vector<16xf32>
        %get3A_221 = arith.constant 12 : i32
        %get3A_222 = arith.index_cast %get3A_221 : i32 to index
        %get3A_223 = arith.index_cast %mul3A_107 : i32 to index
        %get3A_224 = tpu.vector_load %arg5[%get3A_222, %get3A_223] {strides = array<i32>} : memref<64x512xf32, #tpu.memory_space<vmem>>, vector<16xf32>,
        %slice3A_225 = vector.extract_strided_slice %get3A_3 {offsets = [12], sizes = [1], strides = [1]} : vector<16xf32> to vector<1xf32>
        %squeeze3A_226 = vector.extract %slice3A_225[0] : f32 from vector<1xf32>
        %mul3A_227 = vector.broadcast %squeeze3A_226 : f32 to vector<16xf32>
        %mul3A_228 = arith.mulf %get3A_224, %mul3A_227 : vector<16xf32>
        %add3A_229 = arith.addf %add3A_193, %mul3A_228 : vector<16xf32>
        %get3A_230 = arith.constant 13 : i32
        %get3A_231 = arith.index_cast %get3A_230 : i32 to index
        %get3A_232 = arith.index_cast %mul3A_107 : i32 to index
        %get3A_233 = tpu.vector_load %arg5[%get3A_231, %get3A_232] {strides = array<i32>} : memref<64x512xf32, #tpu.memory_space<vmem>>, vector<16xf32>,
        %slice3A_234 = vector.extract_strided_slice %get3A_3 {offsets = [13], sizes = [1], strides = [1]} : vector<16xf32> to vector<1xf32>
        %squeeze3A_235 = vector.extract %slice3A_234[0] : f32 from vector<1xf32>
        %mul3A_236 = vector.broadcast %squeeze3A_235 : f32 to vector<16xf32>
        %mul3A_237 = arith.mulf %get3A_233, %mul3A_236 : vector<16xf32>
        %add3A_238 = arith.addf %add3A_202, %mul3A_237 : vector<16xf32>
        %get3A_239 = arith.constant 14 : i32
        %get3A_240 = arith.index_cast %get3A_239 : i32 to index
        %get3A_241 = arith.index_cast %mul3A_107 : i32 to index
        %get3A_242 = tpu.vector_load %arg5[%get3A_240, %get3A_241] {strides = array<i32>} : memref<64x512xf32, #tpu.memory_space<vmem>>, vector<16xf32>,
        %slice3A_243 = vector.extract_strided_slice %get3A_3 {offsets = [14], sizes = [1], strides = [1]} : vector<16xf32> to vector<1xf32>
        %squeeze3A_244 = vector.extract %slice3A_243[0] : f32 from vector<1xf32>
        %mul3A_245 = vector.broadcast %squeeze3A_244 : f32 to vector<16xf32>
        %mul3A_246 = arith.mulf %get3A_242, %mul3A_245 : vector<16xf32>
        %add3A_247 = arith.addf %add3A_211, %mul3A_246 : vector<16xf32>
        %get3A_248 = arith.constant 15 : i32
        %get3A_249 = arith.index_cast %get3A_248 : i32 to index
        %get3A_250 = arith.index_cast %mul3A_107 : i32 to index
        %get3A_251 = tpu.vector_load %arg5[%get3A_249, %get3A_250] {strides = array<i32>} : memref<64x512xf32, #tpu.memory_space<vmem>>, vector<16xf32>,
        %slice3A_252 = vector.extract_strided_slice %get3A_3 {offsets = [15], sizes = [1], strides = [1]} : vector<16xf32> to vector<1xf32>
        %squeeze3A_253 = vector.extract %slice3A_252[0] : f32 from vector<1xf32>
        %mul3A_254 = vector.broadcast %squeeze3A_253 : f32 to vector<16xf32>
        %mul3A_255 = arith.mulf %get3A_251, %mul3A_254 : vector<16xf32>
        %add3A_256 = arith.addf %add3A_220, %mul3A_255 : vector<16xf32>
        %get3A_257 = arith.constant 16 : i32
        %get3A_258 = arith.index_cast %get3A_257 : i32 to index
        %get3A_259 = arith.index_cast %mul3A_107 : i32 to index
        %get3A_260 = tpu.vector_load %arg5[%get3A_258, %get3A_259] {strides = array<i32>} : memref<64x512xf32, #tpu.memory_space<vmem>>, vector<16xf32>,
        %slice3A_261 = vector.extract_strided_slice %get3A_5 {offsets = [0], sizes = [1], strides = [1]} : vector<16xf32> to vector<1xf32>
        %squeeze3A_262 = vector.extract %slice3A_261[0] : f32 from vector<1xf32>
        %mul3A_263 = vector.broadcast %squeeze3A_262 : f32 to vector<16xf32>
        %mul3A_264 = arith.mulf %get3A_260, %mul3A_263 : vector<16xf32>
        %add3A_265 = arith.addf %add3A_229, %mul3A_264 : vector<16xf32>
        %get3A_266 = arith.constant 17 : i32
        %get3A_267 = arith.index_cast %get3A_266 : i32 to index
        %get3A_268 = arith.index_cast %mul3A_107 : i32 to index
        %get3A_269 = tpu.vector_load %arg5[%get3A_267, %get3A_268] {strides = array<i32>} : memref<64x512xf32, #tpu.memory_space<vmem>>, vector<16xf32>,
        %slice3A_270 = vector.extract_strided_slice %get3A_5 {offsets = [1], sizes = [1], strides = [1]} : vector<16xf32> to vector<1xf32>
        %squeeze3A_271 = vector.extract %slice3A_270[0] : f32 from vector<1xf32>
        %mul3A_272 = vector.broadcast %squeeze3A_271 : f32 to vector<16xf32>
        %mul3A_273 = arith.mulf %get3A_269, %mul3A_272 : vector<16xf32>
        %add3A_274 = arith.addf %add3A_238, %mul3A_273 : vector<16xf32>
        %get3A_275 = arith.constant 18 : i32
        %get3A_276 = arith.index_cast %get3A_275 : i32 to index
        %get3A_277 = arith.index_cast %mul3A_107 : i32 to index
        %get3A_278 = tpu.vector_load %arg5[%get3A_276, %get3A_277] {strides = array<i32>} : memref<64x512xf32, #tpu.memory_space<vmem>>, vector<16xf32>,
        %slice3A_279 = vector.extract_strided_slice %get3A_5 {offsets = [2], sizes = [1], strides = [1]} : vector<16xf32> to vector<1xf32>
        %squeeze3A_280 = vector.extract %slice3A_279[0] : f32 from vector<1xf32>
        %mul3A_281 = vector.broadcast %squeeze3A_280 : f32 to vector<16xf32>
        %mul3A_282 = arith.mulf %get3A_278, %mul3A_281 : vector<16xf32>
        %add3A_283 = arith.addf %add3A_247, %mul3A_282 : vector<16xf32>
        %get3A_284 = arith.constant 19 : i32
        %get3A_285 = arith.index_cast %get3A_284 : i32 to index
        %get3A_286 = arith.index_cast %mul3A_107 : i32 to index
        %get3A_287 = tpu.vector_load %arg5[%get3A_285, %get3A_286] {strides = array<i32>} : memref<64x512xf32, #tpu.memory_space<vmem>>, vector<16xf32>,
        %slice3A_288 = vector.extract_strided_slice %get3A_5 {offsets = [3], sizes = [1], strides = [1]} : vector<16xf32> to vector<1xf32>
        %squeeze3A_289 = vector.extract %slice3A_288[0] : f32 from vector<1xf32>
        %mul3A_290 = vector.broadcast %squeeze3A_289 : f32 to vector<16xf32>
        %mul3A_291 = arith.mulf %get3A_287, %mul3A_290 : vector<16xf32>
        %add3A_292 = arith.addf %add3A_256, %mul3A_291 : vector<16xf32>
        %get3A_293 = arith.constant 20 : i32
        %get3A_294 = arith.index_cast %get3A_293 : i32 to index
        %get3A_295 = arith.index_cast %mul3A_107 : i32 to index
        %get3A_296 = tpu.vector_load %arg5[%get3A_294, %get3A_295] {strides = array<i32>} : memref<64x512xf32, #tpu.memory_space<vmem>>, vector<16xf32>,
        %slice3A_297 = vector.extract_strided_slice %get3A_5 {offsets = [4], sizes = [1], strides = [1]} : vector<16xf32> to vector<1xf32>
        %squeeze3A_298 = vector.extract %slice3A_297[0] : f32 from vector<1xf32>
        %mul3A_299 = vector.broadcast %squeeze3A_298 : f32 to vector<16xf32>
        %mul3A_300 = arith.mulf %get3A_296, %mul3A_299 : vector<16xf32>
        %add3A_301 = arith.addf %add3A_265, %mul3A_300 : vector<16xf32>
        %get3A_302 = arith.constant 21 : i32
        %get3A_303 = arith.index_cast %get3A_302 : i32 to index
        %get3A_304 = arith.index_cast %mul3A_107 : i32 to index
        %get3A_305 = tpu.vector_load %arg5[%get3A_303, %get3A_304] {strides = array<i32>} : memref<64x512xf32, #tpu.memory_space<vmem>>, vector<16xf32>,
        %slice3A_306 = vector.extract_strided_slice %get3A_5 {offsets = [5], sizes = [1], strides = [1]} : vector<16xf32> to vector<1xf32>
        %squeeze3A_307 = vector.extract %slice3A_306[0] : f32 from vector<1xf32>
        %mul3A_308 = vector.broadcast %squeeze3A_307 : f32 to vector<16xf32>
        %mul3A_309 = arith.mulf %get3A_305, %mul3A_308 : vector<16xf32>
        %add3A_310 = arith.addf %add3A_274, %mul3A_309 : vector<16xf32>
        %get3A_311 = arith.constant 22 : i32
        %get3A_312 = arith.index_cast %get3A_311 : i32 to index
        %get3A_313 = arith.index_cast %mul3A_107 : i32 to index
        %get3A_314 = tpu.vector_load %arg5[%get3A_312, %get3A_313] {strides = array<i32>} : memref<64x512xf32, #tpu.memory_space<vmem>>, vector<16xf32>,
        %slice3A_315 = vector.extract_strided_slice %get3A_5 {offsets = [6], sizes = [1], strides = [1]} : vector<16xf32> to vector<1xf32>
        %squeeze3A_316 = vector.extract %slice3A_315[0] : f32 from vector<1xf32>
        %mul3A_317 = vector.broadcast %squeeze3A_316 : f32 to vector<16xf32>
        %mul3A_318 = arith.mulf %get3A_314, %mul3A_317 : vector<16xf32>
        %add3A_319 = arith.addf %add3A_283, %mul3A_318 : vector<16xf32>
        %get3A_320 = arith.constant 23 : i32
        %get3A_321 = arith.index_cast %get3A_320 : i32 to index
        %get3A_322 = arith.index_cast %mul3A_107 : i32 to index
        %get3A_323 = tpu.vector_load %arg5[%get3A_321, %get3A_322] {strides = array<i32>} : memref<64x512xf32, #tpu.memory_space<vmem>>, vector<16xf32>,
        %slice3A_324 = vector.extract_strided_slice %get3A_5 {offsets = [7], sizes = [1], strides = [1]} : vector<16xf32> to vector<1xf32>
        %squeeze3A_325 = vector.extract %slice3A_324[0] : f32 from vector<1xf32>
        %mul3A_326 = vector.broadcast %squeeze3A_325 : f32 to vector<16xf32>
        %mul3A_327 = arith.mulf %get3A_323, %mul3A_326 : vector<16xf32>
        %add3A_328 = arith.addf %add3A_292, %mul3A_327 : vector<16xf32>
        %get3A_329 = arith.constant 24 : i32
        %get3A_330 = arith.index_cast %get3A_329 : i32 to index
        %get3A_331 = arith.index_cast %mul3A_107 : i32 to index
        %get3A_332 = tpu.vector_load %arg5[%get3A_330, %get3A_331] {strides = array<i32>} : memref<64x512xf32, #tpu.memory_space<vmem>>, vector<16xf32>,
        %slice3A_333 = vector.extract_strided_slice %get3A_5 {offsets = [8], sizes = [1], strides = [1]} : vector<16xf32> to vector<1xf32>
        %squeeze3A_334 = vector.extract %slice3A_333[0] : f32 from vector<1xf32>
        %mul3A_335 = vector.broadcast %squeeze3A_334 : f32 to vector<16xf32>
        %mul3A_336 = arith.mulf %get3A_332, %mul3A_335 : vector<16xf32>
        %add3A_337 = arith.addf %add3A_301, %mul3A_336 : vector<16xf32>
        %get3A_338 = arith.constant 25 : i32
        %get3A_339 = arith.index_cast %get3A_338 : i32 to index
        %get3A_340 = arith.index_cast %mul3A_107 : i32 to index
        %get3A_341 = tpu.vector_load %arg5[%get3A_339, %get3A_340] {strides = array<i32>} : memref<64x512xf32, #tpu.memory_space<vmem>>, vector<16xf32>,
        %slice3A_342 = vector.extract_strided_slice %get3A_5 {offsets = [9], sizes = [1], strides = [1]} : vector<16xf32> to vector<1xf32>
        %squeeze3A_343 = vector.extract %slice3A_342[0] : f32 from vector<1xf32>
        %mul3A_344 = vector.broadcast %squeeze3A_343 : f32 to vector<16xf32>
        %mul3A_345 = arith.mulf %get3A_341, %mul3A_344 : vector<16xf32>
        %add3A_346 = arith.addf %add3A_310, %mul3A_345 : vector<16xf32>
        %get3A_347 = arith.constant 26 : i32
        %get3A_348 = arith.index_cast %get3A_347 : i32 to index
        %get3A_349 = arith.index_cast %mul3A_107 : i32 to index
        %get3A_350 = tpu.vector_load %arg5[%get3A_348, %get3A_349] {strides = array<i32>} : memref<64x512xf32, #tpu.memory_space<vmem>>, vector<16xf32>,
        %slice3A_351 = vector.extract_strided_slice %get3A_5 {offsets = [10], sizes = [1], strides = [1]} : vector<16xf32> to vector<1xf32>
        %squeeze3A_352 = vector.extract %slice3A_351[0] : f32 from vector<1xf32>
        %mul3A_353 = vector.broadcast %squeeze3A_352 : f32 to vector<16xf32>
        %mul3A_354 = arith.mulf %get3A_350, %mul3A_353 : vector<16xf32>
        %add3A_355 = arith.addf %add3A_319, %mul3A_354 : vector<16xf32>
        %get3A_356 = arith.constant 27 : i32
        %get3A_357 = arith.index_cast %get3A_356 : i32 to index
        %get3A_358 = arith.index_cast %mul3A_107 : i32 to index
        %get3A_359 = tpu.vector_load %arg5[%get3A_357, %get3A_358] {strides = array<i32>} : memref<64x512xf32, #tpu.memory_space<vmem>>, vector<16xf32>,
        %slice3A_360 = vector.extract_strided_slice %get3A_5 {offsets = [11], sizes = [1], strides = [1]} : vector<16xf32> to vector<1xf32>
        %squeeze3A_361 = vector.extract %slice3A_360[0] : f32 from vector<1xf32>
        %mul3A_362 = vector.broadcast %squeeze3A_361 : f32 to vector<16xf32>
        %mul3A_363 = arith.mulf %get3A_359, %mul3A_362 : vector<16xf32>
        %add3A_364 = arith.addf %add3A_328, %mul3A_363 : vector<16xf32>
        %get3A_365 = arith.constant 28 : i32
        %get3A_366 = arith.index_cast %get3A_365 : i32 to index
        %get3A_367 = arith.index_cast %mul3A_107 : i32 to index
        %get3A_368 = tpu.vector_load %arg5[%get3A_366, %get3A_367] {strides = array<i32>} : memref<64x512xf32, #tpu.memory_space<vmem>>, vector<16xf32>,
        %slice3A_369 = vector.extract_strided_slice %get3A_5 {offsets = [12], sizes = [1], strides = [1]} : vector<16xf32> to vector<1xf32>
        %squeeze3A_370 = vector.extract %slice3A_369[0] : f32 from vector<1xf32>
        %mul3A_371 = vector.broadcast %squeeze3A_370 : f32 to vector<16xf32>
        %mul3A_372 = arith.mulf %get3A_368, %mul3A_371 : vector<16xf32>
        %add3A_373 = arith.addf %add3A_337, %mul3A_372 : vector<16xf32>
        %get3A_374 = arith.constant 29 : i32
        %get3A_375 = arith.index_cast %get3A_374 : i32 to index
        %get3A_376 = arith.index_cast %mul3A_107 : i32 to index
        %get3A_377 = tpu.vector_load %arg5[%get3A_375, %get3A_376] {strides = array<i32>} : memref<64x512xf32, #tpu.memory_space<vmem>>, vector<16xf32>,
        %slice3A_378 = vector.extract_strided_slice %get3A_5 {offsets = [13], sizes = [1], strides = [1]} : vector<16xf32> to vector<1xf32>
        %squeeze3A_379 = vector.extract %slice3A_378[0] : f32 from vector<1xf32>
        %mul3A_380 = vector.broadcast %squeeze3A_379 : f32 to vector<16xf32>
        %mul3A_381 = arith.mulf %get3A_377, %mul3A_380 : vector<16xf32>
        %add3A_382 = arith.addf %add3A_346, %mul3A_381 : vector<16xf32>
        %get3A_383 = arith.constant 30 : i32
        %get3A_384 = arith.index_cast %get3A_383 : i32 to index
        %get3A_385 = arith.index_cast %mul3A_107 : i32 to index
        %get3A_386 = tpu.vector_load %arg5[%get3A_384, %get3A_385] {strides = array<i32>} : memref<64x512xf32, #tpu.memory_space<vmem>>, vector<16xf32>,
        %slice3A_387 = vector.extract_strided_slice %get3A_5 {offsets = [14], sizes = [1], strides = [1]} : vector<16xf32> to vector<1xf32>
        %squeeze3A_388 = vector.extract %slice3A_387[0] : f32 from vector<1xf32>
        %mul3A_389 = vector.broadcast %squeeze3A_388 : f32 to vector<16xf32>
        %mul3A_390 = arith.mulf %get3A_386, %mul3A_389 : vector<16xf32>
        %add3A_391 = arith.addf %add3A_355, %mul3A_390 : vector<16xf32>
        %get3A_392 = arith.constant 31 : i32
        %get3A_393 = arith.index_cast %get3A_392 : i32 to index
        %get3A_394 = arith.index_cast %mul3A_107 : i32 to index
        %get3A_395 = tpu.vector_load %arg5[%get3A_393, %get3A_394] {strides = array<i32>} : memref<64x512xf32, #tpu.memory_space<vmem>>, vector<16xf32>,
        %slice3A_396 = vector.extract_strided_slice %get3A_5 {offsets = [15], sizes = [1], strides = [1]} : vector<16xf32> to vector<1xf32>
        %squeeze3A_397 = vector.extract %slice3A_396[0] : f32 from vector<1xf32>
        %mul3A_398 = vector.broadcast %squeeze3A_397 : f32 to vector<16xf32>
        %mul3A_399 = arith.mulf %get3A_395, %mul3A_398 : vector<16xf32>
        %add3A_400 = arith.addf %add3A_364, %mul3A_399 : vector<16xf32>
        %get3A_401 = arith.constant 32 : i32
        %get3A_402 = arith.index_cast %get3A_401 : i32 to index
        %get3A_403 = arith.index_cast %mul3A_107 : i32 to index
        %get3A_404 = tpu.vector_load %arg5[%get3A_402, %get3A_403] {strides = array<i32>} : memref<64x512xf32, #tpu.memory_space<vmem>>, vector<16xf32>,
        %slice3A_405 = vector.extract_strided_slice %get3A_7 {offsets = [0], sizes = [1], strides = [1]} : vector<16xf32> to vector<1xf32>
        %squeeze3A_406 = vector.extract %slice3A_405[0] : f32 from vector<1xf32>
        %mul3A_407 = vector.broadcast %squeeze3A_406 : f32 to vector<16xf32>
        %mul3A_408 = arith.mulf %get3A_404, %mul3A_407 : vector<16xf32>
        %add3A_409 = arith.addf %add3A_373, %mul3A_408 : vector<16xf32>
        %get3A_410 = arith.constant 33 : i32
        %get3A_411 = arith.index_cast %get3A_410 : i32 to index
        %get3A_412 = arith.index_cast %mul3A_107 : i32 to index
        %get3A_413 = tpu.vector_load %arg5[%get3A_411, %get3A_412] {strides = array<i32>} : memref<64x512xf32, #tpu.memory_space<vmem>>, vector<16xf32>,
        %slice3A_414 = vector.extract_strided_slice %get3A_7 {offsets = [1], sizes = [1], strides = [1]} : vector<16xf32> to vector<1xf32>
        %squeeze3A_415 = vector.extract %slice3A_414[0] : f32 from vector<1xf32>
        %mul3A_416 = vector.broadcast %squeeze3A_415 : f32 to vector<16xf32>
        %mul3A_417 = arith.mulf %get3A_413, %mul3A_416 : vector<16xf32>
        %add3A_418 = arith.addf %add3A_382, %mul3A_417 : vector<16xf32>
        %get3A_419 = arith.constant 34 : i32
        %get3A_420 = arith.index_cast %get3A_419 : i32 to index
        %get3A_421 = arith.index_cast %mul3A_107 : i32 to index
        %get3A_422 = tpu.vector_load %arg5[%get3A_420, %get3A_421] {strides = array<i32>} : memref<64x512xf32, #tpu.memory_space<vmem>>, vector<16xf32>,
        %slice3A_423 = vector.extract_strided_slice %get3A_7 {offsets = [2], sizes = [1], strides = [1]} : vector<16xf32> to vector<1xf32>
        %squeeze3A_424 = vector.extract %slice3A_423[0] : f32 from vector<1xf32>
        %mul3A_425 = vector.broadcast %squeeze3A_424 : f32 to vector<16xf32>
        %mul3A_426 = arith.mulf %get3A_422, %mul3A_425 : vector<16xf32>
        %add3A_427 = arith.addf %add3A_391, %mul3A_426 : vector<16xf32>
        %get3A_428 = arith.constant 35 : i32
        %get3A_429 = arith.index_cast %get3A_428 : i32 to index
        %get3A_430 = arith.index_cast %mul3A_107 : i32 to index
        %get3A_431 = tpu.vector_load %arg5[%get3A_429, %get3A_430] {strides = array<i32>} : memref<64x512xf32, #tpu.memory_space<vmem>>, vector<16xf32>,
        %slice3A_432 = vector.extract_strided_slice %get3A_7 {offsets = [3], sizes = [1], strides = [1]} : vector<16xf32> to vector<1xf32>
        %squeeze3A_433 = vector.extract %slice3A_432[0] : f32 from vector<1xf32>
        %mul3A_434 = vector.broadcast %squeeze3A_433 : f32 to vector<16xf32>
        %mul3A_435 = arith.mulf %get3A_431, %mul3A_434 : vector<16xf32>
        %add3A_436 = arith.addf %add3A_400, %mul3A_435 : vector<16xf32>
        %get3A_437 = arith.constant 36 : i32
        %get3A_438 = arith.index_cast %get3A_437 : i32 to index
        %get3A_439 = arith.index_cast %mul3A_107 : i32 to index
        %get3A_440 = tpu.vector_load %arg5[%get3A_438, %get3A_439] {strides = array<i32>} : memref<64x512xf32, #tpu.memory_space<vmem>>, vector<16xf32>,
        %slice3A_441 = vector.extract_strided_slice %get3A_7 {offsets = [4], sizes = [1], strides = [1]} : vector<16xf32> to vector<1xf32>
        %squeeze3A_442 = vector.extract %slice3A_441[0] : f32 from vector<1xf32>
        %mul3A_443 = vector.broadcast %squeeze3A_442 : f32 to vector<16xf32>
        %mul3A_444 = arith.mulf %get3A_440, %mul3A_443 : vector<16xf32>
        %add3A_445 = arith.addf %add3A_409, %mul3A_444 : vector<16xf32>
        %get3A_446 = arith.constant 37 : i32
        %get3A_447 = arith.index_cast %get3A_446 : i32 to index
        %get3A_448 = arith.index_cast %mul3A_107 : i32 to index
        %get3A_449 = tpu.vector_load %arg5[%get3A_447, %get3A_448] {strides = array<i32>} : memref<64x512xf32, #tpu.memory_space<vmem>>, vector<16xf32>,
        %slice3A_450 = vector.extract_strided_slice %get3A_7 {offsets = [5], sizes = [1], strides = [1]} : vector<16xf32> to vector<1xf32>
        %squeeze3A_451 = vector.extract %slice3A_450[0] : f32 from vector<1xf32>
        %mul3A_452 = vector.broadcast %squeeze3A_451 : f32 to vector<16xf32>
        %mul3A_453 = arith.mulf %get3A_449, %mul3A_452 : vector<16xf32>
        %add3A_454 = arith.addf %add3A_418, %mul3A_453 : vector<16xf32>
        %get3A_455 = arith.constant 38 : i32
        %get3A_456 = arith.index_cast %get3A_455 : i32 to index
        %get3A_457 = arith.index_cast %mul3A_107 : i32 to index
        %get3A_458 = tpu.vector_load %arg5[%get3A_456, %get3A_457] {strides = array<i32>} : memref<64x512xf32, #tpu.memory_space<vmem>>, vector<16xf32>,
        %slice3A_459 = vector.extract_strided_slice %get3A_7 {offsets = [6], sizes = [1], strides = [1]} : vector<16xf32> to vector<1xf32>
        %squeeze3A_460 = vector.extract %slice3A_459[0] : f32 from vector<1xf32>
        %mul3A_461 = vector.broadcast %squeeze3A_460 : f32 to vector<16xf32>
        %mul3A_462 = arith.mulf %get3A_458, %mul3A_461 : vector<16xf32>
        %add3A_463 = arith.addf %add3A_427, %mul3A_462 : vector<16xf32>
        %get3A_464 = arith.constant 39 : i32
        %get3A_465 = arith.index_cast %get3A_464 : i32 to index
        %get3A_466 = arith.index_cast %mul3A_107 : i32 to index
        %get3A_467 = tpu.vector_load %arg5[%get3A_465, %get3A_466] {strides = array<i32>} : memref<64x512xf32, #tpu.memory_space<vmem>>, vector<16xf32>,
        %slice3A_468 = vector.extract_strided_slice %get3A_7 {offsets = [7], sizes = [1], strides = [1]} : vector<16xf32> to vector<1xf32>
        %squeeze3A_469 = vector.extract %slice3A_468[0] : f32 from vector<1xf32>
        %mul3A_470 = vector.broadcast %squeeze3A_469 : f32 to vector<16xf32>
        %mul3A_471 = arith.mulf %get3A_467, %mul3A_470 : vector<16xf32>
        %add3A_472 = arith.addf %add3A_436, %mul3A_471 : vector<16xf32>
        %get3A_473 = arith.constant 40 : i32
        %get3A_474 = arith.index_cast %get3A_473 : i32 to index
        %get3A_475 = arith.index_cast %mul3A_107 : i32 to index
        %get3A_476 = tpu.vector_load %arg5[%get3A_474, %get3A_475] {strides = array<i32>} : memref<64x512xf32, #tpu.memory_space<vmem>>, vector<16xf32>,
        %slice3A_477 = vector.extract_strided_slice %get3A_7 {offsets = [8], sizes = [1], strides = [1]} : vector<16xf32> to vector<1xf32>
        %squeeze3A_478 = vector.extract %slice3A_477[0] : f32 from vector<1xf32>
        %mul3A_479 = vector.broadcast %squeeze3A_478 : f32 to vector<16xf32>
        %mul3A_480 = arith.mulf %get3A_476, %mul3A_479 : vector<16xf32>
        %add3A_481 = arith.addf %add3A_445, %mul3A_480 : vector<16xf32>
        %get3A_482 = arith.constant 41 : i32
        %get3A_483 = arith.index_cast %get3A_482 : i32 to index
        %get3A_484 = arith.index_cast %mul3A_107 : i32 to index
        %get3A_485 = tpu.vector_load %arg5[%get3A_483, %get3A_484] {strides = array<i32>} : memref<64x512xf32, #tpu.memory_space<vmem>>, vector<16xf32>,
        %slice3A_486 = vector.extract_strided_slice %get3A_7 {offsets = [9], sizes = [1], strides = [1]} : vector<16xf32> to vector<1xf32>
        %squeeze3A_487 = vector.extract %slice3A_486[0] : f32 from vector<1xf32>
        %mul3A_488 = vector.broadcast %squeeze3A_487 : f32 to vector<16xf32>
        %mul3A_489 = arith.mulf %get3A_485, %mul3A_488 : vector<16xf32>
        %add3A_490 = arith.addf %add3A_454, %mul3A_489 : vector<16xf32>
        %get3A_491 = arith.constant 42 : i32
        %get3A_492 = arith.index_cast %get3A_491 : i32 to index
        %get3A_493 = arith.index_cast %mul3A_107 : i32 to index
        %get3A_494 = tpu.vector_load %arg5[%get3A_492, %get3A_493] {strides = array<i32>} : memref<64x512xf32, #tpu.memory_space<vmem>>, vector<16xf32>,
        %slice3A_495 = vector.extract_strided_slice %get3A_7 {offsets = [10], sizes = [1], strides = [1]} : vector<16xf32> to vector<1xf32>
        %squeeze3A_496 = vector.extract %slice3A_495[0] : f32 from vector<1xf32>
        %mul3A_497 = vector.broadcast %squeeze3A_496 : f32 to vector<16xf32>
        %mul3A_498 = arith.mulf %get3A_494, %mul3A_497 : vector<16xf32>
        %add3A_499 = arith.addf %add3A_463, %mul3A_498 : vector<16xf32>
        %get3A_500 = arith.constant 43 : i32
        %get3A_501 = arith.index_cast %get3A_500 : i32 to index
        %get3A_502 = arith.index_cast %mul3A_107 : i32 to index
        %get3A_503 = tpu.vector_load %arg5[%get3A_501, %get3A_502] {strides = array<i32>} : memref<64x512xf32, #tpu.memory_space<vmem>>, vector<16xf32>,
        %slice3A_504 = vector.extract_strided_slice %get3A_7 {offsets = [11], sizes = [1], strides = [1]} : vector<16xf32> to vector<1xf32>
        %squeeze3A_505 = vector.extract %slice3A_504[0] : f32 from vector<1xf32>
        %mul3A_506 = vector.broadcast %squeeze3A_505 : f32 to vector<16xf32>
        %mul3A_507 = arith.mulf %get3A_503, %mul3A_506 : vector<16xf32>
        %add3A_508 = arith.addf %add3A_472, %mul3A_507 : vector<16xf32>
        %get3A_509 = arith.constant 44 : i32
        %get3A_510 = arith.index_cast %get3A_509 : i32 to index
        %get3A_511 = arith.index_cast %mul3A_107 : i32 to index
        %get3A_512 = tpu.vector_load %arg5[%get3A_510, %get3A_511] {strides = array<i32>} : memref<64x512xf32, #tpu.memory_space<vmem>>, vector<16xf32>,
        %slice3A_513 = vector.extract_strided_slice %get3A_7 {offsets = [12], sizes = [1], strides = [1]} : vector<16xf32> to vector<1xf32>
        %squeeze3A_514 = vector.extract %slice3A_513[0] : f32 from vector<1xf32>
        %mul3A_515 = vector.broadcast %squeeze3A_514 : f32 to vector<16xf32>
        %mul3A_516 = arith.mulf %get3A_512, %mul3A_515 : vector<16xf32>
        %add3A_517 = arith.addf %add3A_481, %mul3A_516 : vector<16xf32>
        %get3A_518 = arith.constant 45 : i32
        %get3A_519 = arith.index_cast %get3A_518 : i32 to index
        %get3A_520 = arith.index_cast %mul3A_107 : i32 to index
        %get3A_521 = tpu.vector_load %arg5[%get3A_519, %get3A_520] {strides = array<i32>} : memref<64x512xf32, #tpu.memory_space<vmem>>, vector<16xf32>,
        %slice3A_522 = vector.extract_strided_slice %get3A_7 {offsets = [13], sizes = [1], strides = [1]} : vector<16xf32> to vector<1xf32>
        %squeeze3A_523 = vector.extract %slice3A_522[0] : f32 from vector<1xf32>
        %mul3A_524 = vector.broadcast %squeeze3A_523 : f32 to vector<16xf32>
        %mul3A_525 = arith.mulf %get3A_521, %mul3A_524 : vector<16xf32>
        %add3A_526 = arith.addf %add3A_490, %mul3A_525 : vector<16xf32>
        %get3A_527 = arith.constant 46 : i32
        %get3A_528 = arith.index_cast %get3A_527 : i32 to index
        %get3A_529 = arith.index_cast %mul3A_107 : i32 to index
        %get3A_530 = tpu.vector_load %arg5[%get3A_528, %get3A_529] {strides = array<i32>} : memref<64x512xf32, #tpu.memory_space<vmem>>, vector<16xf32>,
        %slice3A_531 = vector.extract_strided_slice %get3A_7 {offsets = [14], sizes = [1], strides = [1]} : vector<16xf32> to vector<1xf32>
        %squeeze3A_532 = vector.extract %slice3A_531[0] : f32 from vector<1xf32>
        %mul3A_533 = vector.broadcast %squeeze3A_532 : f32 to vector<16xf32>
        %mul3A_534 = arith.mulf %get3A_530, %mul3A_533 : vector<16xf32>
        %add3A_535 = arith.addf %add3A_499, %mul3A_534 : vector<16xf32>
        %get3A_536 = arith.constant 47 : i32
        %get3A_537 = arith.index_cast %get3A_536 : i32 to index
        %get3A_538 = arith.index_cast %mul3A_107 : i32 to index
        %get3A_539 = tpu.vector_load %arg5[%get3A_537, %get3A_538] {strides = array<i32>} : memref<64x512xf32, #tpu.memory_space<vmem>>, vector<16xf32>,
        %slice3A_540 = vector.extract_strided_slice %get3A_7 {offsets = [15], sizes = [1], strides = [1]} : vector<16xf32> to vector<1xf32>
        %squeeze3A_541 = vector.extract %slice3A_540[0] : f32 from vector<1xf32>
        %mul3A_542 = vector.broadcast %squeeze3A_541 : f32 to vector<16xf32>
        %mul3A_543 = arith.mulf %get3A_539, %mul3A_542 : vector<16xf32>
        %add3A_544 = arith.addf %add3A_508, %mul3A_543 : vector<16xf32>
        %get3A_545 = arith.constant 48 : i32
        %get3A_546 = arith.index_cast %get3A_545 : i32 to index
        %get3A_547 = arith.index_cast %mul3A_107 : i32 to index
        %get3A_548 = tpu.vector_load %arg5[%get3A_546, %get3A_547] {strides = array<i32>} : memref<64x512xf32, #tpu.memory_space<vmem>>, vector<16xf32>,
        %slice3A_549 = vector.extract_strided_slice %get3A_9 {offsets = [0], sizes = [1], strides = [1]} : vector<16xf32> to vector<1xf32>
        %squeeze3A_550 = vector.extract %slice3A_549[0] : f32 from vector<1xf32>
        %mul3A_551 = vector.broadcast %squeeze3A_550 : f32 to vector<16xf32>
        %mul3A_552 = arith.mulf %get3A_548, %mul3A_551 : vector<16xf32>
        %add3A_553 = arith.addf %add3A_517, %mul3A_552 : vector<16xf32>
        %get3A_554 = arith.constant 49 : i32
        %get3A_555 = arith.index_cast %get3A_554 : i32 to index
        %get3A_556 = arith.index_cast %mul3A_107 : i32 to index
        %get3A_557 = tpu.vector_load %arg5[%get3A_555, %get3A_556] {strides = array<i32>} : memref<64x512xf32, #tpu.memory_space<vmem>>, vector<16xf32>,
        %slice3A_558 = vector.extract_strided_slice %get3A_9 {offsets = [1], sizes = [1], strides = [1]} : vector<16xf32> to vector<1xf32>
        %squeeze3A_559 = vector.extract %slice3A_558[0] : f32 from vector<1xf32>
        %mul3A_560 = vector.broadcast %squeeze3A_559 : f32 to vector<16xf32>
        %mul3A_561 = arith.mulf %get3A_557, %mul3A_560 : vector<16xf32>
        %add3A_562 = arith.addf %add3A_526, %mul3A_561 : vector<16xf32>
        %get3A_563 = arith.constant 50 : i32
        %get3A_564 = arith.index_cast %get3A_563 : i32 to index
        %get3A_565 = arith.index_cast %mul3A_107 : i32 to index
        %get3A_566 = tpu.vector_load %arg5[%get3A_564, %get3A_565] {strides = array<i32>} : memref<64x512xf32, #tpu.memory_space<vmem>>, vector<16xf32>,
        %slice3A_567 = vector.extract_strided_slice %get3A_9 {offsets = [2], sizes = [1], strides = [1]} : vector<16xf32> to vector<1xf32>
        %squeeze3A_568 = vector.extract %slice3A_567[0] : f32 from vector<1xf32>
        %mul3A_569 = vector.broadcast %squeeze3A_568 : f32 to vector<16xf32>
        %mul3A_570 = arith.mulf %get3A_566, %mul3A_569 : vector<16xf32>
        %add3A_571 = arith.addf %add3A_535, %mul3A_570 : vector<16xf32>
        %get3A_572 = arith.constant 51 : i32
        %get3A_573 = arith.index_cast %get3A_572 : i32 to index
        %get3A_574 = arith.index_cast %mul3A_107 : i32 to index
        %get3A_575 = tpu.vector_load %arg5[%get3A_573, %get3A_574] {strides = array<i32>} : memref<64x512xf32, #tpu.memory_space<vmem>>, vector<16xf32>,
        %slice3A_576 = vector.extract_strided_slice %get3A_9 {offsets = [3], sizes = [1], strides = [1]} : vector<16xf32> to vector<1xf32>
        %squeeze3A_577 = vector.extract %slice3A_576[0] : f32 from vector<1xf32>
        %mul3A_578 = vector.broadcast %squeeze3A_577 : f32 to vector<16xf32>
        %mul3A_579 = arith.mulf %get3A_575, %mul3A_578 : vector<16xf32>
        %add3A_580 = arith.addf %add3A_544, %mul3A_579 : vector<16xf32>
        %get3A_581 = arith.constant 52 : i32
        %get3A_582 = arith.index_cast %get3A_581 : i32 to index
        %get3A_583 = arith.index_cast %mul3A_107 : i32 to index
        %get3A_584 = tpu.vector_load %arg5[%get3A_582, %get3A_583] {strides = array<i32>} : memref<64x512xf32, #tpu.memory_space<vmem>>, vector<16xf32>,
        %slice3A_585 = vector.extract_strided_slice %get3A_9 {offsets = [4], sizes = [1], strides = [1]} : vector<16xf32> to vector<1xf32>
        %squeeze3A_586 = vector.extract %slice3A_585[0] : f32 from vector<1xf32>
        %mul3A_587 = vector.broadcast %squeeze3A_586 : f32 to vector<16xf32>
        %mul3A_588 = arith.mulf %get3A_584, %mul3A_587 : vector<16xf32>
        %add3A_589 = arith.addf %add3A_553, %mul3A_588 : vector<16xf32>
        %get3A_590 = arith.constant 53 : i32
        %get3A_591 = arith.index_cast %get3A_590 : i32 to index
        %get3A_592 = arith.index_cast %mul3A_107 : i32 to index
        %get3A_593 = tpu.vector_load %arg5[%get3A_591, %get3A_592] {strides = array<i32>} : memref<64x512xf32, #tpu.memory_space<vmem>>, vector<16xf32>,
        %slice3A_594 = vector.extract_strided_slice %get3A_9 {offsets = [5], sizes = [1], strides = [1]} : vector<16xf32> to vector<1xf32>
        %squeeze3A_595 = vector.extract %slice3A_594[0] : f32 from vector<1xf32>
        %mul3A_596 = vector.broadcast %squeeze3A_595 : f32 to vector<16xf32>
        %mul3A_597 = arith.mulf %get3A_593, %mul3A_596 : vector<16xf32>
        %add3A_598 = arith.addf %add3A_562, %mul3A_597 : vector<16xf32>
        %get3A_599 = arith.constant 54 : i32
        %get3A_600 = arith.index_cast %get3A_599 : i32 to index
        %get3A_601 = arith.index_cast %mul3A_107 : i32 to index
        %get3A_602 = tpu.vector_load %arg5[%get3A_600, %get3A_601] {strides = array<i32>} : memref<64x512xf32, #tpu.memory_space<vmem>>, vector<16xf32>,
        %slice3A_603 = vector.extract_strided_slice %get3A_9 {offsets = [6], sizes = [1], strides = [1]} : vector<16xf32> to vector<1xf32>
        %squeeze3A_604 = vector.extract %slice3A_603[0] : f32 from vector<1xf32>
        %mul3A_605 = vector.broadcast %squeeze3A_604 : f32 to vector<16xf32>
        %mul3A_606 = arith.mulf %get3A_602, %mul3A_605 : vector<16xf32>
        %add3A_607 = arith.addf %add3A_571, %mul3A_606 : vector<16xf32>
        %get3A_608 = arith.constant 55 : i32
        %get3A_609 = arith.index_cast %get3A_608 : i32 to index
        %get3A_610 = arith.index_cast %mul3A_107 : i32 to index
        %get3A_611 = tpu.vector_load %arg5[%get3A_609, %get3A_610] {strides = array<i32>} : memref<64x512xf32, #tpu.memory_space<vmem>>, vector<16xf32>,
        %slice3A_612 = vector.extract_strided_slice %get3A_9 {offsets = [7], sizes = [1], strides = [1]} : vector<16xf32> to vector<1xf32>
        %squeeze3A_613 = vector.extract %slice3A_612[0] : f32 from vector<1xf32>
        %mul3A_614 = vector.broadcast %squeeze3A_613 : f32 to vector<16xf32>
        %mul3A_615 = arith.mulf %get3A_611, %mul3A_614 : vector<16xf32>
        %add3A_616 = arith.addf %add3A_580, %mul3A_615 : vector<16xf32>
        %get3A_617 = arith.constant 56 : i32
        %get3A_618 = arith.index_cast %get3A_617 : i32 to index
        %get3A_619 = arith.index_cast %mul3A_107 : i32 to index
        %get3A_620 = tpu.vector_load %arg5[%get3A_618, %get3A_619] {strides = array<i32>} : memref<64x512xf32, #tpu.memory_space<vmem>>, vector<16xf32>,
        %slice3A_621 = vector.extract_strided_slice %get3A_9 {offsets = [8], sizes = [1], strides = [1]} : vector<16xf32> to vector<1xf32>
        %squeeze3A_622 = vector.extract %slice3A_621[0] : f32 from vector<1xf32>
        %mul3A_623 = vector.broadcast %squeeze3A_622 : f32 to vector<16xf32>
        %mul3A_624 = arith.mulf %get3A_620, %mul3A_623 : vector<16xf32>
        %add3A_625 = arith.addf %add3A_589, %mul3A_624 : vector<16xf32>
        %get3A_626 = arith.constant 57 : i32
        %get3A_627 = arith.index_cast %get3A_626 : i32 to index
        %get3A_628 = arith.index_cast %mul3A_107 : i32 to index
        %get3A_629 = tpu.vector_load %arg5[%get3A_627, %get3A_628] {strides = array<i32>} : memref<64x512xf32, #tpu.memory_space<vmem>>, vector<16xf32>,
        %slice3A_630 = vector.extract_strided_slice %get3A_9 {offsets = [9], sizes = [1], strides = [1]} : vector<16xf32> to vector<1xf32>
        %squeeze3A_631 = vector.extract %slice3A_630[0] : f32 from vector<1xf32>
        %mul3A_632 = vector.broadcast %squeeze3A_631 : f32 to vector<16xf32>
        %mul3A_633 = arith.mulf %get3A_629, %mul3A_632 : vector<16xf32>
        %add3A_634 = arith.addf %add3A_598, %mul3A_633 : vector<16xf32>
        %get3A_635 = arith.constant 58 : i32
        %get3A_636 = arith.index_cast %get3A_635 : i32 to index
        %get3A_637 = arith.index_cast %mul3A_107 : i32 to index
        %get3A_638 = tpu.vector_load %arg5[%get3A_636, %get3A_637] {strides = array<i32>} : memref<64x512xf32, #tpu.memory_space<vmem>>, vector<16xf32>,
        %slice3A_639 = vector.extract_strided_slice %get3A_9 {offsets = [10], sizes = [1], strides = [1]} : vector<16xf32> to vector<1xf32>
        %squeeze3A_640 = vector.extract %slice3A_639[0] : f32 from vector<1xf32>
        %mul3A_641 = vector.broadcast %squeeze3A_640 : f32 to vector<16xf32>
        %mul3A_642 = arith.mulf %get3A_638, %mul3A_641 : vector<16xf32>
        %add3A_643 = arith.addf %add3A_607, %mul3A_642 : vector<16xf32>
        %get3A_644 = arith.constant 59 : i32
        %get3A_645 = arith.index_cast %get3A_644 : i32 to index
        %get3A_646 = arith.index_cast %mul3A_107 : i32 to index
        %get3A_647 = tpu.vector_load %arg5[%get3A_645, %get3A_646] {strides = array<i32>} : memref<64x512xf32, #tpu.memory_space<vmem>>, vector<16xf32>,
        %slice3A_648 = vector.extract_strided_slice %get3A_9 {offsets = [11], sizes = [1], strides = [1]} : vector<16xf32> to vector<1xf32>
        %squeeze3A_649 = vector.extract %slice3A_648[0] : f32 from vector<1xf32>
        %mul3A_650 = vector.broadcast %squeeze3A_649 : f32 to vector<16xf32>
        %mul3A_651 = arith.mulf %get3A_647, %mul3A_650 : vector<16xf32>
        %add3A_652 = arith.addf %add3A_616, %mul3A_651 : vector<16xf32>
        %get3A_653 = arith.constant 60 : i32
        %get3A_654 = arith.index_cast %get3A_653 : i32 to index
        %get3A_655 = arith.index_cast %mul3A_107 : i32 to index
        %get3A_656 = tpu.vector_load %arg5[%get3A_654, %get3A_655] {strides = array<i32>} : memref<64x512xf32, #tpu.memory_space<vmem>>, vector<16xf32>,
        %slice3A_657 = vector.extract_strided_slice %get3A_9 {offsets = [12], sizes = [1], strides = [1]} : vector<16xf32> to vector<1xf32>
        %squeeze3A_658 = vector.extract %slice3A_657[0] : f32 from vector<1xf32>
        %mul3A_659 = vector.broadcast %squeeze3A_658 : f32 to vector<16xf32>
        %mul3A_660 = arith.mulf %get3A_656, %mul3A_659 : vector<16xf32>
        %add3A_661 = arith.addf %add3A_625, %mul3A_660 : vector<16xf32>
        %get3A_662 = arith.constant 61 : i32
        %get3A_663 = arith.index_cast %get3A_662 : i32 to index
        %get3A_664 = arith.index_cast %mul3A_107 : i32 to index
        %get3A_665 = tpu.vector_load %arg5[%get3A_663, %get3A_664] {strides = array<i32>} : memref<64x512xf32, #tpu.memory_space<vmem>>, vector<16xf32>,
        %slice3A_666 = vector.extract_strided_slice %get3A_9 {offsets = [13], sizes = [1], strides = [1]} : vector<16xf32> to vector<1xf32>
        %squeeze3A_667 = vector.extract %slice3A_666[0] : f32 from vector<1xf32>
        %mul3A_668 = vector.broadcast %squeeze3A_667 : f32 to vector<16xf32>
        %mul3A_669 = arith.mulf %get3A_665, %mul3A_668 : vector<16xf32>
        %add3A_670 = arith.addf %add3A_634, %mul3A_669 : vector<16xf32>
        %get3A_671 = arith.constant 62 : i32
        %get3A_672 = arith.index_cast %get3A_671 : i32 to index
        %get3A_673 = arith.index_cast %mul3A_107 : i32 to index
        %get3A_674 = tpu.vector_load %arg5[%get3A_672, %get3A_673] {strides = array<i32>} : memref<64x512xf32, #tpu.memory_space<vmem>>, vector<16xf32>,
        %slice3A_675 = vector.extract_strided_slice %get3A_9 {offsets = [14], sizes = [1], strides = [1]} : vector<16xf32> to vector<1xf32>
        %squeeze3A_676 = vector.extract %slice3A_675[0] : f32 from vector<1xf32>
        %mul3A_677 = vector.broadcast %squeeze3A_676 : f32 to vector<16xf32>
        %mul3A_678 = arith.mulf %get3A_674, %mul3A_677 : vector<16xf32>
        %add3A_679 = arith.addf %add3A_643, %mul3A_678 : vector<16xf32>
        %get3A_680 = arith.constant 63 : i32
        %get3A_681 = arith.index_cast %get3A_680 : i32 to index
        %get3A_682 = arith.index_cast %mul3A_107 : i32 to index
        %get3A_683 = tpu.vector_load %arg5[%get3A_681, %get3A_682] {strides = array<i32>} : memref<64x512xf32, #tpu.memory_space<vmem>>, vector<16xf32>,
        %slice3A_684 = vector.extract_strided_slice %get3A_9 {offsets = [15], sizes = [1], strides = [1]} : vector<16xf32> to vector<1xf32>
        %squeeze3A_685 = vector.extract %slice3A_684[0] : f32 from vector<1xf32>
        %mul3A_686 = vector.broadcast %squeeze3A_685 : f32 to vector<16xf32>
        %mul3A_687 = arith.mulf %get3A_683, %mul3A_686 : vector<16xf32>
        %add3A_688 = arith.addf %add3A_652, %mul3A_687 : vector<16xf32>
        %add3A_689 = arith.addf %add3A_661, %add3A_670 : vector<16xf32>
        %add3A_690 = arith.addf %add3A_679, %add3A_688 : vector<16xf32>
        %add3A_691 = arith.addf %add3A_689, %add3A_690 : vector<16xf32>
        %swap3A = arith.index_cast %mul3A_107 : i32 to index
        %swap3A_692 = tpu.vector_load %arg8[%swap3A] {strides = array<i32>} : memref<512xf32, #tpu.memory_space<vmem>>, vector<16xf32>,
        tpu.vector_store %arg8[%swap3A], %add3A_691 {strides = array<i32>} : memref<512xf32, #tpu.memory_space<vmem>>, vector<16xf32>,
      }
      %scan3A_57 = arith.constant 32 : i32
      %mul3A_58 = arith.constant 512 : i32
      %mul3A_59 = arith.muli %mul3A_43, %mul3A_58 : i32
      %add3A_60 = arith.addi %mul3A_2, %mul3A_59 : i32
      %dma_start3A_61 = tpu.memref_slice %arg4[%add3A_60] : memref<458752xf32, #tpu.memory_space<hbm>> -> memref<512xf32, #tpu.memory_space<hbm>>
      %dma_start3A_62 = tpu.memref_slice %arg4[%add3A_60] : memref<458752xf32, #tpu.memory_space<hbm>> -> memref<512xf32, #tpu.memory_space<hbm>>
      tpu.enqueue_dma source(%arg8 : memref<512xf32, #tpu.memory_space<vmem>>) target(%dma_start3A_62 : memref<512xf32, #tpu.memory_space<hbm>>) target_semaphore(%arg12 : memref<!tpu.dma_semaphore, #tpu.memory_space<semaphore_mem>>)
      %add3A_63 = arith.constant 2 : i32
      %add3A_64 = arith.addi %mul3A_43, %add3A_63 : i32
      %mul3A_65 = arith.constant 512 : i32
      %mul3A_66 = arith.muli %add3A_64, %mul3A_65 : i32
      %add3A_67 = arith.addi %mul3A_2, %mul3A_66 : i32
      %dma_start3A_68 = arith.constant 0 : i32
      %dma_start3A_69 = tpu.memref_slice %arg2[%dma_start3A_68, %add3A_67] : memref<64x1000000xf32, #tpu.memory_space<hbm>> -> memref<64x512xf32, #tpu.memory_space<hbm>>
      %dma_start3A_70 = arith.constant 0 : i32
      %dma_start3A_71 = tpu.memref_slice %arg2[%dma_start3A_70, %add3A_67] : memref<64x1000000xf32, #tpu.memory_space<hbm>> -> memref<64x512xf32, #tpu.memory_space<hbm>>
      tpu.enqueue_dma source(%dma_start3A_71 : memref<64x512xf32, #tpu.memory_space<hbm>>) target(%arg5 : memref<64x512xf32, #tpu.memory_space<vmem>>) target_semaphore(%arg10 : memref<!tpu.dma_semaphore, #tpu.memory_space<semaphore_mem>>)
      %dma_wait3A_72 = arith.constant 0 : i32
      %dma_wait3A_73 = arith.constant 0 : i32
      %dma_wait3A_74 = tpu.memref_slice %arg2[%dma_wait3A_72, %dma_wait3A_73] : memref<64x1000000xf32, #tpu.memory_space<hbm>> -> memref<64x512xf32, #tpu.memory_space<hbm>>
      %dma_wait3A_75 = arith.constant 0 : i32
      %dma_wait3A_76 = arith.constant 0 : i32
      %dma_wait3A_77 = tpu.memref_slice %arg2[%dma_wait3A_75, %dma_wait3A_76] : memref<64x1000000xf32, #tpu.memory_space<hbm>> -> memref<64x512xf32, #tpu.memory_space<hbm>>
      tpu.wait_dma2 semaphore(%arg11 : memref<!tpu.dma_semaphore, #tpu.memory_space<semaphore_mem>>) src(%dma_wait3A_77 : memref<64x512xf32, #tpu.memory_space<hbm>>) dst(%arg6 : memref<64x512xf32, #tpu.memory_space<vmem>>)
      %add3A_78 = arith.constant 1 : i32
      %add3A_79 = arith.addi %mul3A_43, %add3A_78 : i32
      %ge3A_80 = arith.constant 1 : i32
      %ge3A_81 = arith.cmpi sge, %scan3A_41, %ge3A_80 : i32
      %convert_element_type3A_82 = arith.extui %ge3A_81 : i1 to i32
      %cond3A_83 = arith.constant 0 : i32
      %cond3A_84 = arith.cmpi ne, %convert_element_type3A_82, %cond3A_83 : i32
      scf.if %cond3A_84 {
        %dma_wait3A_105 = tpu.memref_slice %arg4[%mul3A_2] : memref<458752xf32, #tpu.memory_space<hbm>> -> memref<512xf32, #tpu.memory_space<hbm>>
        %dma_wait3A_106 = tpu.memref_slice %arg4[%mul3A_2] : memref<458752xf32, #tpu.memory_space<hbm>> -> memref<512xf32, #tpu.memory_space<hbm>>
        tpu.wait_dma2 semaphore(%arg12 : memref<!tpu.dma_semaphore, #tpu.memory_space<semaphore_mem>>) src(%arg9 : memref<512xf32, #tpu.memory_space<vmem>>) dst(%dma_wait3A_106 : memref<512xf32, #tpu.memory_space<hbm>>)
      } else {
      }
      %scan3A_85 = arith.constant 0 : i32
      %scan3A_86 = arith.constant 0 : i32
      %scan3A_87 = arith.constant 32 : i32
      %scan3A_88 = arith.addi %scan3A_86, %scan3A_87 : i32
      %scan3A_89 = arith.constant 1 : i32
      scf.for %scan3A_105 = %scan3A_86 to %scan3A_88 step %scan3A_89  : i32 {
        %mul3A_106 = arith.constant 16 : i32
        %mul3A_107 = arith.muli %scan3A_105, %mul3A_106 : i32
        %broadcast_in_dim3A = arith.constant 0.000000e+00 : f32
        %broadcast_in_dim3A_108 = vector.broadcast %broadcast_in_dim3A : f32 to vector<16xf32>
        %broadcast_in_dim3A_109 = arith.constant 0.000000e+00 : f32
        %broadcast_in_dim3A_110 = vector.broadcast %broadcast_in_dim3A_109 : f32 to vector<16xf32>
        %broadcast_in_dim3A_111 = arith.constant 0.000000e+00 : f32
        %broadcast_in_dim3A_112 = vector.broadcast %broadcast_in_dim3A_111 : f32 to vector<16xf32>
        %broadcast_in_dim3A_113 = arith.constant 0.000000e+00 : f32
        %broadcast_in_dim3A_114 = vector.broadcast %broadcast_in_dim3A_113 : f32 to vector<16xf32>
        %get3A_115 = arith.constant 0 : i32
        %get3A_116 = arith.index_cast %get3A_115 : i32 to index
        %get3A_117 = arith.index_cast %mul3A_107 : i32 to index
        %get3A_118 = tpu.vector_load %arg6[%get3A_116, %get3A_117] {strides = array<i32>} : memref<64x512xf32, #tpu.memory_space<vmem>>, vector<16xf32>,
        %slice3A = vector.extract_strided_slice %get3A_3 {offsets = [0], sizes = [1], strides = [1]} : vector<16xf32> to vector<1xf32>
        %squeeze3A = vector.extract %slice3A[0] : f32 from vector<1xf32>
        %mul3A_119 = vector.broadcast %squeeze3A : f32 to vector<16xf32>
        %mul3A_120 = arith.mulf %get3A_118, %mul3A_119 : vector<16xf32>
        %add3A_121 = arith.addf %broadcast_in_dim3A_108, %mul3A_120 : vector<16xf32>
        %get3A_122 = arith.constant 1 : i32
        %get3A_123 = arith.index_cast %get3A_122 : i32 to index
        %get3A_124 = arith.index_cast %mul3A_107 : i32 to index
        %get3A_125 = tpu.vector_load %arg6[%get3A_123, %get3A_124] {strides = array<i32>} : memref<64x512xf32, #tpu.memory_space<vmem>>, vector<16xf32>,
        %slice3A_126 = vector.extract_strided_slice %get3A_3 {offsets = [1], sizes = [1], strides = [1]} : vector<16xf32> to vector<1xf32>
        %squeeze3A_127 = vector.extract %slice3A_126[0] : f32 from vector<1xf32>
        %mul3A_128 = vector.broadcast %squeeze3A_127 : f32 to vector<16xf32>
        %mul3A_129 = arith.mulf %get3A_125, %mul3A_128 : vector<16xf32>
        %add3A_130 = arith.addf %broadcast_in_dim3A_110, %mul3A_129 : vector<16xf32>
        %get3A_131 = arith.constant 2 : i32
        %get3A_132 = arith.index_cast %get3A_131 : i32 to index
        %get3A_133 = arith.index_cast %mul3A_107 : i32 to index
        %get3A_134 = tpu.vector_load %arg6[%get3A_132, %get3A_133] {strides = array<i32>} : memref<64x512xf32, #tpu.memory_space<vmem>>, vector<16xf32>,
        %slice3A_135 = vector.extract_strided_slice %get3A_3 {offsets = [2], sizes = [1], strides = [1]} : vector<16xf32> to vector<1xf32>
        %squeeze3A_136 = vector.extract %slice3A_135[0] : f32 from vector<1xf32>
        %mul3A_137 = vector.broadcast %squeeze3A_136 : f32 to vector<16xf32>
        %mul3A_138 = arith.mulf %get3A_134, %mul3A_137 : vector<16xf32>
        %add3A_139 = arith.addf %broadcast_in_dim3A_112, %mul3A_138 : vector<16xf32>
        %get3A_140 = arith.constant 3 : i32
        %get3A_141 = arith.index_cast %get3A_140 : i32 to index
        %get3A_142 = arith.index_cast %mul3A_107 : i32 to index
        %get3A_143 = tpu.vector_load %arg6[%get3A_141, %get3A_142] {strides = array<i32>} : memref<64x512xf32, #tpu.memory_space<vmem>>, vector<16xf32>,
        %slice3A_144 = vector.extract_strided_slice %get3A_3 {offsets = [3], sizes = [1], strides = [1]} : vector<16xf32> to vector<1xf32>
        %squeeze3A_145 = vector.extract %slice3A_144[0] : f32 from vector<1xf32>
        %mul3A_146 = vector.broadcast %squeeze3A_145 : f32 to vector<16xf32>
        %mul3A_147 = arith.mulf %get3A_143, %mul3A_146 : vector<16xf32>
        %add3A_148 = arith.addf %broadcast_in_dim3A_114, %mul3A_147 : vector<16xf32>
        %get3A_149 = arith.constant 4 : i32
        %get3A_150 = arith.index_cast %get3A_149 : i32 to index
        %get3A_151 = arith.index_cast %mul3A_107 : i32 to index
        %get3A_152 = tpu.vector_load %arg6[%get3A_150, %get3A_151] {strides = array<i32>} : memref<64x512xf32, #tpu.memory_space<vmem>>, vector<16xf32>,
        %slice3A_153 = vector.extract_strided_slice %get3A_3 {offsets = [4], sizes = [1], strides = [1]} : vector<16xf32> to vector<1xf32>
        %squeeze3A_154 = vector.extract %slice3A_153[0] : f32 from vector<1xf32>
        %mul3A_155 = vector.broadcast %squeeze3A_154 : f32 to vector<16xf32>
        %mul3A_156 = arith.mulf %get3A_152, %mul3A_155 : vector<16xf32>
        %add3A_157 = arith.addf %add3A_121, %mul3A_156 : vector<16xf32>
        %get3A_158 = arith.constant 5 : i32
        %get3A_159 = arith.index_cast %get3A_158 : i32 to index
        %get3A_160 = arith.index_cast %mul3A_107 : i32 to index
        %get3A_161 = tpu.vector_load %arg6[%get3A_159, %get3A_160] {strides = array<i32>} : memref<64x512xf32, #tpu.memory_space<vmem>>, vector<16xf32>,
        %slice3A_162 = vector.extract_strided_slice %get3A_3 {offsets = [5], sizes = [1], strides = [1]} : vector<16xf32> to vector<1xf32>
        %squeeze3A_163 = vector.extract %slice3A_162[0] : f32 from vector<1xf32>
        %mul3A_164 = vector.broadcast %squeeze3A_163 : f32 to vector<16xf32>
        %mul3A_165 = arith.mulf %get3A_161, %mul3A_164 : vector<16xf32>
        %add3A_166 = arith.addf %add3A_130, %mul3A_165 : vector<16xf32>
        %get3A_167 = arith.constant 6 : i32
        %get3A_168 = arith.index_cast %get3A_167 : i32 to index
        %get3A_169 = arith.index_cast %mul3A_107 : i32 to index
        %get3A_170 = tpu.vector_load %arg6[%get3A_168, %get3A_169] {strides = array<i32>} : memref<64x512xf32, #tpu.memory_space<vmem>>, vector<16xf32>,
        %slice3A_171 = vector.extract_strided_slice %get3A_3 {offsets = [6], sizes = [1], strides = [1]} : vector<16xf32> to vector<1xf32>
        %squeeze3A_172 = vector.extract %slice3A_171[0] : f32 from vector<1xf32>
        %mul3A_173 = vector.broadcast %squeeze3A_172 : f32 to vector<16xf32>
        %mul3A_174 = arith.mulf %get3A_170, %mul3A_173 : vector<16xf32>
        %add3A_175 = arith.addf %add3A_139, %mul3A_174 : vector<16xf32>
        %get3A_176 = arith.constant 7 : i32
        %get3A_177 = arith.index_cast %get3A_176 : i32 to index
        %get3A_178 = arith.index_cast %mul3A_107 : i32 to index
        %get3A_179 = tpu.vector_load %arg6[%get3A_177, %get3A_178] {strides = array<i32>} : memref<64x512xf32, #tpu.memory_space<vmem>>, vector<16xf32>,
        %slice3A_180 = vector.extract_strided_slice %get3A_3 {offsets = [7], sizes = [1], strides = [1]} : vector<16xf32> to vector<1xf32>
        %squeeze3A_181 = vector.extract %slice3A_180[0] : f32 from vector<1xf32>
        %mul3A_182 = vector.broadcast %squeeze3A_181 : f32 to vector<16xf32>
        %mul3A_183 = arith.mulf %get3A_179, %mul3A_182 : vector<16xf32>
        %add3A_184 = arith.addf %add3A_148, %mul3A_183 : vector<16xf32>
        %get3A_185 = arith.constant 8 : i32
        %get3A_186 = arith.index_cast %get3A_185 : i32 to index
        %get3A_187 = arith.index_cast %mul3A_107 : i32 to index
        %get3A_188 = tpu.vector_load %arg6[%get3A_186, %get3A_187] {strides = array<i32>} : memref<64x512xf32, #tpu.memory_space<vmem>>, vector<16xf32>,
        %slice3A_189 = vector.extract_strided_slice %get3A_3 {offsets = [8], sizes = [1], strides = [1]} : vector<16xf32> to vector<1xf32>
        %squeeze3A_190 = vector.extract %slice3A_189[0] : f32 from vector<1xf32>
        %mul3A_191 = vector.broadcast %squeeze3A_190 : f32 to vector<16xf32>
        %mul3A_192 = arith.mulf %get3A_188, %mul3A_191 : vector<16xf32>
        %add3A_193 = arith.addf %add3A_157, %mul3A_192 : vector<16xf32>
        %get3A_194 = arith.constant 9 : i32
        %get3A_195 = arith.index_cast %get3A_194 : i32 to index
        %get3A_196 = arith.index_cast %mul3A_107 : i32 to index
        %get3A_197 = tpu.vector_load %arg6[%get3A_195, %get3A_196] {strides = array<i32>} : memref<64x512xf32, #tpu.memory_space<vmem>>, vector<16xf32>,
        %slice3A_198 = vector.extract_strided_slice %get3A_3 {offsets = [9], sizes = [1], strides = [1]} : vector<16xf32> to vector<1xf32>
        %squeeze3A_199 = vector.extract %slice3A_198[0] : f32 from vector<1xf32>
        %mul3A_200 = vector.broadcast %squeeze3A_199 : f32 to vector<16xf32>
        %mul3A_201 = arith.mulf %get3A_197, %mul3A_200 : vector<16xf32>
        %add3A_202 = arith.addf %add3A_166, %mul3A_201 : vector<16xf32>
        %get3A_203 = arith.constant 10 : i32
        %get3A_204 = arith.index_cast %get3A_203 : i32 to index
        %get3A_205 = arith.index_cast %mul3A_107 : i32 to index
        %get3A_206 = tpu.vector_load %arg6[%get3A_204, %get3A_205] {strides = array<i32>} : memref<64x512xf32, #tpu.memory_space<vmem>>, vector<16xf32>,
        %slice3A_207 = vector.extract_strided_slice %get3A_3 {offsets = [10], sizes = [1], strides = [1]} : vector<16xf32> to vector<1xf32>
        %squeeze3A_208 = vector.extract %slice3A_207[0] : f32 from vector<1xf32>
        %mul3A_209 = vector.broadcast %squeeze3A_208 : f32 to vector<16xf32>
        %mul3A_210 = arith.mulf %get3A_206, %mul3A_209 : vector<16xf32>
        %add3A_211 = arith.addf %add3A_175, %mul3A_210 : vector<16xf32>
        %get3A_212 = arith.constant 11 : i32
        %get3A_213 = arith.index_cast %get3A_212 : i32 to index
        %get3A_214 = arith.index_cast %mul3A_107 : i32 to index
        %get3A_215 = tpu.vector_load %arg6[%get3A_213, %get3A_214] {strides = array<i32>} : memref<64x512xf32, #tpu.memory_space<vmem>>, vector<16xf32>,
        %slice3A_216 = vector.extract_strided_slice %get3A_3 {offsets = [11], sizes = [1], strides = [1]} : vector<16xf32> to vector<1xf32>
        %squeeze3A_217 = vector.extract %slice3A_216[0] : f32 from vector<1xf32>
        %mul3A_218 = vector.broadcast %squeeze3A_217 : f32 to vector<16xf32>
        %mul3A_219 = arith.mulf %get3A_215, %mul3A_218 : vector<16xf32>
        %add3A_220 = arith.addf %add3A_184, %mul3A_219 : vector<16xf32>
        %get3A_221 = arith.constant 12 : i32
        %get3A_222 = arith.index_cast %get3A_221 : i32 to index
        %get3A_223 = arith.index_cast %mul3A_107 : i32 to index
        %get3A_224 = tpu.vector_load %arg6[%get3A_222, %get3A_223] {strides = array<i32>} : memref<64x512xf32, #tpu.memory_space<vmem>>, vector<16xf32>,
        %slice3A_225 = vector.extract_strided_slice %get3A_3 {offsets = [12], sizes = [1], strides = [1]} : vector<16xf32> to vector<1xf32>
        %squeeze3A_226 = vector.extract %slice3A_225[0] : f32 from vector<1xf32>
        %mul3A_227 = vector.broadcast %squeeze3A_226 : f32 to vector<16xf32>
        %mul3A_228 = arith.mulf %get3A_224, %mul3A_227 : vector<16xf32>
        %add3A_229 = arith.addf %add3A_193, %mul3A_228 : vector<16xf32>
        %get3A_230 = arith.constant 13 : i32
        %get3A_231 = arith.index_cast %get3A_230 : i32 to index
        %get3A_232 = arith.index_cast %mul3A_107 : i32 to index
        %get3A_233 = tpu.vector_load %arg6[%get3A_231, %get3A_232] {strides = array<i32>} : memref<64x512xf32, #tpu.memory_space<vmem>>, vector<16xf32>,
        %slice3A_234 = vector.extract_strided_slice %get3A_3 {offsets = [13], sizes = [1], strides = [1]} : vector<16xf32> to vector<1xf32>
        %squeeze3A_235 = vector.extract %slice3A_234[0] : f32 from vector<1xf32>
        %mul3A_236 = vector.broadcast %squeeze3A_235 : f32 to vector<16xf32>
        %mul3A_237 = arith.mulf %get3A_233, %mul3A_236 : vector<16xf32>
        %add3A_238 = arith.addf %add3A_202, %mul3A_237 : vector<16xf32>
        %get3A_239 = arith.constant 14 : i32
        %get3A_240 = arith.index_cast %get3A_239 : i32 to index
        %get3A_241 = arith.index_cast %mul3A_107 : i32 to index
        %get3A_242 = tpu.vector_load %arg6[%get3A_240, %get3A_241] {strides = array<i32>} : memref<64x512xf32, #tpu.memory_space<vmem>>, vector<16xf32>,
        %slice3A_243 = vector.extract_strided_slice %get3A_3 {offsets = [14], sizes = [1], strides = [1]} : vector<16xf32> to vector<1xf32>
        %squeeze3A_244 = vector.extract %slice3A_243[0] : f32 from vector<1xf32>
        %mul3A_245 = vector.broadcast %squeeze3A_244 : f32 to vector<16xf32>
        %mul3A_246 = arith.mulf %get3A_242, %mul3A_245 : vector<16xf32>
        %add3A_247 = arith.addf %add3A_211, %mul3A_246 : vector<16xf32>
        %get3A_248 = arith.constant 15 : i32
        %get3A_249 = arith.index_cast %get3A_248 : i32 to index
        %get3A_250 = arith.index_cast %mul3A_107 : i32 to index
        %get3A_251 = tpu.vector_load %arg6[%get3A_249, %get3A_250] {strides = array<i32>} : memref<64x512xf32, #tpu.memory_space<vmem>>, vector<16xf32>,
        %slice3A_252 = vector.extract_strided_slice %get3A_3 {offsets = [15], sizes = [1], strides = [1]} : vector<16xf32> to vector<1xf32>
        %squeeze3A_253 = vector.extract %slice3A_252[0] : f32 from vector<1xf32>
        %mul3A_254 = vector.broadcast %squeeze3A_253 : f32 to vector<16xf32>
        %mul3A_255 = arith.mulf %get3A_251, %mul3A_254 : vector<16xf32>
        %add3A_256 = arith.addf %add3A_220, %mul3A_255 : vector<16xf32>
        %get3A_257 = arith.constant 16 : i32
        %get3A_258 = arith.index_cast %get3A_257 : i32 to index
        %get3A_259 = arith.index_cast %mul3A_107 : i32 to index
        %get3A_260 = tpu.vector_load %arg6[%get3A_258, %get3A_259] {strides = array<i32>} : memref<64x512xf32, #tpu.memory_space<vmem>>, vector<16xf32>,
        %slice3A_261 = vector.extract_strided_slice %get3A_5 {offsets = [0], sizes = [1], strides = [1]} : vector<16xf32> to vector<1xf32>
        %squeeze3A_262 = vector.extract %slice3A_261[0] : f32 from vector<1xf32>
        %mul3A_263 = vector.broadcast %squeeze3A_262 : f32 to vector<16xf32>
        %mul3A_264 = arith.mulf %get3A_260, %mul3A_263 : vector<16xf32>
        %add3A_265 = arith.addf %add3A_229, %mul3A_264 : vector<16xf32>
        %get3A_266 = arith.constant 17 : i32
        %get3A_267 = arith.index_cast %get3A_266 : i32 to index
        %get3A_268 = arith.index_cast %mul3A_107 : i32 to index
        %get3A_269 = tpu.vector_load %arg6[%get3A_267, %get3A_268] {strides = array<i32>} : memref<64x512xf32, #tpu.memory_space<vmem>>, vector<16xf32>,
        %slice3A_270 = vector.extract_strided_slice %get3A_5 {offsets = [1], sizes = [1], strides = [1]} : vector<16xf32> to vector<1xf32>
        %squeeze3A_271 = vector.extract %slice3A_270[0] : f32 from vector<1xf32>
        %mul3A_272 = vector.broadcast %squeeze3A_271 : f32 to vector<16xf32>
        %mul3A_273 = arith.mulf %get3A_269, %mul3A_272 : vector<16xf32>
        %add3A_274 = arith.addf %add3A_238, %mul3A_273 : vector<16xf32>
        %get3A_275 = arith.constant 18 : i32
        %get3A_276 = arith.index_cast %get3A_275 : i32 to index
        %get3A_277 = arith.index_cast %mul3A_107 : i32 to index
        %get3A_278 = tpu.vector_load %arg6[%get3A_276, %get3A_277] {strides = array<i32>} : memref<64x512xf32, #tpu.memory_space<vmem>>, vector<16xf32>,
        %slice3A_279 = vector.extract_strided_slice %get3A_5 {offsets = [2], sizes = [1], strides = [1]} : vector<16xf32> to vector<1xf32>
        %squeeze3A_280 = vector.extract %slice3A_279[0] : f32 from vector<1xf32>
        %mul3A_281 = vector.broadcast %squeeze3A_280 : f32 to vector<16xf32>
        %mul3A_282 = arith.mulf %get3A_278, %mul3A_281 : vector<16xf32>
        %add3A_283 = arith.addf %add3A_247, %mul3A_282 : vector<16xf32>
        %get3A_284 = arith.constant 19 : i32
        %get3A_285 = arith.index_cast %get3A_284 : i32 to index
        %get3A_286 = arith.index_cast %mul3A_107 : i32 to index
        %get3A_287 = tpu.vector_load %arg6[%get3A_285, %get3A_286] {strides = array<i32>} : memref<64x512xf32, #tpu.memory_space<vmem>>, vector<16xf32>,
        %slice3A_288 = vector.extract_strided_slice %get3A_5 {offsets = [3], sizes = [1], strides = [1]} : vector<16xf32> to vector<1xf32>
        %squeeze3A_289 = vector.extract %slice3A_288[0] : f32 from vector<1xf32>
        %mul3A_290 = vector.broadcast %squeeze3A_289 : f32 to vector<16xf32>
        %mul3A_291 = arith.mulf %get3A_287, %mul3A_290 : vector<16xf32>
        %add3A_292 = arith.addf %add3A_256, %mul3A_291 : vector<16xf32>
        %get3A_293 = arith.constant 20 : i32
        %get3A_294 = arith.index_cast %get3A_293 : i32 to index
        %get3A_295 = arith.index_cast %mul3A_107 : i32 to index
        %get3A_296 = tpu.vector_load %arg6[%get3A_294, %get3A_295] {strides = array<i32>} : memref<64x512xf32, #tpu.memory_space<vmem>>, vector<16xf32>,
        %slice3A_297 = vector.extract_strided_slice %get3A_5 {offsets = [4], sizes = [1], strides = [1]} : vector<16xf32> to vector<1xf32>
        %squeeze3A_298 = vector.extract %slice3A_297[0] : f32 from vector<1xf32>
        %mul3A_299 = vector.broadcast %squeeze3A_298 : f32 to vector<16xf32>
        %mul3A_300 = arith.mulf %get3A_296, %mul3A_299 : vector<16xf32>
        %add3A_301 = arith.addf %add3A_265, %mul3A_300 : vector<16xf32>
        %get3A_302 = arith.constant 21 : i32
        %get3A_303 = arith.index_cast %get3A_302 : i32 to index
        %get3A_304 = arith.index_cast %mul3A_107 : i32 to index
        %get3A_305 = tpu.vector_load %arg6[%get3A_303, %get3A_304] {strides = array<i32>} : memref<64x512xf32, #tpu.memory_space<vmem>>, vector<16xf32>,
        %slice3A_306 = vector.extract_strided_slice %get3A_5 {offsets = [5], sizes = [1], strides = [1]} : vector<16xf32> to vector<1xf32>
        %squeeze3A_307 = vector.extract %slice3A_306[0] : f32 from vector<1xf32>
        %mul3A_308 = vector.broadcast %squeeze3A_307 : f32 to vector<16xf32>
        %mul3A_309 = arith.mulf %get3A_305, %mul3A_308 : vector<16xf32>
        %add3A_310 = arith.addf %add3A_274, %mul3A_309 : vector<16xf32>
        %get3A_311 = arith.constant 22 : i32
        %get3A_312 = arith.index_cast %get3A_311 : i32 to index
        %get3A_313 = arith.index_cast %mul3A_107 : i32 to index
        %get3A_314 = tpu.vector_load %arg6[%get3A_312, %get3A_313] {strides = array<i32>} : memref<64x512xf32, #tpu.memory_space<vmem>>, vector<16xf32>,
        %slice3A_315 = vector.extract_strided_slice %get3A_5 {offsets = [6], sizes = [1], strides = [1]} : vector<16xf32> to vector<1xf32>
        %squeeze3A_316 = vector.extract %slice3A_315[0] : f32 from vector<1xf32>
        %mul3A_317 = vector.broadcast %squeeze3A_316 : f32 to vector<16xf32>
        %mul3A_318 = arith.mulf %get3A_314, %mul3A_317 : vector<16xf32>
        %add3A_319 = arith.addf %add3A_283, %mul3A_318 : vector<16xf32>
        %get3A_320 = arith.constant 23 : i32
        %get3A_321 = arith.index_cast %get3A_320 : i32 to index
        %get3A_322 = arith.index_cast %mul3A_107 : i32 to index
        %get3A_323 = tpu.vector_load %arg6[%get3A_321, %get3A_322] {strides = array<i32>} : memref<64x512xf32, #tpu.memory_space<vmem>>, vector<16xf32>,
        %slice3A_324 = vector.extract_strided_slice %get3A_5 {offsets = [7], sizes = [1], strides = [1]} : vector<16xf32> to vector<1xf32>
        %squeeze3A_325 = vector.extract %slice3A_324[0] : f32 from vector<1xf32>
        %mul3A_326 = vector.broadcast %squeeze3A_325 : f32 to vector<16xf32>
        %mul3A_327 = arith.mulf %get3A_323, %mul3A_326 : vector<16xf32>
        %add3A_328 = arith.addf %add3A_292, %mul3A_327 : vector<16xf32>
        %get3A_329 = arith.constant 24 : i32
        %get3A_330 = arith.index_cast %get3A_329 : i32 to index
        %get3A_331 = arith.index_cast %mul3A_107 : i32 to index
        %get3A_332 = tpu.vector_load %arg6[%get3A_330, %get3A_331] {strides = array<i32>} : memref<64x512xf32, #tpu.memory_space<vmem>>, vector<16xf32>,
        %slice3A_333 = vector.extract_strided_slice %get3A_5 {offsets = [8], sizes = [1], strides = [1]} : vector<16xf32> to vector<1xf32>
        %squeeze3A_334 = vector.extract %slice3A_333[0] : f32 from vector<1xf32>
        %mul3A_335 = vector.broadcast %squeeze3A_334 : f32 to vector<16xf32>
        %mul3A_336 = arith.mulf %get3A_332, %mul3A_335 : vector<16xf32>
        %add3A_337 = arith.addf %add3A_301, %mul3A_336 : vector<16xf32>
        %get3A_338 = arith.constant 25 : i32
        %get3A_339 = arith.index_cast %get3A_338 : i32 to index
        %get3A_340 = arith.index_cast %mul3A_107 : i32 to index
        %get3A_341 = tpu.vector_load %arg6[%get3A_339, %get3A_340] {strides = array<i32>} : memref<64x512xf32, #tpu.memory_space<vmem>>, vector<16xf32>,
        %slice3A_342 = vector.extract_strided_slice %get3A_5 {offsets = [9], sizes = [1], strides = [1]} : vector<16xf32> to vector<1xf32>
        %squeeze3A_343 = vector.extract %slice3A_342[0] : f32 from vector<1xf32>
        %mul3A_344 = vector.broadcast %squeeze3A_343 : f32 to vector<16xf32>
        %mul3A_345 = arith.mulf %get3A_341, %mul3A_344 : vector<16xf32>
        %add3A_346 = arith.addf %add3A_310, %mul3A_345 : vector<16xf32>
        %get3A_347 = arith.constant 26 : i32
        %get3A_348 = arith.index_cast %get3A_347 : i32 to index
        %get3A_349 = arith.index_cast %mul3A_107 : i32 to index
        %get3A_350 = tpu.vector_load %arg6[%get3A_348, %get3A_349] {strides = array<i32>} : memref<64x512xf32, #tpu.memory_space<vmem>>, vector<16xf32>,
        %slice3A_351 = vector.extract_strided_slice %get3A_5 {offsets = [10], sizes = [1], strides = [1]} : vector<16xf32> to vector<1xf32>
        %squeeze3A_352 = vector.extract %slice3A_351[0] : f32 from vector<1xf32>
        %mul3A_353 = vector.broadcast %squeeze3A_352 : f32 to vector<16xf32>
        %mul3A_354 = arith.mulf %get3A_350, %mul3A_353 : vector<16xf32>
        %add3A_355 = arith.addf %add3A_319, %mul3A_354 : vector<16xf32>
        %get3A_356 = arith.constant 27 : i32
        %get3A_357 = arith.index_cast %get3A_356 : i32 to index
        %get3A_358 = arith.index_cast %mul3A_107 : i32 to index
        %get3A_359 = tpu.vector_load %arg6[%get3A_357, %get3A_358] {strides = array<i32>} : memref<64x512xf32, #tpu.memory_space<vmem>>, vector<16xf32>,
        %slice3A_360 = vector.extract_strided_slice %get3A_5 {offsets = [11], sizes = [1], strides = [1]} : vector<16xf32> to vector<1xf32>
        %squeeze3A_361 = vector.extract %slice3A_360[0] : f32 from vector<1xf32>
        %mul3A_362 = vector.broadcast %squeeze3A_361 : f32 to vector<16xf32>
        %mul3A_363 = arith.mulf %get3A_359, %mul3A_362 : vector<16xf32>
        %add3A_364 = arith.addf %add3A_328, %mul3A_363 : vector<16xf32>
        %get3A_365 = arith.constant 28 : i32
        %get3A_366 = arith.index_cast %get3A_365 : i32 to index
        %get3A_367 = arith.index_cast %mul3A_107 : i32 to index
        %get3A_368 = tpu.vector_load %arg6[%get3A_366, %get3A_367] {strides = array<i32>} : memref<64x512xf32, #tpu.memory_space<vmem>>, vector<16xf32>,
        %slice3A_369 = vector.extract_strided_slice %get3A_5 {offsets = [12], sizes = [1], strides = [1]} : vector<16xf32> to vector<1xf32>
        %squeeze3A_370 = vector.extract %slice3A_369[0] : f32 from vector<1xf32>
        %mul3A_371 = vector.broadcast %squeeze3A_370 : f32 to vector<16xf32>
        %mul3A_372 = arith.mulf %get3A_368, %mul3A_371 : vector<16xf32>
        %add3A_373 = arith.addf %add3A_337, %mul3A_372 : vector<16xf32>
        %get3A_374 = arith.constant 29 : i32
        %get3A_375 = arith.index_cast %get3A_374 : i32 to index
        %get3A_376 = arith.index_cast %mul3A_107 : i32 to index
        %get3A_377 = tpu.vector_load %arg6[%get3A_375, %get3A_376] {strides = array<i32>} : memref<64x512xf32, #tpu.memory_space<vmem>>, vector<16xf32>,
        %slice3A_378 = vector.extract_strided_slice %get3A_5 {offsets = [13], sizes = [1], strides = [1]} : vector<16xf32> to vector<1xf32>
        %squeeze3A_379 = vector.extract %slice3A_378[0] : f32 from vector<1xf32>
        %mul3A_380 = vector.broadcast %squeeze3A_379 : f32 to vector<16xf32>
        %mul3A_381 = arith.mulf %get3A_377, %mul3A_380 : vector<16xf32>
        %add3A_382 = arith.addf %add3A_346, %mul3A_381 : vector<16xf32>
        %get3A_383 = arith.constant 30 : i32
        %get3A_384 = arith.index_cast %get3A_383 : i32 to index
        %get3A_385 = arith.index_cast %mul3A_107 : i32 to index
        %get3A_386 = tpu.vector_load %arg6[%get3A_384, %get3A_385] {strides = array<i32>} : memref<64x512xf32, #tpu.memory_space<vmem>>, vector<16xf32>,
        %slice3A_387 = vector.extract_strided_slice %get3A_5 {offsets = [14], sizes = [1], strides = [1]} : vector<16xf32> to vector<1xf32>
        %squeeze3A_388 = vector.extract %slice3A_387[0] : f32 from vector<1xf32>
        %mul3A_389 = vector.broadcast %squeeze3A_388 : f32 to vector<16xf32>
        %mul3A_390 = arith.mulf %get3A_386, %mul3A_389 : vector<16xf32>
        %add3A_391 = arith.addf %add3A_355, %mul3A_390 : vector<16xf32>
        %get3A_392 = arith.constant 31 : i32
        %get3A_393 = arith.index_cast %get3A_392 : i32 to index
        %get3A_394 = arith.index_cast %mul3A_107 : i32 to index
        %get3A_395 = tpu.vector_load %arg6[%get3A_393, %get3A_394] {strides = array<i32>} : memref<64x512xf32, #tpu.memory_space<vmem>>, vector<16xf32>,
        %slice3A_396 = vector.extract_strided_slice %get3A_5 {offsets = [15], sizes = [1], strides = [1]} : vector<16xf32> to vector<1xf32>
        %squeeze3A_397 = vector.extract %slice3A_396[0] : f32 from vector<1xf32>
        %mul3A_398 = vector.broadcast %squeeze3A_397 : f32 to vector<16xf32>
        %mul3A_399 = arith.mulf %get3A_395, %mul3A_398 : vector<16xf32>
        %add3A_400 = arith.addf %add3A_364, %mul3A_399 : vector<16xf32>
        %get3A_401 = arith.constant 32 : i32
        %get3A_402 = arith.index_cast %get3A_401 : i32 to index
        %get3A_403 = arith.index_cast %mul3A_107 : i32 to index
        %get3A_404 = tpu.vector_load %arg6[%get3A_402, %get3A_403] {strides = array<i32>} : memref<64x512xf32, #tpu.memory_space<vmem>>, vector<16xf32>,
        %slice3A_405 = vector.extract_strided_slice %get3A_7 {offsets = [0], sizes = [1], strides = [1]} : vector<16xf32> to vector<1xf32>
        %squeeze3A_406 = vector.extract %slice3A_405[0] : f32 from vector<1xf32>
        %mul3A_407 = vector.broadcast %squeeze3A_406 : f32 to vector<16xf32>
        %mul3A_408 = arith.mulf %get3A_404, %mul3A_407 : vector<16xf32>
        %add3A_409 = arith.addf %add3A_373, %mul3A_408 : vector<16xf32>
        %get3A_410 = arith.constant 33 : i32
        %get3A_411 = arith.index_cast %get3A_410 : i32 to index
        %get3A_412 = arith.index_cast %mul3A_107 : i32 to index
        %get3A_413 = tpu.vector_load %arg6[%get3A_411, %get3A_412] {strides = array<i32>} : memref<64x512xf32, #tpu.memory_space<vmem>>, vector<16xf32>,
        %slice3A_414 = vector.extract_strided_slice %get3A_7 {offsets = [1], sizes = [1], strides = [1]} : vector<16xf32> to vector<1xf32>
        %squeeze3A_415 = vector.extract %slice3A_414[0] : f32 from vector<1xf32>
        %mul3A_416 = vector.broadcast %squeeze3A_415 : f32 to vector<16xf32>
        %mul3A_417 = arith.mulf %get3A_413, %mul3A_416 : vector<16xf32>
        %add3A_418 = arith.addf %add3A_382, %mul3A_417 : vector<16xf32>
        %get3A_419 = arith.constant 34 : i32
        %get3A_420 = arith.index_cast %get3A_419 : i32 to index
        %get3A_421 = arith.index_cast %mul3A_107 : i32 to index
        %get3A_422 = tpu.vector_load %arg6[%get3A_420, %get3A_421] {strides = array<i32>} : memref<64x512xf32, #tpu.memory_space<vmem>>, vector<16xf32>,
        %slice3A_423 = vector.extract_strided_slice %get3A_7 {offsets = [2], sizes = [1], strides = [1]} : vector<16xf32> to vector<1xf32>
        %squeeze3A_424 = vector.extract %slice3A_423[0] : f32 from vector<1xf32>
        %mul3A_425 = vector.broadcast %squeeze3A_424 : f32 to vector<16xf32>
        %mul3A_426 = arith.mulf %get3A_422, %mul3A_425 : vector<16xf32>
        %add3A_427 = arith.addf %add3A_391, %mul3A_426 : vector<16xf32>
        %get3A_428 = arith.constant 35 : i32
        %get3A_429 = arith.index_cast %get3A_428 : i32 to index
        %get3A_430 = arith.index_cast %mul3A_107 : i32 to index
        %get3A_431 = tpu.vector_load %arg6[%get3A_429, %get3A_430] {strides = array<i32>} : memref<64x512xf32, #tpu.memory_space<vmem>>, vector<16xf32>,
        %slice3A_432 = vector.extract_strided_slice %get3A_7 {offsets = [3], sizes = [1], strides = [1]} : vector<16xf32> to vector<1xf32>
        %squeeze3A_433 = vector.extract %slice3A_432[0] : f32 from vector<1xf32>
        %mul3A_434 = vector.broadcast %squeeze3A_433 : f32 to vector<16xf32>
        %mul3A_435 = arith.mulf %get3A_431, %mul3A_434 : vector<16xf32>
        %add3A_436 = arith.addf %add3A_400, %mul3A_435 : vector<16xf32>
        %get3A_437 = arith.constant 36 : i32
        %get3A_438 = arith.index_cast %get3A_437 : i32 to index
        %get3A_439 = arith.index_cast %mul3A_107 : i32 to index
        %get3A_440 = tpu.vector_load %arg6[%get3A_438, %get3A_439] {strides = array<i32>} : memref<64x512xf32, #tpu.memory_space<vmem>>, vector<16xf32>,
        %slice3A_441 = vector.extract_strided_slice %get3A_7 {offsets = [4], sizes = [1], strides = [1]} : vector<16xf32> to vector<1xf32>
        %squeeze3A_442 = vector.extract %slice3A_441[0] : f32 from vector<1xf32>
        %mul3A_443 = vector.broadcast %squeeze3A_442 : f32 to vector<16xf32>
        %mul3A_444 = arith.mulf %get3A_440, %mul3A_443 : vector<16xf32>
        %add3A_445 = arith.addf %add3A_409, %mul3A_444 : vector<16xf32>
        %get3A_446 = arith.constant 37 : i32
        %get3A_447 = arith.index_cast %get3A_446 : i32 to index
        %get3A_448 = arith.index_cast %mul3A_107 : i32 to index
        %get3A_449 = tpu.vector_load %arg6[%get3A_447, %get3A_448] {strides = array<i32>} : memref<64x512xf32, #tpu.memory_space<vmem>>, vector<16xf32>,
        %slice3A_450 = vector.extract_strided_slice %get3A_7 {offsets = [5], sizes = [1], strides = [1]} : vector<16xf32> to vector<1xf32>
        %squeeze3A_451 = vector.extract %slice3A_450[0] : f32 from vector<1xf32>
        %mul3A_452 = vector.broadcast %squeeze3A_451 : f32 to vector<16xf32>
        %mul3A_453 = arith.mulf %get3A_449, %mul3A_452 : vector<16xf32>
        %add3A_454 = arith.addf %add3A_418, %mul3A_453 : vector<16xf32>
        %get3A_455 = arith.constant 38 : i32
        %get3A_456 = arith.index_cast %get3A_455 : i32 to index
        %get3A_457 = arith.index_cast %mul3A_107 : i32 to index
        %get3A_458 = tpu.vector_load %arg6[%get3A_456, %get3A_457] {strides = array<i32>} : memref<64x512xf32, #tpu.memory_space<vmem>>, vector<16xf32>,
        %slice3A_459 = vector.extract_strided_slice %get3A_7 {offsets = [6], sizes = [1], strides = [1]} : vector<16xf32> to vector<1xf32>
        %squeeze3A_460 = vector.extract %slice3A_459[0] : f32 from vector<1xf32>
        %mul3A_461 = vector.broadcast %squeeze3A_460 : f32 to vector<16xf32>
        %mul3A_462 = arith.mulf %get3A_458, %mul3A_461 : vector<16xf32>
        %add3A_463 = arith.addf %add3A_427, %mul3A_462 : vector<16xf32>
        %get3A_464 = arith.constant 39 : i32
        %get3A_465 = arith.index_cast %get3A_464 : i32 to index
        %get3A_466 = arith.index_cast %mul3A_107 : i32 to index
        %get3A_467 = tpu.vector_load %arg6[%get3A_465, %get3A_466] {strides = array<i32>} : memref<64x512xf32, #tpu.memory_space<vmem>>, vector<16xf32>,
        %slice3A_468 = vector.extract_strided_slice %get3A_7 {offsets = [7], sizes = [1], strides = [1]} : vector<16xf32> to vector<1xf32>
        %squeeze3A_469 = vector.extract %slice3A_468[0] : f32 from vector<1xf32>
        %mul3A_470 = vector.broadcast %squeeze3A_469 : f32 to vector<16xf32>
        %mul3A_471 = arith.mulf %get3A_467, %mul3A_470 : vector<16xf32>
        %add3A_472 = arith.addf %add3A_436, %mul3A_471 : vector<16xf32>
        %get3A_473 = arith.constant 40 : i32
        %get3A_474 = arith.index_cast %get3A_473 : i32 to index
        %get3A_475 = arith.index_cast %mul3A_107 : i32 to index
        %get3A_476 = tpu.vector_load %arg6[%get3A_474, %get3A_475] {strides = array<i32>} : memref<64x512xf32, #tpu.memory_space<vmem>>, vector<16xf32>,
        %slice3A_477 = vector.extract_strided_slice %get3A_7 {offsets = [8], sizes = [1], strides = [1]} : vector<16xf32> to vector<1xf32>
        %squeeze3A_478 = vector.extract %slice3A_477[0] : f32 from vector<1xf32>
        %mul3A_479 = vector.broadcast %squeeze3A_478 : f32 to vector<16xf32>
        %mul3A_480 = arith.mulf %get3A_476, %mul3A_479 : vector<16xf32>
        %add3A_481 = arith.addf %add3A_445, %mul3A_480 : vector<16xf32>
        %get3A_482 = arith.constant 41 : i32
        %get3A_483 = arith.index_cast %get3A_482 : i32 to index
        %get3A_484 = arith.index_cast %mul3A_107 : i32 to index
        %get3A_485 = tpu.vector_load %arg6[%get3A_483, %get3A_484] {strides = array<i32>} : memref<64x512xf32, #tpu.memory_space<vmem>>, vector<16xf32>,
        %slice3A_486 = vector.extract_strided_slice %get3A_7 {offsets = [9], sizes = [1], strides = [1]} : vector<16xf32> to vector<1xf32>
        %squeeze3A_487 = vector.extract %slice3A_486[0] : f32 from vector<1xf32>
        %mul3A_488 = vector.broadcast %squeeze3A_487 : f32 to vector<16xf32>
        %mul3A_489 = arith.mulf %get3A_485, %mul3A_488 : vector<16xf32>
        %add3A_490 = arith.addf %add3A_454, %mul3A_489 : vector<16xf32>
        %get3A_491 = arith.constant 42 : i32
        %get3A_492 = arith.index_cast %get3A_491 : i32 to index
        %get3A_493 = arith.index_cast %mul3A_107 : i32 to index
        %get3A_494 = tpu.vector_load %arg6[%get3A_492, %get3A_493] {strides = array<i32>} : memref<64x512xf32, #tpu.memory_space<vmem>>, vector<16xf32>,
        %slice3A_495 = vector.extract_strided_slice %get3A_7 {offsets = [10], sizes = [1], strides = [1]} : vector<16xf32> to vector<1xf32>
        %squeeze3A_496 = vector.extract %slice3A_495[0] : f32 from vector<1xf32>
        %mul3A_497 = vector.broadcast %squeeze3A_496 : f32 to vector<16xf32>
        %mul3A_498 = arith.mulf %get3A_494, %mul3A_497 : vector<16xf32>
        %add3A_499 = arith.addf %add3A_463, %mul3A_498 : vector<16xf32>
        %get3A_500 = arith.constant 43 : i32
        %get3A_501 = arith.index_cast %get3A_500 : i32 to index
        %get3A_502 = arith.index_cast %mul3A_107 : i32 to index
        %get3A_503 = tpu.vector_load %arg6[%get3A_501, %get3A_502] {strides = array<i32>} : memref<64x512xf32, #tpu.memory_space<vmem>>, vector<16xf32>,
        %slice3A_504 = vector.extract_strided_slice %get3A_7 {offsets = [11], sizes = [1], strides = [1]} : vector<16xf32> to vector<1xf32>
        %squeeze3A_505 = vector.extract %slice3A_504[0] : f32 from vector<1xf32>
        %mul3A_506 = vector.broadcast %squeeze3A_505 : f32 to vector<16xf32>
        %mul3A_507 = arith.mulf %get3A_503, %mul3A_506 : vector<16xf32>
        %add3A_508 = arith.addf %add3A_472, %mul3A_507 : vector<16xf32>
        %get3A_509 = arith.constant 44 : i32
        %get3A_510 = arith.index_cast %get3A_509 : i32 to index
        %get3A_511 = arith.index_cast %mul3A_107 : i32 to index
        %get3A_512 = tpu.vector_load %arg6[%get3A_510, %get3A_511] {strides = array<i32>} : memref<64x512xf32, #tpu.memory_space<vmem>>, vector<16xf32>,
        %slice3A_513 = vector.extract_strided_slice %get3A_7 {offsets = [12], sizes = [1], strides = [1]} : vector<16xf32> to vector<1xf32>
        %squeeze3A_514 = vector.extract %slice3A_513[0] : f32 from vector<1xf32>
        %mul3A_515 = vector.broadcast %squeeze3A_514 : f32 to vector<16xf32>
        %mul3A_516 = arith.mulf %get3A_512, %mul3A_515 : vector<16xf32>
        %add3A_517 = arith.addf %add3A_481, %mul3A_516 : vector<16xf32>
        %get3A_518 = arith.constant 45 : i32
        %get3A_519 = arith.index_cast %get3A_518 : i32 to index
        %get3A_520 = arith.index_cast %mul3A_107 : i32 to index
        %get3A_521 = tpu.vector_load %arg6[%get3A_519, %get3A_520] {strides = array<i32>} : memref<64x512xf32, #tpu.memory_space<vmem>>, vector<16xf32>,
        %slice3A_522 = vector.extract_strided_slice %get3A_7 {offsets = [13], sizes = [1], strides = [1]} : vector<16xf32> to vector<1xf32>
        %squeeze3A_523 = vector.extract %slice3A_522[0] : f32 from vector<1xf32>
        %mul3A_524 = vector.broadcast %squeeze3A_523 : f32 to vector<16xf32>
        %mul3A_525 = arith.mulf %get3A_521, %mul3A_524 : vector<16xf32>
        %add3A_526 = arith.addf %add3A_490, %mul3A_525 : vector<16xf32>
        %get3A_527 = arith.constant 46 : i32
        %get3A_528 = arith.index_cast %get3A_527 : i32 to index
        %get3A_529 = arith.index_cast %mul3A_107 : i32 to index
        %get3A_530 = tpu.vector_load %arg6[%get3A_528, %get3A_529] {strides = array<i32>} : memref<64x512xf32, #tpu.memory_space<vmem>>, vector<16xf32>,
        %slice3A_531 = vector.extract_strided_slice %get3A_7 {offsets = [14], sizes = [1], strides = [1]} : vector<16xf32> to vector<1xf32>
        %squeeze3A_532 = vector.extract %slice3A_531[0] : f32 from vector<1xf32>
        %mul3A_533 = vector.broadcast %squeeze3A_532 : f32 to vector<16xf32>
        %mul3A_534 = arith.mulf %get3A_530, %mul3A_533 : vector<16xf32>
        %add3A_535 = arith.addf %add3A_499, %mul3A_534 : vector<16xf32>
        %get3A_536 = arith.constant 47 : i32
        %get3A_537 = arith.index_cast %get3A_536 : i32 to index
        %get3A_538 = arith.index_cast %mul3A_107 : i32 to index
        %get3A_539 = tpu.vector_load %arg6[%get3A_537, %get3A_538] {strides = array<i32>} : memref<64x512xf32, #tpu.memory_space<vmem>>, vector<16xf32>,
        %slice3A_540 = vector.extract_strided_slice %get3A_7 {offsets = [15], sizes = [1], strides = [1]} : vector<16xf32> to vector<1xf32>
        %squeeze3A_541 = vector.extract %slice3A_540[0] : f32 from vector<1xf32>
        %mul3A_542 = vector.broadcast %squeeze3A_541 : f32 to vector<16xf32>
        %mul3A_543 = arith.mulf %get3A_539, %mul3A_542 : vector<16xf32>
        %add3A_544 = arith.addf %add3A_508, %mul3A_543 : vector<16xf32>
        %get3A_545 = arith.constant 48 : i32
        %get3A_546 = arith.index_cast %get3A_545 : i32 to index
        %get3A_547 = arith.index_cast %mul3A_107 : i32 to index
        %get3A_548 = tpu.vector_load %arg6[%get3A_546, %get3A_547] {strides = array<i32>} : memref<64x512xf32, #tpu.memory_space<vmem>>, vector<16xf32>,
        %slice3A_549 = vector.extract_strided_slice %get3A_9 {offsets = [0], sizes = [1], strides = [1]} : vector<16xf32> to vector<1xf32>
        %squeeze3A_550 = vector.extract %slice3A_549[0] : f32 from vector<1xf32>
        %mul3A_551 = vector.broadcast %squeeze3A_550 : f32 to vector<16xf32>
        %mul3A_552 = arith.mulf %get3A_548, %mul3A_551 : vector<16xf32>
        %add3A_553 = arith.addf %add3A_517, %mul3A_552 : vector<16xf32>
        %get3A_554 = arith.constant 49 : i32
        %get3A_555 = arith.index_cast %get3A_554 : i32 to index
        %get3A_556 = arith.index_cast %mul3A_107 : i32 to index
        %get3A_557 = tpu.vector_load %arg6[%get3A_555, %get3A_556] {strides = array<i32>} : memref<64x512xf32, #tpu.memory_space<vmem>>, vector<16xf32>,
        %slice3A_558 = vector.extract_strided_slice %get3A_9 {offsets = [1], sizes = [1], strides = [1]} : vector<16xf32> to vector<1xf32>
        %squeeze3A_559 = vector.extract %slice3A_558[0] : f32 from vector<1xf32>
        %mul3A_560 = vector.broadcast %squeeze3A_559 : f32 to vector<16xf32>
        %mul3A_561 = arith.mulf %get3A_557, %mul3A_560 : vector<16xf32>
        %add3A_562 = arith.addf %add3A_526, %mul3A_561 : vector<16xf32>
        %get3A_563 = arith.constant 50 : i32
        %get3A_564 = arith.index_cast %get3A_563 : i32 to index
        %get3A_565 = arith.index_cast %mul3A_107 : i32 to index
        %get3A_566 = tpu.vector_load %arg6[%get3A_564, %get3A_565] {strides = array<i32>} : memref<64x512xf32, #tpu.memory_space<vmem>>, vector<16xf32>,
        %slice3A_567 = vector.extract_strided_slice %get3A_9 {offsets = [2], sizes = [1], strides = [1]} : vector<16xf32> to vector<1xf32>
        %squeeze3A_568 = vector.extract %slice3A_567[0] : f32 from vector<1xf32>
        %mul3A_569 = vector.broadcast %squeeze3A_568 : f32 to vector<16xf32>
        %mul3A_570 = arith.mulf %get3A_566, %mul3A_569 : vector<16xf32>
        %add3A_571 = arith.addf %add3A_535, %mul3A_570 : vector<16xf32>
        %get3A_572 = arith.constant 51 : i32
        %get3A_573 = arith.index_cast %get3A_572 : i32 to index
        %get3A_574 = arith.index_cast %mul3A_107 : i32 to index
        %get3A_575 = tpu.vector_load %arg6[%get3A_573, %get3A_574] {strides = array<i32>} : memref<64x512xf32, #tpu.memory_space<vmem>>, vector<16xf32>,
        %slice3A_576 = vector.extract_strided_slice %get3A_9 {offsets = [3], sizes = [1], strides = [1]} : vector<16xf32> to vector<1xf32>
        %squeeze3A_577 = vector.extract %slice3A_576[0] : f32 from vector<1xf32>
        %mul3A_578 = vector.broadcast %squeeze3A_577 : f32 to vector<16xf32>
        %mul3A_579 = arith.mulf %get3A_575, %mul3A_578 : vector<16xf32>
        %add3A_580 = arith.addf %add3A_544, %mul3A_579 : vector<16xf32>
        %get3A_581 = arith.constant 52 : i32
        %get3A_582 = arith.index_cast %get3A_581 : i32 to index
        %get3A_583 = arith.index_cast %mul3A_107 : i32 to index
        %get3A_584 = tpu.vector_load %arg6[%get3A_582, %get3A_583] {strides = array<i32>} : memref<64x512xf32, #tpu.memory_space<vmem>>, vector<16xf32>,
        %slice3A_585 = vector.extract_strided_slice %get3A_9 {offsets = [4], sizes = [1], strides = [1]} : vector<16xf32> to vector<1xf32>
        %squeeze3A_586 = vector.extract %slice3A_585[0] : f32 from vector<1xf32>
        %mul3A_587 = vector.broadcast %squeeze3A_586 : f32 to vector<16xf32>
        %mul3A_588 = arith.mulf %get3A_584, %mul3A_587 : vector<16xf32>
        %add3A_589 = arith.addf %add3A_553, %mul3A_588 : vector<16xf32>
        %get3A_590 = arith.constant 53 : i32
        %get3A_591 = arith.index_cast %get3A_590 : i32 to index
        %get3A_592 = arith.index_cast %mul3A_107 : i32 to index
        %get3A_593 = tpu.vector_load %arg6[%get3A_591, %get3A_592] {strides = array<i32>} : memref<64x512xf32, #tpu.memory_space<vmem>>, vector<16xf32>,
        %slice3A_594 = vector.extract_strided_slice %get3A_9 {offsets = [5], sizes = [1], strides = [1]} : vector<16xf32> to vector<1xf32>
        %squeeze3A_595 = vector.extract %slice3A_594[0] : f32 from vector<1xf32>
        %mul3A_596 = vector.broadcast %squeeze3A_595 : f32 to vector<16xf32>
        %mul3A_597 = arith.mulf %get3A_593, %mul3A_596 : vector<16xf32>
        %add3A_598 = arith.addf %add3A_562, %mul3A_597 : vector<16xf32>
        %get3A_599 = arith.constant 54 : i32
        %get3A_600 = arith.index_cast %get3A_599 : i32 to index
        %get3A_601 = arith.index_cast %mul3A_107 : i32 to index
        %get3A_602 = tpu.vector_load %arg6[%get3A_600, %get3A_601] {strides = array<i32>} : memref<64x512xf32, #tpu.memory_space<vmem>>, vector<16xf32>,
        %slice3A_603 = vector.extract_strided_slice %get3A_9 {offsets = [6], sizes = [1], strides = [1]} : vector<16xf32> to vector<1xf32>
        %squeeze3A_604 = vector.extract %slice3A_603[0] : f32 from vector<1xf32>
        %mul3A_605 = vector.broadcast %squeeze3A_604 : f32 to vector<16xf32>
        %mul3A_606 = arith.mulf %get3A_602, %mul3A_605 : vector<16xf32>
        %add3A_607 = arith.addf %add3A_571, %mul3A_606 : vector<16xf32>
        %get3A_608 = arith.constant 55 : i32
        %get3A_609 = arith.index_cast %get3A_608 : i32 to index
        %get3A_610 = arith.index_cast %mul3A_107 : i32 to index
        %get3A_611 = tpu.vector_load %arg6[%get3A_609, %get3A_610] {strides = array<i32>} : memref<64x512xf32, #tpu.memory_space<vmem>>, vector<16xf32>,
        %slice3A_612 = vector.extract_strided_slice %get3A_9 {offsets = [7], sizes = [1], strides = [1]} : vector<16xf32> to vector<1xf32>
        %squeeze3A_613 = vector.extract %slice3A_612[0] : f32 from vector<1xf32>
        %mul3A_614 = vector.broadcast %squeeze3A_613 : f32 to vector<16xf32>
        %mul3A_615 = arith.mulf %get3A_611, %mul3A_614 : vector<16xf32>
        %add3A_616 = arith.addf %add3A_580, %mul3A_615 : vector<16xf32>
        %get3A_617 = arith.constant 56 : i32
        %get3A_618 = arith.index_cast %get3A_617 : i32 to index
        %get3A_619 = arith.index_cast %mul3A_107 : i32 to index
        %get3A_620 = tpu.vector_load %arg6[%get3A_618, %get3A_619] {strides = array<i32>} : memref<64x512xf32, #tpu.memory_space<vmem>>, vector<16xf32>,
        %slice3A_621 = vector.extract_strided_slice %get3A_9 {offsets = [8], sizes = [1], strides = [1]} : vector<16xf32> to vector<1xf32>
        %squeeze3A_622 = vector.extract %slice3A_621[0] : f32 from vector<1xf32>
        %mul3A_623 = vector.broadcast %squeeze3A_622 : f32 to vector<16xf32>
        %mul3A_624 = arith.mulf %get3A_620, %mul3A_623 : vector<16xf32>
        %add3A_625 = arith.addf %add3A_589, %mul3A_624 : vector<16xf32>
        %get3A_626 = arith.constant 57 : i32
        %get3A_627 = arith.index_cast %get3A_626 : i32 to index
        %get3A_628 = arith.index_cast %mul3A_107 : i32 to index
        %get3A_629 = tpu.vector_load %arg6[%get3A_627, %get3A_628] {strides = array<i32>} : memref<64x512xf32, #tpu.memory_space<vmem>>, vector<16xf32>,
        %slice3A_630 = vector.extract_strided_slice %get3A_9 {offsets = [9], sizes = [1], strides = [1]} : vector<16xf32> to vector<1xf32>
        %squeeze3A_631 = vector.extract %slice3A_630[0] : f32 from vector<1xf32>
        %mul3A_632 = vector.broadcast %squeeze3A_631 : f32 to vector<16xf32>
        %mul3A_633 = arith.mulf %get3A_629, %mul3A_632 : vector<16xf32>
        %add3A_634 = arith.addf %add3A_598, %mul3A_633 : vector<16xf32>
        %get3A_635 = arith.constant 58 : i32
        %get3A_636 = arith.index_cast %get3A_635 : i32 to index
        %get3A_637 = arith.index_cast %mul3A_107 : i32 to index
        %get3A_638 = tpu.vector_load %arg6[%get3A_636, %get3A_637] {strides = array<i32>} : memref<64x512xf32, #tpu.memory_space<vmem>>, vector<16xf32>,
        %slice3A_639 = vector.extract_strided_slice %get3A_9 {offsets = [10], sizes = [1], strides = [1]} : vector<16xf32> to vector<1xf32>
        %squeeze3A_640 = vector.extract %slice3A_639[0] : f32 from vector<1xf32>
        %mul3A_641 = vector.broadcast %squeeze3A_640 : f32 to vector<16xf32>
        %mul3A_642 = arith.mulf %get3A_638, %mul3A_641 : vector<16xf32>
        %add3A_643 = arith.addf %add3A_607, %mul3A_642 : vector<16xf32>
        %get3A_644 = arith.constant 59 : i32
        %get3A_645 = arith.index_cast %get3A_644 : i32 to index
        %get3A_646 = arith.index_cast %mul3A_107 : i32 to index
        %get3A_647 = tpu.vector_load %arg6[%get3A_645, %get3A_646] {strides = array<i32>} : memref<64x512xf32, #tpu.memory_space<vmem>>, vector<16xf32>,
        %slice3A_648 = vector.extract_strided_slice %get3A_9 {offsets = [11], sizes = [1], strides = [1]} : vector<16xf32> to vector<1xf32>
        %squeeze3A_649 = vector.extract %slice3A_648[0] : f32 from vector<1xf32>
        %mul3A_650 = vector.broadcast %squeeze3A_649 : f32 to vector<16xf32>
        %mul3A_651 = arith.mulf %get3A_647, %mul3A_650 : vector<16xf32>
        %add3A_652 = arith.addf %add3A_616, %mul3A_651 : vector<16xf32>
        %get3A_653 = arith.constant 60 : i32
        %get3A_654 = arith.index_cast %get3A_653 : i32 to index
        %get3A_655 = arith.index_cast %mul3A_107 : i32 to index
        %get3A_656 = tpu.vector_load %arg6[%get3A_654, %get3A_655] {strides = array<i32>} : memref<64x512xf32, #tpu.memory_space<vmem>>, vector<16xf32>,
        %slice3A_657 = vector.extract_strided_slice %get3A_9 {offsets = [12], sizes = [1], strides = [1]} : vector<16xf32> to vector<1xf32>
        %squeeze3A_658 = vector.extract %slice3A_657[0] : f32 from vector<1xf32>
        %mul3A_659 = vector.broadcast %squeeze3A_658 : f32 to vector<16xf32>
        %mul3A_660 = arith.mulf %get3A_656, %mul3A_659 : vector<16xf32>
        %add3A_661 = arith.addf %add3A_625, %mul3A_660 : vector<16xf32>
        %get3A_662 = arith.constant 61 : i32
        %get3A_663 = arith.index_cast %get3A_662 : i32 to index
        %get3A_664 = arith.index_cast %mul3A_107 : i32 to index
        %get3A_665 = tpu.vector_load %arg6[%get3A_663, %get3A_664] {strides = array<i32>} : memref<64x512xf32, #tpu.memory_space<vmem>>, vector<16xf32>,
        %slice3A_666 = vector.extract_strided_slice %get3A_9 {offsets = [13], sizes = [1], strides = [1]} : vector<16xf32> to vector<1xf32>
        %squeeze3A_667 = vector.extract %slice3A_666[0] : f32 from vector<1xf32>
        %mul3A_668 = vector.broadcast %squeeze3A_667 : f32 to vector<16xf32>
        %mul3A_669 = arith.mulf %get3A_665, %mul3A_668 : vector<16xf32>
        %add3A_670 = arith.addf %add3A_634, %mul3A_669 : vector<16xf32>
        %get3A_671 = arith.constant 62 : i32
        %get3A_672 = arith.index_cast %get3A_671 : i32 to index
        %get3A_673 = arith.index_cast %mul3A_107 : i32 to index
        %get3A_674 = tpu.vector_load %arg6[%get3A_672, %get3A_673] {strides = array<i32>} : memref<64x512xf32, #tpu.memory_space<vmem>>, vector<16xf32>,
        %slice3A_675 = vector.extract_strided_slice %get3A_9 {offsets = [14], sizes = [1], strides = [1]} : vector<16xf32> to vector<1xf32>
        %squeeze3A_676 = vector.extract %slice3A_675[0] : f32 from vector<1xf32>
        %mul3A_677 = vector.broadcast %squeeze3A_676 : f32 to vector<16xf32>
        %mul3A_678 = arith.mulf %get3A_674, %mul3A_677 : vector<16xf32>
        %add3A_679 = arith.addf %add3A_643, %mul3A_678 : vector<16xf32>
        %get3A_680 = arith.constant 63 : i32
        %get3A_681 = arith.index_cast %get3A_680 : i32 to index
        %get3A_682 = arith.index_cast %mul3A_107 : i32 to index
        %get3A_683 = tpu.vector_load %arg6[%get3A_681, %get3A_682] {strides = array<i32>} : memref<64x512xf32, #tpu.memory_space<vmem>>, vector<16xf32>,
        %slice3A_684 = vector.extract_strided_slice %get3A_9 {offsets = [15], sizes = [1], strides = [1]} : vector<16xf32> to vector<1xf32>
        %squeeze3A_685 = vector.extract %slice3A_684[0] : f32 from vector<1xf32>
        %mul3A_686 = vector.broadcast %squeeze3A_685 : f32 to vector<16xf32>
        %mul3A_687 = arith.mulf %get3A_683, %mul3A_686 : vector<16xf32>
        %add3A_688 = arith.addf %add3A_652, %mul3A_687 : vector<16xf32>
        %add3A_689 = arith.addf %add3A_661, %add3A_670 : vector<16xf32>
        %add3A_690 = arith.addf %add3A_679, %add3A_688 : vector<16xf32>
        %add3A_691 = arith.addf %add3A_689, %add3A_690 : vector<16xf32>
        %swap3A = arith.index_cast %mul3A_107 : i32 to index
        %swap3A_692 = tpu.vector_load %arg9[%swap3A] {strides = array<i32>} : memref<512xf32, #tpu.memory_space<vmem>>, vector<16xf32>,
        tpu.vector_store %arg9[%swap3A], %add3A_691 {strides = array<i32>} : memref<512xf32, #tpu.memory_space<vmem>>, vector<16xf32>,
      }
      %scan3A_90 = arith.constant 32 : i32
      %mul3A_91 = arith.constant 512 : i32
      %mul3A_92 = arith.muli %add3A_79, %mul3A_91 : i32
      %add3A_93 = arith.addi %mul3A_2, %mul3A_92 : i32
      %dma_start3A_94 = tpu.memref_slice %arg4[%add3A_93] : memref<458752xf32, #tpu.memory_space<hbm>> -> memref<512xf32, #tpu.memory_space<hbm>>
      %dma_start3A_95 = tpu.memref_slice %arg4[%add3A_93] : memref<458752xf32, #tpu.memory_space<hbm>> -> memref<512xf32, #tpu.memory_space<hbm>>
      tpu.enqueue_dma source(%arg9 : memref<512xf32, #tpu.memory_space<vmem>>) target(%dma_start3A_95 : memref<512xf32, #tpu.memory_space<hbm>>) target_semaphore(%arg12 : memref<!tpu.dma_semaphore, #tpu.memory_space<semaphore_mem>>)
      %add3A_96 = arith.constant 3 : i32
      %add3A_97 = arith.addi %mul3A_43, %add3A_96 : i32
      %mul3A_98 = arith.constant 512 : i32
      %mul3A_99 = arith.muli %add3A_97, %mul3A_98 : i32
      %add3A_100 = arith.addi %mul3A_2, %mul3A_99 : i32
      %dma_start3A_101 = arith.constant 0 : i32
      %dma_start3A_102 = tpu.memref_slice %arg2[%dma_start3A_101, %add3A_100] : memref<64x1000000xf32, #tpu.memory_space<hbm>> -> memref<64x512xf32, #tpu.memory_space<hbm>>
      %dma_start3A_103 = arith.constant 0 : i32
      %dma_start3A_104 = tpu.memref_slice %arg2[%dma_start3A_103, %add3A_100] : memref<64x1000000xf32, #tpu.memory_space<hbm>> -> memref<64x512xf32, #tpu.memory_space<hbm>>
      tpu.enqueue_dma source(%dma_start3A_104 : memref<64x512xf32, #tpu.memory_space<hbm>>) target(%arg6 : memref<64x512xf32, #tpu.memory_space<vmem>>) target_semaphore(%arg11 : memref<!tpu.dma_semaphore, #tpu.memory_space<semaphore_mem>>)
    }
    %scan3A_25 = arith.constant 14 : i32
    %dma_wait3A = arith.constant 0 : i32
    %dma_wait3A_26 = arith.constant 0 : i32
    %dma_wait3A_27 = tpu.memref_slice %arg2[%dma_wait3A, %dma_wait3A_26] : memref<64x1000000xf32, #tpu.memory_space<hbm>> -> memref<64x512xf32, #tpu.memory_space<hbm>>
    %dma_wait3A_28 = arith.constant 0 : i32
    %dma_wait3A_29 = arith.constant 0 : i32
    %dma_wait3A_30 = tpu.memref_slice %arg2[%dma_wait3A_28, %dma_wait3A_29] : memref<64x1000000xf32, #tpu.memory_space<hbm>> -> memref<64x512xf32, #tpu.memory_space<hbm>>
    tpu.wait_dma2 semaphore(%arg10 : memref<!tpu.dma_semaphore, #tpu.memory_space<semaphore_mem>>) src(%dma_wait3A_30 : memref<64x512xf32, #tpu.memory_space<hbm>>) dst(%arg5 : memref<64x512xf32, #tpu.memory_space<vmem>>)
    %dma_wait3A_31 = arith.constant 0 : i32
    %dma_wait3A_32 = arith.constant 0 : i32
    %dma_wait3A_33 = tpu.memref_slice %arg2[%dma_wait3A_31, %dma_wait3A_32] : memref<64x1000000xf32, #tpu.memory_space<hbm>> -> memref<64x512xf32, #tpu.memory_space<hbm>>
    %dma_wait3A_34 = arith.constant 0 : i32
    %dma_wait3A_35 = arith.constant 0 : i32
    %dma_wait3A_36 = tpu.memref_slice %arg2[%dma_wait3A_34, %dma_wait3A_35] : memref<64x1000000xf32, #tpu.memory_space<hbm>> -> memref<64x512xf32, #tpu.memory_space<hbm>>
    tpu.wait_dma2 semaphore(%arg11 : memref<!tpu.dma_semaphore, #tpu.memory_space<semaphore_mem>>) src(%dma_wait3A_36 : memref<64x512xf32, #tpu.memory_space<hbm>>) dst(%arg6 : memref<64x512xf32, #tpu.memory_space<vmem>>)
    %dma_wait3A_37 = tpu.memref_slice %arg4[%mul3A_2] : memref<458752xf32, #tpu.memory_space<hbm>> -> memref<512xf32, #tpu.memory_space<hbm>>
    %dma_wait3A_38 = tpu.memref_slice %arg4[%mul3A_2] : memref<458752xf32, #tpu.memory_space<hbm>> -> memref<512xf32, #tpu.memory_space<hbm>>
    tpu.wait_dma2 semaphore(%arg12 : memref<!tpu.dma_semaphore, #tpu.memory_space<semaphore_mem>>) src(%arg8 : memref<512xf32, #tpu.memory_space<vmem>>) dst(%dma_wait3A_38 : memref<512xf32, #tpu.memory_space<hbm>>)
    %dma_wait3A_39 = tpu.memref_slice %arg4[%mul3A_2] : memref<458752xf32, #tpu.memory_space<hbm>> -> memref<512xf32, #tpu.memory_space<hbm>>
    %dma_wait3A_40 = tpu.memref_slice %arg4[%mul3A_2] : memref<458752xf32, #tpu.memory_space<hbm>> -> memref<512xf32, #tpu.memory_space<hbm>>
    tpu.wait_dma2 semaphore(%arg12 : memref<!tpu.dma_semaphore, #tpu.memory_space<semaphore_mem>>) src(%arg9 : memref<512xf32, #tpu.memory_space<vmem>>) dst(%dma_wait3A_40 : memref<512xf32, #tpu.memory_space<hbm>>)
    return
  }
}

#map = affine_map<(d0, d1) -> (0)>
#map1 = affine_map<(d0, d1) -> (0, 0)>
module attributes {stable_mosaic.version = 14 : i64} {
  func.func @_sc_gather_body(%arg0: i32, %arg1: i32, %arg2: memref<16384xi32, #tpu.memory_space<hbm>>, %arg3: memref<16384xi32, #tpu.memory_space<hbm>>, %arg4: memref<7936x128xf32, #tpu.memory_space<hbm>>, %arg5: memref<896x128xf32, #tpu.memory_space<hbm>>, %arg6: memref<16xf32, #tpu.memory_space<hbm>>, %arg7: memref<16384xf32, #tpu.memory_space<hbm>>, %arg8: memref<512xi32, #tpu.memory_space<vmem>>, %arg9: memref<512xi32, #tpu.memory_space<vmem>>, %arg10: memref<512xi32, #tpu.memory_space<vmem>>, %arg11: memref<512xi32, #tpu.memory_space<vmem>>, %arg12: memref<128x128xf32, #tpu.memory_space<vmem>>, %arg13: memref<128x128xf32, #tpu.memory_space<vmem>>, %arg14: memref<128x128xf32, #tpu.memory_space<vmem>>, %arg15: memref<128x128xf32, #tpu.memory_space<vmem>>, %arg16: memref<16xf32, #tpu.memory_space<vmem>>, %arg17: memref<512xf32, #tpu.memory_space<vmem>>, %arg18: memref<!tpu.dma_semaphore, #tpu.memory_space<semaphore_mem>>, %arg19: memref<!tpu.dma_semaphore, #tpu.memory_space<semaphore_mem>>) attributes {dimension_semantics = [#tpu.dimension_semantics<core_parallel>, #tpu.dimension_semantics<subcore_parallel>], iteration_bounds = array<i64: 2, 16>, scalar_prefetch = 0 : i64, scratch_operands = 12 : i64, tpu.core_type = #tpu.core_type<sc_vector_subcore>, window_params = [{transform_indices = #map}, {transform_indices = #map}, {transform_indices = #map1}, {transform_indices = #map1}, {transform_indices = #map}, {transform_indices = #map}]} {
    %mul3A = arith.constant 16 : i32
    %mul3A_0 = arith.muli %arg0, %mul3A : i32
    %add3A = arith.addi %mul3A_0, %arg1 : i32
    %mul3A_1 = arith.constant 512 : i32
    %mul3A_2 = arith.muli %add3A, %mul3A_1 : i32
    %dma_start3A = tpu.memref_slice %arg2[%mul3A_2] : memref<16384xi32, #tpu.memory_space<hbm>> -> memref<512xi32, #tpu.memory_space<hbm>>
    %dma_start3A_3 = tpu.memref_slice %arg2[%mul3A_2] : memref<16384xi32, #tpu.memory_space<hbm>> -> memref<512xi32, #tpu.memory_space<hbm>>
    tpu.enqueue_dma source(%dma_start3A_3 : memref<512xi32, #tpu.memory_space<hbm>>) target(%arg8 : memref<512xi32, #tpu.memory_space<vmem>>) target_semaphore(%arg18 : memref<!tpu.dma_semaphore, #tpu.memory_space<semaphore_mem>>)
    %dma_start3A_4 = tpu.memref_slice %arg3[%mul3A_2] : memref<16384xi32, #tpu.memory_space<hbm>> -> memref<512xi32, #tpu.memory_space<hbm>>
    %dma_start3A_5 = tpu.memref_slice %arg3[%mul3A_2] : memref<16384xi32, #tpu.memory_space<hbm>> -> memref<512xi32, #tpu.memory_space<hbm>>
    tpu.enqueue_dma source(%dma_start3A_5 : memref<512xi32, #tpu.memory_space<hbm>>) target(%arg9 : memref<512xi32, #tpu.memory_space<vmem>>) target_semaphore(%arg19 : memref<!tpu.dma_semaphore, #tpu.memory_space<semaphore_mem>>)
    tpu.enqueue_dma source(%arg6 : memref<16xf32, #tpu.memory_space<hbm>>) target(%arg16 : memref<16xf32, #tpu.memory_space<vmem>>) target_semaphore(%arg18 : memref<!tpu.dma_semaphore, #tpu.memory_space<semaphore_mem>>)
    %dma_wait3A = tpu.memref_slice %arg2[%mul3A_2] : memref<16384xi32, #tpu.memory_space<hbm>> -> memref<512xi32, #tpu.memory_space<hbm>>
    %dma_wait3A_6 = tpu.memref_slice %arg2[%mul3A_2] : memref<16384xi32, #tpu.memory_space<hbm>> -> memref<512xi32, #tpu.memory_space<hbm>>
    tpu.wait_dma2 semaphore(%arg18 : memref<!tpu.dma_semaphore, #tpu.memory_space<semaphore_mem>>) src(%dma_wait3A_6 : memref<512xi32, #tpu.memory_space<hbm>>) dst(%arg8 : memref<512xi32, #tpu.memory_space<vmem>>)
    %dma_wait3A_7 = tpu.memref_slice %arg3[%mul3A_2] : memref<16384xi32, #tpu.memory_space<hbm>> -> memref<512xi32, #tpu.memory_space<hbm>>
    %dma_wait3A_8 = tpu.memref_slice %arg3[%mul3A_2] : memref<16384xi32, #tpu.memory_space<hbm>> -> memref<512xi32, #tpu.memory_space<hbm>>
    tpu.wait_dma2 semaphore(%arg19 : memref<!tpu.dma_semaphore, #tpu.memory_space<semaphore_mem>>) src(%dma_wait3A_8 : memref<512xi32, #tpu.memory_space<hbm>>) dst(%arg9 : memref<512xi32, #tpu.memory_space<vmem>>)
    tpu.wait_dma2 semaphore(%arg18 : memref<!tpu.dma_semaphore, #tpu.memory_space<semaphore_mem>>) src(%arg6 : memref<16xf32, #tpu.memory_space<hbm>>) dst(%arg16 : memref<16xf32, #tpu.memory_space<vmem>>)
    %get3A = arith.constant 0 : index
    %get3A_9 = tpu.vector_load %arg8[%get3A] {strides = array<i32>} : memref<512xi32, #tpu.memory_space<vmem>>, vector<16xi32>,
    %get3A_10 = arith.constant 0 : index
    %get3A_11 = tpu.vector_load %arg9[%get3A_10] {strides = array<i32>} : memref<512xi32, #tpu.memory_space<vmem>>, vector<16xi32>,
    %shift_right_logical3A = arith.constant 7 : i32
    %shift_right_logical3A_12 = vector.broadcast %shift_right_logical3A : i32 to vector<16xi32>
    %shift_right_logical3A_13 = arith.shrui %get3A_9, %shift_right_logical3A_12 : vector<16xi32>
    %swap3A = arith.constant 0 : index
    %swap3A_14 = tpu.vector_load %arg8[%swap3A] {strides = array<i32>} : memref<512xi32, #tpu.memory_space<vmem>>, vector<16xi32>,
    tpu.vector_store %arg8[%swap3A], %shift_right_logical3A_13 {strides = array<i32>} : memref<512xi32, #tpu.memory_space<vmem>>, vector<16xi32>,
    %shift_right_logical3A_15 = arith.constant 7 : i32
    %shift_right_logical3A_16 = vector.broadcast %shift_right_logical3A_15 : i32 to vector<16xi32>
    %shift_right_logical3A_17 = arith.shrui %get3A_11, %shift_right_logical3A_16 : vector<16xi32>
    %swap3A_18 = arith.constant 0 : index
    %swap3A_19 = tpu.vector_load %arg9[%swap3A_18] {strides = array<i32>} : memref<512xi32, #tpu.memory_space<vmem>>, vector<16xi32>,
    tpu.vector_store %arg9[%swap3A_18], %shift_right_logical3A_17 {strides = array<i32>} : memref<512xi32, #tpu.memory_space<vmem>>, vector<16xi32>,
    %and3A = arith.constant 127 : i32
    %and3A_20 = vector.broadcast %and3A : i32 to vector<16xi32>
    %and3A_21 = arith.andi %get3A_9, %and3A_20 : vector<16xi32>
    %swap3A_22 = arith.constant 0 : index
    %swap3A_23 = tpu.vector_load %arg10[%swap3A_22] {strides = array<i32>} : memref<512xi32, #tpu.memory_space<vmem>>, vector<16xi32>,
    tpu.vector_store %arg10[%swap3A_22], %and3A_21 {strides = array<i32>} : memref<512xi32, #tpu.memory_space<vmem>>, vector<16xi32>,
    %and3A_24 = arith.constant 127 : i32
    %and3A_25 = vector.broadcast %and3A_24 : i32 to vector<16xi32>
    %and3A_26 = arith.andi %get3A_11, %and3A_25 : vector<16xi32>
    %swap3A_27 = arith.constant 0 : index
    %swap3A_28 = tpu.vector_load %arg11[%swap3A_27] {strides = array<i32>} : memref<512xi32, #tpu.memory_space<vmem>>, vector<16xi32>,
    tpu.vector_store %arg11[%swap3A_27], %and3A_26 {strides = array<i32>} : memref<512xi32, #tpu.memory_space<vmem>>, vector<16xi32>,
    %get3A_29 = arith.constant 16 : index
    %get3A_30 = tpu.vector_load %arg8[%get3A_29] {strides = array<i32>} : memref<512xi32, #tpu.memory_space<vmem>>, vector<16xi32>,
    %get3A_31 = arith.constant 16 : index
    %get3A_32 = tpu.vector_load %arg9[%get3A_31] {strides = array<i32>} : memref<512xi32, #tpu.memory_space<vmem>>, vector<16xi32>,
    %shift_right_logical3A_33 = arith.constant 7 : i32
    %shift_right_logical3A_34 = vector.broadcast %shift_right_logical3A_33 : i32 to vector<16xi32>
    %shift_right_logical3A_35 = arith.shrui %get3A_30, %shift_right_logical3A_34 : vector<16xi32>
    %swap3A_36 = arith.constant 16 : index
    %swap3A_37 = tpu.vector_load %arg8[%swap3A_36] {strides = array<i32>} : memref<512xi32, #tpu.memory_space<vmem>>, vector<16xi32>,
    tpu.vector_store %arg8[%swap3A_36], %shift_right_logical3A_35 {strides = array<i32>} : memref<512xi32, #tpu.memory_space<vmem>>, vector<16xi32>,
    %shift_right_logical3A_38 = arith.constant 7 : i32
    %shift_right_logical3A_39 = vector.broadcast %shift_right_logical3A_38 : i32 to vector<16xi32>
    %shift_right_logical3A_40 = arith.shrui %get3A_32, %shift_right_logical3A_39 : vector<16xi32>
    %swap3A_41 = arith.constant 16 : index
    %swap3A_42 = tpu.vector_load %arg9[%swap3A_41] {strides = array<i32>} : memref<512xi32, #tpu.memory_space<vmem>>, vector<16xi32>,
    tpu.vector_store %arg9[%swap3A_41], %shift_right_logical3A_40 {strides = array<i32>} : memref<512xi32, #tpu.memory_space<vmem>>, vector<16xi32>,
    %and3A_43 = arith.constant 127 : i32
    %and3A_44 = vector.broadcast %and3A_43 : i32 to vector<16xi32>
    %and3A_45 = arith.andi %get3A_30, %and3A_44 : vector<16xi32>
    %swap3A_46 = arith.constant 16 : index
    %swap3A_47 = tpu.vector_load %arg10[%swap3A_46] {strides = array<i32>} : memref<512xi32, #tpu.memory_space<vmem>>, vector<16xi32>,
    tpu.vector_store %arg10[%swap3A_46], %and3A_45 {strides = array<i32>} : memref<512xi32, #tpu.memory_space<vmem>>, vector<16xi32>,
    %and3A_48 = arith.constant 127 : i32
    %and3A_49 = vector.broadcast %and3A_48 : i32 to vector<16xi32>
    %and3A_50 = arith.andi %get3A_32, %and3A_49 : vector<16xi32>
    %swap3A_51 = arith.constant 16 : index
    %swap3A_52 = tpu.vector_load %arg11[%swap3A_51] {strides = array<i32>} : memref<512xi32, #tpu.memory_space<vmem>>, vector<16xi32>,
    tpu.vector_store %arg11[%swap3A_51], %and3A_50 {strides = array<i32>} : memref<512xi32, #tpu.memory_space<vmem>>, vector<16xi32>,
    %get3A_53 = arith.constant 32 : index
    %get3A_54 = tpu.vector_load %arg8[%get3A_53] {strides = array<i32>} : memref<512xi32, #tpu.memory_space<vmem>>, vector<16xi32>,
    %get3A_55 = arith.constant 32 : index
    %get3A_56 = tpu.vector_load %arg9[%get3A_55] {strides = array<i32>} : memref<512xi32, #tpu.memory_space<vmem>>, vector<16xi32>,
    %shift_right_logical3A_57 = arith.constant 7 : i32
    %shift_right_logical3A_58 = vector.broadcast %shift_right_logical3A_57 : i32 to vector<16xi32>
    %shift_right_logical3A_59 = arith.shrui %get3A_54, %shift_right_logical3A_58 : vector<16xi32>
    %swap3A_60 = arith.constant 32 : index
    %swap3A_61 = tpu.vector_load %arg8[%swap3A_60] {strides = array<i32>} : memref<512xi32, #tpu.memory_space<vmem>>, vector<16xi32>,
    tpu.vector_store %arg8[%swap3A_60], %shift_right_logical3A_59 {strides = array<i32>} : memref<512xi32, #tpu.memory_space<vmem>>, vector<16xi32>,
    %shift_right_logical3A_62 = arith.constant 7 : i32
    %shift_right_logical3A_63 = vector.broadcast %shift_right_logical3A_62 : i32 to vector<16xi32>
    %shift_right_logical3A_64 = arith.shrui %get3A_56, %shift_right_logical3A_63 : vector<16xi32>
    %swap3A_65 = arith.constant 32 : index
    %swap3A_66 = tpu.vector_load %arg9[%swap3A_65] {strides = array<i32>} : memref<512xi32, #tpu.memory_space<vmem>>, vector<16xi32>,
    tpu.vector_store %arg9[%swap3A_65], %shift_right_logical3A_64 {strides = array<i32>} : memref<512xi32, #tpu.memory_space<vmem>>, vector<16xi32>,
    %and3A_67 = arith.constant 127 : i32
    %and3A_68 = vector.broadcast %and3A_67 : i32 to vector<16xi32>
    %and3A_69 = arith.andi %get3A_54, %and3A_68 : vector<16xi32>
    %swap3A_70 = arith.constant 32 : index
    %swap3A_71 = tpu.vector_load %arg10[%swap3A_70] {strides = array<i32>} : memref<512xi32, #tpu.memory_space<vmem>>, vector<16xi32>,
    tpu.vector_store %arg10[%swap3A_70], %and3A_69 {strides = array<i32>} : memref<512xi32, #tpu.memory_space<vmem>>, vector<16xi32>,
    %and3A_72 = arith.constant 127 : i32
    %and3A_73 = vector.broadcast %and3A_72 : i32 to vector<16xi32>
    %and3A_74 = arith.andi %get3A_56, %and3A_73 : vector<16xi32>
    %swap3A_75 = arith.constant 32 : index
    %swap3A_76 = tpu.vector_load %arg11[%swap3A_75] {strides = array<i32>} : memref<512xi32, #tpu.memory_space<vmem>>, vector<16xi32>,
    tpu.vector_store %arg11[%swap3A_75], %and3A_74 {strides = array<i32>} : memref<512xi32, #tpu.memory_space<vmem>>, vector<16xi32>,
    %get3A_77 = arith.constant 48 : index
    %get3A_78 = tpu.vector_load %arg8[%get3A_77] {strides = array<i32>} : memref<512xi32, #tpu.memory_space<vmem>>, vector<16xi32>,
    %get3A_79 = arith.constant 48 : index
    %get3A_80 = tpu.vector_load %arg9[%get3A_79] {strides = array<i32>} : memref<512xi32, #tpu.memory_space<vmem>>, vector<16xi32>,
    %shift_right_logical3A_81 = arith.constant 7 : i32
    %shift_right_logical3A_82 = vector.broadcast %shift_right_logical3A_81 : i32 to vector<16xi32>
    %shift_right_logical3A_83 = arith.shrui %get3A_78, %shift_right_logical3A_82 : vector<16xi32>
    %swap3A_84 = arith.constant 48 : index
    %swap3A_85 = tpu.vector_load %arg8[%swap3A_84] {strides = array<i32>} : memref<512xi32, #tpu.memory_space<vmem>>, vector<16xi32>,
    tpu.vector_store %arg8[%swap3A_84], %shift_right_logical3A_83 {strides = array<i32>} : memref<512xi32, #tpu.memory_space<vmem>>, vector<16xi32>,
    %shift_right_logical3A_86 = arith.constant 7 : i32
    %shift_right_logical3A_87 = vector.broadcast %shift_right_logical3A_86 : i32 to vector<16xi32>
    %shift_right_logical3A_88 = arith.shrui %get3A_80, %shift_right_logical3A_87 : vector<16xi32>
    %swap3A_89 = arith.constant 48 : index
    %swap3A_90 = tpu.vector_load %arg9[%swap3A_89] {strides = array<i32>} : memref<512xi32, #tpu.memory_space<vmem>>, vector<16xi32>,
    tpu.vector_store %arg9[%swap3A_89], %shift_right_logical3A_88 {strides = array<i32>} : memref<512xi32, #tpu.memory_space<vmem>>, vector<16xi32>,
    %and3A_91 = arith.constant 127 : i32
    %and3A_92 = vector.broadcast %and3A_91 : i32 to vector<16xi32>
    %and3A_93 = arith.andi %get3A_78, %and3A_92 : vector<16xi32>
    %swap3A_94 = arith.constant 48 : index
    %swap3A_95 = tpu.vector_load %arg10[%swap3A_94] {strides = array<i32>} : memref<512xi32, #tpu.memory_space<vmem>>, vector<16xi32>,
    tpu.vector_store %arg10[%swap3A_94], %and3A_93 {strides = array<i32>} : memref<512xi32, #tpu.memory_space<vmem>>, vector<16xi32>,
    %and3A_96 = arith.constant 127 : i32
    %and3A_97 = vector.broadcast %and3A_96 : i32 to vector<16xi32>
    %and3A_98 = arith.andi %get3A_80, %and3A_97 : vector<16xi32>
    %swap3A_99 = arith.constant 48 : index
    %swap3A_100 = tpu.vector_load %arg11[%swap3A_99] {strides = array<i32>} : memref<512xi32, #tpu.memory_space<vmem>>, vector<16xi32>,
    tpu.vector_store %arg11[%swap3A_99], %and3A_98 {strides = array<i32>} : memref<512xi32, #tpu.memory_space<vmem>>, vector<16xi32>,
    %get3A_101 = arith.constant 64 : index
    %get3A_102 = tpu.vector_load %arg8[%get3A_101] {strides = array<i32>} : memref<512xi32, #tpu.memory_space<vmem>>, vector<16xi32>,
    %get3A_103 = arith.constant 64 : index
    %get3A_104 = tpu.vector_load %arg9[%get3A_103] {strides = array<i32>} : memref<512xi32, #tpu.memory_space<vmem>>, vector<16xi32>,
    %shift_right_logical3A_105 = arith.constant 7 : i32
    %shift_right_logical3A_106 = vector.broadcast %shift_right_logical3A_105 : i32 to vector<16xi32>
    %shift_right_logical3A_107 = arith.shrui %get3A_102, %shift_right_logical3A_106 : vector<16xi32>
    %swap3A_108 = arith.constant 64 : index
    %swap3A_109 = tpu.vector_load %arg8[%swap3A_108] {strides = array<i32>} : memref<512xi32, #tpu.memory_space<vmem>>, vector<16xi32>,
    tpu.vector_store %arg8[%swap3A_108], %shift_right_logical3A_107 {strides = array<i32>} : memref<512xi32, #tpu.memory_space<vmem>>, vector<16xi32>,
    %shift_right_logical3A_110 = arith.constant 7 : i32
    %shift_right_logical3A_111 = vector.broadcast %shift_right_logical3A_110 : i32 to vector<16xi32>
    %shift_right_logical3A_112 = arith.shrui %get3A_104, %shift_right_logical3A_111 : vector<16xi32>
    %swap3A_113 = arith.constant 64 : index
    %swap3A_114 = tpu.vector_load %arg9[%swap3A_113] {strides = array<i32>} : memref<512xi32, #tpu.memory_space<vmem>>, vector<16xi32>,
    tpu.vector_store %arg9[%swap3A_113], %shift_right_logical3A_112 {strides = array<i32>} : memref<512xi32, #tpu.memory_space<vmem>>, vector<16xi32>,
    %and3A_115 = arith.constant 127 : i32
    %and3A_116 = vector.broadcast %and3A_115 : i32 to vector<16xi32>
    %and3A_117 = arith.andi %get3A_102, %and3A_116 : vector<16xi32>
    %swap3A_118 = arith.constant 64 : index
    %swap3A_119 = tpu.vector_load %arg10[%swap3A_118] {strides = array<i32>} : memref<512xi32, #tpu.memory_space<vmem>>, vector<16xi32>,
    tpu.vector_store %arg10[%swap3A_118], %and3A_117 {strides = array<i32>} : memref<512xi32, #tpu.memory_space<vmem>>, vector<16xi32>,
    %and3A_120 = arith.constant 127 : i32
    %and3A_121 = vector.broadcast %and3A_120 : i32 to vector<16xi32>
    %and3A_122 = arith.andi %get3A_104, %and3A_121 : vector<16xi32>
    %swap3A_123 = arith.constant 64 : index
    %swap3A_124 = tpu.vector_load %arg11[%swap3A_123] {strides = array<i32>} : memref<512xi32, #tpu.memory_space<vmem>>, vector<16xi32>,
    tpu.vector_store %arg11[%swap3A_123], %and3A_122 {strides = array<i32>} : memref<512xi32, #tpu.memory_space<vmem>>, vector<16xi32>,
    %get3A_125 = arith.constant 80 : index
    %get3A_126 = tpu.vector_load %arg8[%get3A_125] {strides = array<i32>} : memref<512xi32, #tpu.memory_space<vmem>>, vector<16xi32>,
    %get3A_127 = arith.constant 80 : index
    %get3A_128 = tpu.vector_load %arg9[%get3A_127] {strides = array<i32>} : memref<512xi32, #tpu.memory_space<vmem>>, vector<16xi32>,
    %shift_right_logical3A_129 = arith.constant 7 : i32
    %shift_right_logical3A_130 = vector.broadcast %shift_right_logical3A_129 : i32 to vector<16xi32>
    %shift_right_logical3A_131 = arith.shrui %get3A_126, %shift_right_logical3A_130 : vector<16xi32>
    %swap3A_132 = arith.constant 80 : index
    %swap3A_133 = tpu.vector_load %arg8[%swap3A_132] {strides = array<i32>} : memref<512xi32, #tpu.memory_space<vmem>>, vector<16xi32>,
    tpu.vector_store %arg8[%swap3A_132], %shift_right_logical3A_131 {strides = array<i32>} : memref<512xi32, #tpu.memory_space<vmem>>, vector<16xi32>,
    %shift_right_logical3A_134 = arith.constant 7 : i32
    %shift_right_logical3A_135 = vector.broadcast %shift_right_logical3A_134 : i32 to vector<16xi32>
    %shift_right_logical3A_136 = arith.shrui %get3A_128, %shift_right_logical3A_135 : vector<16xi32>
    %swap3A_137 = arith.constant 80 : index
    %swap3A_138 = tpu.vector_load %arg9[%swap3A_137] {strides = array<i32>} : memref<512xi32, #tpu.memory_space<vmem>>, vector<16xi32>,
    tpu.vector_store %arg9[%swap3A_137], %shift_right_logical3A_136 {strides = array<i32>} : memref<512xi32, #tpu.memory_space<vmem>>, vector<16xi32>,
    %and3A_139 = arith.constant 127 : i32
    %and3A_140 = vector.broadcast %and3A_139 : i32 to vector<16xi32>
    %and3A_141 = arith.andi %get3A_126, %and3A_140 : vector<16xi32>
    %swap3A_142 = arith.constant 80 : index
    %swap3A_143 = tpu.vector_load %arg10[%swap3A_142] {strides = array<i32>} : memref<512xi32, #tpu.memory_space<vmem>>, vector<16xi32>,
    tpu.vector_store %arg10[%swap3A_142], %and3A_141 {strides = array<i32>} : memref<512xi32, #tpu.memory_space<vmem>>, vector<16xi32>,
    %and3A_144 = arith.constant 127 : i32
    %and3A_145 = vector.broadcast %and3A_144 : i32 to vector<16xi32>
    %and3A_146 = arith.andi %get3A_128, %and3A_145 : vector<16xi32>
    %swap3A_147 = arith.constant 80 : index
    %swap3A_148 = tpu.vector_load %arg11[%swap3A_147] {strides = array<i32>} : memref<512xi32, #tpu.memory_space<vmem>>, vector<16xi32>,
    tpu.vector_store %arg11[%swap3A_147], %and3A_146 {strides = array<i32>} : memref<512xi32, #tpu.memory_space<vmem>>, vector<16xi32>,
    %get3A_149 = arith.constant 96 : index
    %get3A_150 = tpu.vector_load %arg8[%get3A_149] {strides = array<i32>} : memref<512xi32, #tpu.memory_space<vmem>>, vector<16xi32>,
    %get3A_151 = arith.constant 96 : index
    %get3A_152 = tpu.vector_load %arg9[%get3A_151] {strides = array<i32>} : memref<512xi32, #tpu.memory_space<vmem>>, vector<16xi32>,
    %shift_right_logical3A_153 = arith.constant 7 : i32
    %shift_right_logical3A_154 = vector.broadcast %shift_right_logical3A_153 : i32 to vector<16xi32>
    %shift_right_logical3A_155 = arith.shrui %get3A_150, %shift_right_logical3A_154 : vector<16xi32>
    %swap3A_156 = arith.constant 96 : index
    %swap3A_157 = tpu.vector_load %arg8[%swap3A_156] {strides = array<i32>} : memref<512xi32, #tpu.memory_space<vmem>>, vector<16xi32>,
    tpu.vector_store %arg8[%swap3A_156], %shift_right_logical3A_155 {strides = array<i32>} : memref<512xi32, #tpu.memory_space<vmem>>, vector<16xi32>,
    %shift_right_logical3A_158 = arith.constant 7 : i32
    %shift_right_logical3A_159 = vector.broadcast %shift_right_logical3A_158 : i32 to vector<16xi32>
    %shift_right_logical3A_160 = arith.shrui %get3A_152, %shift_right_logical3A_159 : vector<16xi32>
    %swap3A_161 = arith.constant 96 : index
    %swap3A_162 = tpu.vector_load %arg9[%swap3A_161] {strides = array<i32>} : memref<512xi32, #tpu.memory_space<vmem>>, vector<16xi32>,
    tpu.vector_store %arg9[%swap3A_161], %shift_right_logical3A_160 {strides = array<i32>} : memref<512xi32, #tpu.memory_space<vmem>>, vector<16xi32>,
    %and3A_163 = arith.constant 127 : i32
    %and3A_164 = vector.broadcast %and3A_163 : i32 to vector<16xi32>
    %and3A_165 = arith.andi %get3A_150, %and3A_164 : vector<16xi32>
    %swap3A_166 = arith.constant 96 : index
    %swap3A_167 = tpu.vector_load %arg10[%swap3A_166] {strides = array<i32>} : memref<512xi32, #tpu.memory_space<vmem>>, vector<16xi32>,
    tpu.vector_store %arg10[%swap3A_166], %and3A_165 {strides = array<i32>} : memref<512xi32, #tpu.memory_space<vmem>>, vector<16xi32>,
    %and3A_168 = arith.constant 127 : i32
    %and3A_169 = vector.broadcast %and3A_168 : i32 to vector<16xi32>
    %and3A_170 = arith.andi %get3A_152, %and3A_169 : vector<16xi32>
    %swap3A_171 = arith.constant 96 : index
    %swap3A_172 = tpu.vector_load %arg11[%swap3A_171] {strides = array<i32>} : memref<512xi32, #tpu.memory_space<vmem>>, vector<16xi32>,
    tpu.vector_store %arg11[%swap3A_171], %and3A_170 {strides = array<i32>} : memref<512xi32, #tpu.memory_space<vmem>>, vector<16xi32>,
    %get3A_173 = arith.constant 112 : index
    %get3A_174 = tpu.vector_load %arg8[%get3A_173] {strides = array<i32>} : memref<512xi32, #tpu.memory_space<vmem>>, vector<16xi32>,
    %get3A_175 = arith.constant 112 : index
    %get3A_176 = tpu.vector_load %arg9[%get3A_175] {strides = array<i32>} : memref<512xi32, #tpu.memory_space<vmem>>, vector<16xi32>,
    %shift_right_logical3A_177 = arith.constant 7 : i32
    %shift_right_logical3A_178 = vector.broadcast %shift_right_logical3A_177 : i32 to vector<16xi32>
    %shift_right_logical3A_179 = arith.shrui %get3A_174, %shift_right_logical3A_178 : vector<16xi32>
    %swap3A_180 = arith.constant 112 : index
    %swap3A_181 = tpu.vector_load %arg8[%swap3A_180] {strides = array<i32>} : memref<512xi32, #tpu.memory_space<vmem>>, vector<16xi32>,
    tpu.vector_store %arg8[%swap3A_180], %shift_right_logical3A_179 {strides = array<i32>} : memref<512xi32, #tpu.memory_space<vmem>>, vector<16xi32>,
    %shift_right_logical3A_182 = arith.constant 7 : i32
    %shift_right_logical3A_183 = vector.broadcast %shift_right_logical3A_182 : i32 to vector<16xi32>
    %shift_right_logical3A_184 = arith.shrui %get3A_176, %shift_right_logical3A_183 : vector<16xi32>
    %swap3A_185 = arith.constant 112 : index
    %swap3A_186 = tpu.vector_load %arg9[%swap3A_185] {strides = array<i32>} : memref<512xi32, #tpu.memory_space<vmem>>, vector<16xi32>,
    tpu.vector_store %arg9[%swap3A_185], %shift_right_logical3A_184 {strides = array<i32>} : memref<512xi32, #tpu.memory_space<vmem>>, vector<16xi32>,
    %and3A_187 = arith.constant 127 : i32
    %and3A_188 = vector.broadcast %and3A_187 : i32 to vector<16xi32>
    %and3A_189 = arith.andi %get3A_174, %and3A_188 : vector<16xi32>
    %swap3A_190 = arith.constant 112 : index
    %swap3A_191 = tpu.vector_load %arg10[%swap3A_190] {strides = array<i32>} : memref<512xi32, #tpu.memory_space<vmem>>, vector<16xi32>,
    tpu.vector_store %arg10[%swap3A_190], %and3A_189 {strides = array<i32>} : memref<512xi32, #tpu.memory_space<vmem>>, vector<16xi32>,
    %and3A_192 = arith.constant 127 : i32
    %and3A_193 = vector.broadcast %and3A_192 : i32 to vector<16xi32>
    %and3A_194 = arith.andi %get3A_176, %and3A_193 : vector<16xi32>
    %swap3A_195 = arith.constant 112 : index
    %swap3A_196 = tpu.vector_load %arg11[%swap3A_195] {strides = array<i32>} : memref<512xi32, #tpu.memory_space<vmem>>, vector<16xi32>,
    tpu.vector_store %arg11[%swap3A_195], %and3A_194 {strides = array<i32>} : memref<512xi32, #tpu.memory_space<vmem>>, vector<16xi32>,
    %get3A_197 = arith.constant 128 : index
    %get3A_198 = tpu.vector_load %arg8[%get3A_197] {strides = array<i32>} : memref<512xi32, #tpu.memory_space<vmem>>, vector<16xi32>,
    %get3A_199 = arith.constant 128 : index
    %get3A_200 = tpu.vector_load %arg9[%get3A_199] {strides = array<i32>} : memref<512xi32, #tpu.memory_space<vmem>>, vector<16xi32>,
    %shift_right_logical3A_201 = arith.constant 7 : i32
    %shift_right_logical3A_202 = vector.broadcast %shift_right_logical3A_201 : i32 to vector<16xi32>
    %shift_right_logical3A_203 = arith.shrui %get3A_198, %shift_right_logical3A_202 : vector<16xi32>
    %swap3A_204 = arith.constant 128 : index
    %swap3A_205 = tpu.vector_load %arg8[%swap3A_204] {strides = array<i32>} : memref<512xi32, #tpu.memory_space<vmem>>, vector<16xi32>,
    tpu.vector_store %arg8[%swap3A_204], %shift_right_logical3A_203 {strides = array<i32>} : memref<512xi32, #tpu.memory_space<vmem>>, vector<16xi32>,
    %shift_right_logical3A_206 = arith.constant 7 : i32
    %shift_right_logical3A_207 = vector.broadcast %shift_right_logical3A_206 : i32 to vector<16xi32>
    %shift_right_logical3A_208 = arith.shrui %get3A_200, %shift_right_logical3A_207 : vector<16xi32>
    %swap3A_209 = arith.constant 128 : index
    %swap3A_210 = tpu.vector_load %arg9[%swap3A_209] {strides = array<i32>} : memref<512xi32, #tpu.memory_space<vmem>>, vector<16xi32>,
    tpu.vector_store %arg9[%swap3A_209], %shift_right_logical3A_208 {strides = array<i32>} : memref<512xi32, #tpu.memory_space<vmem>>, vector<16xi32>,
    %and3A_211 = arith.constant 127 : i32
    %and3A_212 = vector.broadcast %and3A_211 : i32 to vector<16xi32>
    %and3A_213 = arith.andi %get3A_198, %and3A_212 : vector<16xi32>
    %swap3A_214 = arith.constant 128 : index
    %swap3A_215 = tpu.vector_load %arg10[%swap3A_214] {strides = array<i32>} : memref<512xi32, #tpu.memory_space<vmem>>, vector<16xi32>,
    tpu.vector_store %arg10[%swap3A_214], %and3A_213 {strides = array<i32>} : memref<512xi32, #tpu.memory_space<vmem>>, vector<16xi32>,
    %and3A_216 = arith.constant 127 : i32
    %and3A_217 = vector.broadcast %and3A_216 : i32 to vector<16xi32>
    %and3A_218 = arith.andi %get3A_200, %and3A_217 : vector<16xi32>
    %swap3A_219 = arith.constant 128 : index
    %swap3A_220 = tpu.vector_load %arg11[%swap3A_219] {strides = array<i32>} : memref<512xi32, #tpu.memory_space<vmem>>, vector<16xi32>,
    tpu.vector_store %arg11[%swap3A_219], %and3A_218 {strides = array<i32>} : memref<512xi32, #tpu.memory_space<vmem>>, vector<16xi32>,
    %get3A_221 = arith.constant 144 : index
    %get3A_222 = tpu.vector_load %arg8[%get3A_221] {strides = array<i32>} : memref<512xi32, #tpu.memory_space<vmem>>, vector<16xi32>,
    %get3A_223 = arith.constant 144 : index
    %get3A_224 = tpu.vector_load %arg9[%get3A_223] {strides = array<i32>} : memref<512xi32, #tpu.memory_space<vmem>>, vector<16xi32>,
    %shift_right_logical3A_225 = arith.constant 7 : i32
    %shift_right_logical3A_226 = vector.broadcast %shift_right_logical3A_225 : i32 to vector<16xi32>
    %shift_right_logical3A_227 = arith.shrui %get3A_222, %shift_right_logical3A_226 : vector<16xi32>
    %swap3A_228 = arith.constant 144 : index
    %swap3A_229 = tpu.vector_load %arg8[%swap3A_228] {strides = array<i32>} : memref<512xi32, #tpu.memory_space<vmem>>, vector<16xi32>,
    tpu.vector_store %arg8[%swap3A_228], %shift_right_logical3A_227 {strides = array<i32>} : memref<512xi32, #tpu.memory_space<vmem>>, vector<16xi32>,
    %shift_right_logical3A_230 = arith.constant 7 : i32
    %shift_right_logical3A_231 = vector.broadcast %shift_right_logical3A_230 : i32 to vector<16xi32>
    %shift_right_logical3A_232 = arith.shrui %get3A_224, %shift_right_logical3A_231 : vector<16xi32>
    %swap3A_233 = arith.constant 144 : index
    %swap3A_234 = tpu.vector_load %arg9[%swap3A_233] {strides = array<i32>} : memref<512xi32, #tpu.memory_space<vmem>>, vector<16xi32>,
    tpu.vector_store %arg9[%swap3A_233], %shift_right_logical3A_232 {strides = array<i32>} : memref<512xi32, #tpu.memory_space<vmem>>, vector<16xi32>,
    %and3A_235 = arith.constant 127 : i32
    %and3A_236 = vector.broadcast %and3A_235 : i32 to vector<16xi32>
    %and3A_237 = arith.andi %get3A_222, %and3A_236 : vector<16xi32>
    %swap3A_238 = arith.constant 144 : index
    %swap3A_239 = tpu.vector_load %arg10[%swap3A_238] {strides = array<i32>} : memref<512xi32, #tpu.memory_space<vmem>>, vector<16xi32>,
    tpu.vector_store %arg10[%swap3A_238], %and3A_237 {strides = array<i32>} : memref<512xi32, #tpu.memory_space<vmem>>, vector<16xi32>,
    %and3A_240 = arith.constant 127 : i32
    %and3A_241 = vector.broadcast %and3A_240 : i32 to vector<16xi32>
    %and3A_242 = arith.andi %get3A_224, %and3A_241 : vector<16xi32>
    %swap3A_243 = arith.constant 144 : index
    %swap3A_244 = tpu.vector_load %arg11[%swap3A_243] {strides = array<i32>} : memref<512xi32, #tpu.memory_space<vmem>>, vector<16xi32>,
    tpu.vector_store %arg11[%swap3A_243], %and3A_242 {strides = array<i32>} : memref<512xi32, #tpu.memory_space<vmem>>, vector<16xi32>,
    %get3A_245 = arith.constant 160 : index
    %get3A_246 = tpu.vector_load %arg8[%get3A_245] {strides = array<i32>} : memref<512xi32, #tpu.memory_space<vmem>>, vector<16xi32>,
    %get3A_247 = arith.constant 160 : index
    %get3A_248 = tpu.vector_load %arg9[%get3A_247] {strides = array<i32>} : memref<512xi32, #tpu.memory_space<vmem>>, vector<16xi32>,
    %shift_right_logical3A_249 = arith.constant 7 : i32
    %shift_right_logical3A_250 = vector.broadcast %shift_right_logical3A_249 : i32 to vector<16xi32>
    %shift_right_logical3A_251 = arith.shrui %get3A_246, %shift_right_logical3A_250 : vector<16xi32>
    %swap3A_252 = arith.constant 160 : index
    %swap3A_253 = tpu.vector_load %arg8[%swap3A_252] {strides = array<i32>} : memref<512xi32, #tpu.memory_space<vmem>>, vector<16xi32>,
    tpu.vector_store %arg8[%swap3A_252], %shift_right_logical3A_251 {strides = array<i32>} : memref<512xi32, #tpu.memory_space<vmem>>, vector<16xi32>,
    %shift_right_logical3A_254 = arith.constant 7 : i32
    %shift_right_logical3A_255 = vector.broadcast %shift_right_logical3A_254 : i32 to vector<16xi32>
    %shift_right_logical3A_256 = arith.shrui %get3A_248, %shift_right_logical3A_255 : vector<16xi32>
    %swap3A_257 = arith.constant 160 : index
    %swap3A_258 = tpu.vector_load %arg9[%swap3A_257] {strides = array<i32>} : memref<512xi32, #tpu.memory_space<vmem>>, vector<16xi32>,
    tpu.vector_store %arg9[%swap3A_257], %shift_right_logical3A_256 {strides = array<i32>} : memref<512xi32, #tpu.memory_space<vmem>>, vector<16xi32>,
    %and3A_259 = arith.constant 127 : i32
    %and3A_260 = vector.broadcast %and3A_259 : i32 to vector<16xi32>
    %and3A_261 = arith.andi %get3A_246, %and3A_260 : vector<16xi32>
    %swap3A_262 = arith.constant 160 : index
    %swap3A_263 = tpu.vector_load %arg10[%swap3A_262] {strides = array<i32>} : memref<512xi32, #tpu.memory_space<vmem>>, vector<16xi32>,
    tpu.vector_store %arg10[%swap3A_262], %and3A_261 {strides = array<i32>} : memref<512xi32, #tpu.memory_space<vmem>>, vector<16xi32>,
    %and3A_264 = arith.constant 127 : i32
    %and3A_265 = vector.broadcast %and3A_264 : i32 to vector<16xi32>
    %and3A_266 = arith.andi %get3A_248, %and3A_265 : vector<16xi32>
    %swap3A_267 = arith.constant 160 : index
    %swap3A_268 = tpu.vector_load %arg11[%swap3A_267] {strides = array<i32>} : memref<512xi32, #tpu.memory_space<vmem>>, vector<16xi32>,
    tpu.vector_store %arg11[%swap3A_267], %and3A_266 {strides = array<i32>} : memref<512xi32, #tpu.memory_space<vmem>>, vector<16xi32>,
    %get3A_269 = arith.constant 176 : index
    %get3A_270 = tpu.vector_load %arg8[%get3A_269] {strides = array<i32>} : memref<512xi32, #tpu.memory_space<vmem>>, vector<16xi32>,
    %get3A_271 = arith.constant 176 : index
    %get3A_272 = tpu.vector_load %arg9[%get3A_271] {strides = array<i32>} : memref<512xi32, #tpu.memory_space<vmem>>, vector<16xi32>,
    %shift_right_logical3A_273 = arith.constant 7 : i32
    %shift_right_logical3A_274 = vector.broadcast %shift_right_logical3A_273 : i32 to vector<16xi32>
    %shift_right_logical3A_275 = arith.shrui %get3A_270, %shift_right_logical3A_274 : vector<16xi32>
    %swap3A_276 = arith.constant 176 : index
    %swap3A_277 = tpu.vector_load %arg8[%swap3A_276] {strides = array<i32>} : memref<512xi32, #tpu.memory_space<vmem>>, vector<16xi32>,
    tpu.vector_store %arg8[%swap3A_276], %shift_right_logical3A_275 {strides = array<i32>} : memref<512xi32, #tpu.memory_space<vmem>>, vector<16xi32>,
    %shift_right_logical3A_278 = arith.constant 7 : i32
    %shift_right_logical3A_279 = vector.broadcast %shift_right_logical3A_278 : i32 to vector<16xi32>
    %shift_right_logical3A_280 = arith.shrui %get3A_272, %shift_right_logical3A_279 : vector<16xi32>
    %swap3A_281 = arith.constant 176 : index
    %swap3A_282 = tpu.vector_load %arg9[%swap3A_281] {strides = array<i32>} : memref<512xi32, #tpu.memory_space<vmem>>, vector<16xi32>,
    tpu.vector_store %arg9[%swap3A_281], %shift_right_logical3A_280 {strides = array<i32>} : memref<512xi32, #tpu.memory_space<vmem>>, vector<16xi32>,
    %and3A_283 = arith.constant 127 : i32
    %and3A_284 = vector.broadcast %and3A_283 : i32 to vector<16xi32>
    %and3A_285 = arith.andi %get3A_270, %and3A_284 : vector<16xi32>
    %swap3A_286 = arith.constant 176 : index
    %swap3A_287 = tpu.vector_load %arg10[%swap3A_286] {strides = array<i32>} : memref<512xi32, #tpu.memory_space<vmem>>, vector<16xi32>,
    tpu.vector_store %arg10[%swap3A_286], %and3A_285 {strides = array<i32>} : memref<512xi32, #tpu.memory_space<vmem>>, vector<16xi32>,
    %and3A_288 = arith.constant 127 : i32
    %and3A_289 = vector.broadcast %and3A_288 : i32 to vector<16xi32>
    %and3A_290 = arith.andi %get3A_272, %and3A_289 : vector<16xi32>
    %swap3A_291 = arith.constant 176 : index
    %swap3A_292 = tpu.vector_load %arg11[%swap3A_291] {strides = array<i32>} : memref<512xi32, #tpu.memory_space<vmem>>, vector<16xi32>,
    tpu.vector_store %arg11[%swap3A_291], %and3A_290 {strides = array<i32>} : memref<512xi32, #tpu.memory_space<vmem>>, vector<16xi32>,
    %get3A_293 = arith.constant 192 : index
    %get3A_294 = tpu.vector_load %arg8[%get3A_293] {strides = array<i32>} : memref<512xi32, #tpu.memory_space<vmem>>, vector<16xi32>,
    %get3A_295 = arith.constant 192 : index
    %get3A_296 = tpu.vector_load %arg9[%get3A_295] {strides = array<i32>} : memref<512xi32, #tpu.memory_space<vmem>>, vector<16xi32>,
    %shift_right_logical3A_297 = arith.constant 7 : i32
    %shift_right_logical3A_298 = vector.broadcast %shift_right_logical3A_297 : i32 to vector<16xi32>
    %shift_right_logical3A_299 = arith.shrui %get3A_294, %shift_right_logical3A_298 : vector<16xi32>
    %swap3A_300 = arith.constant 192 : index
    %swap3A_301 = tpu.vector_load %arg8[%swap3A_300] {strides = array<i32>} : memref<512xi32, #tpu.memory_space<vmem>>, vector<16xi32>,
    tpu.vector_store %arg8[%swap3A_300], %shift_right_logical3A_299 {strides = array<i32>} : memref<512xi32, #tpu.memory_space<vmem>>, vector<16xi32>,
    %shift_right_logical3A_302 = arith.constant 7 : i32
    %shift_right_logical3A_303 = vector.broadcast %shift_right_logical3A_302 : i32 to vector<16xi32>
    %shift_right_logical3A_304 = arith.shrui %get3A_296, %shift_right_logical3A_303 : vector<16xi32>
    %swap3A_305 = arith.constant 192 : index
    %swap3A_306 = tpu.vector_load %arg9[%swap3A_305] {strides = array<i32>} : memref<512xi32, #tpu.memory_space<vmem>>, vector<16xi32>,
    tpu.vector_store %arg9[%swap3A_305], %shift_right_logical3A_304 {strides = array<i32>} : memref<512xi32, #tpu.memory_space<vmem>>, vector<16xi32>,
    %and3A_307 = arith.constant 127 : i32
    %and3A_308 = vector.broadcast %and3A_307 : i32 to vector<16xi32>
    %and3A_309 = arith.andi %get3A_294, %and3A_308 : vector<16xi32>
    %swap3A_310 = arith.constant 192 : index
    %swap3A_311 = tpu.vector_load %arg10[%swap3A_310] {strides = array<i32>} : memref<512xi32, #tpu.memory_space<vmem>>, vector<16xi32>,
    tpu.vector_store %arg10[%swap3A_310], %and3A_309 {strides = array<i32>} : memref<512xi32, #tpu.memory_space<vmem>>, vector<16xi32>,
    %and3A_312 = arith.constant 127 : i32
    %and3A_313 = vector.broadcast %and3A_312 : i32 to vector<16xi32>
    %and3A_314 = arith.andi %get3A_296, %and3A_313 : vector<16xi32>
    %swap3A_315 = arith.constant 192 : index
    %swap3A_316 = tpu.vector_load %arg11[%swap3A_315] {strides = array<i32>} : memref<512xi32, #tpu.memory_space<vmem>>, vector<16xi32>,
    tpu.vector_store %arg11[%swap3A_315], %and3A_314 {strides = array<i32>} : memref<512xi32, #tpu.memory_space<vmem>>, vector<16xi32>,
    %get3A_317 = arith.constant 208 : index
    %get3A_318 = tpu.vector_load %arg8[%get3A_317] {strides = array<i32>} : memref<512xi32, #tpu.memory_space<vmem>>, vector<16xi32>,
    %get3A_319 = arith.constant 208 : index
    %get3A_320 = tpu.vector_load %arg9[%get3A_319] {strides = array<i32>} : memref<512xi32, #tpu.memory_space<vmem>>, vector<16xi32>,
    %shift_right_logical3A_321 = arith.constant 7 : i32
    %shift_right_logical3A_322 = vector.broadcast %shift_right_logical3A_321 : i32 to vector<16xi32>
    %shift_right_logical3A_323 = arith.shrui %get3A_318, %shift_right_logical3A_322 : vector<16xi32>
    %swap3A_324 = arith.constant 208 : index
    %swap3A_325 = tpu.vector_load %arg8[%swap3A_324] {strides = array<i32>} : memref<512xi32, #tpu.memory_space<vmem>>, vector<16xi32>,
    tpu.vector_store %arg8[%swap3A_324], %shift_right_logical3A_323 {strides = array<i32>} : memref<512xi32, #tpu.memory_space<vmem>>, vector<16xi32>,
    %shift_right_logical3A_326 = arith.constant 7 : i32
    %shift_right_logical3A_327 = vector.broadcast %shift_right_logical3A_326 : i32 to vector<16xi32>
    %shift_right_logical3A_328 = arith.shrui %get3A_320, %shift_right_logical3A_327 : vector<16xi32>
    %swap3A_329 = arith.constant 208 : index
    %swap3A_330 = tpu.vector_load %arg9[%swap3A_329] {strides = array<i32>} : memref<512xi32, #tpu.memory_space<vmem>>, vector<16xi32>,
    tpu.vector_store %arg9[%swap3A_329], %shift_right_logical3A_328 {strides = array<i32>} : memref<512xi32, #tpu.memory_space<vmem>>, vector<16xi32>,
    %and3A_331 = arith.constant 127 : i32
    %and3A_332 = vector.broadcast %and3A_331 : i32 to vector<16xi32>
    %and3A_333 = arith.andi %get3A_318, %and3A_332 : vector<16xi32>
    %swap3A_334 = arith.constant 208 : index
    %swap3A_335 = tpu.vector_load %arg10[%swap3A_334] {strides = array<i32>} : memref<512xi32, #tpu.memory_space<vmem>>, vector<16xi32>,
    tpu.vector_store %arg10[%swap3A_334], %and3A_333 {strides = array<i32>} : memref<512xi32, #tpu.memory_space<vmem>>, vector<16xi32>,
    %and3A_336 = arith.constant 127 : i32
    %and3A_337 = vector.broadcast %and3A_336 : i32 to vector<16xi32>
    %and3A_338 = arith.andi %get3A_320, %and3A_337 : vector<16xi32>
    %swap3A_339 = arith.constant 208 : index
    %swap3A_340 = tpu.vector_load %arg11[%swap3A_339] {strides = array<i32>} : memref<512xi32, #tpu.memory_space<vmem>>, vector<16xi32>,
    tpu.vector_store %arg11[%swap3A_339], %and3A_338 {strides = array<i32>} : memref<512xi32, #tpu.memory_space<vmem>>, vector<16xi32>,
    %get3A_341 = arith.constant 224 : index
    %get3A_342 = tpu.vector_load %arg8[%get3A_341] {strides = array<i32>} : memref<512xi32, #tpu.memory_space<vmem>>, vector<16xi32>,
    %get3A_343 = arith.constant 224 : index
    %get3A_344 = tpu.vector_load %arg9[%get3A_343] {strides = array<i32>} : memref<512xi32, #tpu.memory_space<vmem>>, vector<16xi32>,
    %shift_right_logical3A_345 = arith.constant 7 : i32
    %shift_right_logical3A_346 = vector.broadcast %shift_right_logical3A_345 : i32 to vector<16xi32>
    %shift_right_logical3A_347 = arith.shrui %get3A_342, %shift_right_logical3A_346 : vector<16xi32>
    %swap3A_348 = arith.constant 224 : index
    %swap3A_349 = tpu.vector_load %arg8[%swap3A_348] {strides = array<i32>} : memref<512xi32, #tpu.memory_space<vmem>>, vector<16xi32>,
    tpu.vector_store %arg8[%swap3A_348], %shift_right_logical3A_347 {strides = array<i32>} : memref<512xi32, #tpu.memory_space<vmem>>, vector<16xi32>,
    %shift_right_logical3A_350 = arith.constant 7 : i32
    %shift_right_logical3A_351 = vector.broadcast %shift_right_logical3A_350 : i32 to vector<16xi32>
    %shift_right_logical3A_352 = arith.shrui %get3A_344, %shift_right_logical3A_351 : vector<16xi32>
    %swap3A_353 = arith.constant 224 : index
    %swap3A_354 = tpu.vector_load %arg9[%swap3A_353] {strides = array<i32>} : memref<512xi32, #tpu.memory_space<vmem>>, vector<16xi32>,
    tpu.vector_store %arg9[%swap3A_353], %shift_right_logical3A_352 {strides = array<i32>} : memref<512xi32, #tpu.memory_space<vmem>>, vector<16xi32>,
    %and3A_355 = arith.constant 127 : i32
    %and3A_356 = vector.broadcast %and3A_355 : i32 to vector<16xi32>
    %and3A_357 = arith.andi %get3A_342, %and3A_356 : vector<16xi32>
    %swap3A_358 = arith.constant 224 : index
    %swap3A_359 = tpu.vector_load %arg10[%swap3A_358] {strides = array<i32>} : memref<512xi32, #tpu.memory_space<vmem>>, vector<16xi32>,
    tpu.vector_store %arg10[%swap3A_358], %and3A_357 {strides = array<i32>} : memref<512xi32, #tpu.memory_space<vmem>>, vector<16xi32>,
    %and3A_360 = arith.constant 127 : i32
    %and3A_361 = vector.broadcast %and3A_360 : i32 to vector<16xi32>
    %and3A_362 = arith.andi %get3A_344, %and3A_361 : vector<16xi32>
    %swap3A_363 = arith.constant 224 : index
    %swap3A_364 = tpu.vector_load %arg11[%swap3A_363] {strides = array<i32>} : memref<512xi32, #tpu.memory_space<vmem>>, vector<16xi32>,
    tpu.vector_store %arg11[%swap3A_363], %and3A_362 {strides = array<i32>} : memref<512xi32, #tpu.memory_space<vmem>>, vector<16xi32>,
    %get3A_365 = arith.constant 240 : index
    %get3A_366 = tpu.vector_load %arg8[%get3A_365] {strides = array<i32>} : memref<512xi32, #tpu.memory_space<vmem>>, vector<16xi32>,
    %get3A_367 = arith.constant 240 : index
    %get3A_368 = tpu.vector_load %arg9[%get3A_367] {strides = array<i32>} : memref<512xi32, #tpu.memory_space<vmem>>, vector<16xi32>,
    %shift_right_logical3A_369 = arith.constant 7 : i32
    %shift_right_logical3A_370 = vector.broadcast %shift_right_logical3A_369 : i32 to vector<16xi32>
    %shift_right_logical3A_371 = arith.shrui %get3A_366, %shift_right_logical3A_370 : vector<16xi32>
    %swap3A_372 = arith.constant 240 : index
    %swap3A_373 = tpu.vector_load %arg8[%swap3A_372] {strides = array<i32>} : memref<512xi32, #tpu.memory_space<vmem>>, vector<16xi32>,
    tpu.vector_store %arg8[%swap3A_372], %shift_right_logical3A_371 {strides = array<i32>} : memref<512xi32, #tpu.memory_space<vmem>>, vector<16xi32>,
    %shift_right_logical3A_374 = arith.constant 7 : i32
    %shift_right_logical3A_375 = vector.broadcast %shift_right_logical3A_374 : i32 to vector<16xi32>
    %shift_right_logical3A_376 = arith.shrui %get3A_368, %shift_right_logical3A_375 : vector<16xi32>
    %swap3A_377 = arith.constant 240 : index
    %swap3A_378 = tpu.vector_load %arg9[%swap3A_377] {strides = array<i32>} : memref<512xi32, #tpu.memory_space<vmem>>, vector<16xi32>,
    tpu.vector_store %arg9[%swap3A_377], %shift_right_logical3A_376 {strides = array<i32>} : memref<512xi32, #tpu.memory_space<vmem>>, vector<16xi32>,
    %and3A_379 = arith.constant 127 : i32
    %and3A_380 = vector.broadcast %and3A_379 : i32 to vector<16xi32>
    %and3A_381 = arith.andi %get3A_366, %and3A_380 : vector<16xi32>
    %swap3A_382 = arith.constant 240 : index
    %swap3A_383 = tpu.vector_load %arg10[%swap3A_382] {strides = array<i32>} : memref<512xi32, #tpu.memory_space<vmem>>, vector<16xi32>,
    tpu.vector_store %arg10[%swap3A_382], %and3A_381 {strides = array<i32>} : memref<512xi32, #tpu.memory_space<vmem>>, vector<16xi32>,
    %and3A_384 = arith.constant 127 : i32
    %and3A_385 = vector.broadcast %and3A_384 : i32 to vector<16xi32>
    %and3A_386 = arith.andi %get3A_368, %and3A_385 : vector<16xi32>
    %swap3A_387 = arith.constant 240 : index
    %swap3A_388 = tpu.vector_load %arg11[%swap3A_387] {strides = array<i32>} : memref<512xi32, #tpu.memory_space<vmem>>, vector<16xi32>,
    tpu.vector_store %arg11[%swap3A_387], %and3A_386 {strides = array<i32>} : memref<512xi32, #tpu.memory_space<vmem>>, vector<16xi32>,
    %get3A_389 = arith.constant 256 : index
    %get3A_390 = tpu.vector_load %arg8[%get3A_389] {strides = array<i32>} : memref<512xi32, #tpu.memory_space<vmem>>, vector<16xi32>,
    %get3A_391 = arith.constant 256 : index
    %get3A_392 = tpu.vector_load %arg9[%get3A_391] {strides = array<i32>} : memref<512xi32, #tpu.memory_space<vmem>>, vector<16xi32>,
    %shift_right_logical3A_393 = arith.constant 7 : i32
    %shift_right_logical3A_394 = vector.broadcast %shift_right_logical3A_393 : i32 to vector<16xi32>
    %shift_right_logical3A_395 = arith.shrui %get3A_390, %shift_right_logical3A_394 : vector<16xi32>
    %swap3A_396 = arith.constant 256 : index
    %swap3A_397 = tpu.vector_load %arg8[%swap3A_396] {strides = array<i32>} : memref<512xi32, #tpu.memory_space<vmem>>, vector<16xi32>,
    tpu.vector_store %arg8[%swap3A_396], %shift_right_logical3A_395 {strides = array<i32>} : memref<512xi32, #tpu.memory_space<vmem>>, vector<16xi32>,
    %shift_right_logical3A_398 = arith.constant 7 : i32
    %shift_right_logical3A_399 = vector.broadcast %shift_right_logical3A_398 : i32 to vector<16xi32>
    %shift_right_logical3A_400 = arith.shrui %get3A_392, %shift_right_logical3A_399 : vector<16xi32>
    %swap3A_401 = arith.constant 256 : index
    %swap3A_402 = tpu.vector_load %arg9[%swap3A_401] {strides = array<i32>} : memref<512xi32, #tpu.memory_space<vmem>>, vector<16xi32>,
    tpu.vector_store %arg9[%swap3A_401], %shift_right_logical3A_400 {strides = array<i32>} : memref<512xi32, #tpu.memory_space<vmem>>, vector<16xi32>,
    %and3A_403 = arith.constant 127 : i32
    %and3A_404 = vector.broadcast %and3A_403 : i32 to vector<16xi32>
    %and3A_405 = arith.andi %get3A_390, %and3A_404 : vector<16xi32>
    %swap3A_406 = arith.constant 256 : index
    %swap3A_407 = tpu.vector_load %arg10[%swap3A_406] {strides = array<i32>} : memref<512xi32, #tpu.memory_space<vmem>>, vector<16xi32>,
    tpu.vector_store %arg10[%swap3A_406], %and3A_405 {strides = array<i32>} : memref<512xi32, #tpu.memory_space<vmem>>, vector<16xi32>,
    %and3A_408 = arith.constant 127 : i32
    %and3A_409 = vector.broadcast %and3A_408 : i32 to vector<16xi32>
    %and3A_410 = arith.andi %get3A_392, %and3A_409 : vector<16xi32>
    %swap3A_411 = arith.constant 256 : index
    %swap3A_412 = tpu.vector_load %arg11[%swap3A_411] {strides = array<i32>} : memref<512xi32, #tpu.memory_space<vmem>>, vector<16xi32>,
    tpu.vector_store %arg11[%swap3A_411], %and3A_410 {strides = array<i32>} : memref<512xi32, #tpu.memory_space<vmem>>, vector<16xi32>,
    %get3A_413 = arith.constant 272 : index
    %get3A_414 = tpu.vector_load %arg8[%get3A_413] {strides = array<i32>} : memref<512xi32, #tpu.memory_space<vmem>>, vector<16xi32>,
    %get3A_415 = arith.constant 272 : index
    %get3A_416 = tpu.vector_load %arg9[%get3A_415] {strides = array<i32>} : memref<512xi32, #tpu.memory_space<vmem>>, vector<16xi32>,
    %shift_right_logical3A_417 = arith.constant 7 : i32
    %shift_right_logical3A_418 = vector.broadcast %shift_right_logical3A_417 : i32 to vector<16xi32>
    %shift_right_logical3A_419 = arith.shrui %get3A_414, %shift_right_logical3A_418 : vector<16xi32>
    %swap3A_420 = arith.constant 272 : index
    %swap3A_421 = tpu.vector_load %arg8[%swap3A_420] {strides = array<i32>} : memref<512xi32, #tpu.memory_space<vmem>>, vector<16xi32>,
    tpu.vector_store %arg8[%swap3A_420], %shift_right_logical3A_419 {strides = array<i32>} : memref<512xi32, #tpu.memory_space<vmem>>, vector<16xi32>,
    %shift_right_logical3A_422 = arith.constant 7 : i32
    %shift_right_logical3A_423 = vector.broadcast %shift_right_logical3A_422 : i32 to vector<16xi32>
    %shift_right_logical3A_424 = arith.shrui %get3A_416, %shift_right_logical3A_423 : vector<16xi32>
    %swap3A_425 = arith.constant 272 : index
    %swap3A_426 = tpu.vector_load %arg9[%swap3A_425] {strides = array<i32>} : memref<512xi32, #tpu.memory_space<vmem>>, vector<16xi32>,
    tpu.vector_store %arg9[%swap3A_425], %shift_right_logical3A_424 {strides = array<i32>} : memref<512xi32, #tpu.memory_space<vmem>>, vector<16xi32>,
    %and3A_427 = arith.constant 127 : i32
    %and3A_428 = vector.broadcast %and3A_427 : i32 to vector<16xi32>
    %and3A_429 = arith.andi %get3A_414, %and3A_428 : vector<16xi32>
    %swap3A_430 = arith.constant 272 : index
    %swap3A_431 = tpu.vector_load %arg10[%swap3A_430] {strides = array<i32>} : memref<512xi32, #tpu.memory_space<vmem>>, vector<16xi32>,
    tpu.vector_store %arg10[%swap3A_430], %and3A_429 {strides = array<i32>} : memref<512xi32, #tpu.memory_space<vmem>>, vector<16xi32>,
    %and3A_432 = arith.constant 127 : i32
    %and3A_433 = vector.broadcast %and3A_432 : i32 to vector<16xi32>
    %and3A_434 = arith.andi %get3A_416, %and3A_433 : vector<16xi32>
    %swap3A_435 = arith.constant 272 : index
    %swap3A_436 = tpu.vector_load %arg11[%swap3A_435] {strides = array<i32>} : memref<512xi32, #tpu.memory_space<vmem>>, vector<16xi32>,
    tpu.vector_store %arg11[%swap3A_435], %and3A_434 {strides = array<i32>} : memref<512xi32, #tpu.memory_space<vmem>>, vector<16xi32>,
    %get3A_437 = arith.constant 288 : index
    %get3A_438 = tpu.vector_load %arg8[%get3A_437] {strides = array<i32>} : memref<512xi32, #tpu.memory_space<vmem>>, vector<16xi32>,
    %get3A_439 = arith.constant 288 : index
    %get3A_440 = tpu.vector_load %arg9[%get3A_439] {strides = array<i32>} : memref<512xi32, #tpu.memory_space<vmem>>, vector<16xi32>,
    %shift_right_logical3A_441 = arith.constant 7 : i32
    %shift_right_logical3A_442 = vector.broadcast %shift_right_logical3A_441 : i32 to vector<16xi32>
    %shift_right_logical3A_443 = arith.shrui %get3A_438, %shift_right_logical3A_442 : vector<16xi32>
    %swap3A_444 = arith.constant 288 : index
    %swap3A_445 = tpu.vector_load %arg8[%swap3A_444] {strides = array<i32>} : memref<512xi32, #tpu.memory_space<vmem>>, vector<16xi32>,
    tpu.vector_store %arg8[%swap3A_444], %shift_right_logical3A_443 {strides = array<i32>} : memref<512xi32, #tpu.memory_space<vmem>>, vector<16xi32>,
    %shift_right_logical3A_446 = arith.constant 7 : i32
    %shift_right_logical3A_447 = vector.broadcast %shift_right_logical3A_446 : i32 to vector<16xi32>
    %shift_right_logical3A_448 = arith.shrui %get3A_440, %shift_right_logical3A_447 : vector<16xi32>
    %swap3A_449 = arith.constant 288 : index
    %swap3A_450 = tpu.vector_load %arg9[%swap3A_449] {strides = array<i32>} : memref<512xi32, #tpu.memory_space<vmem>>, vector<16xi32>,
    tpu.vector_store %arg9[%swap3A_449], %shift_right_logical3A_448 {strides = array<i32>} : memref<512xi32, #tpu.memory_space<vmem>>, vector<16xi32>,
    %and3A_451 = arith.constant 127 : i32
    %and3A_452 = vector.broadcast %and3A_451 : i32 to vector<16xi32>
    %and3A_453 = arith.andi %get3A_438, %and3A_452 : vector<16xi32>
    %swap3A_454 = arith.constant 288 : index
    %swap3A_455 = tpu.vector_load %arg10[%swap3A_454] {strides = array<i32>} : memref<512xi32, #tpu.memory_space<vmem>>, vector<16xi32>,
    tpu.vector_store %arg10[%swap3A_454], %and3A_453 {strides = array<i32>} : memref<512xi32, #tpu.memory_space<vmem>>, vector<16xi32>,
    %and3A_456 = arith.constant 127 : i32
    %and3A_457 = vector.broadcast %and3A_456 : i32 to vector<16xi32>
    %and3A_458 = arith.andi %get3A_440, %and3A_457 : vector<16xi32>
    %swap3A_459 = arith.constant 288 : index
    %swap3A_460 = tpu.vector_load %arg11[%swap3A_459] {strides = array<i32>} : memref<512xi32, #tpu.memory_space<vmem>>, vector<16xi32>,
    tpu.vector_store %arg11[%swap3A_459], %and3A_458 {strides = array<i32>} : memref<512xi32, #tpu.memory_space<vmem>>, vector<16xi32>,
    %get3A_461 = arith.constant 304 : index
    %get3A_462 = tpu.vector_load %arg8[%get3A_461] {strides = array<i32>} : memref<512xi32, #tpu.memory_space<vmem>>, vector<16xi32>,
    %get3A_463 = arith.constant 304 : index
    %get3A_464 = tpu.vector_load %arg9[%get3A_463] {strides = array<i32>} : memref<512xi32, #tpu.memory_space<vmem>>, vector<16xi32>,
    %shift_right_logical3A_465 = arith.constant 7 : i32
    %shift_right_logical3A_466 = vector.broadcast %shift_right_logical3A_465 : i32 to vector<16xi32>
    %shift_right_logical3A_467 = arith.shrui %get3A_462, %shift_right_logical3A_466 : vector<16xi32>
    %swap3A_468 = arith.constant 304 : index
    %swap3A_469 = tpu.vector_load %arg8[%swap3A_468] {strides = array<i32>} : memref<512xi32, #tpu.memory_space<vmem>>, vector<16xi32>,
    tpu.vector_store %arg8[%swap3A_468], %shift_right_logical3A_467 {strides = array<i32>} : memref<512xi32, #tpu.memory_space<vmem>>, vector<16xi32>,
    %shift_right_logical3A_470 = arith.constant 7 : i32
    %shift_right_logical3A_471 = vector.broadcast %shift_right_logical3A_470 : i32 to vector<16xi32>
    %shift_right_logical3A_472 = arith.shrui %get3A_464, %shift_right_logical3A_471 : vector<16xi32>
    %swap3A_473 = arith.constant 304 : index
    %swap3A_474 = tpu.vector_load %arg9[%swap3A_473] {strides = array<i32>} : memref<512xi32, #tpu.memory_space<vmem>>, vector<16xi32>,
    tpu.vector_store %arg9[%swap3A_473], %shift_right_logical3A_472 {strides = array<i32>} : memref<512xi32, #tpu.memory_space<vmem>>, vector<16xi32>,
    %and3A_475 = arith.constant 127 : i32
    %and3A_476 = vector.broadcast %and3A_475 : i32 to vector<16xi32>
    %and3A_477 = arith.andi %get3A_462, %and3A_476 : vector<16xi32>
    %swap3A_478 = arith.constant 304 : index
    %swap3A_479 = tpu.vector_load %arg10[%swap3A_478] {strides = array<i32>} : memref<512xi32, #tpu.memory_space<vmem>>, vector<16xi32>,
    tpu.vector_store %arg10[%swap3A_478], %and3A_477 {strides = array<i32>} : memref<512xi32, #tpu.memory_space<vmem>>, vector<16xi32>,
    %and3A_480 = arith.constant 127 : i32
    %and3A_481 = vector.broadcast %and3A_480 : i32 to vector<16xi32>
    %and3A_482 = arith.andi %get3A_464, %and3A_481 : vector<16xi32>
    %swap3A_483 = arith.constant 304 : index
    %swap3A_484 = tpu.vector_load %arg11[%swap3A_483] {strides = array<i32>} : memref<512xi32, #tpu.memory_space<vmem>>, vector<16xi32>,
    tpu.vector_store %arg11[%swap3A_483], %and3A_482 {strides = array<i32>} : memref<512xi32, #tpu.memory_space<vmem>>, vector<16xi32>,
    %get3A_485 = arith.constant 320 : index
    %get3A_486 = tpu.vector_load %arg8[%get3A_485] {strides = array<i32>} : memref<512xi32, #tpu.memory_space<vmem>>, vector<16xi32>,
    %get3A_487 = arith.constant 320 : index
    %get3A_488 = tpu.vector_load %arg9[%get3A_487] {strides = array<i32>} : memref<512xi32, #tpu.memory_space<vmem>>, vector<16xi32>,
    %shift_right_logical3A_489 = arith.constant 7 : i32
    %shift_right_logical3A_490 = vector.broadcast %shift_right_logical3A_489 : i32 to vector<16xi32>
    %shift_right_logical3A_491 = arith.shrui %get3A_486, %shift_right_logical3A_490 : vector<16xi32>
    %swap3A_492 = arith.constant 320 : index
    %swap3A_493 = tpu.vector_load %arg8[%swap3A_492] {strides = array<i32>} : memref<512xi32, #tpu.memory_space<vmem>>, vector<16xi32>,
    tpu.vector_store %arg8[%swap3A_492], %shift_right_logical3A_491 {strides = array<i32>} : memref<512xi32, #tpu.memory_space<vmem>>, vector<16xi32>,
    %shift_right_logical3A_494 = arith.constant 7 : i32
    %shift_right_logical3A_495 = vector.broadcast %shift_right_logical3A_494 : i32 to vector<16xi32>
    %shift_right_logical3A_496 = arith.shrui %get3A_488, %shift_right_logical3A_495 : vector<16xi32>
    %swap3A_497 = arith.constant 320 : index
    %swap3A_498 = tpu.vector_load %arg9[%swap3A_497] {strides = array<i32>} : memref<512xi32, #tpu.memory_space<vmem>>, vector<16xi32>,
    tpu.vector_store %arg9[%swap3A_497], %shift_right_logical3A_496 {strides = array<i32>} : memref<512xi32, #tpu.memory_space<vmem>>, vector<16xi32>,
    %and3A_499 = arith.constant 127 : i32
    %and3A_500 = vector.broadcast %and3A_499 : i32 to vector<16xi32>
    %and3A_501 = arith.andi %get3A_486, %and3A_500 : vector<16xi32>
    %swap3A_502 = arith.constant 320 : index
    %swap3A_503 = tpu.vector_load %arg10[%swap3A_502] {strides = array<i32>} : memref<512xi32, #tpu.memory_space<vmem>>, vector<16xi32>,
    tpu.vector_store %arg10[%swap3A_502], %and3A_501 {strides = array<i32>} : memref<512xi32, #tpu.memory_space<vmem>>, vector<16xi32>,
    %and3A_504 = arith.constant 127 : i32
    %and3A_505 = vector.broadcast %and3A_504 : i32 to vector<16xi32>
    %and3A_506 = arith.andi %get3A_488, %and3A_505 : vector<16xi32>
    %swap3A_507 = arith.constant 320 : index
    %swap3A_508 = tpu.vector_load %arg11[%swap3A_507] {strides = array<i32>} : memref<512xi32, #tpu.memory_space<vmem>>, vector<16xi32>,
    tpu.vector_store %arg11[%swap3A_507], %and3A_506 {strides = array<i32>} : memref<512xi32, #tpu.memory_space<vmem>>, vector<16xi32>,
    %get3A_509 = arith.constant 336 : index
    %get3A_510 = tpu.vector_load %arg8[%get3A_509] {strides = array<i32>} : memref<512xi32, #tpu.memory_space<vmem>>, vector<16xi32>,
    %get3A_511 = arith.constant 336 : index
    %get3A_512 = tpu.vector_load %arg9[%get3A_511] {strides = array<i32>} : memref<512xi32, #tpu.memory_space<vmem>>, vector<16xi32>,
    %shift_right_logical3A_513 = arith.constant 7 : i32
    %shift_right_logical3A_514 = vector.broadcast %shift_right_logical3A_513 : i32 to vector<16xi32>
    %shift_right_logical3A_515 = arith.shrui %get3A_510, %shift_right_logical3A_514 : vector<16xi32>
    %swap3A_516 = arith.constant 336 : index
    %swap3A_517 = tpu.vector_load %arg8[%swap3A_516] {strides = array<i32>} : memref<512xi32, #tpu.memory_space<vmem>>, vector<16xi32>,
    tpu.vector_store %arg8[%swap3A_516], %shift_right_logical3A_515 {strides = array<i32>} : memref<512xi32, #tpu.memory_space<vmem>>, vector<16xi32>,
    %shift_right_logical3A_518 = arith.constant 7 : i32
    %shift_right_logical3A_519 = vector.broadcast %shift_right_logical3A_518 : i32 to vector<16xi32>
    %shift_right_logical3A_520 = arith.shrui %get3A_512, %shift_right_logical3A_519 : vector<16xi32>
    %swap3A_521 = arith.constant 336 : index
    %swap3A_522 = tpu.vector_load %arg9[%swap3A_521] {strides = array<i32>} : memref<512xi32, #tpu.memory_space<vmem>>, vector<16xi32>,
    tpu.vector_store %arg9[%swap3A_521], %shift_right_logical3A_520 {strides = array<i32>} : memref<512xi32, #tpu.memory_space<vmem>>, vector<16xi32>,
    %and3A_523 = arith.constant 127 : i32
    %and3A_524 = vector.broadcast %and3A_523 : i32 to vector<16xi32>
    %and3A_525 = arith.andi %get3A_510, %and3A_524 : vector<16xi32>
    %swap3A_526 = arith.constant 336 : index
    %swap3A_527 = tpu.vector_load %arg10[%swap3A_526] {strides = array<i32>} : memref<512xi32, #tpu.memory_space<vmem>>, vector<16xi32>,
    tpu.vector_store %arg10[%swap3A_526], %and3A_525 {strides = array<i32>} : memref<512xi32, #tpu.memory_space<vmem>>, vector<16xi32>,
    %and3A_528 = arith.constant 127 : i32
    %and3A_529 = vector.broadcast %and3A_528 : i32 to vector<16xi32>
    %and3A_530 = arith.andi %get3A_512, %and3A_529 : vector<16xi32>
    %swap3A_531 = arith.constant 336 : index
    %swap3A_532 = tpu.vector_load %arg11[%swap3A_531] {strides = array<i32>} : memref<512xi32, #tpu.memory_space<vmem>>, vector<16xi32>,
    tpu.vector_store %arg11[%swap3A_531], %and3A_530 {strides = array<i32>} : memref<512xi32, #tpu.memory_space<vmem>>, vector<16xi32>,
    %get3A_533 = arith.constant 352 : index
    %get3A_534 = tpu.vector_load %arg8[%get3A_533] {strides = array<i32>} : memref<512xi32, #tpu.memory_space<vmem>>, vector<16xi32>,
    %get3A_535 = arith.constant 352 : index
    %get3A_536 = tpu.vector_load %arg9[%get3A_535] {strides = array<i32>} : memref<512xi32, #tpu.memory_space<vmem>>, vector<16xi32>,
    %shift_right_logical3A_537 = arith.constant 7 : i32
    %shift_right_logical3A_538 = vector.broadcast %shift_right_logical3A_537 : i32 to vector<16xi32>
    %shift_right_logical3A_539 = arith.shrui %get3A_534, %shift_right_logical3A_538 : vector<16xi32>
    %swap3A_540 = arith.constant 352 : index
    %swap3A_541 = tpu.vector_load %arg8[%swap3A_540] {strides = array<i32>} : memref<512xi32, #tpu.memory_space<vmem>>, vector<16xi32>,
    tpu.vector_store %arg8[%swap3A_540], %shift_right_logical3A_539 {strides = array<i32>} : memref<512xi32, #tpu.memory_space<vmem>>, vector<16xi32>,
    %shift_right_logical3A_542 = arith.constant 7 : i32
    %shift_right_logical3A_543 = vector.broadcast %shift_right_logical3A_542 : i32 to vector<16xi32>
    %shift_right_logical3A_544 = arith.shrui %get3A_536, %shift_right_logical3A_543 : vector<16xi32>
    %swap3A_545 = arith.constant 352 : index
    %swap3A_546 = tpu.vector_load %arg9[%swap3A_545] {strides = array<i32>} : memref<512xi32, #tpu.memory_space<vmem>>, vector<16xi32>,
    tpu.vector_store %arg9[%swap3A_545], %shift_right_logical3A_544 {strides = array<i32>} : memref<512xi32, #tpu.memory_space<vmem>>, vector<16xi32>,
    %and3A_547 = arith.constant 127 : i32
    %and3A_548 = vector.broadcast %and3A_547 : i32 to vector<16xi32>
    %and3A_549 = arith.andi %get3A_534, %and3A_548 : vector<16xi32>
    %swap3A_550 = arith.constant 352 : index
    %swap3A_551 = tpu.vector_load %arg10[%swap3A_550] {strides = array<i32>} : memref<512xi32, #tpu.memory_space<vmem>>, vector<16xi32>,
    tpu.vector_store %arg10[%swap3A_550], %and3A_549 {strides = array<i32>} : memref<512xi32, #tpu.memory_space<vmem>>, vector<16xi32>,
    %and3A_552 = arith.constant 127 : i32
    %and3A_553 = vector.broadcast %and3A_552 : i32 to vector<16xi32>
    %and3A_554 = arith.andi %get3A_536, %and3A_553 : vector<16xi32>
    %swap3A_555 = arith.constant 352 : index
    %swap3A_556 = tpu.vector_load %arg11[%swap3A_555] {strides = array<i32>} : memref<512xi32, #tpu.memory_space<vmem>>, vector<16xi32>,
    tpu.vector_store %arg11[%swap3A_555], %and3A_554 {strides = array<i32>} : memref<512xi32, #tpu.memory_space<vmem>>, vector<16xi32>,
    %get3A_557 = arith.constant 368 : index
    %get3A_558 = tpu.vector_load %arg8[%get3A_557] {strides = array<i32>} : memref<512xi32, #tpu.memory_space<vmem>>, vector<16xi32>,
    %get3A_559 = arith.constant 368 : index
    %get3A_560 = tpu.vector_load %arg9[%get3A_559] {strides = array<i32>} : memref<512xi32, #tpu.memory_space<vmem>>, vector<16xi32>,
    %shift_right_logical3A_561 = arith.constant 7 : i32
    %shift_right_logical3A_562 = vector.broadcast %shift_right_logical3A_561 : i32 to vector<16xi32>
    %shift_right_logical3A_563 = arith.shrui %get3A_558, %shift_right_logical3A_562 : vector<16xi32>
    %swap3A_564 = arith.constant 368 : index
    %swap3A_565 = tpu.vector_load %arg8[%swap3A_564] {strides = array<i32>} : memref<512xi32, #tpu.memory_space<vmem>>, vector<16xi32>,
    tpu.vector_store %arg8[%swap3A_564], %shift_right_logical3A_563 {strides = array<i32>} : memref<512xi32, #tpu.memory_space<vmem>>, vector<16xi32>,
    %shift_right_logical3A_566 = arith.constant 7 : i32
    %shift_right_logical3A_567 = vector.broadcast %shift_right_logical3A_566 : i32 to vector<16xi32>
    %shift_right_logical3A_568 = arith.shrui %get3A_560, %shift_right_logical3A_567 : vector<16xi32>
    %swap3A_569 = arith.constant 368 : index
    %swap3A_570 = tpu.vector_load %arg9[%swap3A_569] {strides = array<i32>} : memref<512xi32, #tpu.memory_space<vmem>>, vector<16xi32>,
    tpu.vector_store %arg9[%swap3A_569], %shift_right_logical3A_568 {strides = array<i32>} : memref<512xi32, #tpu.memory_space<vmem>>, vector<16xi32>,
    %and3A_571 = arith.constant 127 : i32
    %and3A_572 = vector.broadcast %and3A_571 : i32 to vector<16xi32>
    %and3A_573 = arith.andi %get3A_558, %and3A_572 : vector<16xi32>
    %swap3A_574 = arith.constant 368 : index
    %swap3A_575 = tpu.vector_load %arg10[%swap3A_574] {strides = array<i32>} : memref<512xi32, #tpu.memory_space<vmem>>, vector<16xi32>,
    tpu.vector_store %arg10[%swap3A_574], %and3A_573 {strides = array<i32>} : memref<512xi32, #tpu.memory_space<vmem>>, vector<16xi32>,
    %and3A_576 = arith.constant 127 : i32
    %and3A_577 = vector.broadcast %and3A_576 : i32 to vector<16xi32>
    %and3A_578 = arith.andi %get3A_560, %and3A_577 : vector<16xi32>
    %swap3A_579 = arith.constant 368 : index
    %swap3A_580 = tpu.vector_load %arg11[%swap3A_579] {strides = array<i32>} : memref<512xi32, #tpu.memory_space<vmem>>, vector<16xi32>,
    tpu.vector_store %arg11[%swap3A_579], %and3A_578 {strides = array<i32>} : memref<512xi32, #tpu.memory_space<vmem>>, vector<16xi32>,
    %get3A_581 = arith.constant 384 : index
    %get3A_582 = tpu.vector_load %arg8[%get3A_581] {strides = array<i32>} : memref<512xi32, #tpu.memory_space<vmem>>, vector<16xi32>,
    %get3A_583 = arith.constant 384 : index
    %get3A_584 = tpu.vector_load %arg9[%get3A_583] {strides = array<i32>} : memref<512xi32, #tpu.memory_space<vmem>>, vector<16xi32>,
    %shift_right_logical3A_585 = arith.constant 7 : i32
    %shift_right_logical3A_586 = vector.broadcast %shift_right_logical3A_585 : i32 to vector<16xi32>
    %shift_right_logical3A_587 = arith.shrui %get3A_582, %shift_right_logical3A_586 : vector<16xi32>
    %swap3A_588 = arith.constant 384 : index
    %swap3A_589 = tpu.vector_load %arg8[%swap3A_588] {strides = array<i32>} : memref<512xi32, #tpu.memory_space<vmem>>, vector<16xi32>,
    tpu.vector_store %arg8[%swap3A_588], %shift_right_logical3A_587 {strides = array<i32>} : memref<512xi32, #tpu.memory_space<vmem>>, vector<16xi32>,
    %shift_right_logical3A_590 = arith.constant 7 : i32
    %shift_right_logical3A_591 = vector.broadcast %shift_right_logical3A_590 : i32 to vector<16xi32>
    %shift_right_logical3A_592 = arith.shrui %get3A_584, %shift_right_logical3A_591 : vector<16xi32>
    %swap3A_593 = arith.constant 384 : index
    %swap3A_594 = tpu.vector_load %arg9[%swap3A_593] {strides = array<i32>} : memref<512xi32, #tpu.memory_space<vmem>>, vector<16xi32>,
    tpu.vector_store %arg9[%swap3A_593], %shift_right_logical3A_592 {strides = array<i32>} : memref<512xi32, #tpu.memory_space<vmem>>, vector<16xi32>,
    %and3A_595 = arith.constant 127 : i32
    %and3A_596 = vector.broadcast %and3A_595 : i32 to vector<16xi32>
    %and3A_597 = arith.andi %get3A_582, %and3A_596 : vector<16xi32>
    %swap3A_598 = arith.constant 384 : index
    %swap3A_599 = tpu.vector_load %arg10[%swap3A_598] {strides = array<i32>} : memref<512xi32, #tpu.memory_space<vmem>>, vector<16xi32>,
    tpu.vector_store %arg10[%swap3A_598], %and3A_597 {strides = array<i32>} : memref<512xi32, #tpu.memory_space<vmem>>, vector<16xi32>,
    %and3A_600 = arith.constant 127 : i32
    %and3A_601 = vector.broadcast %and3A_600 : i32 to vector<16xi32>
    %and3A_602 = arith.andi %get3A_584, %and3A_601 : vector<16xi32>
    %swap3A_603 = arith.constant 384 : index
    %swap3A_604 = tpu.vector_load %arg11[%swap3A_603] {strides = array<i32>} : memref<512xi32, #tpu.memory_space<vmem>>, vector<16xi32>,
    tpu.vector_store %arg11[%swap3A_603], %and3A_602 {strides = array<i32>} : memref<512xi32, #tpu.memory_space<vmem>>, vector<16xi32>,
    %get3A_605 = arith.constant 400 : index
    %get3A_606 = tpu.vector_load %arg8[%get3A_605] {strides = array<i32>} : memref<512xi32, #tpu.memory_space<vmem>>, vector<16xi32>,
    %get3A_607 = arith.constant 400 : index
    %get3A_608 = tpu.vector_load %arg9[%get3A_607] {strides = array<i32>} : memref<512xi32, #tpu.memory_space<vmem>>, vector<16xi32>,
    %shift_right_logical3A_609 = arith.constant 7 : i32
    %shift_right_logical3A_610 = vector.broadcast %shift_right_logical3A_609 : i32 to vector<16xi32>
    %shift_right_logical3A_611 = arith.shrui %get3A_606, %shift_right_logical3A_610 : vector<16xi32>
    %swap3A_612 = arith.constant 400 : index
    %swap3A_613 = tpu.vector_load %arg8[%swap3A_612] {strides = array<i32>} : memref<512xi32, #tpu.memory_space<vmem>>, vector<16xi32>,
    tpu.vector_store %arg8[%swap3A_612], %shift_right_logical3A_611 {strides = array<i32>} : memref<512xi32, #tpu.memory_space<vmem>>, vector<16xi32>,
    %shift_right_logical3A_614 = arith.constant 7 : i32
    %shift_right_logical3A_615 = vector.broadcast %shift_right_logical3A_614 : i32 to vector<16xi32>
    %shift_right_logical3A_616 = arith.shrui %get3A_608, %shift_right_logical3A_615 : vector<16xi32>
    %swap3A_617 = arith.constant 400 : index
    %swap3A_618 = tpu.vector_load %arg9[%swap3A_617] {strides = array<i32>} : memref<512xi32, #tpu.memory_space<vmem>>, vector<16xi32>,
    tpu.vector_store %arg9[%swap3A_617], %shift_right_logical3A_616 {strides = array<i32>} : memref<512xi32, #tpu.memory_space<vmem>>, vector<16xi32>,
    %and3A_619 = arith.constant 127 : i32
    %and3A_620 = vector.broadcast %and3A_619 : i32 to vector<16xi32>
    %and3A_621 = arith.andi %get3A_606, %and3A_620 : vector<16xi32>
    %swap3A_622 = arith.constant 400 : index
    %swap3A_623 = tpu.vector_load %arg10[%swap3A_622] {strides = array<i32>} : memref<512xi32, #tpu.memory_space<vmem>>, vector<16xi32>,
    tpu.vector_store %arg10[%swap3A_622], %and3A_621 {strides = array<i32>} : memref<512xi32, #tpu.memory_space<vmem>>, vector<16xi32>,
    %and3A_624 = arith.constant 127 : i32
    %and3A_625 = vector.broadcast %and3A_624 : i32 to vector<16xi32>
    %and3A_626 = arith.andi %get3A_608, %and3A_625 : vector<16xi32>
    %swap3A_627 = arith.constant 400 : index
    %swap3A_628 = tpu.vector_load %arg11[%swap3A_627] {strides = array<i32>} : memref<512xi32, #tpu.memory_space<vmem>>, vector<16xi32>,
    tpu.vector_store %arg11[%swap3A_627], %and3A_626 {strides = array<i32>} : memref<512xi32, #tpu.memory_space<vmem>>, vector<16xi32>,
    %get3A_629 = arith.constant 416 : index
    %get3A_630 = tpu.vector_load %arg8[%get3A_629] {strides = array<i32>} : memref<512xi32, #tpu.memory_space<vmem>>, vector<16xi32>,
    %get3A_631 = arith.constant 416 : index
    %get3A_632 = tpu.vector_load %arg9[%get3A_631] {strides = array<i32>} : memref<512xi32, #tpu.memory_space<vmem>>, vector<16xi32>,
    %shift_right_logical3A_633 = arith.constant 7 : i32
    %shift_right_logical3A_634 = vector.broadcast %shift_right_logical3A_633 : i32 to vector<16xi32>
    %shift_right_logical3A_635 = arith.shrui %get3A_630, %shift_right_logical3A_634 : vector<16xi32>
    %swap3A_636 = arith.constant 416 : index
    %swap3A_637 = tpu.vector_load %arg8[%swap3A_636] {strides = array<i32>} : memref<512xi32, #tpu.memory_space<vmem>>, vector<16xi32>,
    tpu.vector_store %arg8[%swap3A_636], %shift_right_logical3A_635 {strides = array<i32>} : memref<512xi32, #tpu.memory_space<vmem>>, vector<16xi32>,
    %shift_right_logical3A_638 = arith.constant 7 : i32
    %shift_right_logical3A_639 = vector.broadcast %shift_right_logical3A_638 : i32 to vector<16xi32>
    %shift_right_logical3A_640 = arith.shrui %get3A_632, %shift_right_logical3A_639 : vector<16xi32>
    %swap3A_641 = arith.constant 416 : index
    %swap3A_642 = tpu.vector_load %arg9[%swap3A_641] {strides = array<i32>} : memref<512xi32, #tpu.memory_space<vmem>>, vector<16xi32>,
    tpu.vector_store %arg9[%swap3A_641], %shift_right_logical3A_640 {strides = array<i32>} : memref<512xi32, #tpu.memory_space<vmem>>, vector<16xi32>,
    %and3A_643 = arith.constant 127 : i32
    %and3A_644 = vector.broadcast %and3A_643 : i32 to vector<16xi32>
    %and3A_645 = arith.andi %get3A_630, %and3A_644 : vector<16xi32>
    %swap3A_646 = arith.constant 416 : index
    %swap3A_647 = tpu.vector_load %arg10[%swap3A_646] {strides = array<i32>} : memref<512xi32, #tpu.memory_space<vmem>>, vector<16xi32>,
    tpu.vector_store %arg10[%swap3A_646], %and3A_645 {strides = array<i32>} : memref<512xi32, #tpu.memory_space<vmem>>, vector<16xi32>,
    %and3A_648 = arith.constant 127 : i32
    %and3A_649 = vector.broadcast %and3A_648 : i32 to vector<16xi32>
    %and3A_650 = arith.andi %get3A_632, %and3A_649 : vector<16xi32>
    %swap3A_651 = arith.constant 416 : index
    %swap3A_652 = tpu.vector_load %arg11[%swap3A_651] {strides = array<i32>} : memref<512xi32, #tpu.memory_space<vmem>>, vector<16xi32>,
    tpu.vector_store %arg11[%swap3A_651], %and3A_650 {strides = array<i32>} : memref<512xi32, #tpu.memory_space<vmem>>, vector<16xi32>,
    %get3A_653 = arith.constant 432 : index
    %get3A_654 = tpu.vector_load %arg8[%get3A_653] {strides = array<i32>} : memref<512xi32, #tpu.memory_space<vmem>>, vector<16xi32>,
    %get3A_655 = arith.constant 432 : index
    %get3A_656 = tpu.vector_load %arg9[%get3A_655] {strides = array<i32>} : memref<512xi32, #tpu.memory_space<vmem>>, vector<16xi32>,
    %shift_right_logical3A_657 = arith.constant 7 : i32
    %shift_right_logical3A_658 = vector.broadcast %shift_right_logical3A_657 : i32 to vector<16xi32>
    %shift_right_logical3A_659 = arith.shrui %get3A_654, %shift_right_logical3A_658 : vector<16xi32>
    %swap3A_660 = arith.constant 432 : index
    %swap3A_661 = tpu.vector_load %arg8[%swap3A_660] {strides = array<i32>} : memref<512xi32, #tpu.memory_space<vmem>>, vector<16xi32>,
    tpu.vector_store %arg8[%swap3A_660], %shift_right_logical3A_659 {strides = array<i32>} : memref<512xi32, #tpu.memory_space<vmem>>, vector<16xi32>,
    %shift_right_logical3A_662 = arith.constant 7 : i32
    %shift_right_logical3A_663 = vector.broadcast %shift_right_logical3A_662 : i32 to vector<16xi32>
    %shift_right_logical3A_664 = arith.shrui %get3A_656, %shift_right_logical3A_663 : vector<16xi32>
    %swap3A_665 = arith.constant 432 : index
    %swap3A_666 = tpu.vector_load %arg9[%swap3A_665] {strides = array<i32>} : memref<512xi32, #tpu.memory_space<vmem>>, vector<16xi32>,
    tpu.vector_store %arg9[%swap3A_665], %shift_right_logical3A_664 {strides = array<i32>} : memref<512xi32, #tpu.memory_space<vmem>>, vector<16xi32>,
    %and3A_667 = arith.constant 127 : i32
    %and3A_668 = vector.broadcast %and3A_667 : i32 to vector<16xi32>
    %and3A_669 = arith.andi %get3A_654, %and3A_668 : vector<16xi32>
    %swap3A_670 = arith.constant 432 : index
    %swap3A_671 = tpu.vector_load %arg10[%swap3A_670] {strides = array<i32>} : memref<512xi32, #tpu.memory_space<vmem>>, vector<16xi32>,
    tpu.vector_store %arg10[%swap3A_670], %and3A_669 {strides = array<i32>} : memref<512xi32, #tpu.memory_space<vmem>>, vector<16xi32>,
    %and3A_672 = arith.constant 127 : i32
    %and3A_673 = vector.broadcast %and3A_672 : i32 to vector<16xi32>
    %and3A_674 = arith.andi %get3A_656, %and3A_673 : vector<16xi32>
    %swap3A_675 = arith.constant 432 : index
    %swap3A_676 = tpu.vector_load %arg11[%swap3A_675] {strides = array<i32>} : memref<512xi32, #tpu.memory_space<vmem>>, vector<16xi32>,
    tpu.vector_store %arg11[%swap3A_675], %and3A_674 {strides = array<i32>} : memref<512xi32, #tpu.memory_space<vmem>>, vector<16xi32>,
    %get3A_677 = arith.constant 448 : index
    %get3A_678 = tpu.vector_load %arg8[%get3A_677] {strides = array<i32>} : memref<512xi32, #tpu.memory_space<vmem>>, vector<16xi32>,
    %get3A_679 = arith.constant 448 : index
    %get3A_680 = tpu.vector_load %arg9[%get3A_679] {strides = array<i32>} : memref<512xi32, #tpu.memory_space<vmem>>, vector<16xi32>,
    %shift_right_logical3A_681 = arith.constant 7 : i32
    %shift_right_logical3A_682 = vector.broadcast %shift_right_logical3A_681 : i32 to vector<16xi32>
    %shift_right_logical3A_683 = arith.shrui %get3A_678, %shift_right_logical3A_682 : vector<16xi32>
    %swap3A_684 = arith.constant 448 : index
    %swap3A_685 = tpu.vector_load %arg8[%swap3A_684] {strides = array<i32>} : memref<512xi32, #tpu.memory_space<vmem>>, vector<16xi32>,
    tpu.vector_store %arg8[%swap3A_684], %shift_right_logical3A_683 {strides = array<i32>} : memref<512xi32, #tpu.memory_space<vmem>>, vector<16xi32>,
    %shift_right_logical3A_686 = arith.constant 7 : i32
    %shift_right_logical3A_687 = vector.broadcast %shift_right_logical3A_686 : i32 to vector<16xi32>
    %shift_right_logical3A_688 = arith.shrui %get3A_680, %shift_right_logical3A_687 : vector<16xi32>
    %swap3A_689 = arith.constant 448 : index
    %swap3A_690 = tpu.vector_load %arg9[%swap3A_689] {strides = array<i32>} : memref<512xi32, #tpu.memory_space<vmem>>, vector<16xi32>,
    tpu.vector_store %arg9[%swap3A_689], %shift_right_logical3A_688 {strides = array<i32>} : memref<512xi32, #tpu.memory_space<vmem>>, vector<16xi32>,
    %and3A_691 = arith.constant 127 : i32
    %and3A_692 = vector.broadcast %and3A_691 : i32 to vector<16xi32>
    %and3A_693 = arith.andi %get3A_678, %and3A_692 : vector<16xi32>
    %swap3A_694 = arith.constant 448 : index
    %swap3A_695 = tpu.vector_load %arg10[%swap3A_694] {strides = array<i32>} : memref<512xi32, #tpu.memory_space<vmem>>, vector<16xi32>,
    tpu.vector_store %arg10[%swap3A_694], %and3A_693 {strides = array<i32>} : memref<512xi32, #tpu.memory_space<vmem>>, vector<16xi32>,
    %and3A_696 = arith.constant 127 : i32
    %and3A_697 = vector.broadcast %and3A_696 : i32 to vector<16xi32>
    %and3A_698 = arith.andi %get3A_680, %and3A_697 : vector<16xi32>
    %swap3A_699 = arith.constant 448 : index
    %swap3A_700 = tpu.vector_load %arg11[%swap3A_699] {strides = array<i32>} : memref<512xi32, #tpu.memory_space<vmem>>, vector<16xi32>,
    tpu.vector_store %arg11[%swap3A_699], %and3A_698 {strides = array<i32>} : memref<512xi32, #tpu.memory_space<vmem>>, vector<16xi32>,
    %get3A_701 = arith.constant 464 : index
    %get3A_702 = tpu.vector_load %arg8[%get3A_701] {strides = array<i32>} : memref<512xi32, #tpu.memory_space<vmem>>, vector<16xi32>,
    %get3A_703 = arith.constant 464 : index
    %get3A_704 = tpu.vector_load %arg9[%get3A_703] {strides = array<i32>} : memref<512xi32, #tpu.memory_space<vmem>>, vector<16xi32>,
    %shift_right_logical3A_705 = arith.constant 7 : i32
    %shift_right_logical3A_706 = vector.broadcast %shift_right_logical3A_705 : i32 to vector<16xi32>
    %shift_right_logical3A_707 = arith.shrui %get3A_702, %shift_right_logical3A_706 : vector<16xi32>
    %swap3A_708 = arith.constant 464 : index
    %swap3A_709 = tpu.vector_load %arg8[%swap3A_708] {strides = array<i32>} : memref<512xi32, #tpu.memory_space<vmem>>, vector<16xi32>,
    tpu.vector_store %arg8[%swap3A_708], %shift_right_logical3A_707 {strides = array<i32>} : memref<512xi32, #tpu.memory_space<vmem>>, vector<16xi32>,
    %shift_right_logical3A_710 = arith.constant 7 : i32
    %shift_right_logical3A_711 = vector.broadcast %shift_right_logical3A_710 : i32 to vector<16xi32>
    %shift_right_logical3A_712 = arith.shrui %get3A_704, %shift_right_logical3A_711 : vector<16xi32>
    %swap3A_713 = arith.constant 464 : index
    %swap3A_714 = tpu.vector_load %arg9[%swap3A_713] {strides = array<i32>} : memref<512xi32, #tpu.memory_space<vmem>>, vector<16xi32>,
    tpu.vector_store %arg9[%swap3A_713], %shift_right_logical3A_712 {strides = array<i32>} : memref<512xi32, #tpu.memory_space<vmem>>, vector<16xi32>,
    %and3A_715 = arith.constant 127 : i32
    %and3A_716 = vector.broadcast %and3A_715 : i32 to vector<16xi32>
    %and3A_717 = arith.andi %get3A_702, %and3A_716 : vector<16xi32>
    %swap3A_718 = arith.constant 464 : index
    %swap3A_719 = tpu.vector_load %arg10[%swap3A_718] {strides = array<i32>} : memref<512xi32, #tpu.memory_space<vmem>>, vector<16xi32>,
    tpu.vector_store %arg10[%swap3A_718], %and3A_717 {strides = array<i32>} : memref<512xi32, #tpu.memory_space<vmem>>, vector<16xi32>,
    %and3A_720 = arith.constant 127 : i32
    %and3A_721 = vector.broadcast %and3A_720 : i32 to vector<16xi32>
    %and3A_722 = arith.andi %get3A_704, %and3A_721 : vector<16xi32>
    %swap3A_723 = arith.constant 464 : index
    %swap3A_724 = tpu.vector_load %arg11[%swap3A_723] {strides = array<i32>} : memref<512xi32, #tpu.memory_space<vmem>>, vector<16xi32>,
    tpu.vector_store %arg11[%swap3A_723], %and3A_722 {strides = array<i32>} : memref<512xi32, #tpu.memory_space<vmem>>, vector<16xi32>,
    %get3A_725 = arith.constant 480 : index
    %get3A_726 = tpu.vector_load %arg8[%get3A_725] {strides = array<i32>} : memref<512xi32, #tpu.memory_space<vmem>>, vector<16xi32>,
    %get3A_727 = arith.constant 480 : index
    %get3A_728 = tpu.vector_load %arg9[%get3A_727] {strides = array<i32>} : memref<512xi32, #tpu.memory_space<vmem>>, vector<16xi32>,
    %shift_right_logical3A_729 = arith.constant 7 : i32
    %shift_right_logical3A_730 = vector.broadcast %shift_right_logical3A_729 : i32 to vector<16xi32>
    %shift_right_logical3A_731 = arith.shrui %get3A_726, %shift_right_logical3A_730 : vector<16xi32>
    %swap3A_732 = arith.constant 480 : index
    %swap3A_733 = tpu.vector_load %arg8[%swap3A_732] {strides = array<i32>} : memref<512xi32, #tpu.memory_space<vmem>>, vector<16xi32>,
    tpu.vector_store %arg8[%swap3A_732], %shift_right_logical3A_731 {strides = array<i32>} : memref<512xi32, #tpu.memory_space<vmem>>, vector<16xi32>,
    %shift_right_logical3A_734 = arith.constant 7 : i32
    %shift_right_logical3A_735 = vector.broadcast %shift_right_logical3A_734 : i32 to vector<16xi32>
    %shift_right_logical3A_736 = arith.shrui %get3A_728, %shift_right_logical3A_735 : vector<16xi32>
    %swap3A_737 = arith.constant 480 : index
    %swap3A_738 = tpu.vector_load %arg9[%swap3A_737] {strides = array<i32>} : memref<512xi32, #tpu.memory_space<vmem>>, vector<16xi32>,
    tpu.vector_store %arg9[%swap3A_737], %shift_right_logical3A_736 {strides = array<i32>} : memref<512xi32, #tpu.memory_space<vmem>>, vector<16xi32>,
    %and3A_739 = arith.constant 127 : i32
    %and3A_740 = vector.broadcast %and3A_739 : i32 to vector<16xi32>
    %and3A_741 = arith.andi %get3A_726, %and3A_740 : vector<16xi32>
    %swap3A_742 = arith.constant 480 : index
    %swap3A_743 = tpu.vector_load %arg10[%swap3A_742] {strides = array<i32>} : memref<512xi32, #tpu.memory_space<vmem>>, vector<16xi32>,
    tpu.vector_store %arg10[%swap3A_742], %and3A_741 {strides = array<i32>} : memref<512xi32, #tpu.memory_space<vmem>>, vector<16xi32>,
    %and3A_744 = arith.constant 127 : i32
    %and3A_745 = vector.broadcast %and3A_744 : i32 to vector<16xi32>
    %and3A_746 = arith.andi %get3A_728, %and3A_745 : vector<16xi32>
    %swap3A_747 = arith.constant 480 : index
    %swap3A_748 = tpu.vector_load %arg11[%swap3A_747] {strides = array<i32>} : memref<512xi32, #tpu.memory_space<vmem>>, vector<16xi32>,
    tpu.vector_store %arg11[%swap3A_747], %and3A_746 {strides = array<i32>} : memref<512xi32, #tpu.memory_space<vmem>>, vector<16xi32>,
    %get3A_749 = arith.constant 496 : index
    %get3A_750 = tpu.vector_load %arg8[%get3A_749] {strides = array<i32>} : memref<512xi32, #tpu.memory_space<vmem>>, vector<16xi32>,
    %get3A_751 = arith.constant 496 : index
    %get3A_752 = tpu.vector_load %arg9[%get3A_751] {strides = array<i32>} : memref<512xi32, #tpu.memory_space<vmem>>, vector<16xi32>,
    %shift_right_logical3A_753 = arith.constant 7 : i32
    %shift_right_logical3A_754 = vector.broadcast %shift_right_logical3A_753 : i32 to vector<16xi32>
    %shift_right_logical3A_755 = arith.shrui %get3A_750, %shift_right_logical3A_754 : vector<16xi32>
    %swap3A_756 = arith.constant 496 : index
    %swap3A_757 = tpu.vector_load %arg8[%swap3A_756] {strides = array<i32>} : memref<512xi32, #tpu.memory_space<vmem>>, vector<16xi32>,
    tpu.vector_store %arg8[%swap3A_756], %shift_right_logical3A_755 {strides = array<i32>} : memref<512xi32, #tpu.memory_space<vmem>>, vector<16xi32>,
    %shift_right_logical3A_758 = arith.constant 7 : i32
    %shift_right_logical3A_759 = vector.broadcast %shift_right_logical3A_758 : i32 to vector<16xi32>
    %shift_right_logical3A_760 = arith.shrui %get3A_752, %shift_right_logical3A_759 : vector<16xi32>
    %swap3A_761 = arith.constant 496 : index
    %swap3A_762 = tpu.vector_load %arg9[%swap3A_761] {strides = array<i32>} : memref<512xi32, #tpu.memory_space<vmem>>, vector<16xi32>,
    tpu.vector_store %arg9[%swap3A_761], %shift_right_logical3A_760 {strides = array<i32>} : memref<512xi32, #tpu.memory_space<vmem>>, vector<16xi32>,
    %and3A_763 = arith.constant 127 : i32
    %and3A_764 = vector.broadcast %and3A_763 : i32 to vector<16xi32>
    %and3A_765 = arith.andi %get3A_750, %and3A_764 : vector<16xi32>
    %swap3A_766 = arith.constant 496 : index
    %swap3A_767 = tpu.vector_load %arg10[%swap3A_766] {strides = array<i32>} : memref<512xi32, #tpu.memory_space<vmem>>, vector<16xi32>,
    tpu.vector_store %arg10[%swap3A_766], %and3A_765 {strides = array<i32>} : memref<512xi32, #tpu.memory_space<vmem>>, vector<16xi32>,
    %and3A_768 = arith.constant 127 : i32
    %and3A_769 = vector.broadcast %and3A_768 : i32 to vector<16xi32>
    %and3A_770 = arith.andi %get3A_752, %and3A_769 : vector<16xi32>
    %swap3A_771 = arith.constant 496 : index
    %swap3A_772 = tpu.vector_load %arg11[%swap3A_771] {strides = array<i32>} : memref<512xi32, #tpu.memory_space<vmem>>, vector<16xi32>,
    tpu.vector_store %arg11[%swap3A_771], %and3A_770 {strides = array<i32>} : memref<512xi32, #tpu.memory_space<vmem>>, vector<16xi32>,
    %get3A_773 = arith.constant 0 : index
    %get3A_774 = tpu.vector_load %arg16[%get3A_773] {strides = array<i32>} : memref<16xf32, #tpu.memory_space<vmem>>, vector<16xf32>,
    %slice3A = vector.extract_strided_slice %get3A_774 {offsets = [0], sizes = [1], strides = [1]} : vector<16xf32> to vector<1xf32>
    %squeeze3A = vector.extract %slice3A[0] : f32 from vector<1xf32>
    %dma_start3A_775 = arith.constant 0 : i32
    %dma_start3A_776 = tpu.memref_slice %arg8[%dma_start3A_775] : memref<512xi32, #tpu.memory_space<vmem>> -> memref<128xi32, #tpu.memory_space<vmem>>
    %dma_start3A_777 = arith.constant 0 : i32
    %dma_start3A_778 = arith.constant 0 : i32
    %dma_start3A_779 = tpu.memref_slice %arg4[%dma_start3A_777, %dma_start3A_778] : memref<7936x128xf32, #tpu.memory_space<hbm>> -> memref<7936x128xf32, #tpu.memory_space<hbm>>
    tpu.enqueue_indirect_dma source(%dma_start3A_779 : memref<7936x128xf32, #tpu.memory_space<hbm>>) target(%arg12 : memref<128x128xf32, #tpu.memory_space<vmem>>) offsets(%dma_start3A_776 : memref<128xi32, #tpu.memory_space<vmem>>) semaphore(%arg18 : memref<!tpu.dma_semaphore, #tpu.memory_space<semaphore_mem>>)
    %dma_start3A_780 = arith.constant 0 : i32
    %dma_start3A_781 = tpu.memref_slice %arg9[%dma_start3A_780] : memref<512xi32, #tpu.memory_space<vmem>> -> memref<128xi32, #tpu.memory_space<vmem>>
    %dma_start3A_782 = arith.constant 0 : i32
    %dma_start3A_783 = arith.constant 0 : i32
    %dma_start3A_784 = tpu.memref_slice %arg5[%dma_start3A_782, %dma_start3A_783] : memref<896x128xf32, #tpu.memory_space<hbm>> -> memref<896x128xf32, #tpu.memory_space<hbm>>
    tpu.enqueue_indirect_dma source(%dma_start3A_784 : memref<896x128xf32, #tpu.memory_space<hbm>>) target(%arg14 : memref<128x128xf32, #tpu.memory_space<vmem>>) offsets(%dma_start3A_781 : memref<128xi32, #tpu.memory_space<vmem>>) semaphore(%arg19 : memref<!tpu.dma_semaphore, #tpu.memory_space<semaphore_mem>>)
    %dma_start3A_785 = arith.constant 128 : i32
    %dma_start3A_786 = tpu.memref_slice %arg8[%dma_start3A_785] : memref<512xi32, #tpu.memory_space<vmem>> -> memref<128xi32, #tpu.memory_space<vmem>>
    %dma_start3A_787 = arith.constant 0 : i32
    %dma_start3A_788 = arith.constant 0 : i32
    %dma_start3A_789 = tpu.memref_slice %arg4[%dma_start3A_787, %dma_start3A_788] : memref<7936x128xf32, #tpu.memory_space<hbm>> -> memref<7936x128xf32, #tpu.memory_space<hbm>>
    tpu.enqueue_indirect_dma source(%dma_start3A_789 : memref<7936x128xf32, #tpu.memory_space<hbm>>) target(%arg13 : memref<128x128xf32, #tpu.memory_space<vmem>>) offsets(%dma_start3A_786 : memref<128xi32, #tpu.memory_space<vmem>>) semaphore(%arg18 : memref<!tpu.dma_semaphore, #tpu.memory_space<semaphore_mem>>)
    %dma_start3A_790 = arith.constant 128 : i32
    %dma_start3A_791 = tpu.memref_slice %arg9[%dma_start3A_790] : memref<512xi32, #tpu.memory_space<vmem>> -> memref<128xi32, #tpu.memory_space<vmem>>
    %dma_start3A_792 = arith.constant 0 : i32
    %dma_start3A_793 = arith.constant 0 : i32
    %dma_start3A_794 = tpu.memref_slice %arg5[%dma_start3A_792, %dma_start3A_793] : memref<896x128xf32, #tpu.memory_space<hbm>> -> memref<896x128xf32, #tpu.memory_space<hbm>>
    tpu.enqueue_indirect_dma source(%dma_start3A_794 : memref<896x128xf32, #tpu.memory_space<hbm>>) target(%arg15 : memref<128x128xf32, #tpu.memory_space<vmem>>) offsets(%dma_start3A_791 : memref<128xi32, #tpu.memory_space<vmem>>) semaphore(%arg19 : memref<!tpu.dma_semaphore, #tpu.memory_space<semaphore_mem>>)
    %dma_wait3A_795 = arith.constant 0 : i32
    %dma_wait3A_796 = tpu.memref_slice %arg8[%dma_wait3A_795] : memref<512xi32, #tpu.memory_space<vmem>> -> memref<128xi32, #tpu.memory_space<vmem>>
    %dma_wait3A_797 = arith.constant 0 : i32
    %dma_wait3A_798 = arith.constant 0 : i32
    %dma_wait3A_799 = tpu.memref_slice %arg4[%dma_wait3A_797, %dma_wait3A_798] : memref<7936x128xf32, #tpu.memory_space<hbm>> -> memref<7936x128xf32, #tpu.memory_space<hbm>>
    tpu.wait_indirect_dma semaphore(%arg18 : memref<!tpu.dma_semaphore, #tpu.memory_space<semaphore_mem>>) src(%dma_wait3A_799 : memref<7936x128xf32, #tpu.memory_space<hbm>>) dst(%arg12 : memref<128x128xf32, #tpu.memory_space<vmem>>)
    %dma_wait3A_800 = arith.constant 0 : i32
    %dma_wait3A_801 = tpu.memref_slice %arg9[%dma_wait3A_800] : memref<512xi32, #tpu.memory_space<vmem>> -> memref<128xi32, #tpu.memory_space<vmem>>
    %dma_wait3A_802 = arith.constant 0 : i32
    %dma_wait3A_803 = arith.constant 0 : i32
    %dma_wait3A_804 = tpu.memref_slice %arg5[%dma_wait3A_802, %dma_wait3A_803] : memref<896x128xf32, #tpu.memory_space<hbm>> -> memref<896x128xf32, #tpu.memory_space<hbm>>
    tpu.wait_indirect_dma semaphore(%arg19 : memref<!tpu.dma_semaphore, #tpu.memory_space<semaphore_mem>>) src(%dma_wait3A_804 : memref<896x128xf32, #tpu.memory_space<hbm>>) dst(%arg14 : memref<128x128xf32, #tpu.memory_space<vmem>>)
    %scan3A = arith.constant 0 : i32
    %scan3A_805 = arith.constant 0 : i32
    %scan3A_806 = arith.constant 8 : i32
    %scan3A_807 = arith.addi %scan3A_805, %scan3A_806 : i32
    %scan3A_808 = arith.constant 1 : i32
    scf.for %scan3A_878 = %scan3A_805 to %scan3A_807 step %scan3A_808  : i32 {
      %mul3A_879 = arith.constant 16 : i32
      %mul3A_880 = arith.muli %scan3A_878, %mul3A_879 : i32
      %iota3A = tpu.iota {dimensions = array<i32: 0>} : vector<16xi32>
      %add3A_881 = vector.broadcast %mul3A_880 : i32 to vector<16xi32>
      %add3A_882 = arith.addi %add3A_881, %iota3A : vector<16xi32>
      %mul3A_883 = arith.constant 16 : i32
      %mul3A_884 = arith.muli %scan3A_878, %mul3A_883 : i32
      %add3A_885 = arith.constant 0 : i32
      %add3A_886 = arith.addi %add3A_885, %mul3A_884 : i32
      %get3A_887 = arith.index_cast %add3A_886 : i32 to index
      %get3A_888 = tpu.vector_load %arg10[%get3A_887] {strides = array<i32>} : memref<512xi32, #tpu.memory_space<vmem>>, vector<16xi32>,
      %mul3A_889 = arith.constant 16 : i32
      %mul3A_890 = arith.muli %scan3A_878, %mul3A_889 : i32
      %add3A_891 = arith.constant 0 : i32
      %add3A_892 = arith.addi %add3A_891, %mul3A_890 : i32
      %get3A_893 = arith.index_cast %add3A_892 : i32 to index
      %get3A_894 = tpu.vector_load %arg11[%get3A_893] {strides = array<i32>} : memref<512xi32, #tpu.memory_space<vmem>>, vector<16xi32>,
      %gather3A = tpu.vector_load_idx %arg12[%add3A_882, %get3A_888] : memref<128x128xf32, #tpu.memory_space<vmem>>[vector<16xi32>, vector<16xi32>], vector<16xf32>,
      %gather3A_895 = tpu.vector_load_idx %arg14[%add3A_882, %get3A_894] : memref<128x128xf32, #tpu.memory_space<vmem>>[vector<16xi32>, vector<16xi32>], vector<16xf32>,
      %add3A_896 = arith.addf %gather3A, %gather3A_895 : vector<16xf32>
      %add3A_897 = vector.broadcast %squeeze3A : f32 to vector<16xf32>
      %add3A_898 = arith.addf %add3A_896, %add3A_897 : vector<16xf32>
      %mul3A_899 = arith.constant 16 : i32
      %mul3A_900 = arith.muli %scan3A_878, %mul3A_899 : i32
      %add3A_901 = arith.constant 0 : i32
      %add3A_902 = arith.addi %add3A_901, %mul3A_900 : i32
      %swap3A_903 = arith.index_cast %add3A_902 : i32 to index
      %swap3A_904 = tpu.vector_load %arg17[%swap3A_903] {strides = array<i32>} : memref<512xf32, #tpu.memory_space<vmem>>, vector<16xf32>,
      tpu.vector_store %arg17[%swap3A_903], %add3A_898 {strides = array<i32>} : memref<512xf32, #tpu.memory_space<vmem>>, vector<16xf32>,
    }
    %scan3A_809 = arith.constant 8 : i32
    %dma_start3A_810 = arith.constant 256 : i32
    %dma_start3A_811 = tpu.memref_slice %arg8[%dma_start3A_810] : memref<512xi32, #tpu.memory_space<vmem>> -> memref<128xi32, #tpu.memory_space<vmem>>
    %dma_start3A_812 = arith.constant 0 : i32
    %dma_start3A_813 = arith.constant 0 : i32
    %dma_start3A_814 = tpu.memref_slice %arg4[%dma_start3A_812, %dma_start3A_813] : memref<7936x128xf32, #tpu.memory_space<hbm>> -> memref<7936x128xf32, #tpu.memory_space<hbm>>
    tpu.enqueue_indirect_dma source(%dma_start3A_814 : memref<7936x128xf32, #tpu.memory_space<hbm>>) target(%arg12 : memref<128x128xf32, #tpu.memory_space<vmem>>) offsets(%dma_start3A_811 : memref<128xi32, #tpu.memory_space<vmem>>) semaphore(%arg18 : memref<!tpu.dma_semaphore, #tpu.memory_space<semaphore_mem>>)
    %dma_start3A_815 = arith.constant 256 : i32
    %dma_start3A_816 = tpu.memref_slice %arg9[%dma_start3A_815] : memref<512xi32, #tpu.memory_space<vmem>> -> memref<128xi32, #tpu.memory_space<vmem>>
    %dma_start3A_817 = arith.constant 0 : i32
    %dma_start3A_818 = arith.constant 0 : i32
    %dma_start3A_819 = tpu.memref_slice %arg5[%dma_start3A_817, %dma_start3A_818] : memref<896x128xf32, #tpu.memory_space<hbm>> -> memref<896x128xf32, #tpu.memory_space<hbm>>
    tpu.enqueue_indirect_dma source(%dma_start3A_819 : memref<896x128xf32, #tpu.memory_space<hbm>>) target(%arg14 : memref<128x128xf32, #tpu.memory_space<vmem>>) offsets(%dma_start3A_816 : memref<128xi32, #tpu.memory_space<vmem>>) semaphore(%arg19 : memref<!tpu.dma_semaphore, #tpu.memory_space<semaphore_mem>>)
    %dma_wait3A_820 = arith.constant 128 : i32
    %dma_wait3A_821 = tpu.memref_slice %arg8[%dma_wait3A_820] : memref<512xi32, #tpu.memory_space<vmem>> -> memref<128xi32, #tpu.memory_space<vmem>>
    %dma_wait3A_822 = arith.constant 0 : i32
    %dma_wait3A_823 = arith.constant 0 : i32
    %dma_wait3A_824 = tpu.memref_slice %arg4[%dma_wait3A_822, %dma_wait3A_823] : memref<7936x128xf32, #tpu.memory_space<hbm>> -> memref<7936x128xf32, #tpu.memory_space<hbm>>
    tpu.wait_indirect_dma semaphore(%arg18 : memref<!tpu.dma_semaphore, #tpu.memory_space<semaphore_mem>>) src(%dma_wait3A_824 : memref<7936x128xf32, #tpu.memory_space<hbm>>) dst(%arg13 : memref<128x128xf32, #tpu.memory_space<vmem>>)
    %dma_wait3A_825 = arith.constant 128 : i32
    %dma_wait3A_826 = tpu.memref_slice %arg9[%dma_wait3A_825] : memref<512xi32, #tpu.memory_space<vmem>> -> memref<128xi32, #tpu.memory_space<vmem>>
    %dma_wait3A_827 = arith.constant 0 : i32
    %dma_wait3A_828 = arith.constant 0 : i32
    %dma_wait3A_829 = tpu.memref_slice %arg5[%dma_wait3A_827, %dma_wait3A_828] : memref<896x128xf32, #tpu.memory_space<hbm>> -> memref<896x128xf32, #tpu.memory_space<hbm>>
    tpu.wait_indirect_dma semaphore(%arg19 : memref<!tpu.dma_semaphore, #tpu.memory_space<semaphore_mem>>) src(%dma_wait3A_829 : memref<896x128xf32, #tpu.memory_space<hbm>>) dst(%arg15 : memref<128x128xf32, #tpu.memory_space<vmem>>)
    %scan3A_830 = arith.constant 0 : i32
    %scan3A_831 = arith.constant 0 : i32
    %scan3A_832 = arith.constant 8 : i32
    %scan3A_833 = arith.addi %scan3A_831, %scan3A_832 : i32
    %scan3A_834 = arith.constant 1 : i32
    scf.for %scan3A_878 = %scan3A_831 to %scan3A_833 step %scan3A_834  : i32 {
      %mul3A_879 = arith.constant 16 : i32
      %mul3A_880 = arith.muli %scan3A_878, %mul3A_879 : i32
      %iota3A = tpu.iota {dimensions = array<i32: 0>} : vector<16xi32>
      %add3A_881 = vector.broadcast %mul3A_880 : i32 to vector<16xi32>
      %add3A_882 = arith.addi %add3A_881, %iota3A : vector<16xi32>
      %mul3A_883 = arith.constant 16 : i32
      %mul3A_884 = arith.muli %scan3A_878, %mul3A_883 : i32
      %add3A_885 = arith.constant 128 : i32
      %add3A_886 = arith.addi %add3A_885, %mul3A_884 : i32
      %get3A_887 = arith.index_cast %add3A_886 : i32 to index
      %get3A_888 = tpu.vector_load %arg10[%get3A_887] {strides = array<i32>} : memref<512xi32, #tpu.memory_space<vmem>>, vector<16xi32>,
      %mul3A_889 = arith.constant 16 : i32
      %mul3A_890 = arith.muli %scan3A_878, %mul3A_889 : i32
      %add3A_891 = arith.constant 128 : i32
      %add3A_892 = arith.addi %add3A_891, %mul3A_890 : i32
      %get3A_893 = arith.index_cast %add3A_892 : i32 to index
      %get3A_894 = tpu.vector_load %arg11[%get3A_893] {strides = array<i32>} : memref<512xi32, #tpu.memory_space<vmem>>, vector<16xi32>,
      %gather3A = tpu.vector_load_idx %arg13[%add3A_882, %get3A_888] : memref<128x128xf32, #tpu.memory_space<vmem>>[vector<16xi32>, vector<16xi32>], vector<16xf32>,
      %gather3A_895 = tpu.vector_load_idx %arg15[%add3A_882, %get3A_894] : memref<128x128xf32, #tpu.memory_space<vmem>>[vector<16xi32>, vector<16xi32>], vector<16xf32>,
      %add3A_896 = arith.addf %gather3A, %gather3A_895 : vector<16xf32>
      %add3A_897 = vector.broadcast %squeeze3A : f32 to vector<16xf32>
      %add3A_898 = arith.addf %add3A_896, %add3A_897 : vector<16xf32>
      %mul3A_899 = arith.constant 16 : i32
      %mul3A_900 = arith.muli %scan3A_878, %mul3A_899 : i32
      %add3A_901 = arith.constant 128 : i32
      %add3A_902 = arith.addi %add3A_901, %mul3A_900 : i32
      %swap3A_903 = arith.index_cast %add3A_902 : i32 to index
      %swap3A_904 = tpu.vector_load %arg17[%swap3A_903] {strides = array<i32>} : memref<512xf32, #tpu.memory_space<vmem>>, vector<16xf32>,
      tpu.vector_store %arg17[%swap3A_903], %add3A_898 {strides = array<i32>} : memref<512xf32, #tpu.memory_space<vmem>>, vector<16xf32>,
    }
    %scan3A_835 = arith.constant 8 : i32
    %dma_start3A_836 = arith.constant 384 : i32
    %dma_start3A_837 = tpu.memref_slice %arg8[%dma_start3A_836] : memref<512xi32, #tpu.memory_space<vmem>> -> memref<128xi32, #tpu.memory_space<vmem>>
    %dma_start3A_838 = arith.constant 0 : i32
    %dma_start3A_839 = arith.constant 0 : i32
    %dma_start3A_840 = tpu.memref_slice %arg4[%dma_start3A_838, %dma_start3A_839] : memref<7936x128xf32, #tpu.memory_space<hbm>> -> memref<7936x128xf32, #tpu.memory_space<hbm>>
    tpu.enqueue_indirect_dma source(%dma_start3A_840 : memref<7936x128xf32, #tpu.memory_space<hbm>>) target(%arg13 : memref<128x128xf32, #tpu.memory_space<vmem>>) offsets(%dma_start3A_837 : memref<128xi32, #tpu.memory_space<vmem>>) semaphore(%arg18 : memref<!tpu.dma_semaphore, #tpu.memory_space<semaphore_mem>>)
    %dma_start3A_841 = arith.constant 384 : i32
    %dma_start3A_842 = tpu.memref_slice %arg9[%dma_start3A_841] : memref<512xi32, #tpu.memory_space<vmem>> -> memref<128xi32, #tpu.memory_space<vmem>>
    %dma_start3A_843 = arith.constant 0 : i32
    %dma_start3A_844 = arith.constant 0 : i32
    %dma_start3A_845 = tpu.memref_slice %arg5[%dma_start3A_843, %dma_start3A_844] : memref<896x128xf32, #tpu.memory_space<hbm>> -> memref<896x128xf32, #tpu.memory_space<hbm>>
    tpu.enqueue_indirect_dma source(%dma_start3A_845 : memref<896x128xf32, #tpu.memory_space<hbm>>) target(%arg15 : memref<128x128xf32, #tpu.memory_space<vmem>>) offsets(%dma_start3A_842 : memref<128xi32, #tpu.memory_space<vmem>>) semaphore(%arg19 : memref<!tpu.dma_semaphore, #tpu.memory_space<semaphore_mem>>)
    %dma_wait3A_846 = arith.constant 256 : i32
    %dma_wait3A_847 = tpu.memref_slice %arg8[%dma_wait3A_846] : memref<512xi32, #tpu.memory_space<vmem>> -> memref<128xi32, #tpu.memory_space<vmem>>
    %dma_wait3A_848 = arith.constant 0 : i32
    %dma_wait3A_849 = arith.constant 0 : i32
    %dma_wait3A_850 = tpu.memref_slice %arg4[%dma_wait3A_848, %dma_wait3A_849] : memref<7936x128xf32, #tpu.memory_space<hbm>> -> memref<7936x128xf32, #tpu.memory_space<hbm>>
    tpu.wait_indirect_dma semaphore(%arg18 : memref<!tpu.dma_semaphore, #tpu.memory_space<semaphore_mem>>) src(%dma_wait3A_850 : memref<7936x128xf32, #tpu.memory_space<hbm>>) dst(%arg12 : memref<128x128xf32, #tpu.memory_space<vmem>>)
    %dma_wait3A_851 = arith.constant 256 : i32
    %dma_wait3A_852 = tpu.memref_slice %arg9[%dma_wait3A_851] : memref<512xi32, #tpu.memory_space<vmem>> -> memref<128xi32, #tpu.memory_space<vmem>>
    %dma_wait3A_853 = arith.constant 0 : i32
    %dma_wait3A_854 = arith.constant 0 : i32
    %dma_wait3A_855 = tpu.memref_slice %arg5[%dma_wait3A_853, %dma_wait3A_854] : memref<896x128xf32, #tpu.memory_space<hbm>> -> memref<896x128xf32, #tpu.memory_space<hbm>>
    tpu.wait_indirect_dma semaphore(%arg19 : memref<!tpu.dma_semaphore, #tpu.memory_space<semaphore_mem>>) src(%dma_wait3A_855 : memref<896x128xf32, #tpu.memory_space<hbm>>) dst(%arg14 : memref<128x128xf32, #tpu.memory_space<vmem>>)
    %scan3A_856 = arith.constant 0 : i32
    %scan3A_857 = arith.constant 0 : i32
    %scan3A_858 = arith.constant 8 : i32
    %scan3A_859 = arith.addi %scan3A_857, %scan3A_858 : i32
    %scan3A_860 = arith.constant 1 : i32
    scf.for %scan3A_878 = %scan3A_857 to %scan3A_859 step %scan3A_860  : i32 {
      %mul3A_879 = arith.constant 16 : i32
      %mul3A_880 = arith.muli %scan3A_878, %mul3A_879 : i32
      %iota3A = tpu.iota {dimensions = array<i32: 0>} : vector<16xi32>
      %add3A_881 = vector.broadcast %mul3A_880 : i32 to vector<16xi32>
      %add3A_882 = arith.addi %add3A_881, %iota3A : vector<16xi32>
      %mul3A_883 = arith.constant 16 : i32
      %mul3A_884 = arith.muli %scan3A_878, %mul3A_883 : i32
      %add3A_885 = arith.constant 256 : i32
      %add3A_886 = arith.addi %add3A_885, %mul3A_884 : i32
      %get3A_887 = arith.index_cast %add3A_886 : i32 to index
      %get3A_888 = tpu.vector_load %arg10[%get3A_887] {strides = array<i32>} : memref<512xi32, #tpu.memory_space<vmem>>, vector<16xi32>,
      %mul3A_889 = arith.constant 16 : i32
      %mul3A_890 = arith.muli %scan3A_878, %mul3A_889 : i32
      %add3A_891 = arith.constant 256 : i32
      %add3A_892 = arith.addi %add3A_891, %mul3A_890 : i32
      %get3A_893 = arith.index_cast %add3A_892 : i32 to index
      %get3A_894 = tpu.vector_load %arg11[%get3A_893] {strides = array<i32>} : memref<512xi32, #tpu.memory_space<vmem>>, vector<16xi32>,
      %gather3A = tpu.vector_load_idx %arg12[%add3A_882, %get3A_888] : memref<128x128xf32, #tpu.memory_space<vmem>>[vector<16xi32>, vector<16xi32>], vector<16xf32>,
      %gather3A_895 = tpu.vector_load_idx %arg14[%add3A_882, %get3A_894] : memref<128x128xf32, #tpu.memory_space<vmem>>[vector<16xi32>, vector<16xi32>], vector<16xf32>,
      %add3A_896 = arith.addf %gather3A, %gather3A_895 : vector<16xf32>
      %add3A_897 = vector.broadcast %squeeze3A : f32 to vector<16xf32>
      %add3A_898 = arith.addf %add3A_896, %add3A_897 : vector<16xf32>
      %mul3A_899 = arith.constant 16 : i32
      %mul3A_900 = arith.muli %scan3A_878, %mul3A_899 : i32
      %add3A_901 = arith.constant 256 : i32
      %add3A_902 = arith.addi %add3A_901, %mul3A_900 : i32
      %swap3A_903 = arith.index_cast %add3A_902 : i32 to index
      %swap3A_904 = tpu.vector_load %arg17[%swap3A_903] {strides = array<i32>} : memref<512xf32, #tpu.memory_space<vmem>>, vector<16xf32>,
      tpu.vector_store %arg17[%swap3A_903], %add3A_898 {strides = array<i32>} : memref<512xf32, #tpu.memory_space<vmem>>, vector<16xf32>,
    }
    %scan3A_861 = arith.constant 8 : i32
    %dma_wait3A_862 = arith.constant 384 : i32
    %dma_wait3A_863 = tpu.memref_slice %arg8[%dma_wait3A_862] : memref<512xi32, #tpu.memory_space<vmem>> -> memref<128xi32, #tpu.memory_space<vmem>>
    %dma_wait3A_864 = arith.constant 0 : i32
    %dma_wait3A_865 = arith.constant 0 : i32
    %dma_wait3A_866 = tpu.memref_slice %arg4[%dma_wait3A_864, %dma_wait3A_865] : memref<7936x128xf32, #tpu.memory_space<hbm>> -> memref<7936x128xf32, #tpu.memory_space<hbm>>
    tpu.wait_indirect_dma semaphore(%arg18 : memref<!tpu.dma_semaphore, #tpu.memory_space<semaphore_mem>>) src(%dma_wait3A_866 : memref<7936x128xf32, #tpu.memory_space<hbm>>) dst(%arg13 : memref<128x128xf32, #tpu.memory_space<vmem>>)
    %dma_wait3A_867 = arith.constant 384 : i32
    %dma_wait3A_868 = tpu.memref_slice %arg9[%dma_wait3A_867] : memref<512xi32, #tpu.memory_space<vmem>> -> memref<128xi32, #tpu.memory_space<vmem>>
    %dma_wait3A_869 = arith.constant 0 : i32
    %dma_wait3A_870 = arith.constant 0 : i32
    %dma_wait3A_871 = tpu.memref_slice %arg5[%dma_wait3A_869, %dma_wait3A_870] : memref<896x128xf32, #tpu.memory_space<hbm>> -> memref<896x128xf32, #tpu.memory_space<hbm>>
    tpu.wait_indirect_dma semaphore(%arg19 : memref<!tpu.dma_semaphore, #tpu.memory_space<semaphore_mem>>) src(%dma_wait3A_871 : memref<896x128xf32, #tpu.memory_space<hbm>>) dst(%arg15 : memref<128x128xf32, #tpu.memory_space<vmem>>)
    %scan3A_872 = arith.constant 0 : i32
    %scan3A_873 = arith.constant 0 : i32
    %scan3A_874 = arith.constant 8 : i32
    %scan3A_875 = arith.addi %scan3A_873, %scan3A_874 : i32
    %scan3A_876 = arith.constant 1 : i32
    scf.for %scan3A_878 = %scan3A_873 to %scan3A_875 step %scan3A_876  : i32 {
      %mul3A_879 = arith.constant 16 : i32
      %mul3A_880 = arith.muli %scan3A_878, %mul3A_879 : i32
      %iota3A = tpu.iota {dimensions = array<i32: 0>} : vector<16xi32>
      %add3A_881 = vector.broadcast %mul3A_880 : i32 to vector<16xi32>
      %add3A_882 = arith.addi %add3A_881, %iota3A : vector<16xi32>
      %mul3A_883 = arith.constant 16 : i32
      %mul3A_884 = arith.muli %scan3A_878, %mul3A_883 : i32
      %add3A_885 = arith.constant 384 : i32
      %add3A_886 = arith.addi %add3A_885, %mul3A_884 : i32
      %get3A_887 = arith.index_cast %add3A_886 : i32 to index
      %get3A_888 = tpu.vector_load %arg10[%get3A_887] {strides = array<i32>} : memref<512xi32, #tpu.memory_space<vmem>>, vector<16xi32>,
      %mul3A_889 = arith.constant 16 : i32
      %mul3A_890 = arith.muli %scan3A_878, %mul3A_889 : i32
      %add3A_891 = arith.constant 384 : i32
      %add3A_892 = arith.addi %add3A_891, %mul3A_890 : i32
      %get3A_893 = arith.index_cast %add3A_892 : i32 to index
      %get3A_894 = tpu.vector_load %arg11[%get3A_893] {strides = array<i32>} : memref<512xi32, #tpu.memory_space<vmem>>, vector<16xi32>,
      %gather3A = tpu.vector_load_idx %arg13[%add3A_882, %get3A_888] : memref<128x128xf32, #tpu.memory_space<vmem>>[vector<16xi32>, vector<16xi32>], vector<16xf32>,
      %gather3A_895 = tpu.vector_load_idx %arg15[%add3A_882, %get3A_894] : memref<128x128xf32, #tpu.memory_space<vmem>>[vector<16xi32>, vector<16xi32>], vector<16xf32>,
      %add3A_896 = arith.addf %gather3A, %gather3A_895 : vector<16xf32>
      %add3A_897 = vector.broadcast %squeeze3A : f32 to vector<16xf32>
      %add3A_898 = arith.addf %add3A_896, %add3A_897 : vector<16xf32>
      %mul3A_899 = arith.constant 16 : i32
      %mul3A_900 = arith.muli %scan3A_878, %mul3A_899 : i32
      %add3A_901 = arith.constant 384 : i32
      %add3A_902 = arith.addi %add3A_901, %mul3A_900 : i32
      %swap3A_903 = arith.index_cast %add3A_902 : i32 to index
      %swap3A_904 = tpu.vector_load %arg17[%swap3A_903] {strides = array<i32>} : memref<512xf32, #tpu.memory_space<vmem>>, vector<16xf32>,
      tpu.vector_store %arg17[%swap3A_903], %add3A_898 {strides = array<i32>} : memref<512xf32, #tpu.memory_space<vmem>>, vector<16xf32>,
    }
    %scan3A_877 = arith.constant 8 : i32
    "tpu.region"() ({
      %run_scoped3A = tpu.sem_alloc : memref<!tpu.dma_semaphore, #tpu.memory_space<semaphore_mem>>
      %dma_start3A_878 = tpu.memref_slice %arg7[%mul3A_2] : memref<16384xf32, #tpu.memory_space<hbm>> -> memref<512xf32, #tpu.memory_space<hbm>>
      %dma_start3A_879 = tpu.memref_slice %arg7[%mul3A_2] : memref<16384xf32, #tpu.memory_space<hbm>> -> memref<512xf32, #tpu.memory_space<hbm>>
      tpu.enqueue_dma source(%arg17 : memref<512xf32, #tpu.memory_space<vmem>>) target(%dma_start3A_879 : memref<512xf32, #tpu.memory_space<hbm>>) target_semaphore(%run_scoped3A : memref<!tpu.dma_semaphore, #tpu.memory_space<semaphore_mem>>)
      %dma_wait3A_880 = tpu.memref_slice %arg7[%mul3A_2] : memref<16384xf32, #tpu.memory_space<hbm>> -> memref<512xf32, #tpu.memory_space<hbm>>
      %dma_wait3A_881 = tpu.memref_slice %arg7[%mul3A_2] : memref<16384xf32, #tpu.memory_space<hbm>> -> memref<512xf32, #tpu.memory_space<hbm>>
      tpu.wait_dma2 semaphore(%run_scoped3A : memref<!tpu.dma_semaphore, #tpu.memory_space<semaphore_mem>>) src(%arg17 : memref<512xf32, #tpu.memory_space<vmem>>) dst(%dma_wait3A_881 : memref<512xf32, #tpu.memory_space<hbm>>)
      tpu.yield
    }) : () -> ()
    return
  }
}

module attributes {stable_mosaic.version = 14 : i64} {
  func.func @_tc_matvec_body(%arg0: i32, %arg1: memref<64x1xf32, #tpu.memory_space<vmem>>, %arg2: memref<64x16384xf32, #tpu.memory_space<vmem>>, %arg3: memref<128x128xf32, #tpu.memory_space<vmem>>) attributes {dimension_semantics = [#tpu.dimension_semantics<arbitrary>], iteration_bounds = array<i64: 7>, scalar_prefetch = 0 : i64, scratch_operands = 0 : i64, tpu.core_type = #tpu.core_type<tc>, window_params = [{pipeline_mode = #tpu.pipeline_mode<synchronous>, transform_indices = @transform_0, window_bounds = array<i64: 64, 1>}, {transform_indices = @transform_1, window_bounds = array<i64: 64, 16384>}, {transform_indices = @transform_2, window_bounds = array<i64: 128, 128>}]} {
    %get3A = arith.constant 0 : index
    %get3A_0 = arith.constant 0 : index
    %get3A_1 = vector.load %arg2[%get3A, %get3A_0] : memref<64x16384xf32, #tpu.memory_space<vmem>>, vector<64x16384xf32>
    %get3A_2 = arith.constant 0 : index
    %get3A_3 = arith.constant 0 : index
    %get3A_4 = vector.load %arg1[%get3A_2, %get3A_3] : memref<64x1xf32, #tpu.memory_space<vmem>>, vector<64x1xf32>
    %slice3A = vector.extract_strided_slice %get3A_1 {offsets = [0, 0], sizes = [64, 128], strides = [1, 1]} : vector<64x16384xf32> to vector<64x128xf32>
    %mul3A = vector.broadcast %get3A_4 : vector<64x1xf32> to vector<64x128xf32>
    %mul3A_5 = arith.mulf %slice3A, %mul3A : vector<64x128xf32>
    %reduce_sum3A = arith.constant dense<0.000000e+00> : vector<128xf32>
    %reduce_sum3A_6 = vector.multi_reduction <add>, %mul3A_5, %reduce_sum3A [0] : vector<64x128xf32> to vector<128xf32>
    %broadcast_in_dim3A = vector.shape_cast %reduce_sum3A_6 : vector<128xf32> to vector<1x128xf32>
    %slice3A_7 = vector.extract_strided_slice %get3A_1 {offsets = [0, 128], sizes = [64, 128], strides = [1, 1]} : vector<64x16384xf32> to vector<64x128xf32>
    %mul3A_8 = vector.broadcast %get3A_4 : vector<64x1xf32> to vector<64x128xf32>
    %mul3A_9 = arith.mulf %slice3A_7, %mul3A_8 : vector<64x128xf32>
    %reduce_sum3A_10 = arith.constant dense<0.000000e+00> : vector<128xf32>
    %reduce_sum3A_11 = vector.multi_reduction <add>, %mul3A_9, %reduce_sum3A_10 [0] : vector<64x128xf32> to vector<128xf32>
    %broadcast_in_dim3A_12 = vector.shape_cast %reduce_sum3A_11 : vector<128xf32> to vector<1x128xf32>
    %slice3A_13 = vector.extract_strided_slice %get3A_1 {offsets = [0, 256], sizes = [64, 128], strides = [1, 1]} : vector<64x16384xf32> to vector<64x128xf32>
    %mul3A_14 = vector.broadcast %get3A_4 : vector<64x1xf32> to vector<64x128xf32>
    %mul3A_15 = arith.mulf %slice3A_13, %mul3A_14 : vector<64x128xf32>
    %reduce_sum3A_16 = arith.constant dense<0.000000e+00> : vector<128xf32>
    %reduce_sum3A_17 = vector.multi_reduction <add>, %mul3A_15, %reduce_sum3A_16 [0] : vector<64x128xf32> to vector<128xf32>
    %broadcast_in_dim3A_18 = vector.shape_cast %reduce_sum3A_17 : vector<128xf32> to vector<1x128xf32>
    %slice3A_19 = vector.extract_strided_slice %get3A_1 {offsets = [0, 384], sizes = [64, 128], strides = [1, 1]} : vector<64x16384xf32> to vector<64x128xf32>
    %mul3A_20 = vector.broadcast %get3A_4 : vector<64x1xf32> to vector<64x128xf32>
    %mul3A_21 = arith.mulf %slice3A_19, %mul3A_20 : vector<64x128xf32>
    %reduce_sum3A_22 = arith.constant dense<0.000000e+00> : vector<128xf32>
    %reduce_sum3A_23 = vector.multi_reduction <add>, %mul3A_21, %reduce_sum3A_22 [0] : vector<64x128xf32> to vector<128xf32>
    %broadcast_in_dim3A_24 = vector.shape_cast %reduce_sum3A_23 : vector<128xf32> to vector<1x128xf32>
    %slice3A_25 = vector.extract_strided_slice %get3A_1 {offsets = [0, 512], sizes = [64, 128], strides = [1, 1]} : vector<64x16384xf32> to vector<64x128xf32>
    %mul3A_26 = vector.broadcast %get3A_4 : vector<64x1xf32> to vector<64x128xf32>
    %mul3A_27 = arith.mulf %slice3A_25, %mul3A_26 : vector<64x128xf32>
    %reduce_sum3A_28 = arith.constant dense<0.000000e+00> : vector<128xf32>
    %reduce_sum3A_29 = vector.multi_reduction <add>, %mul3A_27, %reduce_sum3A_28 [0] : vector<64x128xf32> to vector<128xf32>
    %broadcast_in_dim3A_30 = vector.shape_cast %reduce_sum3A_29 : vector<128xf32> to vector<1x128xf32>
    %slice3A_31 = vector.extract_strided_slice %get3A_1 {offsets = [0, 640], sizes = [64, 128], strides = [1, 1]} : vector<64x16384xf32> to vector<64x128xf32>
    %mul3A_32 = vector.broadcast %get3A_4 : vector<64x1xf32> to vector<64x128xf32>
    %mul3A_33 = arith.mulf %slice3A_31, %mul3A_32 : vector<64x128xf32>
    %reduce_sum3A_34 = arith.constant dense<0.000000e+00> : vector<128xf32>
    %reduce_sum3A_35 = vector.multi_reduction <add>, %mul3A_33, %reduce_sum3A_34 [0] : vector<64x128xf32> to vector<128xf32>
    %broadcast_in_dim3A_36 = vector.shape_cast %reduce_sum3A_35 : vector<128xf32> to vector<1x128xf32>
    %slice3A_37 = vector.extract_strided_slice %get3A_1 {offsets = [0, 768], sizes = [64, 128], strides = [1, 1]} : vector<64x16384xf32> to vector<64x128xf32>
    %mul3A_38 = vector.broadcast %get3A_4 : vector<64x1xf32> to vector<64x128xf32>
    %mul3A_39 = arith.mulf %slice3A_37, %mul3A_38 : vector<64x128xf32>
    %reduce_sum3A_40 = arith.constant dense<0.000000e+00> : vector<128xf32>
    %reduce_sum3A_41 = vector.multi_reduction <add>, %mul3A_39, %reduce_sum3A_40 [0] : vector<64x128xf32> to vector<128xf32>
    %broadcast_in_dim3A_42 = vector.shape_cast %reduce_sum3A_41 : vector<128xf32> to vector<1x128xf32>
    %slice3A_43 = vector.extract_strided_slice %get3A_1 {offsets = [0, 896], sizes = [64, 128], strides = [1, 1]} : vector<64x16384xf32> to vector<64x128xf32>
    %mul3A_44 = vector.broadcast %get3A_4 : vector<64x1xf32> to vector<64x128xf32>
    %mul3A_45 = arith.mulf %slice3A_43, %mul3A_44 : vector<64x128xf32>
    %reduce_sum3A_46 = arith.constant dense<0.000000e+00> : vector<128xf32>
    %reduce_sum3A_47 = vector.multi_reduction <add>, %mul3A_45, %reduce_sum3A_46 [0] : vector<64x128xf32> to vector<128xf32>
    %broadcast_in_dim3A_48 = vector.shape_cast %reduce_sum3A_47 : vector<128xf32> to vector<1x128xf32>
    %slice3A_49 = vector.extract_strided_slice %get3A_1 {offsets = [0, 1024], sizes = [64, 128], strides = [1, 1]} : vector<64x16384xf32> to vector<64x128xf32>
    %mul3A_50 = vector.broadcast %get3A_4 : vector<64x1xf32> to vector<64x128xf32>
    %mul3A_51 = arith.mulf %slice3A_49, %mul3A_50 : vector<64x128xf32>
    %reduce_sum3A_52 = arith.constant dense<0.000000e+00> : vector<128xf32>
    %reduce_sum3A_53 = vector.multi_reduction <add>, %mul3A_51, %reduce_sum3A_52 [0] : vector<64x128xf32> to vector<128xf32>
    %broadcast_in_dim3A_54 = vector.shape_cast %reduce_sum3A_53 : vector<128xf32> to vector<1x128xf32>
    %slice3A_55 = vector.extract_strided_slice %get3A_1 {offsets = [0, 1152], sizes = [64, 128], strides = [1, 1]} : vector<64x16384xf32> to vector<64x128xf32>
    %mul3A_56 = vector.broadcast %get3A_4 : vector<64x1xf32> to vector<64x128xf32>
    %mul3A_57 = arith.mulf %slice3A_55, %mul3A_56 : vector<64x128xf32>
    %reduce_sum3A_58 = arith.constant dense<0.000000e+00> : vector<128xf32>
    %reduce_sum3A_59 = vector.multi_reduction <add>, %mul3A_57, %reduce_sum3A_58 [0] : vector<64x128xf32> to vector<128xf32>
    %broadcast_in_dim3A_60 = vector.shape_cast %reduce_sum3A_59 : vector<128xf32> to vector<1x128xf32>
    %slice3A_61 = vector.extract_strided_slice %get3A_1 {offsets = [0, 1280], sizes = [64, 128], strides = [1, 1]} : vector<64x16384xf32> to vector<64x128xf32>
    %mul3A_62 = vector.broadcast %get3A_4 : vector<64x1xf32> to vector<64x128xf32>
    %mul3A_63 = arith.mulf %slice3A_61, %mul3A_62 : vector<64x128xf32>
    %reduce_sum3A_64 = arith.constant dense<0.000000e+00> : vector<128xf32>
    %reduce_sum3A_65 = vector.multi_reduction <add>, %mul3A_63, %reduce_sum3A_64 [0] : vector<64x128xf32> to vector<128xf32>
    %broadcast_in_dim3A_66 = vector.shape_cast %reduce_sum3A_65 : vector<128xf32> to vector<1x128xf32>
    %slice3A_67 = vector.extract_strided_slice %get3A_1 {offsets = [0, 1408], sizes = [64, 128], strides = [1, 1]} : vector<64x16384xf32> to vector<64x128xf32>
    %mul3A_68 = vector.broadcast %get3A_4 : vector<64x1xf32> to vector<64x128xf32>
    %mul3A_69 = arith.mulf %slice3A_67, %mul3A_68 : vector<64x128xf32>
    %reduce_sum3A_70 = arith.constant dense<0.000000e+00> : vector<128xf32>
    %reduce_sum3A_71 = vector.multi_reduction <add>, %mul3A_69, %reduce_sum3A_70 [0] : vector<64x128xf32> to vector<128xf32>
    %broadcast_in_dim3A_72 = vector.shape_cast %reduce_sum3A_71 : vector<128xf32> to vector<1x128xf32>
    %slice3A_73 = vector.extract_strided_slice %get3A_1 {offsets = [0, 1536], sizes = [64, 128], strides = [1, 1]} : vector<64x16384xf32> to vector<64x128xf32>
    %mul3A_74 = vector.broadcast %get3A_4 : vector<64x1xf32> to vector<64x128xf32>
    %mul3A_75 = arith.mulf %slice3A_73, %mul3A_74 : vector<64x128xf32>
    %reduce_sum3A_76 = arith.constant dense<0.000000e+00> : vector<128xf32>
    %reduce_sum3A_77 = vector.multi_reduction <add>, %mul3A_75, %reduce_sum3A_76 [0] : vector<64x128xf32> to vector<128xf32>
    %broadcast_in_dim3A_78 = vector.shape_cast %reduce_sum3A_77 : vector<128xf32> to vector<1x128xf32>
    %slice3A_79 = vector.extract_strided_slice %get3A_1 {offsets = [0, 1664], sizes = [64, 128], strides = [1, 1]} : vector<64x16384xf32> to vector<64x128xf32>
    %mul3A_80 = vector.broadcast %get3A_4 : vector<64x1xf32> to vector<64x128xf32>
    %mul3A_81 = arith.mulf %slice3A_79, %mul3A_80 : vector<64x128xf32>
    %reduce_sum3A_82 = arith.constant dense<0.000000e+00> : vector<128xf32>
    %reduce_sum3A_83 = vector.multi_reduction <add>, %mul3A_81, %reduce_sum3A_82 [0] : vector<64x128xf32> to vector<128xf32>
    %broadcast_in_dim3A_84 = vector.shape_cast %reduce_sum3A_83 : vector<128xf32> to vector<1x128xf32>
    %slice3A_85 = vector.extract_strided_slice %get3A_1 {offsets = [0, 1792], sizes = [64, 128], strides = [1, 1]} : vector<64x16384xf32> to vector<64x128xf32>
    %mul3A_86 = vector.broadcast %get3A_4 : vector<64x1xf32> to vector<64x128xf32>
    %mul3A_87 = arith.mulf %slice3A_85, %mul3A_86 : vector<64x128xf32>
    %reduce_sum3A_88 = arith.constant dense<0.000000e+00> : vector<128xf32>
    %reduce_sum3A_89 = vector.multi_reduction <add>, %mul3A_87, %reduce_sum3A_88 [0] : vector<64x128xf32> to vector<128xf32>
    %broadcast_in_dim3A_90 = vector.shape_cast %reduce_sum3A_89 : vector<128xf32> to vector<1x128xf32>
    %slice3A_91 = vector.extract_strided_slice %get3A_1 {offsets = [0, 1920], sizes = [64, 128], strides = [1, 1]} : vector<64x16384xf32> to vector<64x128xf32>
    %mul3A_92 = vector.broadcast %get3A_4 : vector<64x1xf32> to vector<64x128xf32>
    %mul3A_93 = arith.mulf %slice3A_91, %mul3A_92 : vector<64x128xf32>
    %reduce_sum3A_94 = arith.constant dense<0.000000e+00> : vector<128xf32>
    %reduce_sum3A_95 = vector.multi_reduction <add>, %mul3A_93, %reduce_sum3A_94 [0] : vector<64x128xf32> to vector<128xf32>
    %broadcast_in_dim3A_96 = vector.shape_cast %reduce_sum3A_95 : vector<128xf32> to vector<1x128xf32>
    %slice3A_97 = vector.extract_strided_slice %get3A_1 {offsets = [0, 2048], sizes = [64, 128], strides = [1, 1]} : vector<64x16384xf32> to vector<64x128xf32>
    %mul3A_98 = vector.broadcast %get3A_4 : vector<64x1xf32> to vector<64x128xf32>
    %mul3A_99 = arith.mulf %slice3A_97, %mul3A_98 : vector<64x128xf32>
    %reduce_sum3A_100 = arith.constant dense<0.000000e+00> : vector<128xf32>
    %reduce_sum3A_101 = vector.multi_reduction <add>, %mul3A_99, %reduce_sum3A_100 [0] : vector<64x128xf32> to vector<128xf32>
    %broadcast_in_dim3A_102 = vector.shape_cast %reduce_sum3A_101 : vector<128xf32> to vector<1x128xf32>
    %slice3A_103 = vector.extract_strided_slice %get3A_1 {offsets = [0, 2176], sizes = [64, 128], strides = [1, 1]} : vector<64x16384xf32> to vector<64x128xf32>
    %mul3A_104 = vector.broadcast %get3A_4 : vector<64x1xf32> to vector<64x128xf32>
    %mul3A_105 = arith.mulf %slice3A_103, %mul3A_104 : vector<64x128xf32>
    %reduce_sum3A_106 = arith.constant dense<0.000000e+00> : vector<128xf32>
    %reduce_sum3A_107 = vector.multi_reduction <add>, %mul3A_105, %reduce_sum3A_106 [0] : vector<64x128xf32> to vector<128xf32>
    %broadcast_in_dim3A_108 = vector.shape_cast %reduce_sum3A_107 : vector<128xf32> to vector<1x128xf32>
    %slice3A_109 = vector.extract_strided_slice %get3A_1 {offsets = [0, 2304], sizes = [64, 128], strides = [1, 1]} : vector<64x16384xf32> to vector<64x128xf32>
    %mul3A_110 = vector.broadcast %get3A_4 : vector<64x1xf32> to vector<64x128xf32>
    %mul3A_111 = arith.mulf %slice3A_109, %mul3A_110 : vector<64x128xf32>
    %reduce_sum3A_112 = arith.constant dense<0.000000e+00> : vector<128xf32>
    %reduce_sum3A_113 = vector.multi_reduction <add>, %mul3A_111, %reduce_sum3A_112 [0] : vector<64x128xf32> to vector<128xf32>
    %broadcast_in_dim3A_114 = vector.shape_cast %reduce_sum3A_113 : vector<128xf32> to vector<1x128xf32>
    %slice3A_115 = vector.extract_strided_slice %get3A_1 {offsets = [0, 2432], sizes = [64, 128], strides = [1, 1]} : vector<64x16384xf32> to vector<64x128xf32>
    %mul3A_116 = vector.broadcast %get3A_4 : vector<64x1xf32> to vector<64x128xf32>
    %mul3A_117 = arith.mulf %slice3A_115, %mul3A_116 : vector<64x128xf32>
    %reduce_sum3A_118 = arith.constant dense<0.000000e+00> : vector<128xf32>
    %reduce_sum3A_119 = vector.multi_reduction <add>, %mul3A_117, %reduce_sum3A_118 [0] : vector<64x128xf32> to vector<128xf32>
    %broadcast_in_dim3A_120 = vector.shape_cast %reduce_sum3A_119 : vector<128xf32> to vector<1x128xf32>
    %slice3A_121 = vector.extract_strided_slice %get3A_1 {offsets = [0, 2560], sizes = [64, 128], strides = [1, 1]} : vector<64x16384xf32> to vector<64x128xf32>
    %mul3A_122 = vector.broadcast %get3A_4 : vector<64x1xf32> to vector<64x128xf32>
    %mul3A_123 = arith.mulf %slice3A_121, %mul3A_122 : vector<64x128xf32>
    %reduce_sum3A_124 = arith.constant dense<0.000000e+00> : vector<128xf32>
    %reduce_sum3A_125 = vector.multi_reduction <add>, %mul3A_123, %reduce_sum3A_124 [0] : vector<64x128xf32> to vector<128xf32>
    %broadcast_in_dim3A_126 = vector.shape_cast %reduce_sum3A_125 : vector<128xf32> to vector<1x128xf32>
    %slice3A_127 = vector.extract_strided_slice %get3A_1 {offsets = [0, 2688], sizes = [64, 128], strides = [1, 1]} : vector<64x16384xf32> to vector<64x128xf32>
    %mul3A_128 = vector.broadcast %get3A_4 : vector<64x1xf32> to vector<64x128xf32>
    %mul3A_129 = arith.mulf %slice3A_127, %mul3A_128 : vector<64x128xf32>
    %reduce_sum3A_130 = arith.constant dense<0.000000e+00> : vector<128xf32>
    %reduce_sum3A_131 = vector.multi_reduction <add>, %mul3A_129, %reduce_sum3A_130 [0] : vector<64x128xf32> to vector<128xf32>
    %broadcast_in_dim3A_132 = vector.shape_cast %reduce_sum3A_131 : vector<128xf32> to vector<1x128xf32>
    %slice3A_133 = vector.extract_strided_slice %get3A_1 {offsets = [0, 2816], sizes = [64, 128], strides = [1, 1]} : vector<64x16384xf32> to vector<64x128xf32>
    %mul3A_134 = vector.broadcast %get3A_4 : vector<64x1xf32> to vector<64x128xf32>
    %mul3A_135 = arith.mulf %slice3A_133, %mul3A_134 : vector<64x128xf32>
    %reduce_sum3A_136 = arith.constant dense<0.000000e+00> : vector<128xf32>
    %reduce_sum3A_137 = vector.multi_reduction <add>, %mul3A_135, %reduce_sum3A_136 [0] : vector<64x128xf32> to vector<128xf32>
    %broadcast_in_dim3A_138 = vector.shape_cast %reduce_sum3A_137 : vector<128xf32> to vector<1x128xf32>
    %slice3A_139 = vector.extract_strided_slice %get3A_1 {offsets = [0, 2944], sizes = [64, 128], strides = [1, 1]} : vector<64x16384xf32> to vector<64x128xf32>
    %mul3A_140 = vector.broadcast %get3A_4 : vector<64x1xf32> to vector<64x128xf32>
    %mul3A_141 = arith.mulf %slice3A_139, %mul3A_140 : vector<64x128xf32>
    %reduce_sum3A_142 = arith.constant dense<0.000000e+00> : vector<128xf32>
    %reduce_sum3A_143 = vector.multi_reduction <add>, %mul3A_141, %reduce_sum3A_142 [0] : vector<64x128xf32> to vector<128xf32>
    %broadcast_in_dim3A_144 = vector.shape_cast %reduce_sum3A_143 : vector<128xf32> to vector<1x128xf32>
    %slice3A_145 = vector.extract_strided_slice %get3A_1 {offsets = [0, 3072], sizes = [64, 128], strides = [1, 1]} : vector<64x16384xf32> to vector<64x128xf32>
    %mul3A_146 = vector.broadcast %get3A_4 : vector<64x1xf32> to vector<64x128xf32>
    %mul3A_147 = arith.mulf %slice3A_145, %mul3A_146 : vector<64x128xf32>
    %reduce_sum3A_148 = arith.constant dense<0.000000e+00> : vector<128xf32>
    %reduce_sum3A_149 = vector.multi_reduction <add>, %mul3A_147, %reduce_sum3A_148 [0] : vector<64x128xf32> to vector<128xf32>
    %broadcast_in_dim3A_150 = vector.shape_cast %reduce_sum3A_149 : vector<128xf32> to vector<1x128xf32>
    %slice3A_151 = vector.extract_strided_slice %get3A_1 {offsets = [0, 3200], sizes = [64, 128], strides = [1, 1]} : vector<64x16384xf32> to vector<64x128xf32>
    %mul3A_152 = vector.broadcast %get3A_4 : vector<64x1xf32> to vector<64x128xf32>
    %mul3A_153 = arith.mulf %slice3A_151, %mul3A_152 : vector<64x128xf32>
    %reduce_sum3A_154 = arith.constant dense<0.000000e+00> : vector<128xf32>
    %reduce_sum3A_155 = vector.multi_reduction <add>, %mul3A_153, %reduce_sum3A_154 [0] : vector<64x128xf32> to vector<128xf32>
    %broadcast_in_dim3A_156 = vector.shape_cast %reduce_sum3A_155 : vector<128xf32> to vector<1x128xf32>
    %slice3A_157 = vector.extract_strided_slice %get3A_1 {offsets = [0, 3328], sizes = [64, 128], strides = [1, 1]} : vector<64x16384xf32> to vector<64x128xf32>
    %mul3A_158 = vector.broadcast %get3A_4 : vector<64x1xf32> to vector<64x128xf32>
    %mul3A_159 = arith.mulf %slice3A_157, %mul3A_158 : vector<64x128xf32>
    %reduce_sum3A_160 = arith.constant dense<0.000000e+00> : vector<128xf32>
    %reduce_sum3A_161 = vector.multi_reduction <add>, %mul3A_159, %reduce_sum3A_160 [0] : vector<64x128xf32> to vector<128xf32>
    %broadcast_in_dim3A_162 = vector.shape_cast %reduce_sum3A_161 : vector<128xf32> to vector<1x128xf32>
    %slice3A_163 = vector.extract_strided_slice %get3A_1 {offsets = [0, 3456], sizes = [64, 128], strides = [1, 1]} : vector<64x16384xf32> to vector<64x128xf32>
    %mul3A_164 = vector.broadcast %get3A_4 : vector<64x1xf32> to vector<64x128xf32>
    %mul3A_165 = arith.mulf %slice3A_163, %mul3A_164 : vector<64x128xf32>
    %reduce_sum3A_166 = arith.constant dense<0.000000e+00> : vector<128xf32>
    %reduce_sum3A_167 = vector.multi_reduction <add>, %mul3A_165, %reduce_sum3A_166 [0] : vector<64x128xf32> to vector<128xf32>
    %broadcast_in_dim3A_168 = vector.shape_cast %reduce_sum3A_167 : vector<128xf32> to vector<1x128xf32>
    %slice3A_169 = vector.extract_strided_slice %get3A_1 {offsets = [0, 3584], sizes = [64, 128], strides = [1, 1]} : vector<64x16384xf32> to vector<64x128xf32>
    %mul3A_170 = vector.broadcast %get3A_4 : vector<64x1xf32> to vector<64x128xf32>
    %mul3A_171 = arith.mulf %slice3A_169, %mul3A_170 : vector<64x128xf32>
    %reduce_sum3A_172 = arith.constant dense<0.000000e+00> : vector<128xf32>
    %reduce_sum3A_173 = vector.multi_reduction <add>, %mul3A_171, %reduce_sum3A_172 [0] : vector<64x128xf32> to vector<128xf32>
    %broadcast_in_dim3A_174 = vector.shape_cast %reduce_sum3A_173 : vector<128xf32> to vector<1x128xf32>
    %slice3A_175 = vector.extract_strided_slice %get3A_1 {offsets = [0, 3712], sizes = [64, 128], strides = [1, 1]} : vector<64x16384xf32> to vector<64x128xf32>
    %mul3A_176 = vector.broadcast %get3A_4 : vector<64x1xf32> to vector<64x128xf32>
    %mul3A_177 = arith.mulf %slice3A_175, %mul3A_176 : vector<64x128xf32>
    %reduce_sum3A_178 = arith.constant dense<0.000000e+00> : vector<128xf32>
    %reduce_sum3A_179 = vector.multi_reduction <add>, %mul3A_177, %reduce_sum3A_178 [0] : vector<64x128xf32> to vector<128xf32>
    %broadcast_in_dim3A_180 = vector.shape_cast %reduce_sum3A_179 : vector<128xf32> to vector<1x128xf32>
    %slice3A_181 = vector.extract_strided_slice %get3A_1 {offsets = [0, 3840], sizes = [64, 128], strides = [1, 1]} : vector<64x16384xf32> to vector<64x128xf32>
    %mul3A_182 = vector.broadcast %get3A_4 : vector<64x1xf32> to vector<64x128xf32>
    %mul3A_183 = arith.mulf %slice3A_181, %mul3A_182 : vector<64x128xf32>
    %reduce_sum3A_184 = arith.constant dense<0.000000e+00> : vector<128xf32>
    %reduce_sum3A_185 = vector.multi_reduction <add>, %mul3A_183, %reduce_sum3A_184 [0] : vector<64x128xf32> to vector<128xf32>
    %broadcast_in_dim3A_186 = vector.shape_cast %reduce_sum3A_185 : vector<128xf32> to vector<1x128xf32>
    %slice3A_187 = vector.extract_strided_slice %get3A_1 {offsets = [0, 3968], sizes = [64, 128], strides = [1, 1]} : vector<64x16384xf32> to vector<64x128xf32>
    %mul3A_188 = vector.broadcast %get3A_4 : vector<64x1xf32> to vector<64x128xf32>
    %mul3A_189 = arith.mulf %slice3A_187, %mul3A_188 : vector<64x128xf32>
    %reduce_sum3A_190 = arith.constant dense<0.000000e+00> : vector<128xf32>
    %reduce_sum3A_191 = vector.multi_reduction <add>, %mul3A_189, %reduce_sum3A_190 [0] : vector<64x128xf32> to vector<128xf32>
    %broadcast_in_dim3A_192 = vector.shape_cast %reduce_sum3A_191 : vector<128xf32> to vector<1x128xf32>
    %slice3A_193 = vector.extract_strided_slice %get3A_1 {offsets = [0, 4096], sizes = [64, 128], strides = [1, 1]} : vector<64x16384xf32> to vector<64x128xf32>
    %mul3A_194 = vector.broadcast %get3A_4 : vector<64x1xf32> to vector<64x128xf32>
    %mul3A_195 = arith.mulf %slice3A_193, %mul3A_194 : vector<64x128xf32>
    %reduce_sum3A_196 = arith.constant dense<0.000000e+00> : vector<128xf32>
    %reduce_sum3A_197 = vector.multi_reduction <add>, %mul3A_195, %reduce_sum3A_196 [0] : vector<64x128xf32> to vector<128xf32>
    %broadcast_in_dim3A_198 = vector.shape_cast %reduce_sum3A_197 : vector<128xf32> to vector<1x128xf32>
    %slice3A_199 = vector.extract_strided_slice %get3A_1 {offsets = [0, 4224], sizes = [64, 128], strides = [1, 1]} : vector<64x16384xf32> to vector<64x128xf32>
    %mul3A_200 = vector.broadcast %get3A_4 : vector<64x1xf32> to vector<64x128xf32>
    %mul3A_201 = arith.mulf %slice3A_199, %mul3A_200 : vector<64x128xf32>
    %reduce_sum3A_202 = arith.constant dense<0.000000e+00> : vector<128xf32>
    %reduce_sum3A_203 = vector.multi_reduction <add>, %mul3A_201, %reduce_sum3A_202 [0] : vector<64x128xf32> to vector<128xf32>
    %broadcast_in_dim3A_204 = vector.shape_cast %reduce_sum3A_203 : vector<128xf32> to vector<1x128xf32>
    %slice3A_205 = vector.extract_strided_slice %get3A_1 {offsets = [0, 4352], sizes = [64, 128], strides = [1, 1]} : vector<64x16384xf32> to vector<64x128xf32>
    %mul3A_206 = vector.broadcast %get3A_4 : vector<64x1xf32> to vector<64x128xf32>
    %mul3A_207 = arith.mulf %slice3A_205, %mul3A_206 : vector<64x128xf32>
    %reduce_sum3A_208 = arith.constant dense<0.000000e+00> : vector<128xf32>
    %reduce_sum3A_209 = vector.multi_reduction <add>, %mul3A_207, %reduce_sum3A_208 [0] : vector<64x128xf32> to vector<128xf32>
    %broadcast_in_dim3A_210 = vector.shape_cast %reduce_sum3A_209 : vector<128xf32> to vector<1x128xf32>
    %slice3A_211 = vector.extract_strided_slice %get3A_1 {offsets = [0, 4480], sizes = [64, 128], strides = [1, 1]} : vector<64x16384xf32> to vector<64x128xf32>
    %mul3A_212 = vector.broadcast %get3A_4 : vector<64x1xf32> to vector<64x128xf32>
    %mul3A_213 = arith.mulf %slice3A_211, %mul3A_212 : vector<64x128xf32>
    %reduce_sum3A_214 = arith.constant dense<0.000000e+00> : vector<128xf32>
    %reduce_sum3A_215 = vector.multi_reduction <add>, %mul3A_213, %reduce_sum3A_214 [0] : vector<64x128xf32> to vector<128xf32>
    %broadcast_in_dim3A_216 = vector.shape_cast %reduce_sum3A_215 : vector<128xf32> to vector<1x128xf32>
    %slice3A_217 = vector.extract_strided_slice %get3A_1 {offsets = [0, 4608], sizes = [64, 128], strides = [1, 1]} : vector<64x16384xf32> to vector<64x128xf32>
    %mul3A_218 = vector.broadcast %get3A_4 : vector<64x1xf32> to vector<64x128xf32>
    %mul3A_219 = arith.mulf %slice3A_217, %mul3A_218 : vector<64x128xf32>
    %reduce_sum3A_220 = arith.constant dense<0.000000e+00> : vector<128xf32>
    %reduce_sum3A_221 = vector.multi_reduction <add>, %mul3A_219, %reduce_sum3A_220 [0] : vector<64x128xf32> to vector<128xf32>
    %broadcast_in_dim3A_222 = vector.shape_cast %reduce_sum3A_221 : vector<128xf32> to vector<1x128xf32>
    %slice3A_223 = vector.extract_strided_slice %get3A_1 {offsets = [0, 4736], sizes = [64, 128], strides = [1, 1]} : vector<64x16384xf32> to vector<64x128xf32>
    %mul3A_224 = vector.broadcast %get3A_4 : vector<64x1xf32> to vector<64x128xf32>
    %mul3A_225 = arith.mulf %slice3A_223, %mul3A_224 : vector<64x128xf32>
    %reduce_sum3A_226 = arith.constant dense<0.000000e+00> : vector<128xf32>
    %reduce_sum3A_227 = vector.multi_reduction <add>, %mul3A_225, %reduce_sum3A_226 [0] : vector<64x128xf32> to vector<128xf32>
    %broadcast_in_dim3A_228 = vector.shape_cast %reduce_sum3A_227 : vector<128xf32> to vector<1x128xf32>
    %slice3A_229 = vector.extract_strided_slice %get3A_1 {offsets = [0, 4864], sizes = [64, 128], strides = [1, 1]} : vector<64x16384xf32> to vector<64x128xf32>
    %mul3A_230 = vector.broadcast %get3A_4 : vector<64x1xf32> to vector<64x128xf32>
    %mul3A_231 = arith.mulf %slice3A_229, %mul3A_230 : vector<64x128xf32>
    %reduce_sum3A_232 = arith.constant dense<0.000000e+00> : vector<128xf32>
    %reduce_sum3A_233 = vector.multi_reduction <add>, %mul3A_231, %reduce_sum3A_232 [0] : vector<64x128xf32> to vector<128xf32>
    %broadcast_in_dim3A_234 = vector.shape_cast %reduce_sum3A_233 : vector<128xf32> to vector<1x128xf32>
    %slice3A_235 = vector.extract_strided_slice %get3A_1 {offsets = [0, 4992], sizes = [64, 128], strides = [1, 1]} : vector<64x16384xf32> to vector<64x128xf32>
    %mul3A_236 = vector.broadcast %get3A_4 : vector<64x1xf32> to vector<64x128xf32>
    %mul3A_237 = arith.mulf %slice3A_235, %mul3A_236 : vector<64x128xf32>
    %reduce_sum3A_238 = arith.constant dense<0.000000e+00> : vector<128xf32>
    %reduce_sum3A_239 = vector.multi_reduction <add>, %mul3A_237, %reduce_sum3A_238 [0] : vector<64x128xf32> to vector<128xf32>
    %broadcast_in_dim3A_240 = vector.shape_cast %reduce_sum3A_239 : vector<128xf32> to vector<1x128xf32>
    %slice3A_241 = vector.extract_strided_slice %get3A_1 {offsets = [0, 5120], sizes = [64, 128], strides = [1, 1]} : vector<64x16384xf32> to vector<64x128xf32>
    %mul3A_242 = vector.broadcast %get3A_4 : vector<64x1xf32> to vector<64x128xf32>
    %mul3A_243 = arith.mulf %slice3A_241, %mul3A_242 : vector<64x128xf32>
    %reduce_sum3A_244 = arith.constant dense<0.000000e+00> : vector<128xf32>
    %reduce_sum3A_245 = vector.multi_reduction <add>, %mul3A_243, %reduce_sum3A_244 [0] : vector<64x128xf32> to vector<128xf32>
    %broadcast_in_dim3A_246 = vector.shape_cast %reduce_sum3A_245 : vector<128xf32> to vector<1x128xf32>
    %slice3A_247 = vector.extract_strided_slice %get3A_1 {offsets = [0, 5248], sizes = [64, 128], strides = [1, 1]} : vector<64x16384xf32> to vector<64x128xf32>
    %mul3A_248 = vector.broadcast %get3A_4 : vector<64x1xf32> to vector<64x128xf32>
    %mul3A_249 = arith.mulf %slice3A_247, %mul3A_248 : vector<64x128xf32>
    %reduce_sum3A_250 = arith.constant dense<0.000000e+00> : vector<128xf32>
    %reduce_sum3A_251 = vector.multi_reduction <add>, %mul3A_249, %reduce_sum3A_250 [0] : vector<64x128xf32> to vector<128xf32>
    %broadcast_in_dim3A_252 = vector.shape_cast %reduce_sum3A_251 : vector<128xf32> to vector<1x128xf32>
    %slice3A_253 = vector.extract_strided_slice %get3A_1 {offsets = [0, 5376], sizes = [64, 128], strides = [1, 1]} : vector<64x16384xf32> to vector<64x128xf32>
    %mul3A_254 = vector.broadcast %get3A_4 : vector<64x1xf32> to vector<64x128xf32>
    %mul3A_255 = arith.mulf %slice3A_253, %mul3A_254 : vector<64x128xf32>
    %reduce_sum3A_256 = arith.constant dense<0.000000e+00> : vector<128xf32>
    %reduce_sum3A_257 = vector.multi_reduction <add>, %mul3A_255, %reduce_sum3A_256 [0] : vector<64x128xf32> to vector<128xf32>
    %broadcast_in_dim3A_258 = vector.shape_cast %reduce_sum3A_257 : vector<128xf32> to vector<1x128xf32>
    %slice3A_259 = vector.extract_strided_slice %get3A_1 {offsets = [0, 5504], sizes = [64, 128], strides = [1, 1]} : vector<64x16384xf32> to vector<64x128xf32>
    %mul3A_260 = vector.broadcast %get3A_4 : vector<64x1xf32> to vector<64x128xf32>
    %mul3A_261 = arith.mulf %slice3A_259, %mul3A_260 : vector<64x128xf32>
    %reduce_sum3A_262 = arith.constant dense<0.000000e+00> : vector<128xf32>
    %reduce_sum3A_263 = vector.multi_reduction <add>, %mul3A_261, %reduce_sum3A_262 [0] : vector<64x128xf32> to vector<128xf32>
    %broadcast_in_dim3A_264 = vector.shape_cast %reduce_sum3A_263 : vector<128xf32> to vector<1x128xf32>
    %slice3A_265 = vector.extract_strided_slice %get3A_1 {offsets = [0, 5632], sizes = [64, 128], strides = [1, 1]} : vector<64x16384xf32> to vector<64x128xf32>
    %mul3A_266 = vector.broadcast %get3A_4 : vector<64x1xf32> to vector<64x128xf32>
    %mul3A_267 = arith.mulf %slice3A_265, %mul3A_266 : vector<64x128xf32>
    %reduce_sum3A_268 = arith.constant dense<0.000000e+00> : vector<128xf32>
    %reduce_sum3A_269 = vector.multi_reduction <add>, %mul3A_267, %reduce_sum3A_268 [0] : vector<64x128xf32> to vector<128xf32>
    %broadcast_in_dim3A_270 = vector.shape_cast %reduce_sum3A_269 : vector<128xf32> to vector<1x128xf32>
    %slice3A_271 = vector.extract_strided_slice %get3A_1 {offsets = [0, 5760], sizes = [64, 128], strides = [1, 1]} : vector<64x16384xf32> to vector<64x128xf32>
    %mul3A_272 = vector.broadcast %get3A_4 : vector<64x1xf32> to vector<64x128xf32>
    %mul3A_273 = arith.mulf %slice3A_271, %mul3A_272 : vector<64x128xf32>
    %reduce_sum3A_274 = arith.constant dense<0.000000e+00> : vector<128xf32>
    %reduce_sum3A_275 = vector.multi_reduction <add>, %mul3A_273, %reduce_sum3A_274 [0] : vector<64x128xf32> to vector<128xf32>
    %broadcast_in_dim3A_276 = vector.shape_cast %reduce_sum3A_275 : vector<128xf32> to vector<1x128xf32>
    %slice3A_277 = vector.extract_strided_slice %get3A_1 {offsets = [0, 5888], sizes = [64, 128], strides = [1, 1]} : vector<64x16384xf32> to vector<64x128xf32>
    %mul3A_278 = vector.broadcast %get3A_4 : vector<64x1xf32> to vector<64x128xf32>
    %mul3A_279 = arith.mulf %slice3A_277, %mul3A_278 : vector<64x128xf32>
    %reduce_sum3A_280 = arith.constant dense<0.000000e+00> : vector<128xf32>
    %reduce_sum3A_281 = vector.multi_reduction <add>, %mul3A_279, %reduce_sum3A_280 [0] : vector<64x128xf32> to vector<128xf32>
    %broadcast_in_dim3A_282 = vector.shape_cast %reduce_sum3A_281 : vector<128xf32> to vector<1x128xf32>
    %slice3A_283 = vector.extract_strided_slice %get3A_1 {offsets = [0, 6016], sizes = [64, 128], strides = [1, 1]} : vector<64x16384xf32> to vector<64x128xf32>
    %mul3A_284 = vector.broadcast %get3A_4 : vector<64x1xf32> to vector<64x128xf32>
    %mul3A_285 = arith.mulf %slice3A_283, %mul3A_284 : vector<64x128xf32>
    %reduce_sum3A_286 = arith.constant dense<0.000000e+00> : vector<128xf32>
    %reduce_sum3A_287 = vector.multi_reduction <add>, %mul3A_285, %reduce_sum3A_286 [0] : vector<64x128xf32> to vector<128xf32>
    %broadcast_in_dim3A_288 = vector.shape_cast %reduce_sum3A_287 : vector<128xf32> to vector<1x128xf32>
    %slice3A_289 = vector.extract_strided_slice %get3A_1 {offsets = [0, 6144], sizes = [64, 128], strides = [1, 1]} : vector<64x16384xf32> to vector<64x128xf32>
    %mul3A_290 = vector.broadcast %get3A_4 : vector<64x1xf32> to vector<64x128xf32>
    %mul3A_291 = arith.mulf %slice3A_289, %mul3A_290 : vector<64x128xf32>
    %reduce_sum3A_292 = arith.constant dense<0.000000e+00> : vector<128xf32>
    %reduce_sum3A_293 = vector.multi_reduction <add>, %mul3A_291, %reduce_sum3A_292 [0] : vector<64x128xf32> to vector<128xf32>
    %broadcast_in_dim3A_294 = vector.shape_cast %reduce_sum3A_293 : vector<128xf32> to vector<1x128xf32>
    %slice3A_295 = vector.extract_strided_slice %get3A_1 {offsets = [0, 6272], sizes = [64, 128], strides = [1, 1]} : vector<64x16384xf32> to vector<64x128xf32>
    %mul3A_296 = vector.broadcast %get3A_4 : vector<64x1xf32> to vector<64x128xf32>
    %mul3A_297 = arith.mulf %slice3A_295, %mul3A_296 : vector<64x128xf32>
    %reduce_sum3A_298 = arith.constant dense<0.000000e+00> : vector<128xf32>
    %reduce_sum3A_299 = vector.multi_reduction <add>, %mul3A_297, %reduce_sum3A_298 [0] : vector<64x128xf32> to vector<128xf32>
    %broadcast_in_dim3A_300 = vector.shape_cast %reduce_sum3A_299 : vector<128xf32> to vector<1x128xf32>
    %slice3A_301 = vector.extract_strided_slice %get3A_1 {offsets = [0, 6400], sizes = [64, 128], strides = [1, 1]} : vector<64x16384xf32> to vector<64x128xf32>
    %mul3A_302 = vector.broadcast %get3A_4 : vector<64x1xf32> to vector<64x128xf32>
    %mul3A_303 = arith.mulf %slice3A_301, %mul3A_302 : vector<64x128xf32>
    %reduce_sum3A_304 = arith.constant dense<0.000000e+00> : vector<128xf32>
    %reduce_sum3A_305 = vector.multi_reduction <add>, %mul3A_303, %reduce_sum3A_304 [0] : vector<64x128xf32> to vector<128xf32>
    %broadcast_in_dim3A_306 = vector.shape_cast %reduce_sum3A_305 : vector<128xf32> to vector<1x128xf32>
    %slice3A_307 = vector.extract_strided_slice %get3A_1 {offsets = [0, 6528], sizes = [64, 128], strides = [1, 1]} : vector<64x16384xf32> to vector<64x128xf32>
    %mul3A_308 = vector.broadcast %get3A_4 : vector<64x1xf32> to vector<64x128xf32>
    %mul3A_309 = arith.mulf %slice3A_307, %mul3A_308 : vector<64x128xf32>
    %reduce_sum3A_310 = arith.constant dense<0.000000e+00> : vector<128xf32>
    %reduce_sum3A_311 = vector.multi_reduction <add>, %mul3A_309, %reduce_sum3A_310 [0] : vector<64x128xf32> to vector<128xf32>
    %broadcast_in_dim3A_312 = vector.shape_cast %reduce_sum3A_311 : vector<128xf32> to vector<1x128xf32>
    %slice3A_313 = vector.extract_strided_slice %get3A_1 {offsets = [0, 6656], sizes = [64, 128], strides = [1, 1]} : vector<64x16384xf32> to vector<64x128xf32>
    %mul3A_314 = vector.broadcast %get3A_4 : vector<64x1xf32> to vector<64x128xf32>
    %mul3A_315 = arith.mulf %slice3A_313, %mul3A_314 : vector<64x128xf32>
    %reduce_sum3A_316 = arith.constant dense<0.000000e+00> : vector<128xf32>
    %reduce_sum3A_317 = vector.multi_reduction <add>, %mul3A_315, %reduce_sum3A_316 [0] : vector<64x128xf32> to vector<128xf32>
    %broadcast_in_dim3A_318 = vector.shape_cast %reduce_sum3A_317 : vector<128xf32> to vector<1x128xf32>
    %slice3A_319 = vector.extract_strided_slice %get3A_1 {offsets = [0, 6784], sizes = [64, 128], strides = [1, 1]} : vector<64x16384xf32> to vector<64x128xf32>
    %mul3A_320 = vector.broadcast %get3A_4 : vector<64x1xf32> to vector<64x128xf32>
    %mul3A_321 = arith.mulf %slice3A_319, %mul3A_320 : vector<64x128xf32>
    %reduce_sum3A_322 = arith.constant dense<0.000000e+00> : vector<128xf32>
    %reduce_sum3A_323 = vector.multi_reduction <add>, %mul3A_321, %reduce_sum3A_322 [0] : vector<64x128xf32> to vector<128xf32>
    %broadcast_in_dim3A_324 = vector.shape_cast %reduce_sum3A_323 : vector<128xf32> to vector<1x128xf32>
    %slice3A_325 = vector.extract_strided_slice %get3A_1 {offsets = [0, 6912], sizes = [64, 128], strides = [1, 1]} : vector<64x16384xf32> to vector<64x128xf32>
    %mul3A_326 = vector.broadcast %get3A_4 : vector<64x1xf32> to vector<64x128xf32>
    %mul3A_327 = arith.mulf %slice3A_325, %mul3A_326 : vector<64x128xf32>
    %reduce_sum3A_328 = arith.constant dense<0.000000e+00> : vector<128xf32>
    %reduce_sum3A_329 = vector.multi_reduction <add>, %mul3A_327, %reduce_sum3A_328 [0] : vector<64x128xf32> to vector<128xf32>
    %broadcast_in_dim3A_330 = vector.shape_cast %reduce_sum3A_329 : vector<128xf32> to vector<1x128xf32>
    %slice3A_331 = vector.extract_strided_slice %get3A_1 {offsets = [0, 7040], sizes = [64, 128], strides = [1, 1]} : vector<64x16384xf32> to vector<64x128xf32>
    %mul3A_332 = vector.broadcast %get3A_4 : vector<64x1xf32> to vector<64x128xf32>
    %mul3A_333 = arith.mulf %slice3A_331, %mul3A_332 : vector<64x128xf32>
    %reduce_sum3A_334 = arith.constant dense<0.000000e+00> : vector<128xf32>
    %reduce_sum3A_335 = vector.multi_reduction <add>, %mul3A_333, %reduce_sum3A_334 [0] : vector<64x128xf32> to vector<128xf32>
    %broadcast_in_dim3A_336 = vector.shape_cast %reduce_sum3A_335 : vector<128xf32> to vector<1x128xf32>
    %slice3A_337 = vector.extract_strided_slice %get3A_1 {offsets = [0, 7168], sizes = [64, 128], strides = [1, 1]} : vector<64x16384xf32> to vector<64x128xf32>
    %mul3A_338 = vector.broadcast %get3A_4 : vector<64x1xf32> to vector<64x128xf32>
    %mul3A_339 = arith.mulf %slice3A_337, %mul3A_338 : vector<64x128xf32>
    %reduce_sum3A_340 = arith.constant dense<0.000000e+00> : vector<128xf32>
    %reduce_sum3A_341 = vector.multi_reduction <add>, %mul3A_339, %reduce_sum3A_340 [0] : vector<64x128xf32> to vector<128xf32>
    %broadcast_in_dim3A_342 = vector.shape_cast %reduce_sum3A_341 : vector<128xf32> to vector<1x128xf32>
    %slice3A_343 = vector.extract_strided_slice %get3A_1 {offsets = [0, 7296], sizes = [64, 128], strides = [1, 1]} : vector<64x16384xf32> to vector<64x128xf32>
    %mul3A_344 = vector.broadcast %get3A_4 : vector<64x1xf32> to vector<64x128xf32>
    %mul3A_345 = arith.mulf %slice3A_343, %mul3A_344 : vector<64x128xf32>
    %reduce_sum3A_346 = arith.constant dense<0.000000e+00> : vector<128xf32>
    %reduce_sum3A_347 = vector.multi_reduction <add>, %mul3A_345, %reduce_sum3A_346 [0] : vector<64x128xf32> to vector<128xf32>
    %broadcast_in_dim3A_348 = vector.shape_cast %reduce_sum3A_347 : vector<128xf32> to vector<1x128xf32>
    %slice3A_349 = vector.extract_strided_slice %get3A_1 {offsets = [0, 7424], sizes = [64, 128], strides = [1, 1]} : vector<64x16384xf32> to vector<64x128xf32>
    %mul3A_350 = vector.broadcast %get3A_4 : vector<64x1xf32> to vector<64x128xf32>
    %mul3A_351 = arith.mulf %slice3A_349, %mul3A_350 : vector<64x128xf32>
    %reduce_sum3A_352 = arith.constant dense<0.000000e+00> : vector<128xf32>
    %reduce_sum3A_353 = vector.multi_reduction <add>, %mul3A_351, %reduce_sum3A_352 [0] : vector<64x128xf32> to vector<128xf32>
    %broadcast_in_dim3A_354 = vector.shape_cast %reduce_sum3A_353 : vector<128xf32> to vector<1x128xf32>
    %slice3A_355 = vector.extract_strided_slice %get3A_1 {offsets = [0, 7552], sizes = [64, 128], strides = [1, 1]} : vector<64x16384xf32> to vector<64x128xf32>
    %mul3A_356 = vector.broadcast %get3A_4 : vector<64x1xf32> to vector<64x128xf32>
    %mul3A_357 = arith.mulf %slice3A_355, %mul3A_356 : vector<64x128xf32>
    %reduce_sum3A_358 = arith.constant dense<0.000000e+00> : vector<128xf32>
    %reduce_sum3A_359 = vector.multi_reduction <add>, %mul3A_357, %reduce_sum3A_358 [0] : vector<64x128xf32> to vector<128xf32>
    %broadcast_in_dim3A_360 = vector.shape_cast %reduce_sum3A_359 : vector<128xf32> to vector<1x128xf32>
    %slice3A_361 = vector.extract_strided_slice %get3A_1 {offsets = [0, 7680], sizes = [64, 128], strides = [1, 1]} : vector<64x16384xf32> to vector<64x128xf32>
    %mul3A_362 = vector.broadcast %get3A_4 : vector<64x1xf32> to vector<64x128xf32>
    %mul3A_363 = arith.mulf %slice3A_361, %mul3A_362 : vector<64x128xf32>
    %reduce_sum3A_364 = arith.constant dense<0.000000e+00> : vector<128xf32>
    %reduce_sum3A_365 = vector.multi_reduction <add>, %mul3A_363, %reduce_sum3A_364 [0] : vector<64x128xf32> to vector<128xf32>
    %broadcast_in_dim3A_366 = vector.shape_cast %reduce_sum3A_365 : vector<128xf32> to vector<1x128xf32>
    %slice3A_367 = vector.extract_strided_slice %get3A_1 {offsets = [0, 7808], sizes = [64, 128], strides = [1, 1]} : vector<64x16384xf32> to vector<64x128xf32>
    %mul3A_368 = vector.broadcast %get3A_4 : vector<64x1xf32> to vector<64x128xf32>
    %mul3A_369 = arith.mulf %slice3A_367, %mul3A_368 : vector<64x128xf32>
    %reduce_sum3A_370 = arith.constant dense<0.000000e+00> : vector<128xf32>
    %reduce_sum3A_371 = vector.multi_reduction <add>, %mul3A_369, %reduce_sum3A_370 [0] : vector<64x128xf32> to vector<128xf32>
    %broadcast_in_dim3A_372 = vector.shape_cast %reduce_sum3A_371 : vector<128xf32> to vector<1x128xf32>
    %slice3A_373 = vector.extract_strided_slice %get3A_1 {offsets = [0, 7936], sizes = [64, 128], strides = [1, 1]} : vector<64x16384xf32> to vector<64x128xf32>
    %mul3A_374 = vector.broadcast %get3A_4 : vector<64x1xf32> to vector<64x128xf32>
    %mul3A_375 = arith.mulf %slice3A_373, %mul3A_374 : vector<64x128xf32>
    %reduce_sum3A_376 = arith.constant dense<0.000000e+00> : vector<128xf32>
    %reduce_sum3A_377 = vector.multi_reduction <add>, %mul3A_375, %reduce_sum3A_376 [0] : vector<64x128xf32> to vector<128xf32>
    %broadcast_in_dim3A_378 = vector.shape_cast %reduce_sum3A_377 : vector<128xf32> to vector<1x128xf32>
    %slice3A_379 = vector.extract_strided_slice %get3A_1 {offsets = [0, 8064], sizes = [64, 128], strides = [1, 1]} : vector<64x16384xf32> to vector<64x128xf32>
    %mul3A_380 = vector.broadcast %get3A_4 : vector<64x1xf32> to vector<64x128xf32>
    %mul3A_381 = arith.mulf %slice3A_379, %mul3A_380 : vector<64x128xf32>
    %reduce_sum3A_382 = arith.constant dense<0.000000e+00> : vector<128xf32>
    %reduce_sum3A_383 = vector.multi_reduction <add>, %mul3A_381, %reduce_sum3A_382 [0] : vector<64x128xf32> to vector<128xf32>
    %broadcast_in_dim3A_384 = vector.shape_cast %reduce_sum3A_383 : vector<128xf32> to vector<1x128xf32>
    %slice3A_385 = vector.extract_strided_slice %get3A_1 {offsets = [0, 8192], sizes = [64, 128], strides = [1, 1]} : vector<64x16384xf32> to vector<64x128xf32>
    %mul3A_386 = vector.broadcast %get3A_4 : vector<64x1xf32> to vector<64x128xf32>
    %mul3A_387 = arith.mulf %slice3A_385, %mul3A_386 : vector<64x128xf32>
    %reduce_sum3A_388 = arith.constant dense<0.000000e+00> : vector<128xf32>
    %reduce_sum3A_389 = vector.multi_reduction <add>, %mul3A_387, %reduce_sum3A_388 [0] : vector<64x128xf32> to vector<128xf32>
    %broadcast_in_dim3A_390 = vector.shape_cast %reduce_sum3A_389 : vector<128xf32> to vector<1x128xf32>
    %slice3A_391 = vector.extract_strided_slice %get3A_1 {offsets = [0, 8320], sizes = [64, 128], strides = [1, 1]} : vector<64x16384xf32> to vector<64x128xf32>
    %mul3A_392 = vector.broadcast %get3A_4 : vector<64x1xf32> to vector<64x128xf32>
    %mul3A_393 = arith.mulf %slice3A_391, %mul3A_392 : vector<64x128xf32>
    %reduce_sum3A_394 = arith.constant dense<0.000000e+00> : vector<128xf32>
    %reduce_sum3A_395 = vector.multi_reduction <add>, %mul3A_393, %reduce_sum3A_394 [0] : vector<64x128xf32> to vector<128xf32>
    %broadcast_in_dim3A_396 = vector.shape_cast %reduce_sum3A_395 : vector<128xf32> to vector<1x128xf32>
    %slice3A_397 = vector.extract_strided_slice %get3A_1 {offsets = [0, 8448], sizes = [64, 128], strides = [1, 1]} : vector<64x16384xf32> to vector<64x128xf32>
    %mul3A_398 = vector.broadcast %get3A_4 : vector<64x1xf32> to vector<64x128xf32>
    %mul3A_399 = arith.mulf %slice3A_397, %mul3A_398 : vector<64x128xf32>
    %reduce_sum3A_400 = arith.constant dense<0.000000e+00> : vector<128xf32>
    %reduce_sum3A_401 = vector.multi_reduction <add>, %mul3A_399, %reduce_sum3A_400 [0] : vector<64x128xf32> to vector<128xf32>
    %broadcast_in_dim3A_402 = vector.shape_cast %reduce_sum3A_401 : vector<128xf32> to vector<1x128xf32>
    %slice3A_403 = vector.extract_strided_slice %get3A_1 {offsets = [0, 8576], sizes = [64, 128], strides = [1, 1]} : vector<64x16384xf32> to vector<64x128xf32>
    %mul3A_404 = vector.broadcast %get3A_4 : vector<64x1xf32> to vector<64x128xf32>
    %mul3A_405 = arith.mulf %slice3A_403, %mul3A_404 : vector<64x128xf32>
    %reduce_sum3A_406 = arith.constant dense<0.000000e+00> : vector<128xf32>
    %reduce_sum3A_407 = vector.multi_reduction <add>, %mul3A_405, %reduce_sum3A_406 [0] : vector<64x128xf32> to vector<128xf32>
    %broadcast_in_dim3A_408 = vector.shape_cast %reduce_sum3A_407 : vector<128xf32> to vector<1x128xf32>
    %slice3A_409 = vector.extract_strided_slice %get3A_1 {offsets = [0, 8704], sizes = [64, 128], strides = [1, 1]} : vector<64x16384xf32> to vector<64x128xf32>
    %mul3A_410 = vector.broadcast %get3A_4 : vector<64x1xf32> to vector<64x128xf32>
    %mul3A_411 = arith.mulf %slice3A_409, %mul3A_410 : vector<64x128xf32>
    %reduce_sum3A_412 = arith.constant dense<0.000000e+00> : vector<128xf32>
    %reduce_sum3A_413 = vector.multi_reduction <add>, %mul3A_411, %reduce_sum3A_412 [0] : vector<64x128xf32> to vector<128xf32>
    %broadcast_in_dim3A_414 = vector.shape_cast %reduce_sum3A_413 : vector<128xf32> to vector<1x128xf32>
    %slice3A_415 = vector.extract_strided_slice %get3A_1 {offsets = [0, 8832], sizes = [64, 128], strides = [1, 1]} : vector<64x16384xf32> to vector<64x128xf32>
    %mul3A_416 = vector.broadcast %get3A_4 : vector<64x1xf32> to vector<64x128xf32>
    %mul3A_417 = arith.mulf %slice3A_415, %mul3A_416 : vector<64x128xf32>
    %reduce_sum3A_418 = arith.constant dense<0.000000e+00> : vector<128xf32>
    %reduce_sum3A_419 = vector.multi_reduction <add>, %mul3A_417, %reduce_sum3A_418 [0] : vector<64x128xf32> to vector<128xf32>
    %broadcast_in_dim3A_420 = vector.shape_cast %reduce_sum3A_419 : vector<128xf32> to vector<1x128xf32>
    %slice3A_421 = vector.extract_strided_slice %get3A_1 {offsets = [0, 8960], sizes = [64, 128], strides = [1, 1]} : vector<64x16384xf32> to vector<64x128xf32>
    %mul3A_422 = vector.broadcast %get3A_4 : vector<64x1xf32> to vector<64x128xf32>
    %mul3A_423 = arith.mulf %slice3A_421, %mul3A_422 : vector<64x128xf32>
    %reduce_sum3A_424 = arith.constant dense<0.000000e+00> : vector<128xf32>
    %reduce_sum3A_425 = vector.multi_reduction <add>, %mul3A_423, %reduce_sum3A_424 [0] : vector<64x128xf32> to vector<128xf32>
    %broadcast_in_dim3A_426 = vector.shape_cast %reduce_sum3A_425 : vector<128xf32> to vector<1x128xf32>
    %slice3A_427 = vector.extract_strided_slice %get3A_1 {offsets = [0, 9088], sizes = [64, 128], strides = [1, 1]} : vector<64x16384xf32> to vector<64x128xf32>
    %mul3A_428 = vector.broadcast %get3A_4 : vector<64x1xf32> to vector<64x128xf32>
    %mul3A_429 = arith.mulf %slice3A_427, %mul3A_428 : vector<64x128xf32>
    %reduce_sum3A_430 = arith.constant dense<0.000000e+00> : vector<128xf32>
    %reduce_sum3A_431 = vector.multi_reduction <add>, %mul3A_429, %reduce_sum3A_430 [0] : vector<64x128xf32> to vector<128xf32>
    %broadcast_in_dim3A_432 = vector.shape_cast %reduce_sum3A_431 : vector<128xf32> to vector<1x128xf32>
    %slice3A_433 = vector.extract_strided_slice %get3A_1 {offsets = [0, 9216], sizes = [64, 128], strides = [1, 1]} : vector<64x16384xf32> to vector<64x128xf32>
    %mul3A_434 = vector.broadcast %get3A_4 : vector<64x1xf32> to vector<64x128xf32>
    %mul3A_435 = arith.mulf %slice3A_433, %mul3A_434 : vector<64x128xf32>
    %reduce_sum3A_436 = arith.constant dense<0.000000e+00> : vector<128xf32>
    %reduce_sum3A_437 = vector.multi_reduction <add>, %mul3A_435, %reduce_sum3A_436 [0] : vector<64x128xf32> to vector<128xf32>
    %broadcast_in_dim3A_438 = vector.shape_cast %reduce_sum3A_437 : vector<128xf32> to vector<1x128xf32>
    %slice3A_439 = vector.extract_strided_slice %get3A_1 {offsets = [0, 9344], sizes = [64, 128], strides = [1, 1]} : vector<64x16384xf32> to vector<64x128xf32>
    %mul3A_440 = vector.broadcast %get3A_4 : vector<64x1xf32> to vector<64x128xf32>
    %mul3A_441 = arith.mulf %slice3A_439, %mul3A_440 : vector<64x128xf32>
    %reduce_sum3A_442 = arith.constant dense<0.000000e+00> : vector<128xf32>
    %reduce_sum3A_443 = vector.multi_reduction <add>, %mul3A_441, %reduce_sum3A_442 [0] : vector<64x128xf32> to vector<128xf32>
    %broadcast_in_dim3A_444 = vector.shape_cast %reduce_sum3A_443 : vector<128xf32> to vector<1x128xf32>
    %slice3A_445 = vector.extract_strided_slice %get3A_1 {offsets = [0, 9472], sizes = [64, 128], strides = [1, 1]} : vector<64x16384xf32> to vector<64x128xf32>
    %mul3A_446 = vector.broadcast %get3A_4 : vector<64x1xf32> to vector<64x128xf32>
    %mul3A_447 = arith.mulf %slice3A_445, %mul3A_446 : vector<64x128xf32>
    %reduce_sum3A_448 = arith.constant dense<0.000000e+00> : vector<128xf32>
    %reduce_sum3A_449 = vector.multi_reduction <add>, %mul3A_447, %reduce_sum3A_448 [0] : vector<64x128xf32> to vector<128xf32>
    %broadcast_in_dim3A_450 = vector.shape_cast %reduce_sum3A_449 : vector<128xf32> to vector<1x128xf32>
    %slice3A_451 = vector.extract_strided_slice %get3A_1 {offsets = [0, 9600], sizes = [64, 128], strides = [1, 1]} : vector<64x16384xf32> to vector<64x128xf32>
    %mul3A_452 = vector.broadcast %get3A_4 : vector<64x1xf32> to vector<64x128xf32>
    %mul3A_453 = arith.mulf %slice3A_451, %mul3A_452 : vector<64x128xf32>
    %reduce_sum3A_454 = arith.constant dense<0.000000e+00> : vector<128xf32>
    %reduce_sum3A_455 = vector.multi_reduction <add>, %mul3A_453, %reduce_sum3A_454 [0] : vector<64x128xf32> to vector<128xf32>
    %broadcast_in_dim3A_456 = vector.shape_cast %reduce_sum3A_455 : vector<128xf32> to vector<1x128xf32>
    %slice3A_457 = vector.extract_strided_slice %get3A_1 {offsets = [0, 9728], sizes = [64, 128], strides = [1, 1]} : vector<64x16384xf32> to vector<64x128xf32>
    %mul3A_458 = vector.broadcast %get3A_4 : vector<64x1xf32> to vector<64x128xf32>
    %mul3A_459 = arith.mulf %slice3A_457, %mul3A_458 : vector<64x128xf32>
    %reduce_sum3A_460 = arith.constant dense<0.000000e+00> : vector<128xf32>
    %reduce_sum3A_461 = vector.multi_reduction <add>, %mul3A_459, %reduce_sum3A_460 [0] : vector<64x128xf32> to vector<128xf32>
    %broadcast_in_dim3A_462 = vector.shape_cast %reduce_sum3A_461 : vector<128xf32> to vector<1x128xf32>
    %slice3A_463 = vector.extract_strided_slice %get3A_1 {offsets = [0, 9856], sizes = [64, 128], strides = [1, 1]} : vector<64x16384xf32> to vector<64x128xf32>
    %mul3A_464 = vector.broadcast %get3A_4 : vector<64x1xf32> to vector<64x128xf32>
    %mul3A_465 = arith.mulf %slice3A_463, %mul3A_464 : vector<64x128xf32>
    %reduce_sum3A_466 = arith.constant dense<0.000000e+00> : vector<128xf32>
    %reduce_sum3A_467 = vector.multi_reduction <add>, %mul3A_465, %reduce_sum3A_466 [0] : vector<64x128xf32> to vector<128xf32>
    %broadcast_in_dim3A_468 = vector.shape_cast %reduce_sum3A_467 : vector<128xf32> to vector<1x128xf32>
    %slice3A_469 = vector.extract_strided_slice %get3A_1 {offsets = [0, 9984], sizes = [64, 128], strides = [1, 1]} : vector<64x16384xf32> to vector<64x128xf32>
    %mul3A_470 = vector.broadcast %get3A_4 : vector<64x1xf32> to vector<64x128xf32>
    %mul3A_471 = arith.mulf %slice3A_469, %mul3A_470 : vector<64x128xf32>
    %reduce_sum3A_472 = arith.constant dense<0.000000e+00> : vector<128xf32>
    %reduce_sum3A_473 = vector.multi_reduction <add>, %mul3A_471, %reduce_sum3A_472 [0] : vector<64x128xf32> to vector<128xf32>
    %broadcast_in_dim3A_474 = vector.shape_cast %reduce_sum3A_473 : vector<128xf32> to vector<1x128xf32>
    %slice3A_475 = vector.extract_strided_slice %get3A_1 {offsets = [0, 10112], sizes = [64, 128], strides = [1, 1]} : vector<64x16384xf32> to vector<64x128xf32>
    %mul3A_476 = vector.broadcast %get3A_4 : vector<64x1xf32> to vector<64x128xf32>
    %mul3A_477 = arith.mulf %slice3A_475, %mul3A_476 : vector<64x128xf32>
    %reduce_sum3A_478 = arith.constant dense<0.000000e+00> : vector<128xf32>
    %reduce_sum3A_479 = vector.multi_reduction <add>, %mul3A_477, %reduce_sum3A_478 [0] : vector<64x128xf32> to vector<128xf32>
    %broadcast_in_dim3A_480 = vector.shape_cast %reduce_sum3A_479 : vector<128xf32> to vector<1x128xf32>
    %slice3A_481 = vector.extract_strided_slice %get3A_1 {offsets = [0, 10240], sizes = [64, 128], strides = [1, 1]} : vector<64x16384xf32> to vector<64x128xf32>
    %mul3A_482 = vector.broadcast %get3A_4 : vector<64x1xf32> to vector<64x128xf32>
    %mul3A_483 = arith.mulf %slice3A_481, %mul3A_482 : vector<64x128xf32>
    %reduce_sum3A_484 = arith.constant dense<0.000000e+00> : vector<128xf32>
    %reduce_sum3A_485 = vector.multi_reduction <add>, %mul3A_483, %reduce_sum3A_484 [0] : vector<64x128xf32> to vector<128xf32>
    %broadcast_in_dim3A_486 = vector.shape_cast %reduce_sum3A_485 : vector<128xf32> to vector<1x128xf32>
    %slice3A_487 = vector.extract_strided_slice %get3A_1 {offsets = [0, 10368], sizes = [64, 128], strides = [1, 1]} : vector<64x16384xf32> to vector<64x128xf32>
    %mul3A_488 = vector.broadcast %get3A_4 : vector<64x1xf32> to vector<64x128xf32>
    %mul3A_489 = arith.mulf %slice3A_487, %mul3A_488 : vector<64x128xf32>
    %reduce_sum3A_490 = arith.constant dense<0.000000e+00> : vector<128xf32>
    %reduce_sum3A_491 = vector.multi_reduction <add>, %mul3A_489, %reduce_sum3A_490 [0] : vector<64x128xf32> to vector<128xf32>
    %broadcast_in_dim3A_492 = vector.shape_cast %reduce_sum3A_491 : vector<128xf32> to vector<1x128xf32>
    %slice3A_493 = vector.extract_strided_slice %get3A_1 {offsets = [0, 10496], sizes = [64, 128], strides = [1, 1]} : vector<64x16384xf32> to vector<64x128xf32>
    %mul3A_494 = vector.broadcast %get3A_4 : vector<64x1xf32> to vector<64x128xf32>
    %mul3A_495 = arith.mulf %slice3A_493, %mul3A_494 : vector<64x128xf32>
    %reduce_sum3A_496 = arith.constant dense<0.000000e+00> : vector<128xf32>
    %reduce_sum3A_497 = vector.multi_reduction <add>, %mul3A_495, %reduce_sum3A_496 [0] : vector<64x128xf32> to vector<128xf32>
    %broadcast_in_dim3A_498 = vector.shape_cast %reduce_sum3A_497 : vector<128xf32> to vector<1x128xf32>
    %slice3A_499 = vector.extract_strided_slice %get3A_1 {offsets = [0, 10624], sizes = [64, 128], strides = [1, 1]} : vector<64x16384xf32> to vector<64x128xf32>
    %mul3A_500 = vector.broadcast %get3A_4 : vector<64x1xf32> to vector<64x128xf32>
    %mul3A_501 = arith.mulf %slice3A_499, %mul3A_500 : vector<64x128xf32>
    %reduce_sum3A_502 = arith.constant dense<0.000000e+00> : vector<128xf32>
    %reduce_sum3A_503 = vector.multi_reduction <add>, %mul3A_501, %reduce_sum3A_502 [0] : vector<64x128xf32> to vector<128xf32>
    %broadcast_in_dim3A_504 = vector.shape_cast %reduce_sum3A_503 : vector<128xf32> to vector<1x128xf32>
    %slice3A_505 = vector.extract_strided_slice %get3A_1 {offsets = [0, 10752], sizes = [64, 128], strides = [1, 1]} : vector<64x16384xf32> to vector<64x128xf32>
    %mul3A_506 = vector.broadcast %get3A_4 : vector<64x1xf32> to vector<64x128xf32>
    %mul3A_507 = arith.mulf %slice3A_505, %mul3A_506 : vector<64x128xf32>
    %reduce_sum3A_508 = arith.constant dense<0.000000e+00> : vector<128xf32>
    %reduce_sum3A_509 = vector.multi_reduction <add>, %mul3A_507, %reduce_sum3A_508 [0] : vector<64x128xf32> to vector<128xf32>
    %broadcast_in_dim3A_510 = vector.shape_cast %reduce_sum3A_509 : vector<128xf32> to vector<1x128xf32>
    %slice3A_511 = vector.extract_strided_slice %get3A_1 {offsets = [0, 10880], sizes = [64, 128], strides = [1, 1]} : vector<64x16384xf32> to vector<64x128xf32>
    %mul3A_512 = vector.broadcast %get3A_4 : vector<64x1xf32> to vector<64x128xf32>
    %mul3A_513 = arith.mulf %slice3A_511, %mul3A_512 : vector<64x128xf32>
    %reduce_sum3A_514 = arith.constant dense<0.000000e+00> : vector<128xf32>
    %reduce_sum3A_515 = vector.multi_reduction <add>, %mul3A_513, %reduce_sum3A_514 [0] : vector<64x128xf32> to vector<128xf32>
    %broadcast_in_dim3A_516 = vector.shape_cast %reduce_sum3A_515 : vector<128xf32> to vector<1x128xf32>
    %slice3A_517 = vector.extract_strided_slice %get3A_1 {offsets = [0, 11008], sizes = [64, 128], strides = [1, 1]} : vector<64x16384xf32> to vector<64x128xf32>
    %mul3A_518 = vector.broadcast %get3A_4 : vector<64x1xf32> to vector<64x128xf32>
    %mul3A_519 = arith.mulf %slice3A_517, %mul3A_518 : vector<64x128xf32>
    %reduce_sum3A_520 = arith.constant dense<0.000000e+00> : vector<128xf32>
    %reduce_sum3A_521 = vector.multi_reduction <add>, %mul3A_519, %reduce_sum3A_520 [0] : vector<64x128xf32> to vector<128xf32>
    %broadcast_in_dim3A_522 = vector.shape_cast %reduce_sum3A_521 : vector<128xf32> to vector<1x128xf32>
    %slice3A_523 = vector.extract_strided_slice %get3A_1 {offsets = [0, 11136], sizes = [64, 128], strides = [1, 1]} : vector<64x16384xf32> to vector<64x128xf32>
    %mul3A_524 = vector.broadcast %get3A_4 : vector<64x1xf32> to vector<64x128xf32>
    %mul3A_525 = arith.mulf %slice3A_523, %mul3A_524 : vector<64x128xf32>
    %reduce_sum3A_526 = arith.constant dense<0.000000e+00> : vector<128xf32>
    %reduce_sum3A_527 = vector.multi_reduction <add>, %mul3A_525, %reduce_sum3A_526 [0] : vector<64x128xf32> to vector<128xf32>
    %broadcast_in_dim3A_528 = vector.shape_cast %reduce_sum3A_527 : vector<128xf32> to vector<1x128xf32>
    %slice3A_529 = vector.extract_strided_slice %get3A_1 {offsets = [0, 11264], sizes = [64, 128], strides = [1, 1]} : vector<64x16384xf32> to vector<64x128xf32>
    %mul3A_530 = vector.broadcast %get3A_4 : vector<64x1xf32> to vector<64x128xf32>
    %mul3A_531 = arith.mulf %slice3A_529, %mul3A_530 : vector<64x128xf32>
    %reduce_sum3A_532 = arith.constant dense<0.000000e+00> : vector<128xf32>
    %reduce_sum3A_533 = vector.multi_reduction <add>, %mul3A_531, %reduce_sum3A_532 [0] : vector<64x128xf32> to vector<128xf32>
    %broadcast_in_dim3A_534 = vector.shape_cast %reduce_sum3A_533 : vector<128xf32> to vector<1x128xf32>
    %slice3A_535 = vector.extract_strided_slice %get3A_1 {offsets = [0, 11392], sizes = [64, 128], strides = [1, 1]} : vector<64x16384xf32> to vector<64x128xf32>
    %mul3A_536 = vector.broadcast %get3A_4 : vector<64x1xf32> to vector<64x128xf32>
    %mul3A_537 = arith.mulf %slice3A_535, %mul3A_536 : vector<64x128xf32>
    %reduce_sum3A_538 = arith.constant dense<0.000000e+00> : vector<128xf32>
    %reduce_sum3A_539 = vector.multi_reduction <add>, %mul3A_537, %reduce_sum3A_538 [0] : vector<64x128xf32> to vector<128xf32>
    %broadcast_in_dim3A_540 = vector.shape_cast %reduce_sum3A_539 : vector<128xf32> to vector<1x128xf32>
    %slice3A_541 = vector.extract_strided_slice %get3A_1 {offsets = [0, 11520], sizes = [64, 128], strides = [1, 1]} : vector<64x16384xf32> to vector<64x128xf32>
    %mul3A_542 = vector.broadcast %get3A_4 : vector<64x1xf32> to vector<64x128xf32>
    %mul3A_543 = arith.mulf %slice3A_541, %mul3A_542 : vector<64x128xf32>
    %reduce_sum3A_544 = arith.constant dense<0.000000e+00> : vector<128xf32>
    %reduce_sum3A_545 = vector.multi_reduction <add>, %mul3A_543, %reduce_sum3A_544 [0] : vector<64x128xf32> to vector<128xf32>
    %broadcast_in_dim3A_546 = vector.shape_cast %reduce_sum3A_545 : vector<128xf32> to vector<1x128xf32>
    %slice3A_547 = vector.extract_strided_slice %get3A_1 {offsets = [0, 11648], sizes = [64, 128], strides = [1, 1]} : vector<64x16384xf32> to vector<64x128xf32>
    %mul3A_548 = vector.broadcast %get3A_4 : vector<64x1xf32> to vector<64x128xf32>
    %mul3A_549 = arith.mulf %slice3A_547, %mul3A_548 : vector<64x128xf32>
    %reduce_sum3A_550 = arith.constant dense<0.000000e+00> : vector<128xf32>
    %reduce_sum3A_551 = vector.multi_reduction <add>, %mul3A_549, %reduce_sum3A_550 [0] : vector<64x128xf32> to vector<128xf32>
    %broadcast_in_dim3A_552 = vector.shape_cast %reduce_sum3A_551 : vector<128xf32> to vector<1x128xf32>
    %slice3A_553 = vector.extract_strided_slice %get3A_1 {offsets = [0, 11776], sizes = [64, 128], strides = [1, 1]} : vector<64x16384xf32> to vector<64x128xf32>
    %mul3A_554 = vector.broadcast %get3A_4 : vector<64x1xf32> to vector<64x128xf32>
    %mul3A_555 = arith.mulf %slice3A_553, %mul3A_554 : vector<64x128xf32>
    %reduce_sum3A_556 = arith.constant dense<0.000000e+00> : vector<128xf32>
    %reduce_sum3A_557 = vector.multi_reduction <add>, %mul3A_555, %reduce_sum3A_556 [0] : vector<64x128xf32> to vector<128xf32>
    %broadcast_in_dim3A_558 = vector.shape_cast %reduce_sum3A_557 : vector<128xf32> to vector<1x128xf32>
    %slice3A_559 = vector.extract_strided_slice %get3A_1 {offsets = [0, 11904], sizes = [64, 128], strides = [1, 1]} : vector<64x16384xf32> to vector<64x128xf32>
    %mul3A_560 = vector.broadcast %get3A_4 : vector<64x1xf32> to vector<64x128xf32>
    %mul3A_561 = arith.mulf %slice3A_559, %mul3A_560 : vector<64x128xf32>
    %reduce_sum3A_562 = arith.constant dense<0.000000e+00> : vector<128xf32>
    %reduce_sum3A_563 = vector.multi_reduction <add>, %mul3A_561, %reduce_sum3A_562 [0] : vector<64x128xf32> to vector<128xf32>
    %broadcast_in_dim3A_564 = vector.shape_cast %reduce_sum3A_563 : vector<128xf32> to vector<1x128xf32>
    %slice3A_565 = vector.extract_strided_slice %get3A_1 {offsets = [0, 12032], sizes = [64, 128], strides = [1, 1]} : vector<64x16384xf32> to vector<64x128xf32>
    %mul3A_566 = vector.broadcast %get3A_4 : vector<64x1xf32> to vector<64x128xf32>
    %mul3A_567 = arith.mulf %slice3A_565, %mul3A_566 : vector<64x128xf32>
    %reduce_sum3A_568 = arith.constant dense<0.000000e+00> : vector<128xf32>
    %reduce_sum3A_569 = vector.multi_reduction <add>, %mul3A_567, %reduce_sum3A_568 [0] : vector<64x128xf32> to vector<128xf32>
    %broadcast_in_dim3A_570 = vector.shape_cast %reduce_sum3A_569 : vector<128xf32> to vector<1x128xf32>
    %slice3A_571 = vector.extract_strided_slice %get3A_1 {offsets = [0, 12160], sizes = [64, 128], strides = [1, 1]} : vector<64x16384xf32> to vector<64x128xf32>
    %mul3A_572 = vector.broadcast %get3A_4 : vector<64x1xf32> to vector<64x128xf32>
    %mul3A_573 = arith.mulf %slice3A_571, %mul3A_572 : vector<64x128xf32>
    %reduce_sum3A_574 = arith.constant dense<0.000000e+00> : vector<128xf32>
    %reduce_sum3A_575 = vector.multi_reduction <add>, %mul3A_573, %reduce_sum3A_574 [0] : vector<64x128xf32> to vector<128xf32>
    %broadcast_in_dim3A_576 = vector.shape_cast %reduce_sum3A_575 : vector<128xf32> to vector<1x128xf32>
    %slice3A_577 = vector.extract_strided_slice %get3A_1 {offsets = [0, 12288], sizes = [64, 128], strides = [1, 1]} : vector<64x16384xf32> to vector<64x128xf32>
    %mul3A_578 = vector.broadcast %get3A_4 : vector<64x1xf32> to vector<64x128xf32>
    %mul3A_579 = arith.mulf %slice3A_577, %mul3A_578 : vector<64x128xf32>
    %reduce_sum3A_580 = arith.constant dense<0.000000e+00> : vector<128xf32>
    %reduce_sum3A_581 = vector.multi_reduction <add>, %mul3A_579, %reduce_sum3A_580 [0] : vector<64x128xf32> to vector<128xf32>
    %broadcast_in_dim3A_582 = vector.shape_cast %reduce_sum3A_581 : vector<128xf32> to vector<1x128xf32>
    %slice3A_583 = vector.extract_strided_slice %get3A_1 {offsets = [0, 12416], sizes = [64, 128], strides = [1, 1]} : vector<64x16384xf32> to vector<64x128xf32>
    %mul3A_584 = vector.broadcast %get3A_4 : vector<64x1xf32> to vector<64x128xf32>
    %mul3A_585 = arith.mulf %slice3A_583, %mul3A_584 : vector<64x128xf32>
    %reduce_sum3A_586 = arith.constant dense<0.000000e+00> : vector<128xf32>
    %reduce_sum3A_587 = vector.multi_reduction <add>, %mul3A_585, %reduce_sum3A_586 [0] : vector<64x128xf32> to vector<128xf32>
    %broadcast_in_dim3A_588 = vector.shape_cast %reduce_sum3A_587 : vector<128xf32> to vector<1x128xf32>
    %slice3A_589 = vector.extract_strided_slice %get3A_1 {offsets = [0, 12544], sizes = [64, 128], strides = [1, 1]} : vector<64x16384xf32> to vector<64x128xf32>
    %mul3A_590 = vector.broadcast %get3A_4 : vector<64x1xf32> to vector<64x128xf32>
    %mul3A_591 = arith.mulf %slice3A_589, %mul3A_590 : vector<64x128xf32>
    %reduce_sum3A_592 = arith.constant dense<0.000000e+00> : vector<128xf32>
    %reduce_sum3A_593 = vector.multi_reduction <add>, %mul3A_591, %reduce_sum3A_592 [0] : vector<64x128xf32> to vector<128xf32>
    %broadcast_in_dim3A_594 = vector.shape_cast %reduce_sum3A_593 : vector<128xf32> to vector<1x128xf32>
    %slice3A_595 = vector.extract_strided_slice %get3A_1 {offsets = [0, 12672], sizes = [64, 128], strides = [1, 1]} : vector<64x16384xf32> to vector<64x128xf32>
    %mul3A_596 = vector.broadcast %get3A_4 : vector<64x1xf32> to vector<64x128xf32>
    %mul3A_597 = arith.mulf %slice3A_595, %mul3A_596 : vector<64x128xf32>
    %reduce_sum3A_598 = arith.constant dense<0.000000e+00> : vector<128xf32>
    %reduce_sum3A_599 = vector.multi_reduction <add>, %mul3A_597, %reduce_sum3A_598 [0] : vector<64x128xf32> to vector<128xf32>
    %broadcast_in_dim3A_600 = vector.shape_cast %reduce_sum3A_599 : vector<128xf32> to vector<1x128xf32>
    %slice3A_601 = vector.extract_strided_slice %get3A_1 {offsets = [0, 12800], sizes = [64, 128], strides = [1, 1]} : vector<64x16384xf32> to vector<64x128xf32>
    %mul3A_602 = vector.broadcast %get3A_4 : vector<64x1xf32> to vector<64x128xf32>
    %mul3A_603 = arith.mulf %slice3A_601, %mul3A_602 : vector<64x128xf32>
    %reduce_sum3A_604 = arith.constant dense<0.000000e+00> : vector<128xf32>
    %reduce_sum3A_605 = vector.multi_reduction <add>, %mul3A_603, %reduce_sum3A_604 [0] : vector<64x128xf32> to vector<128xf32>
    %broadcast_in_dim3A_606 = vector.shape_cast %reduce_sum3A_605 : vector<128xf32> to vector<1x128xf32>
    %slice3A_607 = vector.extract_strided_slice %get3A_1 {offsets = [0, 12928], sizes = [64, 128], strides = [1, 1]} : vector<64x16384xf32> to vector<64x128xf32>
    %mul3A_608 = vector.broadcast %get3A_4 : vector<64x1xf32> to vector<64x128xf32>
    %mul3A_609 = arith.mulf %slice3A_607, %mul3A_608 : vector<64x128xf32>
    %reduce_sum3A_610 = arith.constant dense<0.000000e+00> : vector<128xf32>
    %reduce_sum3A_611 = vector.multi_reduction <add>, %mul3A_609, %reduce_sum3A_610 [0] : vector<64x128xf32> to vector<128xf32>
    %broadcast_in_dim3A_612 = vector.shape_cast %reduce_sum3A_611 : vector<128xf32> to vector<1x128xf32>
    %slice3A_613 = vector.extract_strided_slice %get3A_1 {offsets = [0, 13056], sizes = [64, 128], strides = [1, 1]} : vector<64x16384xf32> to vector<64x128xf32>
    %mul3A_614 = vector.broadcast %get3A_4 : vector<64x1xf32> to vector<64x128xf32>
    %mul3A_615 = arith.mulf %slice3A_613, %mul3A_614 : vector<64x128xf32>
    %reduce_sum3A_616 = arith.constant dense<0.000000e+00> : vector<128xf32>
    %reduce_sum3A_617 = vector.multi_reduction <add>, %mul3A_615, %reduce_sum3A_616 [0] : vector<64x128xf32> to vector<128xf32>
    %broadcast_in_dim3A_618 = vector.shape_cast %reduce_sum3A_617 : vector<128xf32> to vector<1x128xf32>
    %slice3A_619 = vector.extract_strided_slice %get3A_1 {offsets = [0, 13184], sizes = [64, 128], strides = [1, 1]} : vector<64x16384xf32> to vector<64x128xf32>
    %mul3A_620 = vector.broadcast %get3A_4 : vector<64x1xf32> to vector<64x128xf32>
    %mul3A_621 = arith.mulf %slice3A_619, %mul3A_620 : vector<64x128xf32>
    %reduce_sum3A_622 = arith.constant dense<0.000000e+00> : vector<128xf32>
    %reduce_sum3A_623 = vector.multi_reduction <add>, %mul3A_621, %reduce_sum3A_622 [0] : vector<64x128xf32> to vector<128xf32>
    %broadcast_in_dim3A_624 = vector.shape_cast %reduce_sum3A_623 : vector<128xf32> to vector<1x128xf32>
    %slice3A_625 = vector.extract_strided_slice %get3A_1 {offsets = [0, 13312], sizes = [64, 128], strides = [1, 1]} : vector<64x16384xf32> to vector<64x128xf32>
    %mul3A_626 = vector.broadcast %get3A_4 : vector<64x1xf32> to vector<64x128xf32>
    %mul3A_627 = arith.mulf %slice3A_625, %mul3A_626 : vector<64x128xf32>
    %reduce_sum3A_628 = arith.constant dense<0.000000e+00> : vector<128xf32>
    %reduce_sum3A_629 = vector.multi_reduction <add>, %mul3A_627, %reduce_sum3A_628 [0] : vector<64x128xf32> to vector<128xf32>
    %broadcast_in_dim3A_630 = vector.shape_cast %reduce_sum3A_629 : vector<128xf32> to vector<1x128xf32>
    %slice3A_631 = vector.extract_strided_slice %get3A_1 {offsets = [0, 13440], sizes = [64, 128], strides = [1, 1]} : vector<64x16384xf32> to vector<64x128xf32>
    %mul3A_632 = vector.broadcast %get3A_4 : vector<64x1xf32> to vector<64x128xf32>
    %mul3A_633 = arith.mulf %slice3A_631, %mul3A_632 : vector<64x128xf32>
    %reduce_sum3A_634 = arith.constant dense<0.000000e+00> : vector<128xf32>
    %reduce_sum3A_635 = vector.multi_reduction <add>, %mul3A_633, %reduce_sum3A_634 [0] : vector<64x128xf32> to vector<128xf32>
    %broadcast_in_dim3A_636 = vector.shape_cast %reduce_sum3A_635 : vector<128xf32> to vector<1x128xf32>
    %slice3A_637 = vector.extract_strided_slice %get3A_1 {offsets = [0, 13568], sizes = [64, 128], strides = [1, 1]} : vector<64x16384xf32> to vector<64x128xf32>
    %mul3A_638 = vector.broadcast %get3A_4 : vector<64x1xf32> to vector<64x128xf32>
    %mul3A_639 = arith.mulf %slice3A_637, %mul3A_638 : vector<64x128xf32>
    %reduce_sum3A_640 = arith.constant dense<0.000000e+00> : vector<128xf32>
    %reduce_sum3A_641 = vector.multi_reduction <add>, %mul3A_639, %reduce_sum3A_640 [0] : vector<64x128xf32> to vector<128xf32>
    %broadcast_in_dim3A_642 = vector.shape_cast %reduce_sum3A_641 : vector<128xf32> to vector<1x128xf32>
    %slice3A_643 = vector.extract_strided_slice %get3A_1 {offsets = [0, 13696], sizes = [64, 128], strides = [1, 1]} : vector<64x16384xf32> to vector<64x128xf32>
    %mul3A_644 = vector.broadcast %get3A_4 : vector<64x1xf32> to vector<64x128xf32>
    %mul3A_645 = arith.mulf %slice3A_643, %mul3A_644 : vector<64x128xf32>
    %reduce_sum3A_646 = arith.constant dense<0.000000e+00> : vector<128xf32>
    %reduce_sum3A_647 = vector.multi_reduction <add>, %mul3A_645, %reduce_sum3A_646 [0] : vector<64x128xf32> to vector<128xf32>
    %broadcast_in_dim3A_648 = vector.shape_cast %reduce_sum3A_647 : vector<128xf32> to vector<1x128xf32>
    %slice3A_649 = vector.extract_strided_slice %get3A_1 {offsets = [0, 13824], sizes = [64, 128], strides = [1, 1]} : vector<64x16384xf32> to vector<64x128xf32>
    %mul3A_650 = vector.broadcast %get3A_4 : vector<64x1xf32> to vector<64x128xf32>
    %mul3A_651 = arith.mulf %slice3A_649, %mul3A_650 : vector<64x128xf32>
    %reduce_sum3A_652 = arith.constant dense<0.000000e+00> : vector<128xf32>
    %reduce_sum3A_653 = vector.multi_reduction <add>, %mul3A_651, %reduce_sum3A_652 [0] : vector<64x128xf32> to vector<128xf32>
    %broadcast_in_dim3A_654 = vector.shape_cast %reduce_sum3A_653 : vector<128xf32> to vector<1x128xf32>
    %slice3A_655 = vector.extract_strided_slice %get3A_1 {offsets = [0, 13952], sizes = [64, 128], strides = [1, 1]} : vector<64x16384xf32> to vector<64x128xf32>
    %mul3A_656 = vector.broadcast %get3A_4 : vector<64x1xf32> to vector<64x128xf32>
    %mul3A_657 = arith.mulf %slice3A_655, %mul3A_656 : vector<64x128xf32>
    %reduce_sum3A_658 = arith.constant dense<0.000000e+00> : vector<128xf32>
    %reduce_sum3A_659 = vector.multi_reduction <add>, %mul3A_657, %reduce_sum3A_658 [0] : vector<64x128xf32> to vector<128xf32>
    %broadcast_in_dim3A_660 = vector.shape_cast %reduce_sum3A_659 : vector<128xf32> to vector<1x128xf32>
    %slice3A_661 = vector.extract_strided_slice %get3A_1 {offsets = [0, 14080], sizes = [64, 128], strides = [1, 1]} : vector<64x16384xf32> to vector<64x128xf32>
    %mul3A_662 = vector.broadcast %get3A_4 : vector<64x1xf32> to vector<64x128xf32>
    %mul3A_663 = arith.mulf %slice3A_661, %mul3A_662 : vector<64x128xf32>
    %reduce_sum3A_664 = arith.constant dense<0.000000e+00> : vector<128xf32>
    %reduce_sum3A_665 = vector.multi_reduction <add>, %mul3A_663, %reduce_sum3A_664 [0] : vector<64x128xf32> to vector<128xf32>
    %broadcast_in_dim3A_666 = vector.shape_cast %reduce_sum3A_665 : vector<128xf32> to vector<1x128xf32>
    %slice3A_667 = vector.extract_strided_slice %get3A_1 {offsets = [0, 14208], sizes = [64, 128], strides = [1, 1]} : vector<64x16384xf32> to vector<64x128xf32>
    %mul3A_668 = vector.broadcast %get3A_4 : vector<64x1xf32> to vector<64x128xf32>
    %mul3A_669 = arith.mulf %slice3A_667, %mul3A_668 : vector<64x128xf32>
    %reduce_sum3A_670 = arith.constant dense<0.000000e+00> : vector<128xf32>
    %reduce_sum3A_671 = vector.multi_reduction <add>, %mul3A_669, %reduce_sum3A_670 [0] : vector<64x128xf32> to vector<128xf32>
    %broadcast_in_dim3A_672 = vector.shape_cast %reduce_sum3A_671 : vector<128xf32> to vector<1x128xf32>
    %slice3A_673 = vector.extract_strided_slice %get3A_1 {offsets = [0, 14336], sizes = [64, 128], strides = [1, 1]} : vector<64x16384xf32> to vector<64x128xf32>
    %mul3A_674 = vector.broadcast %get3A_4 : vector<64x1xf32> to vector<64x128xf32>
    %mul3A_675 = arith.mulf %slice3A_673, %mul3A_674 : vector<64x128xf32>
    %reduce_sum3A_676 = arith.constant dense<0.000000e+00> : vector<128xf32>
    %reduce_sum3A_677 = vector.multi_reduction <add>, %mul3A_675, %reduce_sum3A_676 [0] : vector<64x128xf32> to vector<128xf32>
    %broadcast_in_dim3A_678 = vector.shape_cast %reduce_sum3A_677 : vector<128xf32> to vector<1x128xf32>
    %slice3A_679 = vector.extract_strided_slice %get3A_1 {offsets = [0, 14464], sizes = [64, 128], strides = [1, 1]} : vector<64x16384xf32> to vector<64x128xf32>
    %mul3A_680 = vector.broadcast %get3A_4 : vector<64x1xf32> to vector<64x128xf32>
    %mul3A_681 = arith.mulf %slice3A_679, %mul3A_680 : vector<64x128xf32>
    %reduce_sum3A_682 = arith.constant dense<0.000000e+00> : vector<128xf32>
    %reduce_sum3A_683 = vector.multi_reduction <add>, %mul3A_681, %reduce_sum3A_682 [0] : vector<64x128xf32> to vector<128xf32>
    %broadcast_in_dim3A_684 = vector.shape_cast %reduce_sum3A_683 : vector<128xf32> to vector<1x128xf32>
    %slice3A_685 = vector.extract_strided_slice %get3A_1 {offsets = [0, 14592], sizes = [64, 128], strides = [1, 1]} : vector<64x16384xf32> to vector<64x128xf32>
    %mul3A_686 = vector.broadcast %get3A_4 : vector<64x1xf32> to vector<64x128xf32>
    %mul3A_687 = arith.mulf %slice3A_685, %mul3A_686 : vector<64x128xf32>
    %reduce_sum3A_688 = arith.constant dense<0.000000e+00> : vector<128xf32>
    %reduce_sum3A_689 = vector.multi_reduction <add>, %mul3A_687, %reduce_sum3A_688 [0] : vector<64x128xf32> to vector<128xf32>
    %broadcast_in_dim3A_690 = vector.shape_cast %reduce_sum3A_689 : vector<128xf32> to vector<1x128xf32>
    %slice3A_691 = vector.extract_strided_slice %get3A_1 {offsets = [0, 14720], sizes = [64, 128], strides = [1, 1]} : vector<64x16384xf32> to vector<64x128xf32>
    %mul3A_692 = vector.broadcast %get3A_4 : vector<64x1xf32> to vector<64x128xf32>
    %mul3A_693 = arith.mulf %slice3A_691, %mul3A_692 : vector<64x128xf32>
    %reduce_sum3A_694 = arith.constant dense<0.000000e+00> : vector<128xf32>
    %reduce_sum3A_695 = vector.multi_reduction <add>, %mul3A_693, %reduce_sum3A_694 [0] : vector<64x128xf32> to vector<128xf32>
    %broadcast_in_dim3A_696 = vector.shape_cast %reduce_sum3A_695 : vector<128xf32> to vector<1x128xf32>
    %slice3A_697 = vector.extract_strided_slice %get3A_1 {offsets = [0, 14848], sizes = [64, 128], strides = [1, 1]} : vector<64x16384xf32> to vector<64x128xf32>
    %mul3A_698 = vector.broadcast %get3A_4 : vector<64x1xf32> to vector<64x128xf32>
    %mul3A_699 = arith.mulf %slice3A_697, %mul3A_698 : vector<64x128xf32>
    %reduce_sum3A_700 = arith.constant dense<0.000000e+00> : vector<128xf32>
    %reduce_sum3A_701 = vector.multi_reduction <add>, %mul3A_699, %reduce_sum3A_700 [0] : vector<64x128xf32> to vector<128xf32>
    %broadcast_in_dim3A_702 = vector.shape_cast %reduce_sum3A_701 : vector<128xf32> to vector<1x128xf32>
    %slice3A_703 = vector.extract_strided_slice %get3A_1 {offsets = [0, 14976], sizes = [64, 128], strides = [1, 1]} : vector<64x16384xf32> to vector<64x128xf32>
    %mul3A_704 = vector.broadcast %get3A_4 : vector<64x1xf32> to vector<64x128xf32>
    %mul3A_705 = arith.mulf %slice3A_703, %mul3A_704 : vector<64x128xf32>
    %reduce_sum3A_706 = arith.constant dense<0.000000e+00> : vector<128xf32>
    %reduce_sum3A_707 = vector.multi_reduction <add>, %mul3A_705, %reduce_sum3A_706 [0] : vector<64x128xf32> to vector<128xf32>
    %broadcast_in_dim3A_708 = vector.shape_cast %reduce_sum3A_707 : vector<128xf32> to vector<1x128xf32>
    %slice3A_709 = vector.extract_strided_slice %get3A_1 {offsets = [0, 15104], sizes = [64, 128], strides = [1, 1]} : vector<64x16384xf32> to vector<64x128xf32>
    %mul3A_710 = vector.broadcast %get3A_4 : vector<64x1xf32> to vector<64x128xf32>
    %mul3A_711 = arith.mulf %slice3A_709, %mul3A_710 : vector<64x128xf32>
    %reduce_sum3A_712 = arith.constant dense<0.000000e+00> : vector<128xf32>
    %reduce_sum3A_713 = vector.multi_reduction <add>, %mul3A_711, %reduce_sum3A_712 [0] : vector<64x128xf32> to vector<128xf32>
    %broadcast_in_dim3A_714 = vector.shape_cast %reduce_sum3A_713 : vector<128xf32> to vector<1x128xf32>
    %slice3A_715 = vector.extract_strided_slice %get3A_1 {offsets = [0, 15232], sizes = [64, 128], strides = [1, 1]} : vector<64x16384xf32> to vector<64x128xf32>
    %mul3A_716 = vector.broadcast %get3A_4 : vector<64x1xf32> to vector<64x128xf32>
    %mul3A_717 = arith.mulf %slice3A_715, %mul3A_716 : vector<64x128xf32>
    %reduce_sum3A_718 = arith.constant dense<0.000000e+00> : vector<128xf32>
    %reduce_sum3A_719 = vector.multi_reduction <add>, %mul3A_717, %reduce_sum3A_718 [0] : vector<64x128xf32> to vector<128xf32>
    %broadcast_in_dim3A_720 = vector.shape_cast %reduce_sum3A_719 : vector<128xf32> to vector<1x128xf32>
    %slice3A_721 = vector.extract_strided_slice %get3A_1 {offsets = [0, 15360], sizes = [64, 128], strides = [1, 1]} : vector<64x16384xf32> to vector<64x128xf32>
    %mul3A_722 = vector.broadcast %get3A_4 : vector<64x1xf32> to vector<64x128xf32>
    %mul3A_723 = arith.mulf %slice3A_721, %mul3A_722 : vector<64x128xf32>
    %reduce_sum3A_724 = arith.constant dense<0.000000e+00> : vector<128xf32>
    %reduce_sum3A_725 = vector.multi_reduction <add>, %mul3A_723, %reduce_sum3A_724 [0] : vector<64x128xf32> to vector<128xf32>
    %broadcast_in_dim3A_726 = vector.shape_cast %reduce_sum3A_725 : vector<128xf32> to vector<1x128xf32>
    %slice3A_727 = vector.extract_strided_slice %get3A_1 {offsets = [0, 15488], sizes = [64, 128], strides = [1, 1]} : vector<64x16384xf32> to vector<64x128xf32>
    %mul3A_728 = vector.broadcast %get3A_4 : vector<64x1xf32> to vector<64x128xf32>
    %mul3A_729 = arith.mulf %slice3A_727, %mul3A_728 : vector<64x128xf32>
    %reduce_sum3A_730 = arith.constant dense<0.000000e+00> : vector<128xf32>
    %reduce_sum3A_731 = vector.multi_reduction <add>, %mul3A_729, %reduce_sum3A_730 [0] : vector<64x128xf32> to vector<128xf32>
    %broadcast_in_dim3A_732 = vector.shape_cast %reduce_sum3A_731 : vector<128xf32> to vector<1x128xf32>
    %slice3A_733 = vector.extract_strided_slice %get3A_1 {offsets = [0, 15616], sizes = [64, 128], strides = [1, 1]} : vector<64x16384xf32> to vector<64x128xf32>
    %mul3A_734 = vector.broadcast %get3A_4 : vector<64x1xf32> to vector<64x128xf32>
    %mul3A_735 = arith.mulf %slice3A_733, %mul3A_734 : vector<64x128xf32>
    %reduce_sum3A_736 = arith.constant dense<0.000000e+00> : vector<128xf32>
    %reduce_sum3A_737 = vector.multi_reduction <add>, %mul3A_735, %reduce_sum3A_736 [0] : vector<64x128xf32> to vector<128xf32>
    %broadcast_in_dim3A_738 = vector.shape_cast %reduce_sum3A_737 : vector<128xf32> to vector<1x128xf32>
    %slice3A_739 = vector.extract_strided_slice %get3A_1 {offsets = [0, 15744], sizes = [64, 128], strides = [1, 1]} : vector<64x16384xf32> to vector<64x128xf32>
    %mul3A_740 = vector.broadcast %get3A_4 : vector<64x1xf32> to vector<64x128xf32>
    %mul3A_741 = arith.mulf %slice3A_739, %mul3A_740 : vector<64x128xf32>
    %reduce_sum3A_742 = arith.constant dense<0.000000e+00> : vector<128xf32>
    %reduce_sum3A_743 = vector.multi_reduction <add>, %mul3A_741, %reduce_sum3A_742 [0] : vector<64x128xf32> to vector<128xf32>
    %broadcast_in_dim3A_744 = vector.shape_cast %reduce_sum3A_743 : vector<128xf32> to vector<1x128xf32>
    %slice3A_745 = vector.extract_strided_slice %get3A_1 {offsets = [0, 15872], sizes = [64, 128], strides = [1, 1]} : vector<64x16384xf32> to vector<64x128xf32>
    %mul3A_746 = vector.broadcast %get3A_4 : vector<64x1xf32> to vector<64x128xf32>
    %mul3A_747 = arith.mulf %slice3A_745, %mul3A_746 : vector<64x128xf32>
    %reduce_sum3A_748 = arith.constant dense<0.000000e+00> : vector<128xf32>
    %reduce_sum3A_749 = vector.multi_reduction <add>, %mul3A_747, %reduce_sum3A_748 [0] : vector<64x128xf32> to vector<128xf32>
    %broadcast_in_dim3A_750 = vector.shape_cast %reduce_sum3A_749 : vector<128xf32> to vector<1x128xf32>
    %slice3A_751 = vector.extract_strided_slice %get3A_1 {offsets = [0, 16000], sizes = [64, 128], strides = [1, 1]} : vector<64x16384xf32> to vector<64x128xf32>
    %mul3A_752 = vector.broadcast %get3A_4 : vector<64x1xf32> to vector<64x128xf32>
    %mul3A_753 = arith.mulf %slice3A_751, %mul3A_752 : vector<64x128xf32>
    %reduce_sum3A_754 = arith.constant dense<0.000000e+00> : vector<128xf32>
    %reduce_sum3A_755 = vector.multi_reduction <add>, %mul3A_753, %reduce_sum3A_754 [0] : vector<64x128xf32> to vector<128xf32>
    %broadcast_in_dim3A_756 = vector.shape_cast %reduce_sum3A_755 : vector<128xf32> to vector<1x128xf32>
    %slice3A_757 = vector.extract_strided_slice %get3A_1 {offsets = [0, 16128], sizes = [64, 128], strides = [1, 1]} : vector<64x16384xf32> to vector<64x128xf32>
    %mul3A_758 = vector.broadcast %get3A_4 : vector<64x1xf32> to vector<64x128xf32>
    %mul3A_759 = arith.mulf %slice3A_757, %mul3A_758 : vector<64x128xf32>
    %reduce_sum3A_760 = arith.constant dense<0.000000e+00> : vector<128xf32>
    %reduce_sum3A_761 = vector.multi_reduction <add>, %mul3A_759, %reduce_sum3A_760 [0] : vector<64x128xf32> to vector<128xf32>
    %broadcast_in_dim3A_762 = vector.shape_cast %reduce_sum3A_761 : vector<128xf32> to vector<1x128xf32>
    %slice3A_763 = vector.extract_strided_slice %get3A_1 {offsets = [0, 16256], sizes = [64, 128], strides = [1, 1]} : vector<64x16384xf32> to vector<64x128xf32>
    %mul3A_764 = vector.broadcast %get3A_4 : vector<64x1xf32> to vector<64x128xf32>
    %mul3A_765 = arith.mulf %slice3A_763, %mul3A_764 : vector<64x128xf32>
    %reduce_sum3A_766 = arith.constant dense<0.000000e+00> : vector<128xf32>
    %reduce_sum3A_767 = vector.multi_reduction <add>, %mul3A_765, %reduce_sum3A_766 [0] : vector<64x128xf32> to vector<128xf32>
    %broadcast_in_dim3A_768 = vector.shape_cast %reduce_sum3A_767 : vector<128xf32> to vector<1x128xf32>
    %concatenate3A = tpu.concatenate %broadcast_in_dim3A, %broadcast_in_dim3A_12, %broadcast_in_dim3A_18, %broadcast_in_dim3A_24, %broadcast_in_dim3A_30, %broadcast_in_dim3A_36, %broadcast_in_dim3A_42, %broadcast_in_dim3A_48, %broadcast_in_dim3A_54, %broadcast_in_dim3A_60, %broadcast_in_dim3A_66, %broadcast_in_dim3A_72, %broadcast_in_dim3A_78, %broadcast_in_dim3A_84, %broadcast_in_dim3A_90, %broadcast_in_dim3A_96, %broadcast_in_dim3A_102, %broadcast_in_dim3A_108, %broadcast_in_dim3A_114, %broadcast_in_dim3A_120, %broadcast_in_dim3A_126, %broadcast_in_dim3A_132, %broadcast_in_dim3A_138, %broadcast_in_dim3A_144, %broadcast_in_dim3A_150, %broadcast_in_dim3A_156, %broadcast_in_dim3A_162, %broadcast_in_dim3A_168, %broadcast_in_dim3A_174, %broadcast_in_dim3A_180, %broadcast_in_dim3A_186, %broadcast_in_dim3A_192, %broadcast_in_dim3A_198, %broadcast_in_dim3A_204, %broadcast_in_dim3A_210, %broadcast_in_dim3A_216, %broadcast_in_dim3A_222, %broadcast_in_dim3A_228, %broadcast_in_dim3A_234, %broadcast_in_dim3A_240, %broadcast_in_dim3A_246, %broadcast_in_dim3A_252, %broadcast_in_dim3A_258, %broadcast_in_dim3A_264, %broadcast_in_dim3A_270, %broadcast_in_dim3A_276, %broadcast_in_dim3A_282, %broadcast_in_dim3A_288, %broadcast_in_dim3A_294, %broadcast_in_dim3A_300, %broadcast_in_dim3A_306, %broadcast_in_dim3A_312, %broadcast_in_dim3A_318, %broadcast_in_dim3A_324, %broadcast_in_dim3A_330, %broadcast_in_dim3A_336, %broadcast_in_dim3A_342, %broadcast_in_dim3A_348, %broadcast_in_dim3A_354, %broadcast_in_dim3A_360, %broadcast_in_dim3A_366, %broadcast_in_dim3A_372, %broadcast_in_dim3A_378, %broadcast_in_dim3A_384, %broadcast_in_dim3A_390, %broadcast_in_dim3A_396, %broadcast_in_dim3A_402, %broadcast_in_dim3A_408, %broadcast_in_dim3A_414, %broadcast_in_dim3A_420, %broadcast_in_dim3A_426, %broadcast_in_dim3A_432, %broadcast_in_dim3A_438, %broadcast_in_dim3A_444, %broadcast_in_dim3A_450, %broadcast_in_dim3A_456, %broadcast_in_dim3A_462, %broadcast_in_dim3A_468, %broadcast_in_dim3A_474, %broadcast_in_dim3A_480, %broadcast_in_dim3A_486, %broadcast_in_dim3A_492, %broadcast_in_dim3A_498, %broadcast_in_dim3A_504, %broadcast_in_dim3A_510, %broadcast_in_dim3A_516, %broadcast_in_dim3A_522, %broadcast_in_dim3A_528, %broadcast_in_dim3A_534, %broadcast_in_dim3A_540, %broadcast_in_dim3A_546, %broadcast_in_dim3A_552, %broadcast_in_dim3A_558, %broadcast_in_dim3A_564, %broadcast_in_dim3A_570, %broadcast_in_dim3A_576, %broadcast_in_dim3A_582, %broadcast_in_dim3A_588, %broadcast_in_dim3A_594, %broadcast_in_dim3A_600, %broadcast_in_dim3A_606, %broadcast_in_dim3A_612, %broadcast_in_dim3A_618, %broadcast_in_dim3A_624, %broadcast_in_dim3A_630, %broadcast_in_dim3A_636, %broadcast_in_dim3A_642, %broadcast_in_dim3A_648, %broadcast_in_dim3A_654, %broadcast_in_dim3A_660, %broadcast_in_dim3A_666, %broadcast_in_dim3A_672, %broadcast_in_dim3A_678, %broadcast_in_dim3A_684, %broadcast_in_dim3A_690, %broadcast_in_dim3A_696, %broadcast_in_dim3A_702, %broadcast_in_dim3A_708, %broadcast_in_dim3A_714, %broadcast_in_dim3A_720, %broadcast_in_dim3A_726, %broadcast_in_dim3A_732, %broadcast_in_dim3A_738, %broadcast_in_dim3A_744, %broadcast_in_dim3A_750, %broadcast_in_dim3A_756, %broadcast_in_dim3A_762, %broadcast_in_dim3A_768 in 0 : vector<1x128xf32>, vector<1x128xf32>, vector<1x128xf32>, vector<1x128xf32>, vector<1x128xf32>, vector<1x128xf32>, vector<1x128xf32>, vector<1x128xf32>, vector<1x128xf32>, vector<1x128xf32>, vector<1x128xf32>, vector<1x128xf32>, vector<1x128xf32>, vector<1x128xf32>, vector<1x128xf32>, vector<1x128xf32>, vector<1x128xf32>, vector<1x128xf32>, vector<1x128xf32>, vector<1x128xf32>, vector<1x128xf32>, vector<1x128xf32>, vector<1x128xf32>, vector<1x128xf32>, vector<1x128xf32>, vector<1x128xf32>, vector<1x128xf32>, vector<1x128xf32>, vector<1x128xf32>, vector<1x128xf32>, vector<1x128xf32>, vector<1x128xf32>, vector<1x128xf32>, vector<1x128xf32>, vector<1x128xf32>, vector<1x128xf32>, vector<1x128xf32>, vector<1x128xf32>, vector<1x128xf32>, vector<1x128xf32>, vector<1x128xf32>, vector<1x128xf32>, vector<1x128xf32>, vector<1x128xf32>, vector<1x128xf32>, vector<1x128xf32>, vector<1x128xf32>, vector<1x128xf32>, vector<1x128xf32>, vector<1x128xf32>, vector<1x128xf32>, vector<1x128xf32>, vector<1x128xf32>, vector<1x128xf32>, vector<1x128xf32>, vector<1x128xf32>, vector<1x128xf32>, vector<1x128xf32>, vector<1x128xf32>, vector<1x128xf32>, vector<1x128xf32>, vector<1x128xf32>, vector<1x128xf32>, vector<1x128xf32>, vector<1x128xf32>, vector<1x128xf32>, vector<1x128xf32>, vector<1x128xf32>, vector<1x128xf32>, vector<1x128xf32>, vector<1x128xf32>, vector<1x128xf32>, vector<1x128xf32>, vector<1x128xf32>, vector<1x128xf32>, vector<1x128xf32>, vector<1x128xf32>, vector<1x128xf32>, vector<1x128xf32>, vector<1x128xf32>, vector<1x128xf32>, vector<1x128xf32>, vector<1x128xf32>, vector<1x128xf32>, vector<1x128xf32>, vector<1x128xf32>, vector<1x128xf32>, vector<1x128xf32>, vector<1x128xf32>, vector<1x128xf32>, vector<1x128xf32>, vector<1x128xf32>, vector<1x128xf32>, vector<1x128xf32>, vector<1x128xf32>, vector<1x128xf32>, vector<1x128xf32>, vector<1x128xf32>, vector<1x128xf32>, vector<1x128xf32>, vector<1x128xf32>, vector<1x128xf32>, vector<1x128xf32>, vector<1x128xf32>, vector<1x128xf32>, vector<1x128xf32>, vector<1x128xf32>, vector<1x128xf32>, vector<1x128xf32>, vector<1x128xf32>, vector<1x128xf32>, vector<1x128xf32>, vector<1x128xf32>, vector<1x128xf32>, vector<1x128xf32>, vector<1x128xf32>, vector<1x128xf32>, vector<1x128xf32>, vector<1x128xf32>, vector<1x128xf32>, vector<1x128xf32>, vector<1x128xf32>, vector<1x128xf32>, vector<1x128xf32>, vector<1x128xf32>, vector<1x128xf32>, vector<1x128xf32>, vector<1x128xf32> -> vector<128x128xf32>
    %swap3A = arith.constant 0 : index
    %swap3A_769 = arith.constant 0 : index
    %swap3A_770 = vector.load %arg3[%swap3A, %swap3A_769] : memref<128x128xf32, #tpu.memory_space<vmem>>, vector<128x128xf32>
    tpu.vector_store %arg3[%swap3A, %swap3A_769], %concatenate3A {strides = array<i32>} : memref<128x128xf32, #tpu.memory_space<vmem>>, vector<128x128xf32>,
    return
  }
  func.func @transform_0(%arg0: i32) -> (i32, i32) {
    %c0_i32 = arith.constant 0 : i32
    %c0_i32_0 = arith.constant 0 : i32
    %c0_i32_1 = arith.constant 0 : i32
    return %c0_i32, %c0_i32_0 : i32, i32
  }
  func.func @transform_1(%arg0: i32) -> (i32, i32) {
    %add3A = arith.constant 0 : i32
    %add3A_0 = arith.addi %add3A, %arg0 : i32
    %c0_i32 = arith.constant 0 : i32
    %c0_i32_1 = arith.constant 0 : i32
    return %c0_i32, %add3A_0 : i32, i32
  }
  func.func @transform_2(%arg0: i32) -> (i32, i32) {
    %c0_i32 = arith.constant 0 : i32
    %c0_i32_0 = arith.constant 0 : i32
    return %arg0, %c0_i32 : i32, i32
  }
}

module attributes {stable_mosaic.version = 14 : i64} {
  func.func @_tc_matvec_body(%arg0: i32, %arg1: memref<64x1xf32, #tpu.memory_space<vmem>>, %arg2: memref<64x16384xf32, #tpu.memory_space<vmem>>, %arg3: memref<128x128xf32, #tpu.memory_space<vmem>>) attributes {dimension_semantics = [#tpu.dimension_semantics<arbitrary>], iteration_bounds = array<i64: 34>, scalar_prefetch = 0 : i64, scratch_operands = 0 : i64, tpu.core_type = #tpu.core_type<tc>, window_params = [{pipeline_mode = #tpu.pipeline_mode<synchronous>, transform_indices = @transform_0, window_bounds = array<i64: 64, 1>}, {transform_indices = @transform_1, window_bounds = array<i64: 64, 16384>}, {transform_indices = @transform_2, window_bounds = array<i64: 128, 128>}]} {
    %get3A = arith.constant 0 : index
    %get3A_0 = arith.constant 0 : index
    %get3A_1 = vector.load %arg2[%get3A, %get3A_0] : memref<64x16384xf32, #tpu.memory_space<vmem>>, vector<64x16384xf32>
    %get3A_2 = arith.constant 0 : index
    %get3A_3 = arith.constant 0 : index
    %get3A_4 = vector.load %arg1[%get3A_2, %get3A_3] : memref<64x1xf32, #tpu.memory_space<vmem>>, vector<64x1xf32>
    %slice3A = vector.extract_strided_slice %get3A_1 {offsets = [0, 0], sizes = [64, 128], strides = [1, 1]} : vector<64x16384xf32> to vector<64x128xf32>
    %mul3A = vector.broadcast %get3A_4 : vector<64x1xf32> to vector<64x128xf32>
    %mul3A_5 = arith.mulf %slice3A, %mul3A : vector<64x128xf32>
    %reduce_sum3A = arith.constant dense<0.000000e+00> : vector<128xf32>
    %reduce_sum3A_6 = vector.multi_reduction <add>, %mul3A_5, %reduce_sum3A [0] : vector<64x128xf32> to vector<128xf32>
    %broadcast_in_dim3A = vector.shape_cast %reduce_sum3A_6 : vector<128xf32> to vector<1x128xf32>
    %slice3A_7 = vector.extract_strided_slice %get3A_1 {offsets = [0, 128], sizes = [64, 128], strides = [1, 1]} : vector<64x16384xf32> to vector<64x128xf32>
    %mul3A_8 = vector.broadcast %get3A_4 : vector<64x1xf32> to vector<64x128xf32>
    %mul3A_9 = arith.mulf %slice3A_7, %mul3A_8 : vector<64x128xf32>
    %reduce_sum3A_10 = arith.constant dense<0.000000e+00> : vector<128xf32>
    %reduce_sum3A_11 = vector.multi_reduction <add>, %mul3A_9, %reduce_sum3A_10 [0] : vector<64x128xf32> to vector<128xf32>
    %broadcast_in_dim3A_12 = vector.shape_cast %reduce_sum3A_11 : vector<128xf32> to vector<1x128xf32>
    %slice3A_13 = vector.extract_strided_slice %get3A_1 {offsets = [0, 256], sizes = [64, 128], strides = [1, 1]} : vector<64x16384xf32> to vector<64x128xf32>
    %mul3A_14 = vector.broadcast %get3A_4 : vector<64x1xf32> to vector<64x128xf32>
    %mul3A_15 = arith.mulf %slice3A_13, %mul3A_14 : vector<64x128xf32>
    %reduce_sum3A_16 = arith.constant dense<0.000000e+00> : vector<128xf32>
    %reduce_sum3A_17 = vector.multi_reduction <add>, %mul3A_15, %reduce_sum3A_16 [0] : vector<64x128xf32> to vector<128xf32>
    %broadcast_in_dim3A_18 = vector.shape_cast %reduce_sum3A_17 : vector<128xf32> to vector<1x128xf32>
    %slice3A_19 = vector.extract_strided_slice %get3A_1 {offsets = [0, 384], sizes = [64, 128], strides = [1, 1]} : vector<64x16384xf32> to vector<64x128xf32>
    %mul3A_20 = vector.broadcast %get3A_4 : vector<64x1xf32> to vector<64x128xf32>
    %mul3A_21 = arith.mulf %slice3A_19, %mul3A_20 : vector<64x128xf32>
    %reduce_sum3A_22 = arith.constant dense<0.000000e+00> : vector<128xf32>
    %reduce_sum3A_23 = vector.multi_reduction <add>, %mul3A_21, %reduce_sum3A_22 [0] : vector<64x128xf32> to vector<128xf32>
    %broadcast_in_dim3A_24 = vector.shape_cast %reduce_sum3A_23 : vector<128xf32> to vector<1x128xf32>
    %slice3A_25 = vector.extract_strided_slice %get3A_1 {offsets = [0, 512], sizes = [64, 128], strides = [1, 1]} : vector<64x16384xf32> to vector<64x128xf32>
    %mul3A_26 = vector.broadcast %get3A_4 : vector<64x1xf32> to vector<64x128xf32>
    %mul3A_27 = arith.mulf %slice3A_25, %mul3A_26 : vector<64x128xf32>
    %reduce_sum3A_28 = arith.constant dense<0.000000e+00> : vector<128xf32>
    %reduce_sum3A_29 = vector.multi_reduction <add>, %mul3A_27, %reduce_sum3A_28 [0] : vector<64x128xf32> to vector<128xf32>
    %broadcast_in_dim3A_30 = vector.shape_cast %reduce_sum3A_29 : vector<128xf32> to vector<1x128xf32>
    %slice3A_31 = vector.extract_strided_slice %get3A_1 {offsets = [0, 640], sizes = [64, 128], strides = [1, 1]} : vector<64x16384xf32> to vector<64x128xf32>
    %mul3A_32 = vector.broadcast %get3A_4 : vector<64x1xf32> to vector<64x128xf32>
    %mul3A_33 = arith.mulf %slice3A_31, %mul3A_32 : vector<64x128xf32>
    %reduce_sum3A_34 = arith.constant dense<0.000000e+00> : vector<128xf32>
    %reduce_sum3A_35 = vector.multi_reduction <add>, %mul3A_33, %reduce_sum3A_34 [0] : vector<64x128xf32> to vector<128xf32>
    %broadcast_in_dim3A_36 = vector.shape_cast %reduce_sum3A_35 : vector<128xf32> to vector<1x128xf32>
    %slice3A_37 = vector.extract_strided_slice %get3A_1 {offsets = [0, 768], sizes = [64, 128], strides = [1, 1]} : vector<64x16384xf32> to vector<64x128xf32>
    %mul3A_38 = vector.broadcast %get3A_4 : vector<64x1xf32> to vector<64x128xf32>
    %mul3A_39 = arith.mulf %slice3A_37, %mul3A_38 : vector<64x128xf32>
    %reduce_sum3A_40 = arith.constant dense<0.000000e+00> : vector<128xf32>
    %reduce_sum3A_41 = vector.multi_reduction <add>, %mul3A_39, %reduce_sum3A_40 [0] : vector<64x128xf32> to vector<128xf32>
    %broadcast_in_dim3A_42 = vector.shape_cast %reduce_sum3A_41 : vector<128xf32> to vector<1x128xf32>
    %slice3A_43 = vector.extract_strided_slice %get3A_1 {offsets = [0, 896], sizes = [64, 128], strides = [1, 1]} : vector<64x16384xf32> to vector<64x128xf32>
    %mul3A_44 = vector.broadcast %get3A_4 : vector<64x1xf32> to vector<64x128xf32>
    %mul3A_45 = arith.mulf %slice3A_43, %mul3A_44 : vector<64x128xf32>
    %reduce_sum3A_46 = arith.constant dense<0.000000e+00> : vector<128xf32>
    %reduce_sum3A_47 = vector.multi_reduction <add>, %mul3A_45, %reduce_sum3A_46 [0] : vector<64x128xf32> to vector<128xf32>
    %broadcast_in_dim3A_48 = vector.shape_cast %reduce_sum3A_47 : vector<128xf32> to vector<1x128xf32>
    %slice3A_49 = vector.extract_strided_slice %get3A_1 {offsets = [0, 1024], sizes = [64, 128], strides = [1, 1]} : vector<64x16384xf32> to vector<64x128xf32>
    %mul3A_50 = vector.broadcast %get3A_4 : vector<64x1xf32> to vector<64x128xf32>
    %mul3A_51 = arith.mulf %slice3A_49, %mul3A_50 : vector<64x128xf32>
    %reduce_sum3A_52 = arith.constant dense<0.000000e+00> : vector<128xf32>
    %reduce_sum3A_53 = vector.multi_reduction <add>, %mul3A_51, %reduce_sum3A_52 [0] : vector<64x128xf32> to vector<128xf32>
    %broadcast_in_dim3A_54 = vector.shape_cast %reduce_sum3A_53 : vector<128xf32> to vector<1x128xf32>
    %slice3A_55 = vector.extract_strided_slice %get3A_1 {offsets = [0, 1152], sizes = [64, 128], strides = [1, 1]} : vector<64x16384xf32> to vector<64x128xf32>
    %mul3A_56 = vector.broadcast %get3A_4 : vector<64x1xf32> to vector<64x128xf32>
    %mul3A_57 = arith.mulf %slice3A_55, %mul3A_56 : vector<64x128xf32>
    %reduce_sum3A_58 = arith.constant dense<0.000000e+00> : vector<128xf32>
    %reduce_sum3A_59 = vector.multi_reduction <add>, %mul3A_57, %reduce_sum3A_58 [0] : vector<64x128xf32> to vector<128xf32>
    %broadcast_in_dim3A_60 = vector.shape_cast %reduce_sum3A_59 : vector<128xf32> to vector<1x128xf32>
    %slice3A_61 = vector.extract_strided_slice %get3A_1 {offsets = [0, 1280], sizes = [64, 128], strides = [1, 1]} : vector<64x16384xf32> to vector<64x128xf32>
    %mul3A_62 = vector.broadcast %get3A_4 : vector<64x1xf32> to vector<64x128xf32>
    %mul3A_63 = arith.mulf %slice3A_61, %mul3A_62 : vector<64x128xf32>
    %reduce_sum3A_64 = arith.constant dense<0.000000e+00> : vector<128xf32>
    %reduce_sum3A_65 = vector.multi_reduction <add>, %mul3A_63, %reduce_sum3A_64 [0] : vector<64x128xf32> to vector<128xf32>
    %broadcast_in_dim3A_66 = vector.shape_cast %reduce_sum3A_65 : vector<128xf32> to vector<1x128xf32>
    %slice3A_67 = vector.extract_strided_slice %get3A_1 {offsets = [0, 1408], sizes = [64, 128], strides = [1, 1]} : vector<64x16384xf32> to vector<64x128xf32>
    %mul3A_68 = vector.broadcast %get3A_4 : vector<64x1xf32> to vector<64x128xf32>
    %mul3A_69 = arith.mulf %slice3A_67, %mul3A_68 : vector<64x128xf32>
    %reduce_sum3A_70 = arith.constant dense<0.000000e+00> : vector<128xf32>
    %reduce_sum3A_71 = vector.multi_reduction <add>, %mul3A_69, %reduce_sum3A_70 [0] : vector<64x128xf32> to vector<128xf32>
    %broadcast_in_dim3A_72 = vector.shape_cast %reduce_sum3A_71 : vector<128xf32> to vector<1x128xf32>
    %slice3A_73 = vector.extract_strided_slice %get3A_1 {offsets = [0, 1536], sizes = [64, 128], strides = [1, 1]} : vector<64x16384xf32> to vector<64x128xf32>
    %mul3A_74 = vector.broadcast %get3A_4 : vector<64x1xf32> to vector<64x128xf32>
    %mul3A_75 = arith.mulf %slice3A_73, %mul3A_74 : vector<64x128xf32>
    %reduce_sum3A_76 = arith.constant dense<0.000000e+00> : vector<128xf32>
    %reduce_sum3A_77 = vector.multi_reduction <add>, %mul3A_75, %reduce_sum3A_76 [0] : vector<64x128xf32> to vector<128xf32>
    %broadcast_in_dim3A_78 = vector.shape_cast %reduce_sum3A_77 : vector<128xf32> to vector<1x128xf32>
    %slice3A_79 = vector.extract_strided_slice %get3A_1 {offsets = [0, 1664], sizes = [64, 128], strides = [1, 1]} : vector<64x16384xf32> to vector<64x128xf32>
    %mul3A_80 = vector.broadcast %get3A_4 : vector<64x1xf32> to vector<64x128xf32>
    %mul3A_81 = arith.mulf %slice3A_79, %mul3A_80 : vector<64x128xf32>
    %reduce_sum3A_82 = arith.constant dense<0.000000e+00> : vector<128xf32>
    %reduce_sum3A_83 = vector.multi_reduction <add>, %mul3A_81, %reduce_sum3A_82 [0] : vector<64x128xf32> to vector<128xf32>
    %broadcast_in_dim3A_84 = vector.shape_cast %reduce_sum3A_83 : vector<128xf32> to vector<1x128xf32>
    %slice3A_85 = vector.extract_strided_slice %get3A_1 {offsets = [0, 1792], sizes = [64, 128], strides = [1, 1]} : vector<64x16384xf32> to vector<64x128xf32>
    %mul3A_86 = vector.broadcast %get3A_4 : vector<64x1xf32> to vector<64x128xf32>
    %mul3A_87 = arith.mulf %slice3A_85, %mul3A_86 : vector<64x128xf32>
    %reduce_sum3A_88 = arith.constant dense<0.000000e+00> : vector<128xf32>
    %reduce_sum3A_89 = vector.multi_reduction <add>, %mul3A_87, %reduce_sum3A_88 [0] : vector<64x128xf32> to vector<128xf32>
    %broadcast_in_dim3A_90 = vector.shape_cast %reduce_sum3A_89 : vector<128xf32> to vector<1x128xf32>
    %slice3A_91 = vector.extract_strided_slice %get3A_1 {offsets = [0, 1920], sizes = [64, 128], strides = [1, 1]} : vector<64x16384xf32> to vector<64x128xf32>
    %mul3A_92 = vector.broadcast %get3A_4 : vector<64x1xf32> to vector<64x128xf32>
    %mul3A_93 = arith.mulf %slice3A_91, %mul3A_92 : vector<64x128xf32>
    %reduce_sum3A_94 = arith.constant dense<0.000000e+00> : vector<128xf32>
    %reduce_sum3A_95 = vector.multi_reduction <add>, %mul3A_93, %reduce_sum3A_94 [0] : vector<64x128xf32> to vector<128xf32>
    %broadcast_in_dim3A_96 = vector.shape_cast %reduce_sum3A_95 : vector<128xf32> to vector<1x128xf32>
    %slice3A_97 = vector.extract_strided_slice %get3A_1 {offsets = [0, 2048], sizes = [64, 128], strides = [1, 1]} : vector<64x16384xf32> to vector<64x128xf32>
    %mul3A_98 = vector.broadcast %get3A_4 : vector<64x1xf32> to vector<64x128xf32>
    %mul3A_99 = arith.mulf %slice3A_97, %mul3A_98 : vector<64x128xf32>
    %reduce_sum3A_100 = arith.constant dense<0.000000e+00> : vector<128xf32>
    %reduce_sum3A_101 = vector.multi_reduction <add>, %mul3A_99, %reduce_sum3A_100 [0] : vector<64x128xf32> to vector<128xf32>
    %broadcast_in_dim3A_102 = vector.shape_cast %reduce_sum3A_101 : vector<128xf32> to vector<1x128xf32>
    %slice3A_103 = vector.extract_strided_slice %get3A_1 {offsets = [0, 2176], sizes = [64, 128], strides = [1, 1]} : vector<64x16384xf32> to vector<64x128xf32>
    %mul3A_104 = vector.broadcast %get3A_4 : vector<64x1xf32> to vector<64x128xf32>
    %mul3A_105 = arith.mulf %slice3A_103, %mul3A_104 : vector<64x128xf32>
    %reduce_sum3A_106 = arith.constant dense<0.000000e+00> : vector<128xf32>
    %reduce_sum3A_107 = vector.multi_reduction <add>, %mul3A_105, %reduce_sum3A_106 [0] : vector<64x128xf32> to vector<128xf32>
    %broadcast_in_dim3A_108 = vector.shape_cast %reduce_sum3A_107 : vector<128xf32> to vector<1x128xf32>
    %slice3A_109 = vector.extract_strided_slice %get3A_1 {offsets = [0, 2304], sizes = [64, 128], strides = [1, 1]} : vector<64x16384xf32> to vector<64x128xf32>
    %mul3A_110 = vector.broadcast %get3A_4 : vector<64x1xf32> to vector<64x128xf32>
    %mul3A_111 = arith.mulf %slice3A_109, %mul3A_110 : vector<64x128xf32>
    %reduce_sum3A_112 = arith.constant dense<0.000000e+00> : vector<128xf32>
    %reduce_sum3A_113 = vector.multi_reduction <add>, %mul3A_111, %reduce_sum3A_112 [0] : vector<64x128xf32> to vector<128xf32>
    %broadcast_in_dim3A_114 = vector.shape_cast %reduce_sum3A_113 : vector<128xf32> to vector<1x128xf32>
    %slice3A_115 = vector.extract_strided_slice %get3A_1 {offsets = [0, 2432], sizes = [64, 128], strides = [1, 1]} : vector<64x16384xf32> to vector<64x128xf32>
    %mul3A_116 = vector.broadcast %get3A_4 : vector<64x1xf32> to vector<64x128xf32>
    %mul3A_117 = arith.mulf %slice3A_115, %mul3A_116 : vector<64x128xf32>
    %reduce_sum3A_118 = arith.constant dense<0.000000e+00> : vector<128xf32>
    %reduce_sum3A_119 = vector.multi_reduction <add>, %mul3A_117, %reduce_sum3A_118 [0] : vector<64x128xf32> to vector<128xf32>
    %broadcast_in_dim3A_120 = vector.shape_cast %reduce_sum3A_119 : vector<128xf32> to vector<1x128xf32>
    %slice3A_121 = vector.extract_strided_slice %get3A_1 {offsets = [0, 2560], sizes = [64, 128], strides = [1, 1]} : vector<64x16384xf32> to vector<64x128xf32>
    %mul3A_122 = vector.broadcast %get3A_4 : vector<64x1xf32> to vector<64x128xf32>
    %mul3A_123 = arith.mulf %slice3A_121, %mul3A_122 : vector<64x128xf32>
    %reduce_sum3A_124 = arith.constant dense<0.000000e+00> : vector<128xf32>
    %reduce_sum3A_125 = vector.multi_reduction <add>, %mul3A_123, %reduce_sum3A_124 [0] : vector<64x128xf32> to vector<128xf32>
    %broadcast_in_dim3A_126 = vector.shape_cast %reduce_sum3A_125 : vector<128xf32> to vector<1x128xf32>
    %slice3A_127 = vector.extract_strided_slice %get3A_1 {offsets = [0, 2688], sizes = [64, 128], strides = [1, 1]} : vector<64x16384xf32> to vector<64x128xf32>
    %mul3A_128 = vector.broadcast %get3A_4 : vector<64x1xf32> to vector<64x128xf32>
    %mul3A_129 = arith.mulf %slice3A_127, %mul3A_128 : vector<64x128xf32>
    %reduce_sum3A_130 = arith.constant dense<0.000000e+00> : vector<128xf32>
    %reduce_sum3A_131 = vector.multi_reduction <add>, %mul3A_129, %reduce_sum3A_130 [0] : vector<64x128xf32> to vector<128xf32>
    %broadcast_in_dim3A_132 = vector.shape_cast %reduce_sum3A_131 : vector<128xf32> to vector<1x128xf32>
    %slice3A_133 = vector.extract_strided_slice %get3A_1 {offsets = [0, 2816], sizes = [64, 128], strides = [1, 1]} : vector<64x16384xf32> to vector<64x128xf32>
    %mul3A_134 = vector.broadcast %get3A_4 : vector<64x1xf32> to vector<64x128xf32>
    %mul3A_135 = arith.mulf %slice3A_133, %mul3A_134 : vector<64x128xf32>
    %reduce_sum3A_136 = arith.constant dense<0.000000e+00> : vector<128xf32>
    %reduce_sum3A_137 = vector.multi_reduction <add>, %mul3A_135, %reduce_sum3A_136 [0] : vector<64x128xf32> to vector<128xf32>
    %broadcast_in_dim3A_138 = vector.shape_cast %reduce_sum3A_137 : vector<128xf32> to vector<1x128xf32>
    %slice3A_139 = vector.extract_strided_slice %get3A_1 {offsets = [0, 2944], sizes = [64, 128], strides = [1, 1]} : vector<64x16384xf32> to vector<64x128xf32>
    %mul3A_140 = vector.broadcast %get3A_4 : vector<64x1xf32> to vector<64x128xf32>
    %mul3A_141 = arith.mulf %slice3A_139, %mul3A_140 : vector<64x128xf32>
    %reduce_sum3A_142 = arith.constant dense<0.000000e+00> : vector<128xf32>
    %reduce_sum3A_143 = vector.multi_reduction <add>, %mul3A_141, %reduce_sum3A_142 [0] : vector<64x128xf32> to vector<128xf32>
    %broadcast_in_dim3A_144 = vector.shape_cast %reduce_sum3A_143 : vector<128xf32> to vector<1x128xf32>
    %slice3A_145 = vector.extract_strided_slice %get3A_1 {offsets = [0, 3072], sizes = [64, 128], strides = [1, 1]} : vector<64x16384xf32> to vector<64x128xf32>
    %mul3A_146 = vector.broadcast %get3A_4 : vector<64x1xf32> to vector<64x128xf32>
    %mul3A_147 = arith.mulf %slice3A_145, %mul3A_146 : vector<64x128xf32>
    %reduce_sum3A_148 = arith.constant dense<0.000000e+00> : vector<128xf32>
    %reduce_sum3A_149 = vector.multi_reduction <add>, %mul3A_147, %reduce_sum3A_148 [0] : vector<64x128xf32> to vector<128xf32>
    %broadcast_in_dim3A_150 = vector.shape_cast %reduce_sum3A_149 : vector<128xf32> to vector<1x128xf32>
    %slice3A_151 = vector.extract_strided_slice %get3A_1 {offsets = [0, 3200], sizes = [64, 128], strides = [1, 1]} : vector<64x16384xf32> to vector<64x128xf32>
    %mul3A_152 = vector.broadcast %get3A_4 : vector<64x1xf32> to vector<64x128xf32>
    %mul3A_153 = arith.mulf %slice3A_151, %mul3A_152 : vector<64x128xf32>
    %reduce_sum3A_154 = arith.constant dense<0.000000e+00> : vector<128xf32>
    %reduce_sum3A_155 = vector.multi_reduction <add>, %mul3A_153, %reduce_sum3A_154 [0] : vector<64x128xf32> to vector<128xf32>
    %broadcast_in_dim3A_156 = vector.shape_cast %reduce_sum3A_155 : vector<128xf32> to vector<1x128xf32>
    %slice3A_157 = vector.extract_strided_slice %get3A_1 {offsets = [0, 3328], sizes = [64, 128], strides = [1, 1]} : vector<64x16384xf32> to vector<64x128xf32>
    %mul3A_158 = vector.broadcast %get3A_4 : vector<64x1xf32> to vector<64x128xf32>
    %mul3A_159 = arith.mulf %slice3A_157, %mul3A_158 : vector<64x128xf32>
    %reduce_sum3A_160 = arith.constant dense<0.000000e+00> : vector<128xf32>
    %reduce_sum3A_161 = vector.multi_reduction <add>, %mul3A_159, %reduce_sum3A_160 [0] : vector<64x128xf32> to vector<128xf32>
    %broadcast_in_dim3A_162 = vector.shape_cast %reduce_sum3A_161 : vector<128xf32> to vector<1x128xf32>
    %slice3A_163 = vector.extract_strided_slice %get3A_1 {offsets = [0, 3456], sizes = [64, 128], strides = [1, 1]} : vector<64x16384xf32> to vector<64x128xf32>
    %mul3A_164 = vector.broadcast %get3A_4 : vector<64x1xf32> to vector<64x128xf32>
    %mul3A_165 = arith.mulf %slice3A_163, %mul3A_164 : vector<64x128xf32>
    %reduce_sum3A_166 = arith.constant dense<0.000000e+00> : vector<128xf32>
    %reduce_sum3A_167 = vector.multi_reduction <add>, %mul3A_165, %reduce_sum3A_166 [0] : vector<64x128xf32> to vector<128xf32>
    %broadcast_in_dim3A_168 = vector.shape_cast %reduce_sum3A_167 : vector<128xf32> to vector<1x128xf32>
    %slice3A_169 = vector.extract_strided_slice %get3A_1 {offsets = [0, 3584], sizes = [64, 128], strides = [1, 1]} : vector<64x16384xf32> to vector<64x128xf32>
    %mul3A_170 = vector.broadcast %get3A_4 : vector<64x1xf32> to vector<64x128xf32>
    %mul3A_171 = arith.mulf %slice3A_169, %mul3A_170 : vector<64x128xf32>
    %reduce_sum3A_172 = arith.constant dense<0.000000e+00> : vector<128xf32>
    %reduce_sum3A_173 = vector.multi_reduction <add>, %mul3A_171, %reduce_sum3A_172 [0] : vector<64x128xf32> to vector<128xf32>
    %broadcast_in_dim3A_174 = vector.shape_cast %reduce_sum3A_173 : vector<128xf32> to vector<1x128xf32>
    %slice3A_175 = vector.extract_strided_slice %get3A_1 {offsets = [0, 3712], sizes = [64, 128], strides = [1, 1]} : vector<64x16384xf32> to vector<64x128xf32>
    %mul3A_176 = vector.broadcast %get3A_4 : vector<64x1xf32> to vector<64x128xf32>
    %mul3A_177 = arith.mulf %slice3A_175, %mul3A_176 : vector<64x128xf32>
    %reduce_sum3A_178 = arith.constant dense<0.000000e+00> : vector<128xf32>
    %reduce_sum3A_179 = vector.multi_reduction <add>, %mul3A_177, %reduce_sum3A_178 [0] : vector<64x128xf32> to vector<128xf32>
    %broadcast_in_dim3A_180 = vector.shape_cast %reduce_sum3A_179 : vector<128xf32> to vector<1x128xf32>
    %slice3A_181 = vector.extract_strided_slice %get3A_1 {offsets = [0, 3840], sizes = [64, 128], strides = [1, 1]} : vector<64x16384xf32> to vector<64x128xf32>
    %mul3A_182 = vector.broadcast %get3A_4 : vector<64x1xf32> to vector<64x128xf32>
    %mul3A_183 = arith.mulf %slice3A_181, %mul3A_182 : vector<64x128xf32>
    %reduce_sum3A_184 = arith.constant dense<0.000000e+00> : vector<128xf32>
    %reduce_sum3A_185 = vector.multi_reduction <add>, %mul3A_183, %reduce_sum3A_184 [0] : vector<64x128xf32> to vector<128xf32>
    %broadcast_in_dim3A_186 = vector.shape_cast %reduce_sum3A_185 : vector<128xf32> to vector<1x128xf32>
    %slice3A_187 = vector.extract_strided_slice %get3A_1 {offsets = [0, 3968], sizes = [64, 128], strides = [1, 1]} : vector<64x16384xf32> to vector<64x128xf32>
    %mul3A_188 = vector.broadcast %get3A_4 : vector<64x1xf32> to vector<64x128xf32>
    %mul3A_189 = arith.mulf %slice3A_187, %mul3A_188 : vector<64x128xf32>
    %reduce_sum3A_190 = arith.constant dense<0.000000e+00> : vector<128xf32>
    %reduce_sum3A_191 = vector.multi_reduction <add>, %mul3A_189, %reduce_sum3A_190 [0] : vector<64x128xf32> to vector<128xf32>
    %broadcast_in_dim3A_192 = vector.shape_cast %reduce_sum3A_191 : vector<128xf32> to vector<1x128xf32>
    %slice3A_193 = vector.extract_strided_slice %get3A_1 {offsets = [0, 4096], sizes = [64, 128], strides = [1, 1]} : vector<64x16384xf32> to vector<64x128xf32>
    %mul3A_194 = vector.broadcast %get3A_4 : vector<64x1xf32> to vector<64x128xf32>
    %mul3A_195 = arith.mulf %slice3A_193, %mul3A_194 : vector<64x128xf32>
    %reduce_sum3A_196 = arith.constant dense<0.000000e+00> : vector<128xf32>
    %reduce_sum3A_197 = vector.multi_reduction <add>, %mul3A_195, %reduce_sum3A_196 [0] : vector<64x128xf32> to vector<128xf32>
    %broadcast_in_dim3A_198 = vector.shape_cast %reduce_sum3A_197 : vector<128xf32> to vector<1x128xf32>
    %slice3A_199 = vector.extract_strided_slice %get3A_1 {offsets = [0, 4224], sizes = [64, 128], strides = [1, 1]} : vector<64x16384xf32> to vector<64x128xf32>
    %mul3A_200 = vector.broadcast %get3A_4 : vector<64x1xf32> to vector<64x128xf32>
    %mul3A_201 = arith.mulf %slice3A_199, %mul3A_200 : vector<64x128xf32>
    %reduce_sum3A_202 = arith.constant dense<0.000000e+00> : vector<128xf32>
    %reduce_sum3A_203 = vector.multi_reduction <add>, %mul3A_201, %reduce_sum3A_202 [0] : vector<64x128xf32> to vector<128xf32>
    %broadcast_in_dim3A_204 = vector.shape_cast %reduce_sum3A_203 : vector<128xf32> to vector<1x128xf32>
    %slice3A_205 = vector.extract_strided_slice %get3A_1 {offsets = [0, 4352], sizes = [64, 128], strides = [1, 1]} : vector<64x16384xf32> to vector<64x128xf32>
    %mul3A_206 = vector.broadcast %get3A_4 : vector<64x1xf32> to vector<64x128xf32>
    %mul3A_207 = arith.mulf %slice3A_205, %mul3A_206 : vector<64x128xf32>
    %reduce_sum3A_208 = arith.constant dense<0.000000e+00> : vector<128xf32>
    %reduce_sum3A_209 = vector.multi_reduction <add>, %mul3A_207, %reduce_sum3A_208 [0] : vector<64x128xf32> to vector<128xf32>
    %broadcast_in_dim3A_210 = vector.shape_cast %reduce_sum3A_209 : vector<128xf32> to vector<1x128xf32>
    %slice3A_211 = vector.extract_strided_slice %get3A_1 {offsets = [0, 4480], sizes = [64, 128], strides = [1, 1]} : vector<64x16384xf32> to vector<64x128xf32>
    %mul3A_212 = vector.broadcast %get3A_4 : vector<64x1xf32> to vector<64x128xf32>
    %mul3A_213 = arith.mulf %slice3A_211, %mul3A_212 : vector<64x128xf32>
    %reduce_sum3A_214 = arith.constant dense<0.000000e+00> : vector<128xf32>
    %reduce_sum3A_215 = vector.multi_reduction <add>, %mul3A_213, %reduce_sum3A_214 [0] : vector<64x128xf32> to vector<128xf32>
    %broadcast_in_dim3A_216 = vector.shape_cast %reduce_sum3A_215 : vector<128xf32> to vector<1x128xf32>
    %slice3A_217 = vector.extract_strided_slice %get3A_1 {offsets = [0, 4608], sizes = [64, 128], strides = [1, 1]} : vector<64x16384xf32> to vector<64x128xf32>
    %mul3A_218 = vector.broadcast %get3A_4 : vector<64x1xf32> to vector<64x128xf32>
    %mul3A_219 = arith.mulf %slice3A_217, %mul3A_218 : vector<64x128xf32>
    %reduce_sum3A_220 = arith.constant dense<0.000000e+00> : vector<128xf32>
    %reduce_sum3A_221 = vector.multi_reduction <add>, %mul3A_219, %reduce_sum3A_220 [0] : vector<64x128xf32> to vector<128xf32>
    %broadcast_in_dim3A_222 = vector.shape_cast %reduce_sum3A_221 : vector<128xf32> to vector<1x128xf32>
    %slice3A_223 = vector.extract_strided_slice %get3A_1 {offsets = [0, 4736], sizes = [64, 128], strides = [1, 1]} : vector<64x16384xf32> to vector<64x128xf32>
    %mul3A_224 = vector.broadcast %get3A_4 : vector<64x1xf32> to vector<64x128xf32>
    %mul3A_225 = arith.mulf %slice3A_223, %mul3A_224 : vector<64x128xf32>
    %reduce_sum3A_226 = arith.constant dense<0.000000e+00> : vector<128xf32>
    %reduce_sum3A_227 = vector.multi_reduction <add>, %mul3A_225, %reduce_sum3A_226 [0] : vector<64x128xf32> to vector<128xf32>
    %broadcast_in_dim3A_228 = vector.shape_cast %reduce_sum3A_227 : vector<128xf32> to vector<1x128xf32>
    %slice3A_229 = vector.extract_strided_slice %get3A_1 {offsets = [0, 4864], sizes = [64, 128], strides = [1, 1]} : vector<64x16384xf32> to vector<64x128xf32>
    %mul3A_230 = vector.broadcast %get3A_4 : vector<64x1xf32> to vector<64x128xf32>
    %mul3A_231 = arith.mulf %slice3A_229, %mul3A_230 : vector<64x128xf32>
    %reduce_sum3A_232 = arith.constant dense<0.000000e+00> : vector<128xf32>
    %reduce_sum3A_233 = vector.multi_reduction <add>, %mul3A_231, %reduce_sum3A_232 [0] : vector<64x128xf32> to vector<128xf32>
    %broadcast_in_dim3A_234 = vector.shape_cast %reduce_sum3A_233 : vector<128xf32> to vector<1x128xf32>
    %slice3A_235 = vector.extract_strided_slice %get3A_1 {offsets = [0, 4992], sizes = [64, 128], strides = [1, 1]} : vector<64x16384xf32> to vector<64x128xf32>
    %mul3A_236 = vector.broadcast %get3A_4 : vector<64x1xf32> to vector<64x128xf32>
    %mul3A_237 = arith.mulf %slice3A_235, %mul3A_236 : vector<64x128xf32>
    %reduce_sum3A_238 = arith.constant dense<0.000000e+00> : vector<128xf32>
    %reduce_sum3A_239 = vector.multi_reduction <add>, %mul3A_237, %reduce_sum3A_238 [0] : vector<64x128xf32> to vector<128xf32>
    %broadcast_in_dim3A_240 = vector.shape_cast %reduce_sum3A_239 : vector<128xf32> to vector<1x128xf32>
    %slice3A_241 = vector.extract_strided_slice %get3A_1 {offsets = [0, 5120], sizes = [64, 128], strides = [1, 1]} : vector<64x16384xf32> to vector<64x128xf32>
    %mul3A_242 = vector.broadcast %get3A_4 : vector<64x1xf32> to vector<64x128xf32>
    %mul3A_243 = arith.mulf %slice3A_241, %mul3A_242 : vector<64x128xf32>
    %reduce_sum3A_244 = arith.constant dense<0.000000e+00> : vector<128xf32>
    %reduce_sum3A_245 = vector.multi_reduction <add>, %mul3A_243, %reduce_sum3A_244 [0] : vector<64x128xf32> to vector<128xf32>
    %broadcast_in_dim3A_246 = vector.shape_cast %reduce_sum3A_245 : vector<128xf32> to vector<1x128xf32>
    %slice3A_247 = vector.extract_strided_slice %get3A_1 {offsets = [0, 5248], sizes = [64, 128], strides = [1, 1]} : vector<64x16384xf32> to vector<64x128xf32>
    %mul3A_248 = vector.broadcast %get3A_4 : vector<64x1xf32> to vector<64x128xf32>
    %mul3A_249 = arith.mulf %slice3A_247, %mul3A_248 : vector<64x128xf32>
    %reduce_sum3A_250 = arith.constant dense<0.000000e+00> : vector<128xf32>
    %reduce_sum3A_251 = vector.multi_reduction <add>, %mul3A_249, %reduce_sum3A_250 [0] : vector<64x128xf32> to vector<128xf32>
    %broadcast_in_dim3A_252 = vector.shape_cast %reduce_sum3A_251 : vector<128xf32> to vector<1x128xf32>
    %slice3A_253 = vector.extract_strided_slice %get3A_1 {offsets = [0, 5376], sizes = [64, 128], strides = [1, 1]} : vector<64x16384xf32> to vector<64x128xf32>
    %mul3A_254 = vector.broadcast %get3A_4 : vector<64x1xf32> to vector<64x128xf32>
    %mul3A_255 = arith.mulf %slice3A_253, %mul3A_254 : vector<64x128xf32>
    %reduce_sum3A_256 = arith.constant dense<0.000000e+00> : vector<128xf32>
    %reduce_sum3A_257 = vector.multi_reduction <add>, %mul3A_255, %reduce_sum3A_256 [0] : vector<64x128xf32> to vector<128xf32>
    %broadcast_in_dim3A_258 = vector.shape_cast %reduce_sum3A_257 : vector<128xf32> to vector<1x128xf32>
    %slice3A_259 = vector.extract_strided_slice %get3A_1 {offsets = [0, 5504], sizes = [64, 128], strides = [1, 1]} : vector<64x16384xf32> to vector<64x128xf32>
    %mul3A_260 = vector.broadcast %get3A_4 : vector<64x1xf32> to vector<64x128xf32>
    %mul3A_261 = arith.mulf %slice3A_259, %mul3A_260 : vector<64x128xf32>
    %reduce_sum3A_262 = arith.constant dense<0.000000e+00> : vector<128xf32>
    %reduce_sum3A_263 = vector.multi_reduction <add>, %mul3A_261, %reduce_sum3A_262 [0] : vector<64x128xf32> to vector<128xf32>
    %broadcast_in_dim3A_264 = vector.shape_cast %reduce_sum3A_263 : vector<128xf32> to vector<1x128xf32>
    %slice3A_265 = vector.extract_strided_slice %get3A_1 {offsets = [0, 5632], sizes = [64, 128], strides = [1, 1]} : vector<64x16384xf32> to vector<64x128xf32>
    %mul3A_266 = vector.broadcast %get3A_4 : vector<64x1xf32> to vector<64x128xf32>
    %mul3A_267 = arith.mulf %slice3A_265, %mul3A_266 : vector<64x128xf32>
    %reduce_sum3A_268 = arith.constant dense<0.000000e+00> : vector<128xf32>
    %reduce_sum3A_269 = vector.multi_reduction <add>, %mul3A_267, %reduce_sum3A_268 [0] : vector<64x128xf32> to vector<128xf32>
    %broadcast_in_dim3A_270 = vector.shape_cast %reduce_sum3A_269 : vector<128xf32> to vector<1x128xf32>
    %slice3A_271 = vector.extract_strided_slice %get3A_1 {offsets = [0, 5760], sizes = [64, 128], strides = [1, 1]} : vector<64x16384xf32> to vector<64x128xf32>
    %mul3A_272 = vector.broadcast %get3A_4 : vector<64x1xf32> to vector<64x128xf32>
    %mul3A_273 = arith.mulf %slice3A_271, %mul3A_272 : vector<64x128xf32>
    %reduce_sum3A_274 = arith.constant dense<0.000000e+00> : vector<128xf32>
    %reduce_sum3A_275 = vector.multi_reduction <add>, %mul3A_273, %reduce_sum3A_274 [0] : vector<64x128xf32> to vector<128xf32>
    %broadcast_in_dim3A_276 = vector.shape_cast %reduce_sum3A_275 : vector<128xf32> to vector<1x128xf32>
    %slice3A_277 = vector.extract_strided_slice %get3A_1 {offsets = [0, 5888], sizes = [64, 128], strides = [1, 1]} : vector<64x16384xf32> to vector<64x128xf32>
    %mul3A_278 = vector.broadcast %get3A_4 : vector<64x1xf32> to vector<64x128xf32>
    %mul3A_279 = arith.mulf %slice3A_277, %mul3A_278 : vector<64x128xf32>
    %reduce_sum3A_280 = arith.constant dense<0.000000e+00> : vector<128xf32>
    %reduce_sum3A_281 = vector.multi_reduction <add>, %mul3A_279, %reduce_sum3A_280 [0] : vector<64x128xf32> to vector<128xf32>
    %broadcast_in_dim3A_282 = vector.shape_cast %reduce_sum3A_281 : vector<128xf32> to vector<1x128xf32>
    %slice3A_283 = vector.extract_strided_slice %get3A_1 {offsets = [0, 6016], sizes = [64, 128], strides = [1, 1]} : vector<64x16384xf32> to vector<64x128xf32>
    %mul3A_284 = vector.broadcast %get3A_4 : vector<64x1xf32> to vector<64x128xf32>
    %mul3A_285 = arith.mulf %slice3A_283, %mul3A_284 : vector<64x128xf32>
    %reduce_sum3A_286 = arith.constant dense<0.000000e+00> : vector<128xf32>
    %reduce_sum3A_287 = vector.multi_reduction <add>, %mul3A_285, %reduce_sum3A_286 [0] : vector<64x128xf32> to vector<128xf32>
    %broadcast_in_dim3A_288 = vector.shape_cast %reduce_sum3A_287 : vector<128xf32> to vector<1x128xf32>
    %slice3A_289 = vector.extract_strided_slice %get3A_1 {offsets = [0, 6144], sizes = [64, 128], strides = [1, 1]} : vector<64x16384xf32> to vector<64x128xf32>
    %mul3A_290 = vector.broadcast %get3A_4 : vector<64x1xf32> to vector<64x128xf32>
    %mul3A_291 = arith.mulf %slice3A_289, %mul3A_290 : vector<64x128xf32>
    %reduce_sum3A_292 = arith.constant dense<0.000000e+00> : vector<128xf32>
    %reduce_sum3A_293 = vector.multi_reduction <add>, %mul3A_291, %reduce_sum3A_292 [0] : vector<64x128xf32> to vector<128xf32>
    %broadcast_in_dim3A_294 = vector.shape_cast %reduce_sum3A_293 : vector<128xf32> to vector<1x128xf32>
    %slice3A_295 = vector.extract_strided_slice %get3A_1 {offsets = [0, 6272], sizes = [64, 128], strides = [1, 1]} : vector<64x16384xf32> to vector<64x128xf32>
    %mul3A_296 = vector.broadcast %get3A_4 : vector<64x1xf32> to vector<64x128xf32>
    %mul3A_297 = arith.mulf %slice3A_295, %mul3A_296 : vector<64x128xf32>
    %reduce_sum3A_298 = arith.constant dense<0.000000e+00> : vector<128xf32>
    %reduce_sum3A_299 = vector.multi_reduction <add>, %mul3A_297, %reduce_sum3A_298 [0] : vector<64x128xf32> to vector<128xf32>
    %broadcast_in_dim3A_300 = vector.shape_cast %reduce_sum3A_299 : vector<128xf32> to vector<1x128xf32>
    %slice3A_301 = vector.extract_strided_slice %get3A_1 {offsets = [0, 6400], sizes = [64, 128], strides = [1, 1]} : vector<64x16384xf32> to vector<64x128xf32>
    %mul3A_302 = vector.broadcast %get3A_4 : vector<64x1xf32> to vector<64x128xf32>
    %mul3A_303 = arith.mulf %slice3A_301, %mul3A_302 : vector<64x128xf32>
    %reduce_sum3A_304 = arith.constant dense<0.000000e+00> : vector<128xf32>
    %reduce_sum3A_305 = vector.multi_reduction <add>, %mul3A_303, %reduce_sum3A_304 [0] : vector<64x128xf32> to vector<128xf32>
    %broadcast_in_dim3A_306 = vector.shape_cast %reduce_sum3A_305 : vector<128xf32> to vector<1x128xf32>
    %slice3A_307 = vector.extract_strided_slice %get3A_1 {offsets = [0, 6528], sizes = [64, 128], strides = [1, 1]} : vector<64x16384xf32> to vector<64x128xf32>
    %mul3A_308 = vector.broadcast %get3A_4 : vector<64x1xf32> to vector<64x128xf32>
    %mul3A_309 = arith.mulf %slice3A_307, %mul3A_308 : vector<64x128xf32>
    %reduce_sum3A_310 = arith.constant dense<0.000000e+00> : vector<128xf32>
    %reduce_sum3A_311 = vector.multi_reduction <add>, %mul3A_309, %reduce_sum3A_310 [0] : vector<64x128xf32> to vector<128xf32>
    %broadcast_in_dim3A_312 = vector.shape_cast %reduce_sum3A_311 : vector<128xf32> to vector<1x128xf32>
    %slice3A_313 = vector.extract_strided_slice %get3A_1 {offsets = [0, 6656], sizes = [64, 128], strides = [1, 1]} : vector<64x16384xf32> to vector<64x128xf32>
    %mul3A_314 = vector.broadcast %get3A_4 : vector<64x1xf32> to vector<64x128xf32>
    %mul3A_315 = arith.mulf %slice3A_313, %mul3A_314 : vector<64x128xf32>
    %reduce_sum3A_316 = arith.constant dense<0.000000e+00> : vector<128xf32>
    %reduce_sum3A_317 = vector.multi_reduction <add>, %mul3A_315, %reduce_sum3A_316 [0] : vector<64x128xf32> to vector<128xf32>
    %broadcast_in_dim3A_318 = vector.shape_cast %reduce_sum3A_317 : vector<128xf32> to vector<1x128xf32>
    %slice3A_319 = vector.extract_strided_slice %get3A_1 {offsets = [0, 6784], sizes = [64, 128], strides = [1, 1]} : vector<64x16384xf32> to vector<64x128xf32>
    %mul3A_320 = vector.broadcast %get3A_4 : vector<64x1xf32> to vector<64x128xf32>
    %mul3A_321 = arith.mulf %slice3A_319, %mul3A_320 : vector<64x128xf32>
    %reduce_sum3A_322 = arith.constant dense<0.000000e+00> : vector<128xf32>
    %reduce_sum3A_323 = vector.multi_reduction <add>, %mul3A_321, %reduce_sum3A_322 [0] : vector<64x128xf32> to vector<128xf32>
    %broadcast_in_dim3A_324 = vector.shape_cast %reduce_sum3A_323 : vector<128xf32> to vector<1x128xf32>
    %slice3A_325 = vector.extract_strided_slice %get3A_1 {offsets = [0, 6912], sizes = [64, 128], strides = [1, 1]} : vector<64x16384xf32> to vector<64x128xf32>
    %mul3A_326 = vector.broadcast %get3A_4 : vector<64x1xf32> to vector<64x128xf32>
    %mul3A_327 = arith.mulf %slice3A_325, %mul3A_326 : vector<64x128xf32>
    %reduce_sum3A_328 = arith.constant dense<0.000000e+00> : vector<128xf32>
    %reduce_sum3A_329 = vector.multi_reduction <add>, %mul3A_327, %reduce_sum3A_328 [0] : vector<64x128xf32> to vector<128xf32>
    %broadcast_in_dim3A_330 = vector.shape_cast %reduce_sum3A_329 : vector<128xf32> to vector<1x128xf32>
    %slice3A_331 = vector.extract_strided_slice %get3A_1 {offsets = [0, 7040], sizes = [64, 128], strides = [1, 1]} : vector<64x16384xf32> to vector<64x128xf32>
    %mul3A_332 = vector.broadcast %get3A_4 : vector<64x1xf32> to vector<64x128xf32>
    %mul3A_333 = arith.mulf %slice3A_331, %mul3A_332 : vector<64x128xf32>
    %reduce_sum3A_334 = arith.constant dense<0.000000e+00> : vector<128xf32>
    %reduce_sum3A_335 = vector.multi_reduction <add>, %mul3A_333, %reduce_sum3A_334 [0] : vector<64x128xf32> to vector<128xf32>
    %broadcast_in_dim3A_336 = vector.shape_cast %reduce_sum3A_335 : vector<128xf32> to vector<1x128xf32>
    %slice3A_337 = vector.extract_strided_slice %get3A_1 {offsets = [0, 7168], sizes = [64, 128], strides = [1, 1]} : vector<64x16384xf32> to vector<64x128xf32>
    %mul3A_338 = vector.broadcast %get3A_4 : vector<64x1xf32> to vector<64x128xf32>
    %mul3A_339 = arith.mulf %slice3A_337, %mul3A_338 : vector<64x128xf32>
    %reduce_sum3A_340 = arith.constant dense<0.000000e+00> : vector<128xf32>
    %reduce_sum3A_341 = vector.multi_reduction <add>, %mul3A_339, %reduce_sum3A_340 [0] : vector<64x128xf32> to vector<128xf32>
    %broadcast_in_dim3A_342 = vector.shape_cast %reduce_sum3A_341 : vector<128xf32> to vector<1x128xf32>
    %slice3A_343 = vector.extract_strided_slice %get3A_1 {offsets = [0, 7296], sizes = [64, 128], strides = [1, 1]} : vector<64x16384xf32> to vector<64x128xf32>
    %mul3A_344 = vector.broadcast %get3A_4 : vector<64x1xf32> to vector<64x128xf32>
    %mul3A_345 = arith.mulf %slice3A_343, %mul3A_344 : vector<64x128xf32>
    %reduce_sum3A_346 = arith.constant dense<0.000000e+00> : vector<128xf32>
    %reduce_sum3A_347 = vector.multi_reduction <add>, %mul3A_345, %reduce_sum3A_346 [0] : vector<64x128xf32> to vector<128xf32>
    %broadcast_in_dim3A_348 = vector.shape_cast %reduce_sum3A_347 : vector<128xf32> to vector<1x128xf32>
    %slice3A_349 = vector.extract_strided_slice %get3A_1 {offsets = [0, 7424], sizes = [64, 128], strides = [1, 1]} : vector<64x16384xf32> to vector<64x128xf32>
    %mul3A_350 = vector.broadcast %get3A_4 : vector<64x1xf32> to vector<64x128xf32>
    %mul3A_351 = arith.mulf %slice3A_349, %mul3A_350 : vector<64x128xf32>
    %reduce_sum3A_352 = arith.constant dense<0.000000e+00> : vector<128xf32>
    %reduce_sum3A_353 = vector.multi_reduction <add>, %mul3A_351, %reduce_sum3A_352 [0] : vector<64x128xf32> to vector<128xf32>
    %broadcast_in_dim3A_354 = vector.shape_cast %reduce_sum3A_353 : vector<128xf32> to vector<1x128xf32>
    %slice3A_355 = vector.extract_strided_slice %get3A_1 {offsets = [0, 7552], sizes = [64, 128], strides = [1, 1]} : vector<64x16384xf32> to vector<64x128xf32>
    %mul3A_356 = vector.broadcast %get3A_4 : vector<64x1xf32> to vector<64x128xf32>
    %mul3A_357 = arith.mulf %slice3A_355, %mul3A_356 : vector<64x128xf32>
    %reduce_sum3A_358 = arith.constant dense<0.000000e+00> : vector<128xf32>
    %reduce_sum3A_359 = vector.multi_reduction <add>, %mul3A_357, %reduce_sum3A_358 [0] : vector<64x128xf32> to vector<128xf32>
    %broadcast_in_dim3A_360 = vector.shape_cast %reduce_sum3A_359 : vector<128xf32> to vector<1x128xf32>
    %slice3A_361 = vector.extract_strided_slice %get3A_1 {offsets = [0, 7680], sizes = [64, 128], strides = [1, 1]} : vector<64x16384xf32> to vector<64x128xf32>
    %mul3A_362 = vector.broadcast %get3A_4 : vector<64x1xf32> to vector<64x128xf32>
    %mul3A_363 = arith.mulf %slice3A_361, %mul3A_362 : vector<64x128xf32>
    %reduce_sum3A_364 = arith.constant dense<0.000000e+00> : vector<128xf32>
    %reduce_sum3A_365 = vector.multi_reduction <add>, %mul3A_363, %reduce_sum3A_364 [0] : vector<64x128xf32> to vector<128xf32>
    %broadcast_in_dim3A_366 = vector.shape_cast %reduce_sum3A_365 : vector<128xf32> to vector<1x128xf32>
    %slice3A_367 = vector.extract_strided_slice %get3A_1 {offsets = [0, 7808], sizes = [64, 128], strides = [1, 1]} : vector<64x16384xf32> to vector<64x128xf32>
    %mul3A_368 = vector.broadcast %get3A_4 : vector<64x1xf32> to vector<64x128xf32>
    %mul3A_369 = arith.mulf %slice3A_367, %mul3A_368 : vector<64x128xf32>
    %reduce_sum3A_370 = arith.constant dense<0.000000e+00> : vector<128xf32>
    %reduce_sum3A_371 = vector.multi_reduction <add>, %mul3A_369, %reduce_sum3A_370 [0] : vector<64x128xf32> to vector<128xf32>
    %broadcast_in_dim3A_372 = vector.shape_cast %reduce_sum3A_371 : vector<128xf32> to vector<1x128xf32>
    %slice3A_373 = vector.extract_strided_slice %get3A_1 {offsets = [0, 7936], sizes = [64, 128], strides = [1, 1]} : vector<64x16384xf32> to vector<64x128xf32>
    %mul3A_374 = vector.broadcast %get3A_4 : vector<64x1xf32> to vector<64x128xf32>
    %mul3A_375 = arith.mulf %slice3A_373, %mul3A_374 : vector<64x128xf32>
    %reduce_sum3A_376 = arith.constant dense<0.000000e+00> : vector<128xf32>
    %reduce_sum3A_377 = vector.multi_reduction <add>, %mul3A_375, %reduce_sum3A_376 [0] : vector<64x128xf32> to vector<128xf32>
    %broadcast_in_dim3A_378 = vector.shape_cast %reduce_sum3A_377 : vector<128xf32> to vector<1x128xf32>
    %slice3A_379 = vector.extract_strided_slice %get3A_1 {offsets = [0, 8064], sizes = [64, 128], strides = [1, 1]} : vector<64x16384xf32> to vector<64x128xf32>
    %mul3A_380 = vector.broadcast %get3A_4 : vector<64x1xf32> to vector<64x128xf32>
    %mul3A_381 = arith.mulf %slice3A_379, %mul3A_380 : vector<64x128xf32>
    %reduce_sum3A_382 = arith.constant dense<0.000000e+00> : vector<128xf32>
    %reduce_sum3A_383 = vector.multi_reduction <add>, %mul3A_381, %reduce_sum3A_382 [0] : vector<64x128xf32> to vector<128xf32>
    %broadcast_in_dim3A_384 = vector.shape_cast %reduce_sum3A_383 : vector<128xf32> to vector<1x128xf32>
    %slice3A_385 = vector.extract_strided_slice %get3A_1 {offsets = [0, 8192], sizes = [64, 128], strides = [1, 1]} : vector<64x16384xf32> to vector<64x128xf32>
    %mul3A_386 = vector.broadcast %get3A_4 : vector<64x1xf32> to vector<64x128xf32>
    %mul3A_387 = arith.mulf %slice3A_385, %mul3A_386 : vector<64x128xf32>
    %reduce_sum3A_388 = arith.constant dense<0.000000e+00> : vector<128xf32>
    %reduce_sum3A_389 = vector.multi_reduction <add>, %mul3A_387, %reduce_sum3A_388 [0] : vector<64x128xf32> to vector<128xf32>
    %broadcast_in_dim3A_390 = vector.shape_cast %reduce_sum3A_389 : vector<128xf32> to vector<1x128xf32>
    %slice3A_391 = vector.extract_strided_slice %get3A_1 {offsets = [0, 8320], sizes = [64, 128], strides = [1, 1]} : vector<64x16384xf32> to vector<64x128xf32>
    %mul3A_392 = vector.broadcast %get3A_4 : vector<64x1xf32> to vector<64x128xf32>
    %mul3A_393 = arith.mulf %slice3A_391, %mul3A_392 : vector<64x128xf32>
    %reduce_sum3A_394 = arith.constant dense<0.000000e+00> : vector<128xf32>
    %reduce_sum3A_395 = vector.multi_reduction <add>, %mul3A_393, %reduce_sum3A_394 [0] : vector<64x128xf32> to vector<128xf32>
    %broadcast_in_dim3A_396 = vector.shape_cast %reduce_sum3A_395 : vector<128xf32> to vector<1x128xf32>
    %slice3A_397 = vector.extract_strided_slice %get3A_1 {offsets = [0, 8448], sizes = [64, 128], strides = [1, 1]} : vector<64x16384xf32> to vector<64x128xf32>
    %mul3A_398 = vector.broadcast %get3A_4 : vector<64x1xf32> to vector<64x128xf32>
    %mul3A_399 = arith.mulf %slice3A_397, %mul3A_398 : vector<64x128xf32>
    %reduce_sum3A_400 = arith.constant dense<0.000000e+00> : vector<128xf32>
    %reduce_sum3A_401 = vector.multi_reduction <add>, %mul3A_399, %reduce_sum3A_400 [0] : vector<64x128xf32> to vector<128xf32>
    %broadcast_in_dim3A_402 = vector.shape_cast %reduce_sum3A_401 : vector<128xf32> to vector<1x128xf32>
    %slice3A_403 = vector.extract_strided_slice %get3A_1 {offsets = [0, 8576], sizes = [64, 128], strides = [1, 1]} : vector<64x16384xf32> to vector<64x128xf32>
    %mul3A_404 = vector.broadcast %get3A_4 : vector<64x1xf32> to vector<64x128xf32>
    %mul3A_405 = arith.mulf %slice3A_403, %mul3A_404 : vector<64x128xf32>
    %reduce_sum3A_406 = arith.constant dense<0.000000e+00> : vector<128xf32>
    %reduce_sum3A_407 = vector.multi_reduction <add>, %mul3A_405, %reduce_sum3A_406 [0] : vector<64x128xf32> to vector<128xf32>
    %broadcast_in_dim3A_408 = vector.shape_cast %reduce_sum3A_407 : vector<128xf32> to vector<1x128xf32>
    %slice3A_409 = vector.extract_strided_slice %get3A_1 {offsets = [0, 8704], sizes = [64, 128], strides = [1, 1]} : vector<64x16384xf32> to vector<64x128xf32>
    %mul3A_410 = vector.broadcast %get3A_4 : vector<64x1xf32> to vector<64x128xf32>
    %mul3A_411 = arith.mulf %slice3A_409, %mul3A_410 : vector<64x128xf32>
    %reduce_sum3A_412 = arith.constant dense<0.000000e+00> : vector<128xf32>
    %reduce_sum3A_413 = vector.multi_reduction <add>, %mul3A_411, %reduce_sum3A_412 [0] : vector<64x128xf32> to vector<128xf32>
    %broadcast_in_dim3A_414 = vector.shape_cast %reduce_sum3A_413 : vector<128xf32> to vector<1x128xf32>
    %slice3A_415 = vector.extract_strided_slice %get3A_1 {offsets = [0, 8832], sizes = [64, 128], strides = [1, 1]} : vector<64x16384xf32> to vector<64x128xf32>
    %mul3A_416 = vector.broadcast %get3A_4 : vector<64x1xf32> to vector<64x128xf32>
    %mul3A_417 = arith.mulf %slice3A_415, %mul3A_416 : vector<64x128xf32>
    %reduce_sum3A_418 = arith.constant dense<0.000000e+00> : vector<128xf32>
    %reduce_sum3A_419 = vector.multi_reduction <add>, %mul3A_417, %reduce_sum3A_418 [0] : vector<64x128xf32> to vector<128xf32>
    %broadcast_in_dim3A_420 = vector.shape_cast %reduce_sum3A_419 : vector<128xf32> to vector<1x128xf32>
    %slice3A_421 = vector.extract_strided_slice %get3A_1 {offsets = [0, 8960], sizes = [64, 128], strides = [1, 1]} : vector<64x16384xf32> to vector<64x128xf32>
    %mul3A_422 = vector.broadcast %get3A_4 : vector<64x1xf32> to vector<64x128xf32>
    %mul3A_423 = arith.mulf %slice3A_421, %mul3A_422 : vector<64x128xf32>
    %reduce_sum3A_424 = arith.constant dense<0.000000e+00> : vector<128xf32>
    %reduce_sum3A_425 = vector.multi_reduction <add>, %mul3A_423, %reduce_sum3A_424 [0] : vector<64x128xf32> to vector<128xf32>
    %broadcast_in_dim3A_426 = vector.shape_cast %reduce_sum3A_425 : vector<128xf32> to vector<1x128xf32>
    %slice3A_427 = vector.extract_strided_slice %get3A_1 {offsets = [0, 9088], sizes = [64, 128], strides = [1, 1]} : vector<64x16384xf32> to vector<64x128xf32>
    %mul3A_428 = vector.broadcast %get3A_4 : vector<64x1xf32> to vector<64x128xf32>
    %mul3A_429 = arith.mulf %slice3A_427, %mul3A_428 : vector<64x128xf32>
    %reduce_sum3A_430 = arith.constant dense<0.000000e+00> : vector<128xf32>
    %reduce_sum3A_431 = vector.multi_reduction <add>, %mul3A_429, %reduce_sum3A_430 [0] : vector<64x128xf32> to vector<128xf32>
    %broadcast_in_dim3A_432 = vector.shape_cast %reduce_sum3A_431 : vector<128xf32> to vector<1x128xf32>
    %slice3A_433 = vector.extract_strided_slice %get3A_1 {offsets = [0, 9216], sizes = [64, 128], strides = [1, 1]} : vector<64x16384xf32> to vector<64x128xf32>
    %mul3A_434 = vector.broadcast %get3A_4 : vector<64x1xf32> to vector<64x128xf32>
    %mul3A_435 = arith.mulf %slice3A_433, %mul3A_434 : vector<64x128xf32>
    %reduce_sum3A_436 = arith.constant dense<0.000000e+00> : vector<128xf32>
    %reduce_sum3A_437 = vector.multi_reduction <add>, %mul3A_435, %reduce_sum3A_436 [0] : vector<64x128xf32> to vector<128xf32>
    %broadcast_in_dim3A_438 = vector.shape_cast %reduce_sum3A_437 : vector<128xf32> to vector<1x128xf32>
    %slice3A_439 = vector.extract_strided_slice %get3A_1 {offsets = [0, 9344], sizes = [64, 128], strides = [1, 1]} : vector<64x16384xf32> to vector<64x128xf32>
    %mul3A_440 = vector.broadcast %get3A_4 : vector<64x1xf32> to vector<64x128xf32>
    %mul3A_441 = arith.mulf %slice3A_439, %mul3A_440 : vector<64x128xf32>
    %reduce_sum3A_442 = arith.constant dense<0.000000e+00> : vector<128xf32>
    %reduce_sum3A_443 = vector.multi_reduction <add>, %mul3A_441, %reduce_sum3A_442 [0] : vector<64x128xf32> to vector<128xf32>
    %broadcast_in_dim3A_444 = vector.shape_cast %reduce_sum3A_443 : vector<128xf32> to vector<1x128xf32>
    %slice3A_445 = vector.extract_strided_slice %get3A_1 {offsets = [0, 9472], sizes = [64, 128], strides = [1, 1]} : vector<64x16384xf32> to vector<64x128xf32>
    %mul3A_446 = vector.broadcast %get3A_4 : vector<64x1xf32> to vector<64x128xf32>
    %mul3A_447 = arith.mulf %slice3A_445, %mul3A_446 : vector<64x128xf32>
    %reduce_sum3A_448 = arith.constant dense<0.000000e+00> : vector<128xf32>
    %reduce_sum3A_449 = vector.multi_reduction <add>, %mul3A_447, %reduce_sum3A_448 [0] : vector<64x128xf32> to vector<128xf32>
    %broadcast_in_dim3A_450 = vector.shape_cast %reduce_sum3A_449 : vector<128xf32> to vector<1x128xf32>
    %slice3A_451 = vector.extract_strided_slice %get3A_1 {offsets = [0, 9600], sizes = [64, 128], strides = [1, 1]} : vector<64x16384xf32> to vector<64x128xf32>
    %mul3A_452 = vector.broadcast %get3A_4 : vector<64x1xf32> to vector<64x128xf32>
    %mul3A_453 = arith.mulf %slice3A_451, %mul3A_452 : vector<64x128xf32>
    %reduce_sum3A_454 = arith.constant dense<0.000000e+00> : vector<128xf32>
    %reduce_sum3A_455 = vector.multi_reduction <add>, %mul3A_453, %reduce_sum3A_454 [0] : vector<64x128xf32> to vector<128xf32>
    %broadcast_in_dim3A_456 = vector.shape_cast %reduce_sum3A_455 : vector<128xf32> to vector<1x128xf32>
    %slice3A_457 = vector.extract_strided_slice %get3A_1 {offsets = [0, 9728], sizes = [64, 128], strides = [1, 1]} : vector<64x16384xf32> to vector<64x128xf32>
    %mul3A_458 = vector.broadcast %get3A_4 : vector<64x1xf32> to vector<64x128xf32>
    %mul3A_459 = arith.mulf %slice3A_457, %mul3A_458 : vector<64x128xf32>
    %reduce_sum3A_460 = arith.constant dense<0.000000e+00> : vector<128xf32>
    %reduce_sum3A_461 = vector.multi_reduction <add>, %mul3A_459, %reduce_sum3A_460 [0] : vector<64x128xf32> to vector<128xf32>
    %broadcast_in_dim3A_462 = vector.shape_cast %reduce_sum3A_461 : vector<128xf32> to vector<1x128xf32>
    %slice3A_463 = vector.extract_strided_slice %get3A_1 {offsets = [0, 9856], sizes = [64, 128], strides = [1, 1]} : vector<64x16384xf32> to vector<64x128xf32>
    %mul3A_464 = vector.broadcast %get3A_4 : vector<64x1xf32> to vector<64x128xf32>
    %mul3A_465 = arith.mulf %slice3A_463, %mul3A_464 : vector<64x128xf32>
    %reduce_sum3A_466 = arith.constant dense<0.000000e+00> : vector<128xf32>
    %reduce_sum3A_467 = vector.multi_reduction <add>, %mul3A_465, %reduce_sum3A_466 [0] : vector<64x128xf32> to vector<128xf32>
    %broadcast_in_dim3A_468 = vector.shape_cast %reduce_sum3A_467 : vector<128xf32> to vector<1x128xf32>
    %slice3A_469 = vector.extract_strided_slice %get3A_1 {offsets = [0, 9984], sizes = [64, 128], strides = [1, 1]} : vector<64x16384xf32> to vector<64x128xf32>
    %mul3A_470 = vector.broadcast %get3A_4 : vector<64x1xf32> to vector<64x128xf32>
    %mul3A_471 = arith.mulf %slice3A_469, %mul3A_470 : vector<64x128xf32>
    %reduce_sum3A_472 = arith.constant dense<0.000000e+00> : vector<128xf32>
    %reduce_sum3A_473 = vector.multi_reduction <add>, %mul3A_471, %reduce_sum3A_472 [0] : vector<64x128xf32> to vector<128xf32>
    %broadcast_in_dim3A_474 = vector.shape_cast %reduce_sum3A_473 : vector<128xf32> to vector<1x128xf32>
    %slice3A_475 = vector.extract_strided_slice %get3A_1 {offsets = [0, 10112], sizes = [64, 128], strides = [1, 1]} : vector<64x16384xf32> to vector<64x128xf32>
    %mul3A_476 = vector.broadcast %get3A_4 : vector<64x1xf32> to vector<64x128xf32>
    %mul3A_477 = arith.mulf %slice3A_475, %mul3A_476 : vector<64x128xf32>
    %reduce_sum3A_478 = arith.constant dense<0.000000e+00> : vector<128xf32>
    %reduce_sum3A_479 = vector.multi_reduction <add>, %mul3A_477, %reduce_sum3A_478 [0] : vector<64x128xf32> to vector<128xf32>
    %broadcast_in_dim3A_480 = vector.shape_cast %reduce_sum3A_479 : vector<128xf32> to vector<1x128xf32>
    %slice3A_481 = vector.extract_strided_slice %get3A_1 {offsets = [0, 10240], sizes = [64, 128], strides = [1, 1]} : vector<64x16384xf32> to vector<64x128xf32>
    %mul3A_482 = vector.broadcast %get3A_4 : vector<64x1xf32> to vector<64x128xf32>
    %mul3A_483 = arith.mulf %slice3A_481, %mul3A_482 : vector<64x128xf32>
    %reduce_sum3A_484 = arith.constant dense<0.000000e+00> : vector<128xf32>
    %reduce_sum3A_485 = vector.multi_reduction <add>, %mul3A_483, %reduce_sum3A_484 [0] : vector<64x128xf32> to vector<128xf32>
    %broadcast_in_dim3A_486 = vector.shape_cast %reduce_sum3A_485 : vector<128xf32> to vector<1x128xf32>
    %slice3A_487 = vector.extract_strided_slice %get3A_1 {offsets = [0, 10368], sizes = [64, 128], strides = [1, 1]} : vector<64x16384xf32> to vector<64x128xf32>
    %mul3A_488 = vector.broadcast %get3A_4 : vector<64x1xf32> to vector<64x128xf32>
    %mul3A_489 = arith.mulf %slice3A_487, %mul3A_488 : vector<64x128xf32>
    %reduce_sum3A_490 = arith.constant dense<0.000000e+00> : vector<128xf32>
    %reduce_sum3A_491 = vector.multi_reduction <add>, %mul3A_489, %reduce_sum3A_490 [0] : vector<64x128xf32> to vector<128xf32>
    %broadcast_in_dim3A_492 = vector.shape_cast %reduce_sum3A_491 : vector<128xf32> to vector<1x128xf32>
    %slice3A_493 = vector.extract_strided_slice %get3A_1 {offsets = [0, 10496], sizes = [64, 128], strides = [1, 1]} : vector<64x16384xf32> to vector<64x128xf32>
    %mul3A_494 = vector.broadcast %get3A_4 : vector<64x1xf32> to vector<64x128xf32>
    %mul3A_495 = arith.mulf %slice3A_493, %mul3A_494 : vector<64x128xf32>
    %reduce_sum3A_496 = arith.constant dense<0.000000e+00> : vector<128xf32>
    %reduce_sum3A_497 = vector.multi_reduction <add>, %mul3A_495, %reduce_sum3A_496 [0] : vector<64x128xf32> to vector<128xf32>
    %broadcast_in_dim3A_498 = vector.shape_cast %reduce_sum3A_497 : vector<128xf32> to vector<1x128xf32>
    %slice3A_499 = vector.extract_strided_slice %get3A_1 {offsets = [0, 10624], sizes = [64, 128], strides = [1, 1]} : vector<64x16384xf32> to vector<64x128xf32>
    %mul3A_500 = vector.broadcast %get3A_4 : vector<64x1xf32> to vector<64x128xf32>
    %mul3A_501 = arith.mulf %slice3A_499, %mul3A_500 : vector<64x128xf32>
    %reduce_sum3A_502 = arith.constant dense<0.000000e+00> : vector<128xf32>
    %reduce_sum3A_503 = vector.multi_reduction <add>, %mul3A_501, %reduce_sum3A_502 [0] : vector<64x128xf32> to vector<128xf32>
    %broadcast_in_dim3A_504 = vector.shape_cast %reduce_sum3A_503 : vector<128xf32> to vector<1x128xf32>
    %slice3A_505 = vector.extract_strided_slice %get3A_1 {offsets = [0, 10752], sizes = [64, 128], strides = [1, 1]} : vector<64x16384xf32> to vector<64x128xf32>
    %mul3A_506 = vector.broadcast %get3A_4 : vector<64x1xf32> to vector<64x128xf32>
    %mul3A_507 = arith.mulf %slice3A_505, %mul3A_506 : vector<64x128xf32>
    %reduce_sum3A_508 = arith.constant dense<0.000000e+00> : vector<128xf32>
    %reduce_sum3A_509 = vector.multi_reduction <add>, %mul3A_507, %reduce_sum3A_508 [0] : vector<64x128xf32> to vector<128xf32>
    %broadcast_in_dim3A_510 = vector.shape_cast %reduce_sum3A_509 : vector<128xf32> to vector<1x128xf32>
    %slice3A_511 = vector.extract_strided_slice %get3A_1 {offsets = [0, 10880], sizes = [64, 128], strides = [1, 1]} : vector<64x16384xf32> to vector<64x128xf32>
    %mul3A_512 = vector.broadcast %get3A_4 : vector<64x1xf32> to vector<64x128xf32>
    %mul3A_513 = arith.mulf %slice3A_511, %mul3A_512 : vector<64x128xf32>
    %reduce_sum3A_514 = arith.constant dense<0.000000e+00> : vector<128xf32>
    %reduce_sum3A_515 = vector.multi_reduction <add>, %mul3A_513, %reduce_sum3A_514 [0] : vector<64x128xf32> to vector<128xf32>
    %broadcast_in_dim3A_516 = vector.shape_cast %reduce_sum3A_515 : vector<128xf32> to vector<1x128xf32>
    %slice3A_517 = vector.extract_strided_slice %get3A_1 {offsets = [0, 11008], sizes = [64, 128], strides = [1, 1]} : vector<64x16384xf32> to vector<64x128xf32>
    %mul3A_518 = vector.broadcast %get3A_4 : vector<64x1xf32> to vector<64x128xf32>
    %mul3A_519 = arith.mulf %slice3A_517, %mul3A_518 : vector<64x128xf32>
    %reduce_sum3A_520 = arith.constant dense<0.000000e+00> : vector<128xf32>
    %reduce_sum3A_521 = vector.multi_reduction <add>, %mul3A_519, %reduce_sum3A_520 [0] : vector<64x128xf32> to vector<128xf32>
    %broadcast_in_dim3A_522 = vector.shape_cast %reduce_sum3A_521 : vector<128xf32> to vector<1x128xf32>
    %slice3A_523 = vector.extract_strided_slice %get3A_1 {offsets = [0, 11136], sizes = [64, 128], strides = [1, 1]} : vector<64x16384xf32> to vector<64x128xf32>
    %mul3A_524 = vector.broadcast %get3A_4 : vector<64x1xf32> to vector<64x128xf32>
    %mul3A_525 = arith.mulf %slice3A_523, %mul3A_524 : vector<64x128xf32>
    %reduce_sum3A_526 = arith.constant dense<0.000000e+00> : vector<128xf32>
    %reduce_sum3A_527 = vector.multi_reduction <add>, %mul3A_525, %reduce_sum3A_526 [0] : vector<64x128xf32> to vector<128xf32>
    %broadcast_in_dim3A_528 = vector.shape_cast %reduce_sum3A_527 : vector<128xf32> to vector<1x128xf32>
    %slice3A_529 = vector.extract_strided_slice %get3A_1 {offsets = [0, 11264], sizes = [64, 128], strides = [1, 1]} : vector<64x16384xf32> to vector<64x128xf32>
    %mul3A_530 = vector.broadcast %get3A_4 : vector<64x1xf32> to vector<64x128xf32>
    %mul3A_531 = arith.mulf %slice3A_529, %mul3A_530 : vector<64x128xf32>
    %reduce_sum3A_532 = arith.constant dense<0.000000e+00> : vector<128xf32>
    %reduce_sum3A_533 = vector.multi_reduction <add>, %mul3A_531, %reduce_sum3A_532 [0] : vector<64x128xf32> to vector<128xf32>
    %broadcast_in_dim3A_534 = vector.shape_cast %reduce_sum3A_533 : vector<128xf32> to vector<1x128xf32>
    %slice3A_535 = vector.extract_strided_slice %get3A_1 {offsets = [0, 11392], sizes = [64, 128], strides = [1, 1]} : vector<64x16384xf32> to vector<64x128xf32>
    %mul3A_536 = vector.broadcast %get3A_4 : vector<64x1xf32> to vector<64x128xf32>
    %mul3A_537 = arith.mulf %slice3A_535, %mul3A_536 : vector<64x128xf32>
    %reduce_sum3A_538 = arith.constant dense<0.000000e+00> : vector<128xf32>
    %reduce_sum3A_539 = vector.multi_reduction <add>, %mul3A_537, %reduce_sum3A_538 [0] : vector<64x128xf32> to vector<128xf32>
    %broadcast_in_dim3A_540 = vector.shape_cast %reduce_sum3A_539 : vector<128xf32> to vector<1x128xf32>
    %slice3A_541 = vector.extract_strided_slice %get3A_1 {offsets = [0, 11520], sizes = [64, 128], strides = [1, 1]} : vector<64x16384xf32> to vector<64x128xf32>
    %mul3A_542 = vector.broadcast %get3A_4 : vector<64x1xf32> to vector<64x128xf32>
    %mul3A_543 = arith.mulf %slice3A_541, %mul3A_542 : vector<64x128xf32>
    %reduce_sum3A_544 = arith.constant dense<0.000000e+00> : vector<128xf32>
    %reduce_sum3A_545 = vector.multi_reduction <add>, %mul3A_543, %reduce_sum3A_544 [0] : vector<64x128xf32> to vector<128xf32>
    %broadcast_in_dim3A_546 = vector.shape_cast %reduce_sum3A_545 : vector<128xf32> to vector<1x128xf32>
    %slice3A_547 = vector.extract_strided_slice %get3A_1 {offsets = [0, 11648], sizes = [64, 128], strides = [1, 1]} : vector<64x16384xf32> to vector<64x128xf32>
    %mul3A_548 = vector.broadcast %get3A_4 : vector<64x1xf32> to vector<64x128xf32>
    %mul3A_549 = arith.mulf %slice3A_547, %mul3A_548 : vector<64x128xf32>
    %reduce_sum3A_550 = arith.constant dense<0.000000e+00> : vector<128xf32>
    %reduce_sum3A_551 = vector.multi_reduction <add>, %mul3A_549, %reduce_sum3A_550 [0] : vector<64x128xf32> to vector<128xf32>
    %broadcast_in_dim3A_552 = vector.shape_cast %reduce_sum3A_551 : vector<128xf32> to vector<1x128xf32>
    %slice3A_553 = vector.extract_strided_slice %get3A_1 {offsets = [0, 11776], sizes = [64, 128], strides = [1, 1]} : vector<64x16384xf32> to vector<64x128xf32>
    %mul3A_554 = vector.broadcast %get3A_4 : vector<64x1xf32> to vector<64x128xf32>
    %mul3A_555 = arith.mulf %slice3A_553, %mul3A_554 : vector<64x128xf32>
    %reduce_sum3A_556 = arith.constant dense<0.000000e+00> : vector<128xf32>
    %reduce_sum3A_557 = vector.multi_reduction <add>, %mul3A_555, %reduce_sum3A_556 [0] : vector<64x128xf32> to vector<128xf32>
    %broadcast_in_dim3A_558 = vector.shape_cast %reduce_sum3A_557 : vector<128xf32> to vector<1x128xf32>
    %slice3A_559 = vector.extract_strided_slice %get3A_1 {offsets = [0, 11904], sizes = [64, 128], strides = [1, 1]} : vector<64x16384xf32> to vector<64x128xf32>
    %mul3A_560 = vector.broadcast %get3A_4 : vector<64x1xf32> to vector<64x128xf32>
    %mul3A_561 = arith.mulf %slice3A_559, %mul3A_560 : vector<64x128xf32>
    %reduce_sum3A_562 = arith.constant dense<0.000000e+00> : vector<128xf32>
    %reduce_sum3A_563 = vector.multi_reduction <add>, %mul3A_561, %reduce_sum3A_562 [0] : vector<64x128xf32> to vector<128xf32>
    %broadcast_in_dim3A_564 = vector.shape_cast %reduce_sum3A_563 : vector<128xf32> to vector<1x128xf32>
    %slice3A_565 = vector.extract_strided_slice %get3A_1 {offsets = [0, 12032], sizes = [64, 128], strides = [1, 1]} : vector<64x16384xf32> to vector<64x128xf32>
    %mul3A_566 = vector.broadcast %get3A_4 : vector<64x1xf32> to vector<64x128xf32>
    %mul3A_567 = arith.mulf %slice3A_565, %mul3A_566 : vector<64x128xf32>
    %reduce_sum3A_568 = arith.constant dense<0.000000e+00> : vector<128xf32>
    %reduce_sum3A_569 = vector.multi_reduction <add>, %mul3A_567, %reduce_sum3A_568 [0] : vector<64x128xf32> to vector<128xf32>
    %broadcast_in_dim3A_570 = vector.shape_cast %reduce_sum3A_569 : vector<128xf32> to vector<1x128xf32>
    %slice3A_571 = vector.extract_strided_slice %get3A_1 {offsets = [0, 12160], sizes = [64, 128], strides = [1, 1]} : vector<64x16384xf32> to vector<64x128xf32>
    %mul3A_572 = vector.broadcast %get3A_4 : vector<64x1xf32> to vector<64x128xf32>
    %mul3A_573 = arith.mulf %slice3A_571, %mul3A_572 : vector<64x128xf32>
    %reduce_sum3A_574 = arith.constant dense<0.000000e+00> : vector<128xf32>
    %reduce_sum3A_575 = vector.multi_reduction <add>, %mul3A_573, %reduce_sum3A_574 [0] : vector<64x128xf32> to vector<128xf32>
    %broadcast_in_dim3A_576 = vector.shape_cast %reduce_sum3A_575 : vector<128xf32> to vector<1x128xf32>
    %slice3A_577 = vector.extract_strided_slice %get3A_1 {offsets = [0, 12288], sizes = [64, 128], strides = [1, 1]} : vector<64x16384xf32> to vector<64x128xf32>
    %mul3A_578 = vector.broadcast %get3A_4 : vector<64x1xf32> to vector<64x128xf32>
    %mul3A_579 = arith.mulf %slice3A_577, %mul3A_578 : vector<64x128xf32>
    %reduce_sum3A_580 = arith.constant dense<0.000000e+00> : vector<128xf32>
    %reduce_sum3A_581 = vector.multi_reduction <add>, %mul3A_579, %reduce_sum3A_580 [0] : vector<64x128xf32> to vector<128xf32>
    %broadcast_in_dim3A_582 = vector.shape_cast %reduce_sum3A_581 : vector<128xf32> to vector<1x128xf32>
    %slice3A_583 = vector.extract_strided_slice %get3A_1 {offsets = [0, 12416], sizes = [64, 128], strides = [1, 1]} : vector<64x16384xf32> to vector<64x128xf32>
    %mul3A_584 = vector.broadcast %get3A_4 : vector<64x1xf32> to vector<64x128xf32>
    %mul3A_585 = arith.mulf %slice3A_583, %mul3A_584 : vector<64x128xf32>
    %reduce_sum3A_586 = arith.constant dense<0.000000e+00> : vector<128xf32>
    %reduce_sum3A_587 = vector.multi_reduction <add>, %mul3A_585, %reduce_sum3A_586 [0] : vector<64x128xf32> to vector<128xf32>
    %broadcast_in_dim3A_588 = vector.shape_cast %reduce_sum3A_587 : vector<128xf32> to vector<1x128xf32>
    %slice3A_589 = vector.extract_strided_slice %get3A_1 {offsets = [0, 12544], sizes = [64, 128], strides = [1, 1]} : vector<64x16384xf32> to vector<64x128xf32>
    %mul3A_590 = vector.broadcast %get3A_4 : vector<64x1xf32> to vector<64x128xf32>
    %mul3A_591 = arith.mulf %slice3A_589, %mul3A_590 : vector<64x128xf32>
    %reduce_sum3A_592 = arith.constant dense<0.000000e+00> : vector<128xf32>
    %reduce_sum3A_593 = vector.multi_reduction <add>, %mul3A_591, %reduce_sum3A_592 [0] : vector<64x128xf32> to vector<128xf32>
    %broadcast_in_dim3A_594 = vector.shape_cast %reduce_sum3A_593 : vector<128xf32> to vector<1x128xf32>
    %slice3A_595 = vector.extract_strided_slice %get3A_1 {offsets = [0, 12672], sizes = [64, 128], strides = [1, 1]} : vector<64x16384xf32> to vector<64x128xf32>
    %mul3A_596 = vector.broadcast %get3A_4 : vector<64x1xf32> to vector<64x128xf32>
    %mul3A_597 = arith.mulf %slice3A_595, %mul3A_596 : vector<64x128xf32>
    %reduce_sum3A_598 = arith.constant dense<0.000000e+00> : vector<128xf32>
    %reduce_sum3A_599 = vector.multi_reduction <add>, %mul3A_597, %reduce_sum3A_598 [0] : vector<64x128xf32> to vector<128xf32>
    %broadcast_in_dim3A_600 = vector.shape_cast %reduce_sum3A_599 : vector<128xf32> to vector<1x128xf32>
    %slice3A_601 = vector.extract_strided_slice %get3A_1 {offsets = [0, 12800], sizes = [64, 128], strides = [1, 1]} : vector<64x16384xf32> to vector<64x128xf32>
    %mul3A_602 = vector.broadcast %get3A_4 : vector<64x1xf32> to vector<64x128xf32>
    %mul3A_603 = arith.mulf %slice3A_601, %mul3A_602 : vector<64x128xf32>
    %reduce_sum3A_604 = arith.constant dense<0.000000e+00> : vector<128xf32>
    %reduce_sum3A_605 = vector.multi_reduction <add>, %mul3A_603, %reduce_sum3A_604 [0] : vector<64x128xf32> to vector<128xf32>
    %broadcast_in_dim3A_606 = vector.shape_cast %reduce_sum3A_605 : vector<128xf32> to vector<1x128xf32>
    %slice3A_607 = vector.extract_strided_slice %get3A_1 {offsets = [0, 12928], sizes = [64, 128], strides = [1, 1]} : vector<64x16384xf32> to vector<64x128xf32>
    %mul3A_608 = vector.broadcast %get3A_4 : vector<64x1xf32> to vector<64x128xf32>
    %mul3A_609 = arith.mulf %slice3A_607, %mul3A_608 : vector<64x128xf32>
    %reduce_sum3A_610 = arith.constant dense<0.000000e+00> : vector<128xf32>
    %reduce_sum3A_611 = vector.multi_reduction <add>, %mul3A_609, %reduce_sum3A_610 [0] : vector<64x128xf32> to vector<128xf32>
    %broadcast_in_dim3A_612 = vector.shape_cast %reduce_sum3A_611 : vector<128xf32> to vector<1x128xf32>
    %slice3A_613 = vector.extract_strided_slice %get3A_1 {offsets = [0, 13056], sizes = [64, 128], strides = [1, 1]} : vector<64x16384xf32> to vector<64x128xf32>
    %mul3A_614 = vector.broadcast %get3A_4 : vector<64x1xf32> to vector<64x128xf32>
    %mul3A_615 = arith.mulf %slice3A_613, %mul3A_614 : vector<64x128xf32>
    %reduce_sum3A_616 = arith.constant dense<0.000000e+00> : vector<128xf32>
    %reduce_sum3A_617 = vector.multi_reduction <add>, %mul3A_615, %reduce_sum3A_616 [0] : vector<64x128xf32> to vector<128xf32>
    %broadcast_in_dim3A_618 = vector.shape_cast %reduce_sum3A_617 : vector<128xf32> to vector<1x128xf32>
    %slice3A_619 = vector.extract_strided_slice %get3A_1 {offsets = [0, 13184], sizes = [64, 128], strides = [1, 1]} : vector<64x16384xf32> to vector<64x128xf32>
    %mul3A_620 = vector.broadcast %get3A_4 : vector<64x1xf32> to vector<64x128xf32>
    %mul3A_621 = arith.mulf %slice3A_619, %mul3A_620 : vector<64x128xf32>
    %reduce_sum3A_622 = arith.constant dense<0.000000e+00> : vector<128xf32>
    %reduce_sum3A_623 = vector.multi_reduction <add>, %mul3A_621, %reduce_sum3A_622 [0] : vector<64x128xf32> to vector<128xf32>
    %broadcast_in_dim3A_624 = vector.shape_cast %reduce_sum3A_623 : vector<128xf32> to vector<1x128xf32>
    %slice3A_625 = vector.extract_strided_slice %get3A_1 {offsets = [0, 13312], sizes = [64, 128], strides = [1, 1]} : vector<64x16384xf32> to vector<64x128xf32>
    %mul3A_626 = vector.broadcast %get3A_4 : vector<64x1xf32> to vector<64x128xf32>
    %mul3A_627 = arith.mulf %slice3A_625, %mul3A_626 : vector<64x128xf32>
    %reduce_sum3A_628 = arith.constant dense<0.000000e+00> : vector<128xf32>
    %reduce_sum3A_629 = vector.multi_reduction <add>, %mul3A_627, %reduce_sum3A_628 [0] : vector<64x128xf32> to vector<128xf32>
    %broadcast_in_dim3A_630 = vector.shape_cast %reduce_sum3A_629 : vector<128xf32> to vector<1x128xf32>
    %slice3A_631 = vector.extract_strided_slice %get3A_1 {offsets = [0, 13440], sizes = [64, 128], strides = [1, 1]} : vector<64x16384xf32> to vector<64x128xf32>
    %mul3A_632 = vector.broadcast %get3A_4 : vector<64x1xf32> to vector<64x128xf32>
    %mul3A_633 = arith.mulf %slice3A_631, %mul3A_632 : vector<64x128xf32>
    %reduce_sum3A_634 = arith.constant dense<0.000000e+00> : vector<128xf32>
    %reduce_sum3A_635 = vector.multi_reduction <add>, %mul3A_633, %reduce_sum3A_634 [0] : vector<64x128xf32> to vector<128xf32>
    %broadcast_in_dim3A_636 = vector.shape_cast %reduce_sum3A_635 : vector<128xf32> to vector<1x128xf32>
    %slice3A_637 = vector.extract_strided_slice %get3A_1 {offsets = [0, 13568], sizes = [64, 128], strides = [1, 1]} : vector<64x16384xf32> to vector<64x128xf32>
    %mul3A_638 = vector.broadcast %get3A_4 : vector<64x1xf32> to vector<64x128xf32>
    %mul3A_639 = arith.mulf %slice3A_637, %mul3A_638 : vector<64x128xf32>
    %reduce_sum3A_640 = arith.constant dense<0.000000e+00> : vector<128xf32>
    %reduce_sum3A_641 = vector.multi_reduction <add>, %mul3A_639, %reduce_sum3A_640 [0] : vector<64x128xf32> to vector<128xf32>
    %broadcast_in_dim3A_642 = vector.shape_cast %reduce_sum3A_641 : vector<128xf32> to vector<1x128xf32>
    %slice3A_643 = vector.extract_strided_slice %get3A_1 {offsets = [0, 13696], sizes = [64, 128], strides = [1, 1]} : vector<64x16384xf32> to vector<64x128xf32>
    %mul3A_644 = vector.broadcast %get3A_4 : vector<64x1xf32> to vector<64x128xf32>
    %mul3A_645 = arith.mulf %slice3A_643, %mul3A_644 : vector<64x128xf32>
    %reduce_sum3A_646 = arith.constant dense<0.000000e+00> : vector<128xf32>
    %reduce_sum3A_647 = vector.multi_reduction <add>, %mul3A_645, %reduce_sum3A_646 [0] : vector<64x128xf32> to vector<128xf32>
    %broadcast_in_dim3A_648 = vector.shape_cast %reduce_sum3A_647 : vector<128xf32> to vector<1x128xf32>
    %slice3A_649 = vector.extract_strided_slice %get3A_1 {offsets = [0, 13824], sizes = [64, 128], strides = [1, 1]} : vector<64x16384xf32> to vector<64x128xf32>
    %mul3A_650 = vector.broadcast %get3A_4 : vector<64x1xf32> to vector<64x128xf32>
    %mul3A_651 = arith.mulf %slice3A_649, %mul3A_650 : vector<64x128xf32>
    %reduce_sum3A_652 = arith.constant dense<0.000000e+00> : vector<128xf32>
    %reduce_sum3A_653 = vector.multi_reduction <add>, %mul3A_651, %reduce_sum3A_652 [0] : vector<64x128xf32> to vector<128xf32>
    %broadcast_in_dim3A_654 = vector.shape_cast %reduce_sum3A_653 : vector<128xf32> to vector<1x128xf32>
    %slice3A_655 = vector.extract_strided_slice %get3A_1 {offsets = [0, 13952], sizes = [64, 128], strides = [1, 1]} : vector<64x16384xf32> to vector<64x128xf32>
    %mul3A_656 = vector.broadcast %get3A_4 : vector<64x1xf32> to vector<64x128xf32>
    %mul3A_657 = arith.mulf %slice3A_655, %mul3A_656 : vector<64x128xf32>
    %reduce_sum3A_658 = arith.constant dense<0.000000e+00> : vector<128xf32>
    %reduce_sum3A_659 = vector.multi_reduction <add>, %mul3A_657, %reduce_sum3A_658 [0] : vector<64x128xf32> to vector<128xf32>
    %broadcast_in_dim3A_660 = vector.shape_cast %reduce_sum3A_659 : vector<128xf32> to vector<1x128xf32>
    %slice3A_661 = vector.extract_strided_slice %get3A_1 {offsets = [0, 14080], sizes = [64, 128], strides = [1, 1]} : vector<64x16384xf32> to vector<64x128xf32>
    %mul3A_662 = vector.broadcast %get3A_4 : vector<64x1xf32> to vector<64x128xf32>
    %mul3A_663 = arith.mulf %slice3A_661, %mul3A_662 : vector<64x128xf32>
    %reduce_sum3A_664 = arith.constant dense<0.000000e+00> : vector<128xf32>
    %reduce_sum3A_665 = vector.multi_reduction <add>, %mul3A_663, %reduce_sum3A_664 [0] : vector<64x128xf32> to vector<128xf32>
    %broadcast_in_dim3A_666 = vector.shape_cast %reduce_sum3A_665 : vector<128xf32> to vector<1x128xf32>
    %slice3A_667 = vector.extract_strided_slice %get3A_1 {offsets = [0, 14208], sizes = [64, 128], strides = [1, 1]} : vector<64x16384xf32> to vector<64x128xf32>
    %mul3A_668 = vector.broadcast %get3A_4 : vector<64x1xf32> to vector<64x128xf32>
    %mul3A_669 = arith.mulf %slice3A_667, %mul3A_668 : vector<64x128xf32>
    %reduce_sum3A_670 = arith.constant dense<0.000000e+00> : vector<128xf32>
    %reduce_sum3A_671 = vector.multi_reduction <add>, %mul3A_669, %reduce_sum3A_670 [0] : vector<64x128xf32> to vector<128xf32>
    %broadcast_in_dim3A_672 = vector.shape_cast %reduce_sum3A_671 : vector<128xf32> to vector<1x128xf32>
    %slice3A_673 = vector.extract_strided_slice %get3A_1 {offsets = [0, 14336], sizes = [64, 128], strides = [1, 1]} : vector<64x16384xf32> to vector<64x128xf32>
    %mul3A_674 = vector.broadcast %get3A_4 : vector<64x1xf32> to vector<64x128xf32>
    %mul3A_675 = arith.mulf %slice3A_673, %mul3A_674 : vector<64x128xf32>
    %reduce_sum3A_676 = arith.constant dense<0.000000e+00> : vector<128xf32>
    %reduce_sum3A_677 = vector.multi_reduction <add>, %mul3A_675, %reduce_sum3A_676 [0] : vector<64x128xf32> to vector<128xf32>
    %broadcast_in_dim3A_678 = vector.shape_cast %reduce_sum3A_677 : vector<128xf32> to vector<1x128xf32>
    %slice3A_679 = vector.extract_strided_slice %get3A_1 {offsets = [0, 14464], sizes = [64, 128], strides = [1, 1]} : vector<64x16384xf32> to vector<64x128xf32>
    %mul3A_680 = vector.broadcast %get3A_4 : vector<64x1xf32> to vector<64x128xf32>
    %mul3A_681 = arith.mulf %slice3A_679, %mul3A_680 : vector<64x128xf32>
    %reduce_sum3A_682 = arith.constant dense<0.000000e+00> : vector<128xf32>
    %reduce_sum3A_683 = vector.multi_reduction <add>, %mul3A_681, %reduce_sum3A_682 [0] : vector<64x128xf32> to vector<128xf32>
    %broadcast_in_dim3A_684 = vector.shape_cast %reduce_sum3A_683 : vector<128xf32> to vector<1x128xf32>
    %slice3A_685 = vector.extract_strided_slice %get3A_1 {offsets = [0, 14592], sizes = [64, 128], strides = [1, 1]} : vector<64x16384xf32> to vector<64x128xf32>
    %mul3A_686 = vector.broadcast %get3A_4 : vector<64x1xf32> to vector<64x128xf32>
    %mul3A_687 = arith.mulf %slice3A_685, %mul3A_686 : vector<64x128xf32>
    %reduce_sum3A_688 = arith.constant dense<0.000000e+00> : vector<128xf32>
    %reduce_sum3A_689 = vector.multi_reduction <add>, %mul3A_687, %reduce_sum3A_688 [0] : vector<64x128xf32> to vector<128xf32>
    %broadcast_in_dim3A_690 = vector.shape_cast %reduce_sum3A_689 : vector<128xf32> to vector<1x128xf32>
    %slice3A_691 = vector.extract_strided_slice %get3A_1 {offsets = [0, 14720], sizes = [64, 128], strides = [1, 1]} : vector<64x16384xf32> to vector<64x128xf32>
    %mul3A_692 = vector.broadcast %get3A_4 : vector<64x1xf32> to vector<64x128xf32>
    %mul3A_693 = arith.mulf %slice3A_691, %mul3A_692 : vector<64x128xf32>
    %reduce_sum3A_694 = arith.constant dense<0.000000e+00> : vector<128xf32>
    %reduce_sum3A_695 = vector.multi_reduction <add>, %mul3A_693, %reduce_sum3A_694 [0] : vector<64x128xf32> to vector<128xf32>
    %broadcast_in_dim3A_696 = vector.shape_cast %reduce_sum3A_695 : vector<128xf32> to vector<1x128xf32>
    %slice3A_697 = vector.extract_strided_slice %get3A_1 {offsets = [0, 14848], sizes = [64, 128], strides = [1, 1]} : vector<64x16384xf32> to vector<64x128xf32>
    %mul3A_698 = vector.broadcast %get3A_4 : vector<64x1xf32> to vector<64x128xf32>
    %mul3A_699 = arith.mulf %slice3A_697, %mul3A_698 : vector<64x128xf32>
    %reduce_sum3A_700 = arith.constant dense<0.000000e+00> : vector<128xf32>
    %reduce_sum3A_701 = vector.multi_reduction <add>, %mul3A_699, %reduce_sum3A_700 [0] : vector<64x128xf32> to vector<128xf32>
    %broadcast_in_dim3A_702 = vector.shape_cast %reduce_sum3A_701 : vector<128xf32> to vector<1x128xf32>
    %slice3A_703 = vector.extract_strided_slice %get3A_1 {offsets = [0, 14976], sizes = [64, 128], strides = [1, 1]} : vector<64x16384xf32> to vector<64x128xf32>
    %mul3A_704 = vector.broadcast %get3A_4 : vector<64x1xf32> to vector<64x128xf32>
    %mul3A_705 = arith.mulf %slice3A_703, %mul3A_704 : vector<64x128xf32>
    %reduce_sum3A_706 = arith.constant dense<0.000000e+00> : vector<128xf32>
    %reduce_sum3A_707 = vector.multi_reduction <add>, %mul3A_705, %reduce_sum3A_706 [0] : vector<64x128xf32> to vector<128xf32>
    %broadcast_in_dim3A_708 = vector.shape_cast %reduce_sum3A_707 : vector<128xf32> to vector<1x128xf32>
    %slice3A_709 = vector.extract_strided_slice %get3A_1 {offsets = [0, 15104], sizes = [64, 128], strides = [1, 1]} : vector<64x16384xf32> to vector<64x128xf32>
    %mul3A_710 = vector.broadcast %get3A_4 : vector<64x1xf32> to vector<64x128xf32>
    %mul3A_711 = arith.mulf %slice3A_709, %mul3A_710 : vector<64x128xf32>
    %reduce_sum3A_712 = arith.constant dense<0.000000e+00> : vector<128xf32>
    %reduce_sum3A_713 = vector.multi_reduction <add>, %mul3A_711, %reduce_sum3A_712 [0] : vector<64x128xf32> to vector<128xf32>
    %broadcast_in_dim3A_714 = vector.shape_cast %reduce_sum3A_713 : vector<128xf32> to vector<1x128xf32>
    %slice3A_715 = vector.extract_strided_slice %get3A_1 {offsets = [0, 15232], sizes = [64, 128], strides = [1, 1]} : vector<64x16384xf32> to vector<64x128xf32>
    %mul3A_716 = vector.broadcast %get3A_4 : vector<64x1xf32> to vector<64x128xf32>
    %mul3A_717 = arith.mulf %slice3A_715, %mul3A_716 : vector<64x128xf32>
    %reduce_sum3A_718 = arith.constant dense<0.000000e+00> : vector<128xf32>
    %reduce_sum3A_719 = vector.multi_reduction <add>, %mul3A_717, %reduce_sum3A_718 [0] : vector<64x128xf32> to vector<128xf32>
    %broadcast_in_dim3A_720 = vector.shape_cast %reduce_sum3A_719 : vector<128xf32> to vector<1x128xf32>
    %slice3A_721 = vector.extract_strided_slice %get3A_1 {offsets = [0, 15360], sizes = [64, 128], strides = [1, 1]} : vector<64x16384xf32> to vector<64x128xf32>
    %mul3A_722 = vector.broadcast %get3A_4 : vector<64x1xf32> to vector<64x128xf32>
    %mul3A_723 = arith.mulf %slice3A_721, %mul3A_722 : vector<64x128xf32>
    %reduce_sum3A_724 = arith.constant dense<0.000000e+00> : vector<128xf32>
    %reduce_sum3A_725 = vector.multi_reduction <add>, %mul3A_723, %reduce_sum3A_724 [0] : vector<64x128xf32> to vector<128xf32>
    %broadcast_in_dim3A_726 = vector.shape_cast %reduce_sum3A_725 : vector<128xf32> to vector<1x128xf32>
    %slice3A_727 = vector.extract_strided_slice %get3A_1 {offsets = [0, 15488], sizes = [64, 128], strides = [1, 1]} : vector<64x16384xf32> to vector<64x128xf32>
    %mul3A_728 = vector.broadcast %get3A_4 : vector<64x1xf32> to vector<64x128xf32>
    %mul3A_729 = arith.mulf %slice3A_727, %mul3A_728 : vector<64x128xf32>
    %reduce_sum3A_730 = arith.constant dense<0.000000e+00> : vector<128xf32>
    %reduce_sum3A_731 = vector.multi_reduction <add>, %mul3A_729, %reduce_sum3A_730 [0] : vector<64x128xf32> to vector<128xf32>
    %broadcast_in_dim3A_732 = vector.shape_cast %reduce_sum3A_731 : vector<128xf32> to vector<1x128xf32>
    %slice3A_733 = vector.extract_strided_slice %get3A_1 {offsets = [0, 15616], sizes = [64, 128], strides = [1, 1]} : vector<64x16384xf32> to vector<64x128xf32>
    %mul3A_734 = vector.broadcast %get3A_4 : vector<64x1xf32> to vector<64x128xf32>
    %mul3A_735 = arith.mulf %slice3A_733, %mul3A_734 : vector<64x128xf32>
    %reduce_sum3A_736 = arith.constant dense<0.000000e+00> : vector<128xf32>
    %reduce_sum3A_737 = vector.multi_reduction <add>, %mul3A_735, %reduce_sum3A_736 [0] : vector<64x128xf32> to vector<128xf32>
    %broadcast_in_dim3A_738 = vector.shape_cast %reduce_sum3A_737 : vector<128xf32> to vector<1x128xf32>
    %slice3A_739 = vector.extract_strided_slice %get3A_1 {offsets = [0, 15744], sizes = [64, 128], strides = [1, 1]} : vector<64x16384xf32> to vector<64x128xf32>
    %mul3A_740 = vector.broadcast %get3A_4 : vector<64x1xf32> to vector<64x128xf32>
    %mul3A_741 = arith.mulf %slice3A_739, %mul3A_740 : vector<64x128xf32>
    %reduce_sum3A_742 = arith.constant dense<0.000000e+00> : vector<128xf32>
    %reduce_sum3A_743 = vector.multi_reduction <add>, %mul3A_741, %reduce_sum3A_742 [0] : vector<64x128xf32> to vector<128xf32>
    %broadcast_in_dim3A_744 = vector.shape_cast %reduce_sum3A_743 : vector<128xf32> to vector<1x128xf32>
    %slice3A_745 = vector.extract_strided_slice %get3A_1 {offsets = [0, 15872], sizes = [64, 128], strides = [1, 1]} : vector<64x16384xf32> to vector<64x128xf32>
    %mul3A_746 = vector.broadcast %get3A_4 : vector<64x1xf32> to vector<64x128xf32>
    %mul3A_747 = arith.mulf %slice3A_745, %mul3A_746 : vector<64x128xf32>
    %reduce_sum3A_748 = arith.constant dense<0.000000e+00> : vector<128xf32>
    %reduce_sum3A_749 = vector.multi_reduction <add>, %mul3A_747, %reduce_sum3A_748 [0] : vector<64x128xf32> to vector<128xf32>
    %broadcast_in_dim3A_750 = vector.shape_cast %reduce_sum3A_749 : vector<128xf32> to vector<1x128xf32>
    %slice3A_751 = vector.extract_strided_slice %get3A_1 {offsets = [0, 16000], sizes = [64, 128], strides = [1, 1]} : vector<64x16384xf32> to vector<64x128xf32>
    %mul3A_752 = vector.broadcast %get3A_4 : vector<64x1xf32> to vector<64x128xf32>
    %mul3A_753 = arith.mulf %slice3A_751, %mul3A_752 : vector<64x128xf32>
    %reduce_sum3A_754 = arith.constant dense<0.000000e+00> : vector<128xf32>
    %reduce_sum3A_755 = vector.multi_reduction <add>, %mul3A_753, %reduce_sum3A_754 [0] : vector<64x128xf32> to vector<128xf32>
    %broadcast_in_dim3A_756 = vector.shape_cast %reduce_sum3A_755 : vector<128xf32> to vector<1x128xf32>
    %slice3A_757 = vector.extract_strided_slice %get3A_1 {offsets = [0, 16128], sizes = [64, 128], strides = [1, 1]} : vector<64x16384xf32> to vector<64x128xf32>
    %mul3A_758 = vector.broadcast %get3A_4 : vector<64x1xf32> to vector<64x128xf32>
    %mul3A_759 = arith.mulf %slice3A_757, %mul3A_758 : vector<64x128xf32>
    %reduce_sum3A_760 = arith.constant dense<0.000000e+00> : vector<128xf32>
    %reduce_sum3A_761 = vector.multi_reduction <add>, %mul3A_759, %reduce_sum3A_760 [0] : vector<64x128xf32> to vector<128xf32>
    %broadcast_in_dim3A_762 = vector.shape_cast %reduce_sum3A_761 : vector<128xf32> to vector<1x128xf32>
    %slice3A_763 = vector.extract_strided_slice %get3A_1 {offsets = [0, 16256], sizes = [64, 128], strides = [1, 1]} : vector<64x16384xf32> to vector<64x128xf32>
    %mul3A_764 = vector.broadcast %get3A_4 : vector<64x1xf32> to vector<64x128xf32>
    %mul3A_765 = arith.mulf %slice3A_763, %mul3A_764 : vector<64x128xf32>
    %reduce_sum3A_766 = arith.constant dense<0.000000e+00> : vector<128xf32>
    %reduce_sum3A_767 = vector.multi_reduction <add>, %mul3A_765, %reduce_sum3A_766 [0] : vector<64x128xf32> to vector<128xf32>
    %broadcast_in_dim3A_768 = vector.shape_cast %reduce_sum3A_767 : vector<128xf32> to vector<1x128xf32>
    %concatenate3A = tpu.concatenate %broadcast_in_dim3A, %broadcast_in_dim3A_12, %broadcast_in_dim3A_18, %broadcast_in_dim3A_24, %broadcast_in_dim3A_30, %broadcast_in_dim3A_36, %broadcast_in_dim3A_42, %broadcast_in_dim3A_48, %broadcast_in_dim3A_54, %broadcast_in_dim3A_60, %broadcast_in_dim3A_66, %broadcast_in_dim3A_72, %broadcast_in_dim3A_78, %broadcast_in_dim3A_84, %broadcast_in_dim3A_90, %broadcast_in_dim3A_96, %broadcast_in_dim3A_102, %broadcast_in_dim3A_108, %broadcast_in_dim3A_114, %broadcast_in_dim3A_120, %broadcast_in_dim3A_126, %broadcast_in_dim3A_132, %broadcast_in_dim3A_138, %broadcast_in_dim3A_144, %broadcast_in_dim3A_150, %broadcast_in_dim3A_156, %broadcast_in_dim3A_162, %broadcast_in_dim3A_168, %broadcast_in_dim3A_174, %broadcast_in_dim3A_180, %broadcast_in_dim3A_186, %broadcast_in_dim3A_192, %broadcast_in_dim3A_198, %broadcast_in_dim3A_204, %broadcast_in_dim3A_210, %broadcast_in_dim3A_216, %broadcast_in_dim3A_222, %broadcast_in_dim3A_228, %broadcast_in_dim3A_234, %broadcast_in_dim3A_240, %broadcast_in_dim3A_246, %broadcast_in_dim3A_252, %broadcast_in_dim3A_258, %broadcast_in_dim3A_264, %broadcast_in_dim3A_270, %broadcast_in_dim3A_276, %broadcast_in_dim3A_282, %broadcast_in_dim3A_288, %broadcast_in_dim3A_294, %broadcast_in_dim3A_300, %broadcast_in_dim3A_306, %broadcast_in_dim3A_312, %broadcast_in_dim3A_318, %broadcast_in_dim3A_324, %broadcast_in_dim3A_330, %broadcast_in_dim3A_336, %broadcast_in_dim3A_342, %broadcast_in_dim3A_348, %broadcast_in_dim3A_354, %broadcast_in_dim3A_360, %broadcast_in_dim3A_366, %broadcast_in_dim3A_372, %broadcast_in_dim3A_378, %broadcast_in_dim3A_384, %broadcast_in_dim3A_390, %broadcast_in_dim3A_396, %broadcast_in_dim3A_402, %broadcast_in_dim3A_408, %broadcast_in_dim3A_414, %broadcast_in_dim3A_420, %broadcast_in_dim3A_426, %broadcast_in_dim3A_432, %broadcast_in_dim3A_438, %broadcast_in_dim3A_444, %broadcast_in_dim3A_450, %broadcast_in_dim3A_456, %broadcast_in_dim3A_462, %broadcast_in_dim3A_468, %broadcast_in_dim3A_474, %broadcast_in_dim3A_480, %broadcast_in_dim3A_486, %broadcast_in_dim3A_492, %broadcast_in_dim3A_498, %broadcast_in_dim3A_504, %broadcast_in_dim3A_510, %broadcast_in_dim3A_516, %broadcast_in_dim3A_522, %broadcast_in_dim3A_528, %broadcast_in_dim3A_534, %broadcast_in_dim3A_540, %broadcast_in_dim3A_546, %broadcast_in_dim3A_552, %broadcast_in_dim3A_558, %broadcast_in_dim3A_564, %broadcast_in_dim3A_570, %broadcast_in_dim3A_576, %broadcast_in_dim3A_582, %broadcast_in_dim3A_588, %broadcast_in_dim3A_594, %broadcast_in_dim3A_600, %broadcast_in_dim3A_606, %broadcast_in_dim3A_612, %broadcast_in_dim3A_618, %broadcast_in_dim3A_624, %broadcast_in_dim3A_630, %broadcast_in_dim3A_636, %broadcast_in_dim3A_642, %broadcast_in_dim3A_648, %broadcast_in_dim3A_654, %broadcast_in_dim3A_660, %broadcast_in_dim3A_666, %broadcast_in_dim3A_672, %broadcast_in_dim3A_678, %broadcast_in_dim3A_684, %broadcast_in_dim3A_690, %broadcast_in_dim3A_696, %broadcast_in_dim3A_702, %broadcast_in_dim3A_708, %broadcast_in_dim3A_714, %broadcast_in_dim3A_720, %broadcast_in_dim3A_726, %broadcast_in_dim3A_732, %broadcast_in_dim3A_738, %broadcast_in_dim3A_744, %broadcast_in_dim3A_750, %broadcast_in_dim3A_756, %broadcast_in_dim3A_762, %broadcast_in_dim3A_768 in 0 : vector<1x128xf32>, vector<1x128xf32>, vector<1x128xf32>, vector<1x128xf32>, vector<1x128xf32>, vector<1x128xf32>, vector<1x128xf32>, vector<1x128xf32>, vector<1x128xf32>, vector<1x128xf32>, vector<1x128xf32>, vector<1x128xf32>, vector<1x128xf32>, vector<1x128xf32>, vector<1x128xf32>, vector<1x128xf32>, vector<1x128xf32>, vector<1x128xf32>, vector<1x128xf32>, vector<1x128xf32>, vector<1x128xf32>, vector<1x128xf32>, vector<1x128xf32>, vector<1x128xf32>, vector<1x128xf32>, vector<1x128xf32>, vector<1x128xf32>, vector<1x128xf32>, vector<1x128xf32>, vector<1x128xf32>, vector<1x128xf32>, vector<1x128xf32>, vector<1x128xf32>, vector<1x128xf32>, vector<1x128xf32>, vector<1x128xf32>, vector<1x128xf32>, vector<1x128xf32>, vector<1x128xf32>, vector<1x128xf32>, vector<1x128xf32>, vector<1x128xf32>, vector<1x128xf32>, vector<1x128xf32>, vector<1x128xf32>, vector<1x128xf32>, vector<1x128xf32>, vector<1x128xf32>, vector<1x128xf32>, vector<1x128xf32>, vector<1x128xf32>, vector<1x128xf32>, vector<1x128xf32>, vector<1x128xf32>, vector<1x128xf32>, vector<1x128xf32>, vector<1x128xf32>, vector<1x128xf32>, vector<1x128xf32>, vector<1x128xf32>, vector<1x128xf32>, vector<1x128xf32>, vector<1x128xf32>, vector<1x128xf32>, vector<1x128xf32>, vector<1x128xf32>, vector<1x128xf32>, vector<1x128xf32>, vector<1x128xf32>, vector<1x128xf32>, vector<1x128xf32>, vector<1x128xf32>, vector<1x128xf32>, vector<1x128xf32>, vector<1x128xf32>, vector<1x128xf32>, vector<1x128xf32>, vector<1x128xf32>, vector<1x128xf32>, vector<1x128xf32>, vector<1x128xf32>, vector<1x128xf32>, vector<1x128xf32>, vector<1x128xf32>, vector<1x128xf32>, vector<1x128xf32>, vector<1x128xf32>, vector<1x128xf32>, vector<1x128xf32>, vector<1x128xf32>, vector<1x128xf32>, vector<1x128xf32>, vector<1x128xf32>, vector<1x128xf32>, vector<1x128xf32>, vector<1x128xf32>, vector<1x128xf32>, vector<1x128xf32>, vector<1x128xf32>, vector<1x128xf32>, vector<1x128xf32>, vector<1x128xf32>, vector<1x128xf32>, vector<1x128xf32>, vector<1x128xf32>, vector<1x128xf32>, vector<1x128xf32>, vector<1x128xf32>, vector<1x128xf32>, vector<1x128xf32>, vector<1x128xf32>, vector<1x128xf32>, vector<1x128xf32>, vector<1x128xf32>, vector<1x128xf32>, vector<1x128xf32>, vector<1x128xf32>, vector<1x128xf32>, vector<1x128xf32>, vector<1x128xf32>, vector<1x128xf32>, vector<1x128xf32>, vector<1x128xf32>, vector<1x128xf32>, vector<1x128xf32>, vector<1x128xf32>, vector<1x128xf32>, vector<1x128xf32> -> vector<128x128xf32>
    %swap3A = arith.constant 0 : index
    %swap3A_769 = arith.constant 0 : index
    %swap3A_770 = vector.load %arg3[%swap3A, %swap3A_769] : memref<128x128xf32, #tpu.memory_space<vmem>>, vector<128x128xf32>
    tpu.vector_store %arg3[%swap3A, %swap3A_769], %concatenate3A {strides = array<i32>} : memref<128x128xf32, #tpu.memory_space<vmem>>, vector<128x128xf32>,
    return
  }
  func.func @transform_0(%arg0: i32) -> (i32, i32) {
    %c0_i32 = arith.constant 0 : i32
    %c0_i32_0 = arith.constant 0 : i32
    %c0_i32_1 = arith.constant 0 : i32
    return %c0_i32, %c0_i32_0 : i32, i32
  }
  func.func @transform_1(%arg0: i32) -> (i32, i32) {
    %add3A = arith.constant 28 : i32
    %add3A_0 = arith.addi %add3A, %arg0 : i32
    %c0_i32 = arith.constant 0 : i32
    %c0_i32_1 = arith.constant 0 : i32
    return %c0_i32, %add3A_0 : i32, i32
  }
  func.func @transform_2(%arg0: i32) -> (i32, i32) {
    %c0_i32 = arith.constant 0 : i32
    %c0_i32_0 = arith.constant 0 : i32
    return %arg0, %c0_i32 : i32, i32
  }
}

</mosaic_0001>

<sc_bundles>
// kernel: kernel.6.cloned.1.call-start
scs
__scs_entry_jumppad:
0x0: {  	(pc) =	sbr.rel $0x88, $3  }
0x1: {  	(tag) =	ssettag $0x0;
	lr =	simm.s32 $0x1  }
0x2: {  	[smem:$0x3F9B] =	sst lr;
	_ =	strace $0xD0000000  }
0x3: {  	_ = 	snop  }
0x4: {  	_ = 	snop  }
0x5: {  	_ = 	snop  }
0x6: {  	_ = 	snop  }
0x7: {  	_ = 	snop  }
__scs_overlays_trampoline_lowered:
0x8: {  	[smem:$0x3FAA] =	sst s0  }
0x9: {  	[smem:$0x3FAB] =	sst s1  }
0xa: {  	[smem:$0x3FAC] =	sst s2  }
0xb: {  	[smem:$0x3FAD] =	sst s3  }
0xc: {  	[smem:$0x3FAE] =	sst s4  }
0xd: {  	[smem:$0x3FAF] =	sst s5  }
0xe: {  	[smem:$0x3FB0] =	sst s6  }
0xf: {  	[smem:$0x3FB1] =	sst s7  }
0x10: {  	[smem:$0x3FB2] =	sst s8  }
0x11: {  	[smem:$0x3FB3] =	sst s9;
	s0 =	simm.s32 @!p0 $0x0  }
0x12: {  	s1 =	sld [smem:$0x3F99];
	s0 =	simm.s32 @p0 $0x1  }
0x13: {  	[smem:$0x3FB4] =	sst s0;
	s0 =	simm.s32 @!p1 $0x0  }
0x14: {  	s2 =	sld [smem:$0x3F98];
	s0 =	simm.s32 @p1 $0x1  }
0x15: {  	[smem:$0x3FB5] =	sst s0;
	s0 =	simm.s32 @!p2 $0x0  }
0x16: {  	s3 =	sld [smem:$0x3FDB];
	s0 =	simm.s32 @p2 $0x1  }
0x17: {  	s4 =	simm.s32 $0x1BF5;
	[smem:$0x3FB7] =	sst s0  }
0x18: {  	s0 =	sld [smem:$0x3F9A];
	_ =	swait.ge [sflag:s4], $0x0  }
0x19: {  	s7 =	sld [smem:$0x3F9B]  }
0x1a: {  	s8 =	sadd.s32 $0xFFFFE003, lr  }
0x1b: {  	s9 =	sadd.s32 $0xFFFFFEF7, lr;
	s5 =	simm.s32 $0xFFFFFFFF;
	p2 =	slt.u32 s8, $0xFFFFF086  }
0x1c: {  	p1 =	slt.u32 s9, $0xF7A;
	s5 =	simm.s32 @!p2 $0x0  }
0x1d: {  	s5 =	simm.s32 @p1 $0x1;
	p0 =	seq.s32 s7, s2  }
0x1e: {  	s7 =	smul.u32 @!p0 $0xF7A, s2;
	p2 =	seq.s32 @!p0 s5, $0x0  }
0x1f: {  	s9 =	smul.u32 $0xF7A, s1;
	s8 =	simm.s32 @!p0 $0x1BF5;
	p2 =	por !p2, p0  }
0x20: {  	[sflag:s8] =	ssyncset.s32 @!p0 $0xFFFFF086;
	s6 =	sadd.s32 @!p0 s3, s7;
	s7 =	simm.s32 @!p0 $0x108  }
0x21: {  	s3 =	sadd.s32 s3, s9;
	s6 =	sadd.s32 @!p0 $0x88, s6;
	s7 =	simm.s32 @p2 $0x1082  }
0x22: {  	[simem:s7], [sflag:s8] =	dma.local @!p0 [hbm:s6], $0xF7A  }
0x23: {  	s9 =	sor.u32 $0xD0000000, s2;
	s6 =	simm.s32 $0x108;
	_ =	swait.ge @!p0 [sflag:s8], $0x0  }
0x24: {  	s3 =	sadd.s32 $0x88, s3;
	s6 =	simm.s32 @!p1 $0x1082;
	[sflag:s4] =	ssyncset.s32 $0xFFFFF086  }
0x25: {  	[simem:s6], [sflag:s4] =	dma.local [hbm:s3], $0xF7A  }
0x26: {  	[smem:$0x3F9B] =	sst s1;
	(tag) =	ssettag s2;
	_ =	strace s9  }
0x27: {  	s1 =	sld [smem:$0x3FAB]  }
0x28: {  	s2 =	sld [smem:$0x3FAC]  }
0x29: {  	s4 =	sld [smem:$0x3FAE]  }
0x2a: {  	p0 =	seq.s32 s5, $0x0;
	s5 =	sld [smem:$0x3FAF]  }
0x2b: {  	s6 =	sld [smem:$0x3FB0]  }
0x2c: {  	s7 =	sld [smem:$0x3FB1]  }
0x2d: {  	s3 =	simm.s32 $0x108;
	s8 =	sld [smem:$0x3FB2]  }
0x2e: {  	s3 =	simm.s32 @!p0 $0x1082;
	s9 =	sld [smem:$0x3FB3]  }
0x2f: {  	lr =	sadd.s32 s0, s3;
	s0 =	sld [smem:$0x3FAA]  }
0x30: {  	s3 =	sld [smem:$0x3FAD]  }
0x31: {  	[smem:$0x3FB6] =	sst s10  }
0x32: {  	s10 =	sld [smem:$0x3FB4];
	_ =	sdelay $0x3  }
0x33: {  	p0 =	seq.s32 s10, $0x1;
	s10 =	sld [smem:$0x3FB6];
	_ =	sdelay $0x3  }
0x34: {  	[smem:$0x3FB6] =	sst s10  }
0x35: {  	s10 =	sld [smem:$0x3FB5];
	_ =	sdelay $0x3  }
0x36: {  	p1 =	seq.s32 s10, $0x1;
	s10 =	sld [smem:$0x3FB6];
	_ =	sdelay $0x3  }
0x37: {  	[smem:$0x3FB6] =	sst s10  }
0x38: {  	s10 =	sld [smem:$0x3FB7]  }
0x39: {  	_ = 	snop;
	(pc) =	sbr.ind lr, $3  }
0x3a: {  	_ = 	snop  }
0x3b: {  	_ = 	snop  }
0x3c: {  	p2 =	seq.s32 s10, $0x1;
	s10 =	sld [smem:$0x3FB6]  }
0x3d: {  	_ =	shalt  }
0x3e: {  	_ =	shalt  }
0x3f: {  	_ =	shalt  }
0x40: {  	_ =	shalt  }
0x41: {  	_ =	shalt  }
0x42: {  	_ =	shalt  }
0x43: {  	_ =	shalt  }
0x44: {  	_ =	shalt  }
0x45: {  	_ =	shalt  }
0x46: {  	_ =	shalt  }
0x47: {  	_ =	shalt  }
0x48: {  	_ =	shalt  }
0x49: {  	_ =	shalt  }
0x4a: {  	_ =	shalt  }
0x4b: {  	_ =	shalt  }
0x4c: {  	_ =	shalt  }
0x4d: {  	_ =	shalt  }
0x4e: {  	_ =	shalt  }
0x4f: {  	_ =	shalt  }
0x50: {  	_ =	shalt  }
0x51: {  	_ =	shalt  }
0x52: {  	_ =	shalt  }
0x53: {  	_ =	shalt  }
0x54: {  	_ =	shalt  }
0x55: {  	_ =	shalt  }
0x56: {  	_ =	shalt  }
0x57: {  	_ =	shalt  }
0x58: {  	_ =	shalt  }
0x59: {  	_ =	shalt  }
0x5a: {  	_ =	shalt  }
0x5b: {  	_ =	shalt  }
0x5c: {  	_ =	shalt  }
0x5d: {  	_ =	shalt  }
0x5e: {  	_ =	shalt  }
0x5f: {  	_ =	shalt  }
0x60: {  	_ =	shalt  }
0x61: {  	_ =	shalt  }
0x62: {  	_ =	shalt  }
0x63: {  	_ =	shalt  }
0x64: {  	_ =	shalt  }
0x65: {  	_ =	shalt  }
0x66: {  	_ =	shalt  }
0x67: {  	_ =	shalt  }
0x68: {  	_ =	shalt  }
0x69: {  	_ =	shalt  }
0x6a: {  	_ =	shalt  }
0x6b: {  	_ =	shalt  }
0x6c: {  	_ =	shalt  }
0x6d: {  	_ =	shalt  }
0x6e: {  	_ =	shalt  }
0x6f: {  	_ =	shalt  }
0x70: {  	_ =	shalt  }
0x71: {  	_ =	shalt  }
0x72: {  	_ =	shalt  }
0x73: {  	_ =	shalt  }
0x74: {  	_ =	shalt  }
0x75: {  	_ =	shalt  }
0x76: {  	_ =	shalt  }
0x77: {  	_ =	shalt  }
0x78: {  	_ =	shalt  }
0x79: {  	_ =	shalt  }
0x7a: {  	_ =	shalt  }
0x7b: {  	_ =	shalt  }
0x7c: {  	_ =	shalt  }
0x7d: {  	_ =	shalt  }
0x7e: {  	_ =	shalt  }
0x7f: {  	_ =	shalt  }
0x80: {  	_ =	shalt  }
0x81: {  	_ =	shalt  }
0x82: {  	_ =	shalt  }
0x83: {  	_ =	shalt  }
0x84: {  	_ =	shalt  }
0x85: {  	_ =	shalt  }
0x86: {  	_ =	shalt  }
0x87: {  	_ =	shalt  }
.Lfunc_end0:
.L_simem_size_0:
called_computation_lowered:
.L_overlay_start_0:
0x88: {  	s2 =	sld [smem:$0x3FD9]  }
0x89: {  	s3 =	sld [smem:$0x3FFE];
	_ =	sdelay $0x1  }
0x8a: {  	s1 =	srdreg.scid  }
0x8b: {  	s0 =	sand.u32 $0x1, s1  }
0x8c: {  	s17 =	sshll.u32 s0, $0xA;
	s2 =	sadd.s32 s3, s2  }
0x8d: {  	s2 =	sadd.s32 s2, s17  }
0x8e: {  	[smem:$0x3FC2] =	sst s2  }
0x8f: {  	_ = 	snop  }
0x90: {  	s2 =	sld [smem:$0x3FC7];
	(tm) =	ssettm $0x1  }
0x91: {  	s18 =	sld [smem:$0x3FFB];
	_ =	sdelay $0x3  }
0x92: {  	_ =	strace s18  }
0x93: {  	s3 =	sld [smem:$0x3FFC];
	_ =	sdelay $0x3  }
0x94: {  	_ =	strace s3  }
0x95: {  	s3 =	sld [smem:$0x3FFD];
	_ =	sdelay $0x3  }
0x96: {  	_ =	strace s3  }
0x97: {  	_ =	strace $0x8FFFFFFF  }
0x98: {  	s19 =	sld [smem:$0x3FDB];
	_ =	sdelay $0x1  }
0x99: {  	s4 =	simm.s32 $_scs_section_size  }
0x9a: {  	s5 =	simm.s32 $_size__tile_overlayer_lowered;
	s6 =	simm.s32 $_tile_overlayer_lowered  }
0x9b: {  	s22 =	simm.s32 $0x1BFF;
	s21 =	sshll.u32 s6, $0x1;
	s3 =	sadd.s32 s4, s19  }
0x9c: {  	s7 =	simm.s32 $0x0;
	s20 =	sshll.u32 s5, $0x1;
	s5 =	sadd.s32 s21, s3  }
0x9d: {  	[timem:s7], [sflag:s22] =	dma.local [hbm:s5], s20  }
0x9e: {  	_ =	swait.ge [sflag:s22], s20  }
0x9f: {  	s4 =	ssub.s32 $0x0, s20;
	[sflag:s22] =	ssyncset.done $0x0  }
0xa0: {  	[sflag:s22] =	ssyncadd.s32 s4;
	_ =	sdelay $0x1  }
0xa1: {  	s23 =	simm.s32 $0x1B8B  }
0xa2: {  	_ =	swait.ge [sflag:s23], $0x1  }
0xa3: {  	[sflag:s23] =	ssyncset.done $0x0  }
0xa4: {  	s25 =	simm.s32 $0x1B8E;
	s24 =	sld [smem:$0x3FFE];
	[sflag:s23] =	ssyncadd.s32 $0xFFFFFFFF  }
0xa5: {  	s26 =	simm.s32 $execute0_lowered;
	[smem:$0x3FD2] =	sst s25  }
0xa6: {  	s5 =	sshll.u32 s26, $0x1;
	_ =	strace $0x80000046;
	[dreg:$0x1] =	wrdreg $0xFFFFFFFF  }
0xa7: {  	s28 =	simm.s32 $_size_execute0_lowered;
	s3 =	sadd.s32 s3, s5;
	[dreg:$0x0] =	wrdreg $0x0  }
0xa8: {  	s5 =	sshll.u32 s28, $0x1;
	[dreg:$0x2] =	wrdreg s3  }
0xa9: {  	[dreg:$0x3] =	wrdreg s5  }
0xaa: {  	[dreg:$0x4] =	wrdreg $0xC0  }
0xab: {  	_ =	task [dreg:s7], $0x5FFFF  }
0xac: {  	[dreg:$0x1] =	wrdreg $0xFFFFFFFF  }
0xad: {  	[dreg:$0x0] =	wrdreg $0x60  }
0xae: {  	[dreg:$0x2] =	wrdreg s2  }
0xaf: {  	[dreg:$0x3] =	wrdreg s24  }
0xb0: {  	[dreg:$0x4] =	wrdreg $0x9  }
0xb1: {  	_ =	task.clear_ibuf [dreg:s7], $0x5FFFF;
	_ =	strace $0x90000046  }
0xb2: {  	s29 =	simm.s32 $0x9;
	_ =	strace $0x80000048  }
0xb3: {  	_ =	swait.ge [sflag:s29], $0x1  }
0xb4: {  	[sflag:s29] =	ssyncadd.s32 $0xFFFFFFFF  }
0xb5: {  	_ =	strace $0x90000048  }
0xb6: {  	_ =	sfence  }
0xb7: {  	s30 =	sld [smem:$0x0];
	_ =	sdelay $0x2  }
0xb8: {  	s31 =	sshll.u32 s1, $0xD;
	s1 =	sshrl.u32 s1, $0x2  }
0xb9: {  	s3 =	sand.u32 $0x4000, s31;
	s1 =	sadd.s32 s1, s30  }
0xba: {  	s0 =	sor.u32 s3, s0;
	s1 =	sshll.u32 s1, $0x11  }
0xbb: {  	s0 =	sor.u32 s1, s0  }
0xbc: {  	s0 =	sadd.s32 $0x8F2B, s0  }
0xbd: {  	[sflag:s0] =	ssyncadd.remote.s32 $0x1  }
0xbe: {  	_ =	sfence.sel $0xFFFF  }
0xbf: {  	[dreg:$0x0] =	wrdreg $0xFFFFFFFF;
	(pc) =	sbr.abs _section_cstart, $3  }
0xc0: {  	[dreg:$0x1] =	wrdreg $0xFFFFFFFF  }
0xc1: {  	_ =	task.clear_ibuf [dreg:s7], $0x2FFFF;
	_ =	strace $0x9FFFFFFF  }
0xc2: {  	(tm) =	ssettm $0x7FFFFFFF  }
0xc3: {  	_ =	shalt  }
tec
execute0_lowered:
.L_overlay_start_1:
0x0: {  	(tag) =	ssettag $0x1  }
0x1: {  	s0 =	srdreg.scid;
	s5 =	rddreg [dreg:$0x0]  }
0x2: {  	s6 =	rddreg [dreg:$0x1];
	s1 =	stileid.u32  }
0x3: {  	s2 =	simm.s32 $0x0;
	s12 =	simm.s32 $0x10000;
	s13 =	simm.s32 $0x4  }
0x4: {  	s14 =	simm.s32 $0x1000;
	s15 =	simm.s32 $0x7A1400;
	s16 =	simm.s32 $0x8000  }
0x5: {  	s17 =	simm.s32 $0x1;
	s18 =	simm.s32 $0x10080;
	s19 =	simm.s32 $0x2  }
0x6: {  	s20 =	simm.s32 $0x10280;
	s21 =	simm.s32 $0x3;
	s4 =	sand.u32 $0x1, s0  }
0x7: {  	s22 =	simm.s32 $0x0;
	s0 =	rddreg [dreg:$0x2];
	s3 =	sshll.u32 s4, $0x4  }
0x8: {  	[smem:$0x7FF] =	sst s2;
	s7 =	ssub.s32 $0x2, s4;
	s3 =	sor.u32 s1, s3  }
0x9: {  	_ =	strace $0x80000047;
	s8 =	sshrl.u32 s7, $0x1;
	s3 =	smul.u32 $0x3800, s3  }
0xa: {  	s4 =	sadd.s32 $0x1200, s6;
	s6 =	sadd.s32 $0x1400, s6;
	s11 =	ssub.s32 s7, s8  }
0xb: {  	s11 =	smax.u32 s11, $0x1;
	s5 =	sadd.s32 s5, s3;
	s9 =	sor.u32 $0x200, s3  }
0xc: {  	s7 =	sadd.s32 $0x200, s5;
	s8 =	sadd.s32 $0x400, s5;
	s10 =	sadd.s32 $0x600, s5  }
.LBB2_1:
0xd: {  	[tilespmem:s12], [sflag:$0x4] =	stream.linear.gather [hbm4b:s4+s2], $0x80, $0x38;
	[tilespmem:$0x10480] =	vst v63  }
0xe: {  	_ =	swait.ge [sflag:s13], $0x80  }
0xf: {  	[sflag:s13] =	ssyncset.done $0x0  }
0x10: {  	[sflag:s13] =	ssyncadd.s32 $0xFFFFFF80  }
0x11: {  	v0 =	vld [tilespmem:$0x10000];
	_ =	sdelay $0x1  }
0x12: {  	v17 =	vld [tilespmem:$0x10010]  }
0x13: {  	v32 =	vld [tilespmem:$0x10020]  }
0x14: {  	v40 =	vld [tilespmem:$0x10030];
	[tilespmem:s2], [sflag:$0x1] =	stream.strided.gather [hbm4b:s5+s14], $0x8000, s15, s14, $0x38  }
0x15: {  	v1 =	vbroadcast v0, $0x0  }
0x16: {  	[tilespmem:s16], [sflag:$0x2] =	stream.strided.gather [hbm4b:s7+s14], $0x8000, s15, s14, $0x38;
	v12 =	vbroadcast v0, $0x1;
	[tilespmem:$0x10480] =	vst v63  }
0x17: {  	v13 =	vbroadcast v0, $0x2;
	[tilespmem:$0x1FD40] =	vst v1  }
0x18: {  	v14 =	vbroadcast v0, $0x3;
	[tilespmem:$0x1FD50] =	vst v12  }
0x19: {  	v15 =	vbroadcast v0, $0x4;
	[tilespmem:$0x1FD60] =	vst v13  }
0x1a: {  	v16 =	vbroadcast v0, $0x5;
	[tilespmem:$0x1FD70] =	vst v14  }
0x1b: {  	v2 =	vbroadcast v0, $0x6;
	[tilespmem:$0x1FD80] =	vst v15  }
0x1c: {  	v18 =	vbroadcast v0, $0x7;
	[tilespmem:$0x1FD90] =	vst v16  }
0x1d: {  	v19 =	vbroadcast v0, $0x8;
	[tilespmem:$0x1FDA0] =	vst v2  }
0x1e: {  	v20 =	vbroadcast v0, $0x9;
	[tilespmem:$0x1FDB0] =	vst v18  }
0x1f: {  	v21 =	vbroadcast v0, $0xA;
	[tilespmem:$0x1FDC0] =	vst v19  }
0x20: {  	v22 =	vbroadcast v0, $0xB;
	[tilespmem:$0x1FDD0] =	vst v20  }
0x21: {  	v23 =	vbroadcast v0, $0xC;
	[tilespmem:$0x1FDE0] =	vst v21  }
0x22: {  	v24 =	vbroadcast v0, $0xD;
	[tilespmem:$0x1FDF0] =	vst v22  }
0x23: {  	v25 =	vbroadcast v0, $0xE;
	[tilespmem:$0x1FE00] =	vst v23  }
0x24: {  	v0 =	vbroadcast v0, $0xF;
	[tilespmem:$0x1FE10] =	vst v24  }
0x25: {  	v26 =	vbroadcast v17, $0x0;
	[tilespmem:$0x1FE20] =	vst v25  }
0x26: {  	v27 =	vbroadcast v17, $0x1;
	[tilespmem:$0x1FE30] =	vst v0  }
0x27: {  	v28 =	vbroadcast v17, $0x2;
	[tilespmem:$0x1FE40] =	vst v26  }
0x28: {  	v29 =	vbroadcast v17, $0x3;
	[tilespmem:$0x1FE50] =	vst v27  }
0x29: {  	v30 =	vbroadcast v17, $0x4;
	[tilespmem:$0x1FE60] =	vst v28  }
0x2a: {  	v31 =	vbroadcast v17, $0x5;
	[tilespmem:$0x1FE70] =	vst v29  }
0x2b: {  	v33 =	vbroadcast v17, $0x6;
	[tilespmem:$0x1FE80] =	vst v30  }
0x2c: {  	v34 =	vbroadcast v17, $0x7;
	[tilespmem:$0x1FE90] =	vst v31  }
0x2d: {  	v35 =	vbroadcast v17, $0xA;
	[tilespmem:$0x1FEA0] =	vst v33  }
0x2e: {  	v36 =	vbroadcast v17, $0xB;
	[tilespmem:$0x1FEB0] =	vst v34  }
0x2f: {  	v37 =	vbroadcast v17, $0xE;
	[tilespmem:$0x1FEC0] =	vst v35  }
0x30: {  	v38 =	vbroadcast v32, $0x2;
	[tilespmem:$0x1FED0] =	vst v36  }
0x31: {  	v41 =	vbroadcast v17, $0x8;
	v39 =	vbroadcast v32, $0x3;
	[tilespmem:$0x1FEE0] =	vst v37  }
0x32: {  	v42 =	vbroadcast v17, $0x9;
	v54 =	vbroadcast v32, $0x6;
	[tilespmem:$0x1FF00] =	vst v38  }
0x33: {  	v43 =	vbroadcast v17, $0xC;
	v55 =	vbroadcast v32, $0x7;
	[tilespmem:$0x1FF10] =	vst v39  }
0x34: {  	v44 =	vbroadcast v17, $0xD;
	v56 =	vbroadcast v32, $0xA;
	[tilespmem:$0x1FF20] =	vst v54  }
0x35: {  	v45 =	vbroadcast v32, $0x0;
	v57 =	vbroadcast v32, $0xB;
	[tilespmem:$0x1FF30] =	vst v55  }
0x36: {  	v46 =	vbroadcast v32, $0x1;
	v58 =	vbroadcast v32, $0xE;
	[tilespmem:$0x1FF40] =	vst v56  }
0x37: {  	v47 =	vbroadcast v32, $0x4;
	v59 =	vbroadcast v40, $0x2;
	[tilespmem:$0x1FF50] =	vst v57  }
0x38: {  	v48 =	vbroadcast v32, $0x5;
	v60 =	vbroadcast v40, $0x3;
	[tilespmem:$0x1FF60] =	vst v58  }
0x39: {  	v51 =	vbroadcast v32, $0x8;
	v61 =	vbroadcast v40, $0x6;
	[tilespmem:$0x1FF80] =	vst v59  }
0x3a: {  	v49 =	vbroadcast v32, $0x9;
	v62 =	vbroadcast v40, $0x7;
	[tilespmem:$0x1FF90] =	vst v60  }
0x3b: {  	v53 =	vbroadcast v32, $0xC;
	v63 =	vbroadcast v40, $0xA;
	[tilespmem:$0x1FFA0] =	vst v61  }
0x3c: {  	v52 =	vbroadcast v32, $0xD;
	v1 =	vbroadcast v17, $0xF;
	[tilespmem:$0x1FFB0] =	vst v62  }
0x3d: {  	v50 =	vbroadcast v40, $0x4;
	v0 =	vbroadcast v32, $0xF;
	[tilespmem:$0x1FFC0] =	vst v63  }
0x3e: {  	v55 =	vbroadcast v40, $0x0;
	v62 =	vbroadcast v40, $0xB;
	[tilespmem:$0x1FEF0] =	vst v1  }
0x3f: {  	v56 =	vbroadcast v40, $0x1;
	v59 =	vbroadcast v40, $0xE;
	[tilespmem:$0x1FF70] =	vst v0  }
0x40: {  	v58 =	vbroadcast v40, $0x5;
	v61 =	vbroadcast v40, $0xF;
	[tilespmem:$0x1FFD0] =	vst v62  }
0x41: {  	v57 =	vbroadcast v40, $0x8;
	v60 =	vbroadcast v40, $0x9;
	[tilespmem:$0x1FFE0] =	vst v59  }
0x42: {  	s23 =	simm.s32 $0x0;
	v63 =	vbroadcast v40, $0xC;
	v54 =	vbroadcast v40, $0xD;
	[tilespmem:$0x1FFF0] =	vst v61  }
.LBB2_2:
0x43: {  	_ =	swait.ge [sflag:s17], $0x8000  }
0x44: {  	p0 =	seq.s32 s23, $0x0;
	[sflag:s17] =	ssyncset.done $0x0  }
0x45: {  	s24 =	simm.s32 @!p0 $0x3;
	[sflag:s17] =	ssyncadd.s32 $0xFFFF8000  }
0x46: {  	_ =	swait.ge @!p0 [sflag:s24], $0x200  }
0x47: {  	v28 =	vld [tilespmem:$0x1FD40]  }
0x48: {  	v29 =	vld [tilespmem:$0x1FD50]  }
0x49: {  	v30 =	vld [tilespmem:$0x1FD80]  }
0x4a: {  	v31 =	vld [tilespmem:$0x1FD90]  }
0x4b: {  	v32 =	vld [tilespmem:$0x1FD70]  }
0x4c: {  	v38 =	vld [tilespmem:$0x1FDA0]  }
0x4d: {  	v39 =	vld [tilespmem:$0x1FDB0]  }
0x4e: {  	s25 =	simm.s32 $0x0;
	v40 =	vld [tilespmem:$0x1FDC0]  }
0x4f: {  	s26 =	sand.u32 $0x70, s25;
	s25 =	sand.u32 $0xC00, s25;
	[sflag:s24] =	ssyncset.done @!p0 $0x0;
	v36 =	vld [tilespmem:$0x1FDD0]  }
0x50: {  	s26 =	sor.u32 s26, s25;
	v37 =	vld [tilespmem:$0x1FDE0];
	[sflag:s24] =	ssyncadd.s32 @!p0 $0xFFFFFE00  }
0x51: {  	v0 =	vld [tilespmem:s26+$0x7200]  }
0x52: {  	v16 =	vld [tilespmem:s26+$0x3200]  }
0x53: {  	v18 =	vld [tilespmem:s26+$0x3000]  }
0x54: {  	v20 =	vld [tilespmem:s26+$0x2200]  }
0x55: {  	v21 =	vld [tilespmem:s26+$0x200]  }
0x56: {  	v22 =	vld [tilespmem:s26+$0x0]  }
0x57: {  	v23 =	vld [tilespmem:s26+$0x80]  }
0x58: {  	v24 =	vld [tilespmem:s26+$0x280]  }
0x59: {  	v25 =	vld [tilespmem:s26+$0x100]  }
0x5a: {  	v26 =	vld [tilespmem:s26+$0x180]  }
0x5b: {  	v27 =	vld [tilespmem:s26+$0x300]  }
0x5c: {  	v22 =	vmul.f32 v22, v28;
	v28 =	vld [tilespmem:s26+$0x380]  }
0x5d: {  	v23 =	vmul.f32 v23, v29;
	v29 =	vld [tilespmem:s26+$0x1000]  }
0x5e: {  	v24 =	vmul.f32 v24, v31;
	v31 =	vld [tilespmem:$0x1FD60]  }
0x5f: {  	v21 =	vmul.f32 v21, v30;
	v30 =	vld [tilespmem:s26+$0x1080];
	v22 =	vadd.f32 $0.0e+00, v22  }
0x60: {  	v27 =	vmul.f32 v27, v38;
	v38 =	vld [tilespmem:$0x1FDF0];
	v23 =	vadd.f32 $0.0e+00, v23  }
0x61: {  	v21 =	vadd.f32 v21, v22;
	v22 =	vld [tilespmem:s26+$0x1180]  }
0x62: {  	v23 =	vadd.f32 v24, v23;
	v24 =	vld [tilespmem:s26+$0x1200]  }
0x63: {  	v26 =	vmul.f32 v26, v32;
	v25 =	vmul.f32 v25, v31;
	v31 =	vld [tilespmem:s26+$0x1100]  }
0x64: {  	v28 =	vmul.f32 v28, v39;
	v39 =	vld [tilespmem:$0x1FE00]  }
0x65: {  	v26 =	vadd.f32 $0.0e+00, v26;
	v29 =	vmul.f32 v29, v40;
	v40 =	vld [tilespmem:$0x1FE10]  }
0x66: {  	v30 =	vmul.f32 v30, v36;
	v36 =	vld [tilespmem:$0x1FE20]  }
0x67: {  	v26 =	vadd.f32 v28, v26;
	v28 =	vld [tilespmem:s26+$0x1300]  }
0x68: {  	v25 =	vadd.f32 $0.0e+00, v25;
	v21 =	vadd.f32 v29, v21;
	v29 =	vld [tilespmem:s26+$0x1380]  }
0x69: {  	v23 =	vadd.f32 v30, v23;
	v30 =	vld [tilespmem:s26+$0x2000]  }
0x6a: {  	v25 =	vadd.f32 v27, v25;
	v27 =	vld [tilespmem:s26+$0x1280]  }
0x6b: {  	v22 =	vmul.f32 v22, v38;
	v38 =	vld [tilespmem:$0x1FE40]  }
0x6c: {  	v31 =	vmul.f32 v31, v37;
	v37 =	vld [tilespmem:$0x1FE30]  }
0x6d: {  	v24 =	vmul.f32 v24, v39;
	v39 =	vld [tilespmem:$0x1FE50]  }
0x6e: {  	v22 =	vadd.f32 v22, v26;
	v26 =	vld [tilespmem:s26+$0x2100]  }
0x6f: {  	v25 =	vadd.f32 v31, v25;
	v31 =	vld [tilespmem:s26+$0x2080]  }
0x70: {  	v21 =	vadd.f32 v24, v21;
	v24 =	vld [tilespmem:s26+$0x2180];
	v28 =	vmul.f32 v28, v36  }
0x71: {  	v36 =	vld [tilespmem:$0x1FE70]  }
0x72: {  	v25 =	vadd.f32 v28, v25;
	v28 =	vld [tilespmem:s26+$0x2300]  }
0x73: {  	v29 =	vmul.f32 v29, v37;
	v37 =	vld [tilespmem:$0x1FE80]  }
0x74: {  	v27 =	vmul.f32 v27, v40;
	v40 =	vld [tilespmem:$0x1FE60]  }
0x75: {  	v30 =	vmul.f32 v30, v38;
	v38 =	vld [tilespmem:$0x1FE90]  }
0x76: {  	v23 =	vadd.f32 v27, v23;
	v27 =	vld [tilespmem:s26+$0x2280]  }
0x77: {  	v21 =	vadd.f32 v30, v21;
	v30 =	vld [tilespmem:s26+$0x3100]  }
0x78: {  	v31 =	vmul.f32 v31, v39;
	v39 =	vld [tilespmem:$0x1FEA0];
	v20 =	vmul.f32 v20, v37  }
0x79: {  	v22 =	vadd.f32 v29, v22;
	v29 =	vld [tilespmem:s26+$0x2380];
	v26 =	vmul.f32 v26, v40  }
0x7a: {  	v18 =	vmul.f32 v18, v41;
	v23 =	vadd.f32 v31, v23;
	v31 =	vld [tilespmem:s26+$0x3180];
	v20 =	vadd.f32 v20, v21  }
0x7b: {  	v25 =	vadd.f32 v26, v25;
	v26 =	vld [tilespmem:s26+$0x3300]  }
0x7c: {  	v24 =	vmul.f32 v24, v36;
	v18 =	vadd.f32 v18, v20;
	v20 =	vld [tilespmem:$0x1FEE0]  }
0x7d: {  	v40 =	vld [tilespmem:$0x1FEB0];
	v28 =	vmul.f32 v28, v39  }
0x7e: {  	v22 =	vadd.f32 v24, v22;
	v24 =	vld [tilespmem:s26+$0x3380]  }
0x7f: {  	v25 =	vadd.f32 v28, v25;
	v28 =	vld [tilespmem:$0x1FED0]  }
0x80: {  	v27 =	vmul.f32 v27, v38;
	v21 =	vld [tilespmem:s26+$0x4100]  }
0x81: {  	v16 =	vmul.f32 v16, v43;
	v20 =	vmul.f32 v26, v20;
	v26 =	vld [tilespmem:$0x1FEF0]  }
0x82: {  	v23 =	vadd.f32 v27, v23;
	v27 =	vld [tilespmem:$0x1FEC0];
	v29 =	vmul.f32 v29, v40  }
0x83: {  	v16 =	vadd.f32 v16, v18;
	v18 =	vld [tilespmem:$0x1FF00]  }
0x84: {  	v1 =	vld [tilespmem:s26+$0x7280];
	v22 =	vadd.f32 v29, v22;
	v28 =	vmul.f32 v31, v28  }
0x85: {  	v19 =	vld [tilespmem:s26+$0x3080]  }
0x86: {  	v14 =	vld [tilespmem:s26+$0x4000];
	v22 =	vadd.f32 v28, v22;
	v24 =	vmul.f32 v24, v26  }
0x87: {  	v27 =	vmul.f32 v30, v27;
	v30 =	vld [tilespmem:s26+$0x4180]  }
0x88: {  	v18 =	vmul.f32 v21, v18;
	v21 =	vadd.f32 v24, v22;
	v22 =	vld [tilespmem:$0x1FF10]  }
0x89: {  	v2 =	vld [tilespmem:s26+$0x7000]  }
0x8a: {  	v12 =	vld [tilespmem:s26+$0x4200];
	v19 =	vmul.f32 v19, v42  }
0x8b: {  	v17 =	vld [tilespmem:s26+$0x3280];
	v25 =	vadd.f32 v27, v25  }
0x8c: {  	v14 =	vmul.f32 v14, v45;
	v19 =	vadd.f32 v19, v23;
	v23 =	vld [tilespmem:s26+$0x4380]  }
0x8d: {  	v29 =	vld [tilespmem:s26+$0x4300];
	v20 =	vadd.f32 v20, v25;
	v22 =	vmul.f32 v30, v22  }
0x8e: {  	v14 =	vadd.f32 v14, v16;
	v16 =	vld [tilespmem:$0x1FF20]  }
0x8f: {  	v18 =	vadd.f32 v18, v20;
	v20 =	vadd.f32 v22, v21;
	v21 =	vld [tilespmem:$0x1FF30]  }
0x90: {  	v3 =	vld [tilespmem:s26+$0x7080]  }
0x91: {  	v10 =	vld [tilespmem:s26+$0x5000];
	v17 =	vmul.f32 v17, v44  }
0x92: {  	v15 =	vld [tilespmem:s26+$0x4080];
	v12 =	vmul.f32 v12, v47  }
0x93: {  	v17 =	vadd.f32 v17, v19;
	v19 =	vld [tilespmem:s26+$0x5180]  }
0x94: {  	v12 =	vadd.f32 v12, v14;
	v14 =	vld [tilespmem:$0x1FF40];
	v16 =	vmul.f32 v29, v16;
	v21 =	vmul.f32 v23, v21  }
0x95: {  	v26 =	vld [tilespmem:s26+$0x5100]  }
0x96: {  	v16 =	vadd.f32 v16, v18;
	v18 =	vadd.f32 v21, v20;
	v20 =	vld [tilespmem:$0x1FF50]  }
0x97: {  	v4 =	vld [tilespmem:s26+$0x6200]  }
0x98: {  	v8 =	vld [tilespmem:s26+$0x5200];
	v15 =	vmul.f32 v15, v46  }
0x99: {  	v13 =	vld [tilespmem:s26+$0x4280];
	v10 =	vmul.f32 v10, v51  }
0x9a: {  	v15 =	vadd.f32 v15, v17;
	v17 =	vld [tilespmem:s26+$0x5380]  }
0x9b: {  	v10 =	vadd.f32 v10, v12;
	v12 =	vld [tilespmem:$0x1FF60];
	v14 =	vmul.f32 v26, v14;
	v19 =	vmul.f32 v19, v20  }
0x9c: {  	v24 =	vld [tilespmem:s26+$0x5300]  }
0x9d: {  	v14 =	vadd.f32 v14, v16;
	v16 =	vadd.f32 v19, v18;
	v18 =	vld [tilespmem:$0x1FF70]  }
0x9e: {  	v5 =	vld [tilespmem:s26+$0x6280]  }
0x9f: {  	v6 =	vld [tilespmem:s26+$0x6000];
	v13 =	vmul.f32 v13, v48  }
0xa0: {  	v11 =	vld [tilespmem:s26+$0x5080];
	v8 =	vmul.f32 v8, v53  }
0xa1: {  	v13 =	vadd.f32 v13, v15;
	v15 =	vld [tilespmem:s26+$0x6180]  }
0xa2: {  	v8 =	vadd.f32 v8, v10;
	v10 =	vld [tilespmem:$0x1FF80];
	v12 =	vmul.f32 v24, v12;
	v17 =	vmul.f32 v17, v18  }
0xa3: {  	v22 =	vld [tilespmem:s26+$0x6100]  }
0xa4: {  	v12 =	vadd.f32 v12, v14;
	v14 =	vadd.f32 v17, v16;
	v16 =	vld [tilespmem:$0x1FF90]  }
0xa5: {  	v9 =	vld [tilespmem:s26+$0x5280];
	v6 =	vmul.f32 v6, v55;
	v11 =	vmul.f32 v11, v49  }
0xa6: {  	v7 =	vld [tilespmem:s26+$0x6080]  }
0xa7: {  	v4 =	vmul.f32 v4, v50;
	v11 =	vadd.f32 v11, v13;
	v13 =	vld [tilespmem:s26+$0x6380];
	v6 =	vadd.f32 v6, v8  }
0xa8: {  	v8 =	vld [tilespmem:$0x1FFA0]  }
0xa9: {  	v4 =	vadd.f32 v4, v6;
	v6 =	vld [tilespmem:$0x1FFC0];
	v10 =	vmul.f32 v22, v10;
	v15 =	vmul.f32 v15, v16  }
0xaa: {  	v9 =	vmul.f32 v9, v52;
	v20 =	vld [tilespmem:s26+$0x6300]  }
0xab: {  	v10 =	vadd.f32 v10, v12;
	v12 =	vadd.f32 v15, v14;
	v14 =	vld [tilespmem:$0x1FFB0]  }
0xac: {  	v7 =	vmul.f32 v7, v56;
	v9 =	vadd.f32 v9, v11;
	v18 =	vld [tilespmem:s26+$0x7100]  }
0xad: {  	v11 =	vld [tilespmem:s26+$0x7180]  }
0xae: {  	v0 =	vmul.f32 v0, v63;
	v2 =	vmul.f32 v2, v57;
	v7 =	vadd.f32 v7, v9;
	v9 =	vld [tilespmem:s26+$0x7380]  }
0xaf: {  	v5 =	vmul.f32 v5, v58;
	v8 =	vmul.f32 v20, v8;
	v16 =	vld [tilespmem:s26+$0x7300]  }
0xb0: {  	v3 =	vmul.f32 v3, v60;
	v13 =	vmul.f32 v13, v14  }
0xb1: {  	v5 =	vadd.f32 v5, v7;
	v7 =	vadd.f32 v8, v10;
	v6 =	vmul.f32 v18, v6  }
0xb2: {  	v2 =	vadd.f32 v2, v4;
	v10 =	vmul.f32 v11, v62;
	v8 =	vadd.f32 v13, v12  }
0xb3: {  	v1 =	vmul.f32 v1, v54;
	v3 =	vadd.f32 v3, v5;
	v5 =	vadd.f32 v6, v7  }
0xb4: {  	v7 =	vmul.f32 v9, v61;
	v4 =	vmul.f32 v16, v59;
	v6 =	vadd.f32 v10, v8  }
0xb5: {  	v0 =	vadd.f32 v0, v2;
	v1 =	vadd.f32 v1, v3  }
0xb6: {  	v2 =	vadd.f32 v4, v5;
	v3 =	vadd.f32 v7, v6;
	_ =	sdelay $0x1  }
0xb7: {  	v0 =	vadd.f32 v1, v0;
	v1 =	vadd.f32 v3, v2;
	_ =	sdelay $0x1  }
0xb8: {  	s30 =	simm.s32 $0x10;
	s28 =	simm.s32 $0x80;
	v0 =	vadd.f32 v1, v0  }
0xb9: {  	s31 =	sand.u32 $0xC00, s28;
	s25 =	simm.s32 $0x10080;
	s24 =	sand.u32 $0x70, s30  }
0xba: {  	s26 =	sor.u32 s24, s31;
	[tilespmem:s25+$0x0] =	vst v0  }
0xbb: {  	v0 =	vld [tilespmem:s26+$0x7200]  }
0xbc: {  	v1 =	vld [tilespmem:s26+$0x7280]  }
0xbd: {  	v2 =	vld [tilespmem:s26+$0x7000]  }
0xbe: {  	v3 =	vld [tilespmem:s26+$0x7080]  }
0xbf: {  	v4 =	vld [tilespmem:s26+$0x6200]  }
0xc0: {  	v5 =	vld [tilespmem:s26+$0x6280]  }
0xc1: {  	v6 =	vld [tilespmem:s26+$0x6000]  }
0xc2: {  	v7 =	vld [tilespmem:s26+$0x6080]  }
0xc3: {  	v8 =	vld [tilespmem:s26+$0x5200]  }
0xc4: {  	v9 =	vld [tilespmem:s26+$0x5280]  }
0xc5: {  	v10 =	vld [tilespmem:s26+$0x5000]  }
0xc6: {  	v11 =	vld [tilespmem:s26+$0x5080]  }
0xc7: {  	v12 =	vld [tilespmem:s26+$0x4200]  }
0xc8: {  	v13 =	vld [tilespmem:s26+$0x4280]  }
0xc9: {  	v14 =	vld [tilespmem:s26+$0x4000]  }
0xca: {  	v15 =	vld [tilespmem:s26+$0x4080]  }
0xcb: {  	v16 =	vld [tilespmem:s26+$0x3200]  }
0xcc: {  	v17 =	vld [tilespmem:s26+$0x3280]  }
0xcd: {  	v18 =	vld [tilespmem:s26+$0x3000]  }
0xce: {  	v19 =	vld [tilespmem:s26+$0x3080]  }
0xcf: {  	v20 =	vld [tilespmem:s26+$0x2200]  }
0xd0: {  	v21 =	vld [tilespmem:s26+$0x2280]  }
0xd1: {  	v22 =	vld [tilespmem:s26+$0x2000];
	v0 =	vmul.f32 v0, v63;
	v1 =	vmul.f32 v1, v54  }
0xd2: {  	v23 =	vld [tilespmem:s26+$0x2080];
	v2 =	vmul.f32 v2, v57;
	v3 =	vmul.f32 v3, v60  }
0xd3: {  	v24 =	vld [tilespmem:s26+$0x1200];
	v4 =	vmul.f32 v4, v50;
	v5 =	vmul.f32 v5, v58  }
0xd4: {  	v25 =	vld [tilespmem:s26+$0x1280];
	v6 =	vmul.f32 v6, v55;
	v7 =	vmul.f32 v7, v56  }
0xd5: {  	v26 =	vld [tilespmem:s26+$0x1000];
	v8 =	vmul.f32 v8, v53;
	v9 =	vmul.f32 v9, v52  }
0xd6: {  	v27 =	vld [tilespmem:s26+$0x1080];
	v10 =	vmul.f32 v10, v51;
	v11 =	vmul.f32 v11, v49  }
0xd7: {  	v28 =	vld [tilespmem:s26+$0x200];
	v12 =	vmul.f32 v12, v47;
	v13 =	vmul.f32 v13, v48  }
0xd8: {  	v29 =	vld [tilespmem:s26+$0x280];
	v14 =	vmul.f32 v14, v45;
	v15 =	vmul.f32 v15, v46  }
0xd9: {  	v30 =	vld [tilespmem:s26+$0x0];
	v16 =	vmul.f32 v16, v43;
	v17 =	vmul.f32 v17, v44  }
0xda: {  	s29 =	simm.s32 $0x20;
	s24 =	sshll.u32 s23, $0xA;
	v31 =	vld [tilespmem:s26+$0x80];
	v18 =	vmul.f32 v18, v41;
	v19 =	vmul.f32 v19, v42  }
.LBB2_3:
0xdb: {  	v40 =	vld [tilespmem:$0x1FDD0];
	_ =	sdelay $0x2  }
0xdc: {  	v32 =	vld [tilespmem:s26+$0x100]  }
0xdd: {  	v37 =	vld [tilespmem:$0x1FE90]  }
0xde: {  	v27 =	vmul.f32 v27, v40;
	v40 =	vld [tilespmem:$0x1FD80]  }
0xdf: {  	v33 =	vld [tilespmem:$0x1FE80]  }
0xe0: {  	v34 =	vld [tilespmem:$0x1FE40]  }
0xe1: {  	v38 =	vld [tilespmem:$0x1FE50]  }
0xe2: {  	v21 =	vmul.f32 v21, v37;
	v37 =	vld [tilespmem:$0x1FD40]  }
0xe3: {  	v28 =	vmul.f32 v28, v40;
	v40 =	vld [tilespmem:$0x1FD90]  }
0xe4: {  	v35 =	vld [tilespmem:$0x1FE00]  }
0xe5: {  	v36 =	vld [tilespmem:$0x1FDC0]  }
0xe6: {  	v39 =	vld [tilespmem:$0x1FE10]  }
0xe7: {  	v20 =	vmul.f32 v20, v33;
	v33 =	vld [tilespmem:s26+$0x180]  }
0xe8: {  	v30 =	vmul.f32 v30, v37;
	v29 =	vmul.f32 v29, v40;
	v40 =	vld [tilespmem:$0x1FD50]  }
0xe9: {  	v22 =	vmul.f32 v22, v34;
	v34 =	vld [tilespmem:s26+$0x300]  }
0xea: {  	v26 =	vmul.f32 v26, v36;
	v36 =	vld [tilespmem:s26+$0x1100];
	v30 =	vadd.f32 $0.0e+00, v30  }
0xeb: {  	v23 =	vmul.f32 v23, v38;
	v38 =	vld [tilespmem:$0x1FD60]  }
0xec: {  	v28 =	vadd.f32 v28, v30;
	v30 =	vld [tilespmem:$0x1FDE0]  }
0xed: {  	v31 =	vmul.f32 v31, v40;
	v40 =	vld [tilespmem:$0x1FD70]  }
0xee: {  	v24 =	vmul.f32 v24, v35;
	v35 =	vld [tilespmem:s26+$0x380]  }
0xef: {  	v25 =	vmul.f32 v25, v39;
	v39 =	vld [tilespmem:$0x1FDA0]  }
0xf0: {  	v37 =	vld [tilespmem:s26+$0x1180]  }
0xf1: {  	v30 =	vmul.f32 v36, v30;
	v36 =	vld [tilespmem:$0x1FDF0]  }
0xf2: {  	v32 =	vmul.f32 v32, v38;
	v33 =	vmul.f32 v33, v40;
	v40 =	vld [tilespmem:$0x1FDB0];
	_ =	sdelay $0x1  }
0xf3: {  	v38 =	vld [tilespmem:s26+$0x1300];
	v34 =	vmul.f32 v34, v39;
	v32 =	vadd.f32 $0.0e+00, v32  }
0xf4: {  	v39 =	vld [tilespmem:s26+$0x1380]  }
0xf5: {  	v32 =	vadd.f32 v34, v32;
	v26 =	vadd.f32 v26, v28;
	v34 =	vmul.f32 v37, v36;
	v37 =	vld [tilespmem:$0x1FE30]  }
0xf6: {  	v28 =	vld [tilespmem:$0x1FE20];
	v31 =	vadd.f32 $0.0e+00, v31;
	v33 =	vadd.f32 $0.0e+00, v33;
	v35 =	vmul.f32 v35, v40  }
0xf7: {  	v24 =	vadd.f32 v24, v26;
	v26 =	vld [tilespmem:$0x1FE60]  }
0xf8: {  	v29 =	vadd.f32 v29, v31;
	v31 =	vld [tilespmem:s26+$0x2180];
	v33 =	vadd.f32 v35, v33  }
0xf9: {  	v40 =	vld [tilespmem:s26+$0x2100]  }
0xfa: {  	v36 =	vadd.f32 v34, v33;
	v33 =	vmul.f32 v39, v37;
	v39 =	vld [tilespmem:$0x1FE70];
	_ =	sdelay $0x1  }
0xfb: {  	v28 =	vmul.f32 v38, v28;
	v30 =	vadd.f32 v30, v32  }
0xfc: {  	v22 =	vadd.f32 v22, v24  }
0xfd: {  	v24 =	vld [tilespmem:$0x1FEA0];
	v28 =	vadd.f32 v28, v30;
	v27 =	vadd.f32 v27, v29  }
0xfe: {  	v29 =	vld [tilespmem:s26+$0x2380];
	v26 =	vmul.f32 v40, v26;
	v30 =	vadd.f32 v33, v36;
	v31 =	vmul.f32 v31, v39  }
0xff: {  	v35 =	vld [tilespmem:s26+$0x2300]  }
0x100: {  	v26 =	vadd.f32 v26, v28;
	v28 =	vadd.f32 v31, v30;
	v30 =	vld [tilespmem:$0x1FEB0];
	_ =	sdelay $0x3  }
0x101: {  	v38 =	vld [tilespmem:s26+$0x3100]  }
0x102: {  	v20 =	vadd.f32 v20, v22;
	v22 =	vld [tilespmem:$0x1FEC0];
	v24 =	vmul.f32 v35, v24;
	v29 =	vmul.f32 v29, v30  }
0x103: {  	v25 =	vadd.f32 v25, v27;
	v27 =	vld [tilespmem:s26+$0x3180]  }
0x104: {  	v24 =	vadd.f32 v24, v26;
	v26 =	vadd.f32 v29, v28;
	v28 =	vld [tilespmem:$0x1FED0];
	_ =	sdelay $0x3  }
0x105: {  	v18 =	vadd.f32 v18, v20;
	v20 =	vld [tilespmem:$0x1FEE0]  }
0x106: {  	v22 =	vmul.f32 v38, v22;
	v23 =	vadd.f32 v23, v25;
	v25 =	vld [tilespmem:s26+$0x3380];
	v27 =	vmul.f32 v27, v28  }
0x107: {  	v40 =	vld [tilespmem:s26+$0x3300]  }
0x108: {  	v22 =	vadd.f32 v22, v24;
	v24 =	vadd.f32 v27, v26;
	v26 =	vld [tilespmem:$0x1FEF0];
	_ =	sdelay $0x3  }
0x109: {  	v16 =	vadd.f32 v16, v18;
	v18 =	vld [tilespmem:$0x1FF00]  }
0x10a: {  	v21 =	vadd.f32 v21, v23;
	v23 =	vld [tilespmem:s26+$0x4180];
	v20 =	vmul.f32 v40, v20;
	v25 =	vmul.f32 v25, v26  }
0x10b: {  	v30 =	vld [tilespmem:s26+$0x4100]  }
0x10c: {  	v20 =	vadd.f32 v20, v22;
	v22 =	vadd.f32 v25, v24;
	v24 =	vld [tilespmem:$0x1FF10];
	_ =	sdelay $0x3  }
0x10d: {  	v14 =	vadd.f32 v14, v16;
	v16 =	vld [tilespmem:$0x1FF20]  }
0x10e: {  	v19 =	vadd.f32 v19, v21;
	v21 =	vld [tilespmem:s26+$0x4380];
	v18 =	vmul.f32 v30, v18;
	v23 =	vmul.f32 v23, v24  }
0x10f: {  	v28 =	vld [tilespmem:s26+$0x4300]  }
0x110: {  	v18 =	vadd.f32 v18, v20;
	v20 =	vadd.f32 v23, v22;
	v22 =	vld [tilespmem:$0x1FF30];
	_ =	sdelay $0x3  }
0x111: {  	v12 =	vadd.f32 v12, v14;
	v14 =	vld [tilespmem:$0x1FF40]  }
0x112: {  	v17 =	vadd.f32 v17, v19;
	v19 =	vld [tilespmem:s26+$0x5180];
	v16 =	vmul.f32 v28, v16;
	v21 =	vmul.f32 v21, v22  }
0x113: {  	v26 =	vld [tilespmem:s26+$0x5100]  }
0x114: {  	v16 =	vadd.f32 v16, v18;
	v18 =	vadd.f32 v21, v20;
	v20 =	vld [tilespmem:$0x1FF50];
	_ =	sdelay $0x3  }
0x115: {  	v10 =	vadd.f32 v10, v12;
	v12 =	vld [tilespmem:$0x1FF60]  }
0x116: {  	v15 =	vadd.f32 v15, v17;
	v17 =	vld [tilespmem:s26+$0x5380];
	v14 =	vmul.f32 v26, v14;
	v19 =	vmul.f32 v19, v20  }
0x117: {  	v24 =	vld [tilespmem:s26+$0x5300]  }
0x118: {  	v14 =	vadd.f32 v14, v16;
	v16 =	vadd.f32 v19, v18;
	v18 =	vld [tilespmem:$0x1FF70];
	_ =	sdelay $0x3  }
0x119: {  	v8 =	vadd.f32 v8, v10;
	v10 =	vld [tilespmem:$0x1FF80]  }
0x11a: {  	v13 =	vadd.f32 v13, v15;
	v15 =	vld [tilespmem:s26+$0x6180];
	v12 =	vmul.f32 v24, v12;
	v17 =	vmul.f32 v17, v18  }
0x11b: {  	v22 =	vld [tilespmem:s26+$0x6100]  }
0x11c: {  	v12 =	vadd.f32 v12, v14;
	v14 =	vadd.f32 v17, v16;
	v16 =	vld [tilespmem:$0x1FF90];
	_ =	sdelay $0x1  }
0x11d: {  	v6 =	vadd.f32 v6, v8  }
0x11e: {  	v8 =	vld [tilespmem:$0x1FFA0]  }
0x11f: {  	v4 =	vadd.f32 v4, v6;
	v6 =	vld [tilespmem:$0x1FFC0]  }
0x120: {  	v11 =	vadd.f32 v11, v13;
	v13 =	vld [tilespmem:s26+$0x6380];
	v10 =	vmul.f32 v22, v10;
	v15 =	vmul.f32 v15, v16  }
0x121: {  	v20 =	vld [tilespmem:s26+$0x6300]  }
0x122: {  	v10 =	vadd.f32 v10, v12;
	v12 =	vadd.f32 v15, v14;
	v14 =	vld [tilespmem:$0x1FFB0]  }
0x123: {  	v9 =	vadd.f32 v9, v11;
	v18 =	vld [tilespmem:s26+$0x7100]  }
0x124: {  	v11 =	vld [tilespmem:s26+$0x7180]  }
0x125: {  	v7 =	vadd.f32 v7, v9;
	v9 =	vld [tilespmem:s26+$0x7380]  }
0x126: {  	v8 =	vmul.f32 v20, v8;
	v16 =	vld [tilespmem:s26+$0x7300]  }
0x127: {  	v13 =	vmul.f32 v13, v14  }
0x128: {  	v5 =	vadd.f32 v5, v7;
	v7 =	vadd.f32 v8, v10;
	v6 =	vmul.f32 v18, v6  }
0x129: {  	v2 =	vadd.f32 v2, v4;
	v10 =	vmul.f32 v11, v62;
	v8 =	vadd.f32 v13, v12  }
0x12a: {  	v3 =	vadd.f32 v3, v5;
	v5 =	vadd.f32 v6, v7  }
0x12b: {  	v7 =	vmul.f32 v9, v61;
	v4 =	vmul.f32 v16, v59;
	v6 =	vadd.f32 v10, v8  }
0x12c: {  	v0 =	vadd.f32 v0, v2;
	v1 =	vadd.f32 v1, v3  }
0x12d: {  	v2 =	vadd.f32 v4, v5;
	v3 =	vadd.f32 v7, v6;
	_ =	sdelay $0x1  }
0x12e: {  	v0 =	vadd.f32 v1, v0;
	v1 =	vadd.f32 v3, v2;
	_ =	sdelay $0x1  }
0x12f: {  	s28 =	sadd.s32 $0x80, s28;
	v0 =	vadd.f32 v1, v0  }
0x130: {  	s31 =	sand.u32 $0x70, s29;
	s25 =	sadd.s32 $0x10, s25;
	s30 =	sand.u32 $0xC00, s28  }
0x131: {  	s26 =	sor.u32 s31, s30;
	[tilespmem:s25+$0x0] =	vst v0  }
0x132: {  	v0 =	vld [tilespmem:s26+$0x7200]  }
0x133: {  	v1 =	vld [tilespmem:s26+$0x7280]  }
0x134: {  	v2 =	vld [tilespmem:s26+$0x7000]  }
0x135: {  	v3 =	vld [tilespmem:s26+$0x7080]  }
0x136: {  	v4 =	vld [tilespmem:s26+$0x6200]  }
0x137: {  	v5 =	vld [tilespmem:s26+$0x6280]  }
0x138: {  	v6 =	vld [tilespmem:s26+$0x6000]  }
0x139: {  	v7 =	vld [tilespmem:s26+$0x6080]  }
0x13a: {  	v8 =	vld [tilespmem:s26+$0x5200]  }
0x13b: {  	v9 =	vld [tilespmem:s26+$0x5280]  }
0x13c: {  	v10 =	vld [tilespmem:s26+$0x5000]  }
0x13d: {  	v11 =	vld [tilespmem:s26+$0x5080]  }
0x13e: {  	v12 =	vld [tilespmem:s26+$0x4200]  }
0x13f: {  	v13 =	vld [tilespmem:s26+$0x4280]  }
0x140: {  	v14 =	vld [tilespmem:s26+$0x4000]  }
0x141: {  	v15 =	vld [tilespmem:s26+$0x4080]  }
0x142: {  	v16 =	vld [tilespmem:s26+$0x3200]  }
0x143: {  	v17 =	vld [tilespmem:s26+$0x3280]  }
0x144: {  	v18 =	vld [tilespmem:s26+$0x3000]  }
0x145: {  	v19 =	vld [tilespmem:s26+$0x3080]  }
0x146: {  	v20 =	vld [tilespmem:s26+$0x2200]  }
0x147: {  	v21 =	vld [tilespmem:s26+$0x2280]  }
0x148: {  	v22 =	vld [tilespmem:s26+$0x2000];
	v0 =	vmul.f32 v0, v63;
	v1 =	vmul.f32 v1, v54  }
0x149: {  	v23 =	vld [tilespmem:s26+$0x2080];
	v2 =	vmul.f32 v2, v57;
	v3 =	vmul.f32 v3, v60  }
0x14a: {  	v24 =	vld [tilespmem:s26+$0x1200];
	v4 =	vmul.f32 v4, v50;
	v5 =	vmul.f32 v5, v58  }
0x14b: {  	v25 =	vld [tilespmem:s26+$0x1280];
	v6 =	vmul.f32 v6, v55;
	v7 =	vmul.f32 v7, v56  }
0x14c: {  	p1 =	sne.s32 s29, $0x1F0;
	v26 =	vld [tilespmem:s26+$0x1000];
	v8 =	vmul.f32 v8, v53;
	v9 =	vmul.f32 v9, v52  }
.Ltmp0:
0x14d: {  	v27 =	vld [tilespmem:s26+$0x1080];
	v10 =	vmul.f32 v10, v51;
	v11 =	vmul.f32 v11, v49;
	(pc) =	sbr.rel @p1 .LBB2_3-.Ltmp0, $4  }
0x14e: {  	v28 =	vld [tilespmem:s26+$0x200];
	v12 =	vmul.f32 v12, v47;
	v13 =	vmul.f32 v13, v48  }
0x14f: {  	v29 =	vld [tilespmem:s26+$0x280];
	v14 =	vmul.f32 v14, v45;
	v15 =	vmul.f32 v15, v46  }
0x150: {  	v30 =	vld [tilespmem:s26+$0x0];
	v16 =	vmul.f32 v16, v43;
	v17 =	vmul.f32 v17, v44  }
0x151: {  	s29 =	sadd.s32 $0x10, s29;
	v31 =	vld [tilespmem:s26+$0x80];
	v18 =	vmul.f32 v18, v41;
	v19 =	vmul.f32 v19, v42  }
0x152: {  	v39 =	vld [tilespmem:$0x1FD40];
	_ =	sdelay $0x1  }
0x153: {  	v37 =	vld [tilespmem:$0x1FD80];
	_ =	sdelay $0x2  }
0x154: {  	v30 =	vmul.f32 v30, v39;
	_ =	sdelay $0x1  }
0x155: {  	v28 =	vmul.f32 v28, v37;
	v30 =	vadd.f32 $0.0e+00, v30  }
0x156: {  	v34 =	vld [tilespmem:s26+$0x300]  }
0x157: {  	v30 =	vadd.f32 v28, v30;
	v28 =	vld [tilespmem:$0x1FDA0];
	_ =	sdelay $0x2  }
0x158: {  	v32 =	vld [tilespmem:s26+$0x100]  }
0x159: {  	v35 =	vld [tilespmem:s26+$0x380]  }
0x15a: {  	v34 =	vmul.f32 v34, v28;
	v28 =	vld [tilespmem:$0x1FDB0]  }
0x15b: {  	v38 =	vld [tilespmem:$0x1FD60];
	_ =	sdelay $0x3  }
0x15c: {  	v35 =	vmul.f32 v35, v28;
	v28 =	vld [tilespmem:$0x1FDC0]  }
0x15d: {  	v32 =	vmul.f32 v32, v38;
	v38 =	vld [tilespmem:$0x1FD90];
	_ =	sdelay $0x2  }
0x15e: {  	v33 =	vld [tilespmem:s26+$0x180]  }
0x15f: {  	v28 =	vmul.f32 v26, v28;
	v26 =	vld [tilespmem:$0x1FDD0]  }
0x160: {  	v29 =	vmul.f32 v29, v38;
	v38 =	vld [tilespmem:$0x1FD70];
	_ =	sdelay $0x1  }
0x161: {  	v36 =	vld [tilespmem:s26+$0x1100]  }
0x162: {  	v40 =	vld [tilespmem:$0x1FD50]  }
0x163: {  	v27 =	vmul.f32 v27, v26;
	v26 =	vld [tilespmem:$0x1FDE0]  }
0x164: {  	v33 =	vmul.f32 v33, v38;
	_ =	sdelay $0x1  }
0x165: {  	v33 =	vadd.f32 $0.0e+00, v33  }
0x166: {  	v37 =	vld [tilespmem:s26+$0x1180]  }
0x167: {  	v31 =	vmul.f32 v31, v40;
	v33 =	vadd.f32 v35, v33;
	v35 =	vmul.f32 v36, v26;
	v26 =	vld [tilespmem:$0x1FDF0];
	_ =	sdelay $0x1  }
0x168: {  	v31 =	vadd.f32 $0.0e+00, v31  }
0x169: {  	v32 =	vadd.f32 $0.0e+00, v32  }
0x16a: {  	v29 =	vadd.f32 v29, v31  }
0x16b: {  	v32 =	vadd.f32 v34, v32;
	v36 =	vmul.f32 v37, v26  }
0x16c: {  	v38 =	vld [tilespmem:s26+$0x1300];
	v27 =	vadd.f32 v27, v29  }
0x16d: {  	v29 =	vadd.f32 v35, v32;
	v32 =	vadd.f32 v36, v33;
	v36 =	vld [tilespmem:$0x1FE20];
	_ =	sdelay $0x2  }
0x16e: {  	v31 =	vld [tilespmem:s26+$0x1380]  }
0x16f: {  	v37 =	vld [tilespmem:$0x1FE10]  }
0x170: {  	v26 =	vadd.f32 v28, v30;
	v30 =	vmul.f32 v38, v36;
	v38 =	vld [tilespmem:$0x1FE30];
	_ =	sdelay $0x2  }
0x171: {  	v28 =	vld [tilespmem:$0x1FE00]  }
0x172: {  	v34 =	vld [tilespmem:s26+$0x2100];
	v25 =	vmul.f32 v25, v37  }
0x173: {  	v31 =	vmul.f32 v31, v38;
	v38 =	vld [tilespmem:$0x1FE40]  }
0x174: {  	v25 =	vadd.f32 v25, v27;
	v27 =	vld [tilespmem:$0x1FE60];
	_ =	sdelay $0x1  }
0x175: {  	v24 =	vmul.f32 v24, v28;
	_ =	sdelay $0x1  }
0x176: {  	v28 =	vld [tilespmem:s26+$0x2180];
	v24 =	vadd.f32 v24, v26;
	v22 =	vmul.f32 v22, v38  }
0x177: {  	v29 =	vadd.f32 v30, v29;
	v30 =	vmul.f32 v34, v27;
	v34 =	vld [tilespmem:$0x1FE80]  }
0x178: {  	v27 =	vadd.f32 v22, v24;
	v22 =	vld [tilespmem:$0x1FE70];
	_ =	sdelay $0x4  }
0x179: {  	v24 =	vmul.f32 v28, v22;
	v22 =	vmul.f32 v20, v34;
	v20 =	vld [tilespmem:$0x1FE90];
	_ =	sdelay $0x3  }
0x17a: {  	v35 =	vld [tilespmem:s26+$0x2300]  }
0x17b: {  	v21 =	vmul.f32 v21, v20;
	v20 =	vld [tilespmem:$0x1FEA0]  }
0x17c: {  	v38 =	vld [tilespmem:$0x1FE50];
	_ =	sdelay $0x1  }
0x17d: {  	v33 =	vld [tilespmem:s26+$0x3100]  }
0x17e: {  	v26 =	vld [tilespmem:s26+$0x2380]  }
0x17f: {  	v28 =	vadd.f32 v30, v29;
	v30 =	vmul.f32 v35, v20;
	v20 =	vld [tilespmem:$0x1FEB0]  }
0x180: {  	v23 =	vmul.f32 v23, v38;
	v35 =	vld [tilespmem:$0x1FEC0]  }
0x181: {  	v31 =	vadd.f32 v31, v32;
	v32 =	vld [tilespmem:$0x1FEE0]  }
0x182: {  	v23 =	vadd.f32 v23, v25;
	v25 =	vld [tilespmem:s26+$0x3300];
	_ =	sdelay $0x1  }
0x183: {  	v38 =	vld [tilespmem:s26+$0x3180]  }
0x184: {  	v26 =	vmul.f32 v26, v20;
	v20 =	vadd.f32 v22, v27;
	v22 =	vmul.f32 v33, v35;
	v33 =	vld [tilespmem:$0x1FED0]  }
0x185: {  	v29 =	vld [tilespmem:s26+$0x3380]  }
0x186: {  	v18 =	vadd.f32 v18, v20;
	v20 =	vmul.f32 v25, v32;
	v25 =	vld [tilespmem:$0x1FEF0]  }
0x187: {  	v24 =	vadd.f32 v24, v31;
	_ =	sdelay $0x1  }
0x188: {  	v27 =	vadd.f32 v30, v28;
	v24 =	vadd.f32 v26, v24;
	v26 =	vmul.f32 v38, v33  }
0x189: {  	v31 =	vld [tilespmem:s26+$0x4100];
	v21 =	vadd.f32 v21, v23  }
0x18a: {  	v23 =	vld [tilespmem:s26+$0x4180];
	v22 =	vadd.f32 v22, v27;
	v24 =	vadd.f32 v26, v24;
	v25 =	vmul.f32 v29, v25  }
0x18b: {  	v16 =	vadd.f32 v16, v18;
	v18 =	vld [tilespmem:$0x1FF00]  }
0x18c: {  	v20 =	vadd.f32 v20, v22;
	v22 =	vadd.f32 v25, v24;
	v24 =	vld [tilespmem:$0x1FF10];
	_ =	sdelay $0x3  }
0x18d: {  	v19 =	vadd.f32 v19, v21;
	v21 =	vld [tilespmem:s26+$0x4380]  }
0x18e: {  	v28 =	vld [tilespmem:s26+$0x4300];
	v18 =	vmul.f32 v31, v18;
	v23 =	vmul.f32 v23, v24  }
0x18f: {  	v14 =	vadd.f32 v14, v16;
	v16 =	vld [tilespmem:$0x1FF20]  }
0x190: {  	v18 =	vadd.f32 v18, v20;
	v20 =	vadd.f32 v23, v22;
	v22 =	vld [tilespmem:$0x1FF30];
	_ =	sdelay $0x3  }
0x191: {  	v17 =	vadd.f32 v17, v19;
	v19 =	vld [tilespmem:s26+$0x5180]  }
0x192: {  	v26 =	vld [tilespmem:s26+$0x5100];
	v16 =	vmul.f32 v28, v16;
	v21 =	vmul.f32 v21, v22  }
0x193: {  	v12 =	vadd.f32 v12, v14;
	v14 =	vld [tilespmem:$0x1FF40]  }
0x194: {  	v16 =	vadd.f32 v16, v18;
	v18 =	vadd.f32 v21, v20;
	v20 =	vld [tilespmem:$0x1FF50];
	_ =	sdelay $0x3  }
0x195: {  	v15 =	vadd.f32 v15, v17;
	v17 =	vld [tilespmem:s26+$0x5380]  }
0x196: {  	v10 =	vadd.f32 v10, v12;
	v12 =	vld [tilespmem:$0x1FF60];
	v14 =	vmul.f32 v26, v14;
	v19 =	vmul.f32 v19, v20  }
0x197: {  	v24 =	vld [tilespmem:s26+$0x5300]  }
0x198: {  	v14 =	vadd.f32 v14, v16;
	v16 =	vadd.f32 v19, v18;
	v18 =	vld [tilespmem:$0x1FF70];
	_ =	sdelay $0x3  }
0x199: {  	v13 =	vadd.f32 v13, v15;
	v15 =	vld [tilespmem:s26+$0x6180]  }
0x19a: {  	v8 =	vadd.f32 v8, v10;
	v10 =	vld [tilespmem:$0x1FF80];
	v12 =	vmul.f32 v24, v12;
	v17 =	vmul.f32 v17, v18  }
0x19b: {  	v22 =	vld [tilespmem:s26+$0x6100]  }
0x19c: {  	v12 =	vadd.f32 v12, v14;
	v14 =	vadd.f32 v17, v16;
	v16 =	vld [tilespmem:$0x1FF90];
	_ =	sdelay $0x2  }
0x19d: {  	v11 =	vadd.f32 v11, v13;
	v13 =	vld [tilespmem:s26+$0x6380];
	v6 =	vadd.f32 v6, v8  }
0x19e: {  	v8 =	vld [tilespmem:$0x1FFA0]  }
0x19f: {  	v4 =	vadd.f32 v4, v6;
	v6 =	vld [tilespmem:$0x1FFC0];
	v10 =	vmul.f32 v22, v10;
	v15 =	vmul.f32 v15, v16  }
0x1a0: {  	v20 =	vld [tilespmem:s26+$0x6300]  }
0x1a1: {  	v10 =	vadd.f32 v10, v12;
	v12 =	vadd.f32 v15, v14;
	v14 =	vld [tilespmem:$0x1FFB0]  }
0x1a2: {  	v9 =	vadd.f32 v9, v11;
	v18 =	vld [tilespmem:s26+$0x7100]  }
0x1a3: {  	v11 =	vld [tilespmem:s26+$0x7180]  }
0x1a4: {  	v7 =	vadd.f32 v7, v9;
	v9 =	vld [tilespmem:s26+$0x7380]  }
0x1a5: {  	v8 =	vmul.f32 v20, v8;
	v16 =	vld [tilespmem:s26+$0x7300]  }
0x1a6: {  	v5 =	vadd.f32 v5, v7;
	v13 =	vmul.f32 v13, v14  }
0x1a7: {  	v7 =	vadd.f32 v8, v10;
	v6 =	vmul.f32 v18, v6  }
0x1a8: {  	v3 =	vadd.f32 v3, v5;
	v10 =	vmul.f32 v11, v62;
	v8 =	vadd.f32 v13, v12  }
0x1a9: {  	v2 =	vadd.f32 v2, v4;
	v5 =	vadd.f32 v6, v7  }
0x1aa: {  	v7 =	vmul.f32 v9, v61;
	v4 =	vmul.f32 v16, v59;
	v6 =	vadd.f32 v10, v8  }
0x1ab: {  	v1 =	vadd.f32 v1, v3;
	v0 =	vadd.f32 v0, v2  }
0x1ac: {  	v2 =	vadd.f32 v4, v5;
	v3 =	vadd.f32 v7, v6;
	_ =	sdelay $0x1  }
0x1ad: {  	v0 =	vadd.f32 v1, v0;
	v1 =	vadd.f32 v3, v2;
	_ =	sdelay $0x1  }
0x1ae: {  	s31 =	sadd.s32 s3, s24;
	v0 =	vadd.f32 v1, v0  }
0x1af: {  	s25 =	sadd.s32 $0x10, s25;
	s26 =	sshrl.u32 s31, $0x3  }
0x1b0: {  	s26 =	sadd.s32 s6, s26;
	[tilespmem:s25+$0x0] =	vst v0  }
0x1b1: {  	[hbm4b:s26+s2] =	stream.linear.scatter [tilespmem:s18], [sflag:$0x3], $0x200, $0x38;
	[tilespmem:$0x10480] =	vst v63  }
0x1b2: {  	s30 =	sadd.s32 s24, s8  }
0x1b3: {  	[tilespmem:s2], [sflag:$0x1] =	stream.strided.gather [hbm4b:s30+s14], $0x8000, s15, s14, $0x38;
	[tilespmem:$0x10480] =	vst v63  }
0x1b4: {  	_ =	swait.ge [sflag:s19], $0x8000  }
0x1b5: {  	[sflag:s19] =	ssyncset.done $0x0  }
0x1b6: {  	s25 =	simm.s32 @!p0 $0x3;
	[sflag:s19] =	ssyncadd.s32 $0xFFFF8000  }
0x1b7: {  	s31 =	simm.s32 $0x0;
	_ =	swait.ge @!p0 [sflag:s25], $0x200  }
0x1b8: {  	s28 =	sand.u32 $0x70, s31;
	s26 =	sand.u32 $0xC00, s31;
	[sflag:s25] =	ssyncset.done @!p0 $0x0  }
0x1b9: {  	s30 =	sor.u32 s28, s26;
	[sflag:s25] =	ssyncadd.s32 @!p0 $0xFFFFFE00  }
0x1ba: {  	v23 =	vld [tilespmem:s30+$0x8080];
	_ =	sdelay $0x3  }
0x1bb: {  	v26 =	vld [tilespmem:s30+$0x8180]  }
0x1bc: {  	v23 =	vmul.f32 v23, v40;
	v40 =	vld [tilespmem:$0x1FD70];
	_ =	sdelay $0x3  }
0x1bd: {  	v27 =	vld [tilespmem:s30+$0x8300]  }
0x1be: {  	v26 =	vmul.f32 v26, v40;
	v40 =	vld [tilespmem:$0x1FDA0];
	_ =	sdelay $0x2  }
0x1bf: {  	v30 =	vld [tilespmem:$0x1FD80]  }
0x1c0: {  	v28 =	vld [tilespmem:s30+$0x8380]  }
0x1c1: {  	v27 =	vmul.f32 v27, v40;
	v40 =	vld [tilespmem:$0x1FDB0]  }
0x1c2: {  	v31 =	vld [tilespmem:$0x1FD90]  }
0x1c3: {  	v21 =	vld [tilespmem:s30+$0x8200]  }
0x1c4: {  	v24 =	vld [tilespmem:s30+$0x8280]  }
0x1c5: {  	v29 =	vld [tilespmem:s30+$0x9000]  }
0x1c6: {  	v28 =	vmul.f32 v28, v40;
	v40 =	vld [tilespmem:$0x1FDC0]  }
0x1c7: {  	v22 =	vld [tilespmem:s30+$0x8000]  }
0x1c8: {  	v25 =	vld [tilespmem:s30+$0x8100]  }
0x1c9: {  	v21 =	vmul.f32 v21, v30;
	v30 =	vld [tilespmem:s30+$0x9080]  }
0x1ca: {  	v24 =	vmul.f32 v24, v31;
	v31 =	vld [tilespmem:$0x1FD60]  }
0x1cb: {  	v29 =	vmul.f32 v29, v40;
	v40 =	vld [tilespmem:$0x1FDD0];
	_ =	sdelay $0x3  }
0x1cc: {  	v25 =	vmul.f32 v25, v31;
	v31 =	vld [tilespmem:s30+$0x9100]  }
0x1cd: {  	v22 =	vmul.f32 v22, v39;
	v30 =	vmul.f32 v30, v40;
	v40 =	vld [tilespmem:$0x1FDE0];
	_ =	sdelay $0x1  }
0x1ce: {  	v22 =	vadd.f32 $0.0e+00, v22;
	_ =	sdelay $0x1  }
0x1cf: {  	v21 =	vadd.f32 v21, v22;
	v22 =	vld [tilespmem:s30+$0x9180]  }
0x1d0: {  	v31 =	vmul.f32 v31, v40;
	v40 =	vld [tilespmem:$0x1FDF0];
	_ =	sdelay $0x1  }
0x1d1: {  	v23 =	vadd.f32 $0.0e+00, v23;
	_ =	sdelay $0x1  }
0x1d2: {  	v23 =	vadd.f32 v24, v23;
	v24 =	vld [tilespmem:s30+$0x9200]  }
0x1d3: {  	v22 =	vmul.f32 v22, v40;
	v40 =	vld [tilespmem:$0x1FE00];
	_ =	sdelay $0x3  }
0x1d4: {  	v21 =	vadd.f32 v29, v21;
	v29 =	vld [tilespmem:s30+$0x9380]  }
0x1d5: {  	v24 =	vmul.f32 v24, v40;
	v40 =	vld [tilespmem:$0x1FE30]  }
0x1d6: {  	v38 =	vld [tilespmem:$0x1FEA0]  }
0x1d7: {  	v0 =	vld [tilespmem:s30+$0xF200]  }
0x1d8: {  	v1 =	vld [tilespmem:s30+$0xF280]  }
0x1d9: {  	v23 =	vadd.f32 v30, v23;
	v30 =	vld [tilespmem:s30+$0xA000]  }
0x1da: {  	v25 =	vadd.f32 $0.0e+00, v25;
	v29 =	vmul.f32 v29, v40;
	v40 =	vld [tilespmem:$0x1FE40]  }
0x1db: {  	v2 =	vld [tilespmem:s30+$0xF000]  }
0x1dc: {  	v3 =	vld [tilespmem:s30+$0xF080];
	v25 =	vadd.f32 v27, v25  }
0x1dd: {  	v16 =	vld [tilespmem:s30+$0xB200]  }
0x1de: {  	v25 =	vadd.f32 v31, v25;
	v31 =	vld [tilespmem:s30+$0xA080]  }
0x1df: {  	v26 =	vadd.f32 $0.0e+00, v26;
	v30 =	vmul.f32 v30, v40;
	v40 =	vld [tilespmem:$0x1FE50]  }
0x1e0: {  	v18 =	vld [tilespmem:s30+$0xB000]  }
0x1e1: {  	v27 =	vld [tilespmem:s30+$0x9280];
	v26 =	vadd.f32 v28, v26  }
0x1e2: {  	v28 =	vld [tilespmem:s30+$0x9300]  }
0x1e3: {  	v22 =	vadd.f32 v22, v26;
	v26 =	vld [tilespmem:s30+$0xA100]  }
0x1e4: {  	v31 =	vmul.f32 v31, v40;
	v40 =	vld [tilespmem:$0x1FE60]  }
0x1e5: {  	v20 =	vld [tilespmem:s30+$0xA200]  }
0x1e6: {  	v39 =	vld [tilespmem:$0x1FEB0]  }
0x1e7: {  	v27 =	vmul.f32 v27, v37;
	v37 =	vld [tilespmem:$0x1FE90]  }
0x1e8: {  	v28 =	vmul.f32 v28, v36;
	v21 =	vadd.f32 v24, v21;
	v24 =	vld [tilespmem:s30+$0xA180]  }
0x1e9: {  	v26 =	vmul.f32 v26, v40;
	v40 =	vld [tilespmem:$0x1FE70]  }
0x1ea: {  	v23 =	vadd.f32 v27, v23;
	v27 =	vld [tilespmem:s30+$0xA280];
	v25 =	vadd.f32 v28, v25  }
0x1eb: {  	v28 =	vld [tilespmem:s30+$0xA300]  }
0x1ec: {  	v25 =	vadd.f32 v26, v25;
	v26 =	vld [tilespmem:s30+$0xB300]  }
0x1ed: {  	v20 =	vmul.f32 v20, v34;
	v22 =	vadd.f32 v29, v22;
	v29 =	vld [tilespmem:s30+$0xA380];
	v21 =	vadd.f32 v30, v21  }
0x1ee: {  	v30 =	vld [tilespmem:s30+$0xB100];
	v24 =	vmul.f32 v24, v40  }
0x1ef: {  	v18 =	vmul.f32 v18, v41;
	v20 =	vadd.f32 v20, v21;
	v23 =	vadd.f32 v31, v23;
	v31 =	vld [tilespmem:s30+$0xB180]  }
0x1f0: {  	v22 =	vadd.f32 v24, v22;
	v24 =	vld [tilespmem:s30+$0xB380]  }
0x1f1: {  	v16 =	vmul.f32 v16, v43;
	v18 =	vadd.f32 v18, v20;
	v20 =	vmul.f32 v26, v32;
	v26 =	vld [tilespmem:$0x1FEF0]  }
0x1f2: {  	v28 =	vmul.f32 v28, v38;
	v29 =	vmul.f32 v29, v39;
	v21 =	vld [tilespmem:s30+$0xC100]  }
0x1f3: {  	v16 =	vadd.f32 v16, v18;
	v18 =	vld [tilespmem:$0x1FF00]  }
0x1f4: {  	v4 =	vld [tilespmem:s30+$0xE200];
	v25 =	vadd.f32 v28, v25;
	v28 =	vmul.f32 v31, v33;
	v22 =	vadd.f32 v29, v22  }
0x1f5: {  	v14 =	vld [tilespmem:s30+$0xC000];
	v27 =	vmul.f32 v27, v37  }
0x1f6: {  	v19 =	vld [tilespmem:s30+$0xB080];
	v22 =	vadd.f32 v28, v22;
	v24 =	vmul.f32 v24, v26  }
0x1f7: {  	v23 =	vadd.f32 v27, v23;
	v27 =	vmul.f32 v30, v35;
	v30 =	vld [tilespmem:s30+$0xC180]  }
0x1f8: {  	v18 =	vmul.f32 v21, v18;
	v21 =	vadd.f32 v24, v22;
	v22 =	vld [tilespmem:$0x1FF10]  }
0x1f9: {  	v5 =	vld [tilespmem:s30+$0xE280]  }
0x1fa: {  	v12 =	vld [tilespmem:s30+$0xC200];
	v14 =	vmul.f32 v14, v45  }
0x1fb: {  	v17 =	vld [tilespmem:s30+$0xB280];
	v19 =	vmul.f32 v19, v42;
	v25 =	vadd.f32 v27, v25  }
0x1fc: {  	v14 =	vadd.f32 v14, v16;
	v16 =	vld [tilespmem:$0x1FF20]  }
0x1fd: {  	v19 =	vadd.f32 v19, v23;
	v23 =	vld [tilespmem:s30+$0xC380];
	v20 =	vadd.f32 v20, v25;
	v22 =	vmul.f32 v30, v22  }
0x1fe: {  	v29 =	vld [tilespmem:s30+$0xC300]  }
0x1ff: {  	v18 =	vadd.f32 v18, v20;
	v20 =	vadd.f32 v22, v21;
	v21 =	vld [tilespmem:$0x1FF30]  }
0x200: {  	v6 =	vld [tilespmem:s30+$0xE000]  }
0x201: {  	v10 =	vld [tilespmem:s30+$0xD000];
	v12 =	vmul.f32 v12, v47  }
0x202: {  	v15 =	vld [tilespmem:s30+$0xC080];
	v17 =	vmul.f32 v17, v44  }
0x203: {  	v12 =	vadd.f32 v12, v14;
	v14 =	vld [tilespmem:$0x1FF40]  }
0x204: {  	v17 =	vadd.f32 v17, v19;
	v19 =	vld [tilespmem:s30+$0xD180];
	v16 =	vmul.f32 v29, v16;
	v21 =	vmul.f32 v23, v21  }
0x205: {  	v26 =	vld [tilespmem:s30+$0xD100]  }
0x206: {  	v16 =	vadd.f32 v16, v18;
	v18 =	vadd.f32 v21, v20;
	v20 =	vld [tilespmem:$0x1FF50]  }
0x207: {  	v7 =	vld [tilespmem:s30+$0xE080]  }
0x208: {  	v8 =	vld [tilespmem:s30+$0xD200];
	v10 =	vmul.f32 v10, v51  }
0x209: {  	v13 =	vld [tilespmem:s30+$0xC280];
	v15 =	vmul.f32 v15, v46  }
0x20a: {  	v10 =	vadd.f32 v10, v12;
	v12 =	vld [tilespmem:$0x1FF60]  }
0x20b: {  	v15 =	vadd.f32 v15, v17;
	v17 =	vld [tilespmem:s30+$0xD380];
	v14 =	vmul.f32 v26, v14;
	v19 =	vmul.f32 v19, v20  }
0x20c: {  	v24 =	vld [tilespmem:s30+$0xD300]  }
0x20d: {  	v14 =	vadd.f32 v14, v16;
	v16 =	vadd.f32 v19, v18;
	v18 =	vld [tilespmem:$0x1FF70]  }
0x20e: {  	v11 =	vld [tilespmem:s30+$0xD080];
	v8 =	vmul.f32 v8, v53  }
0x20f: {  	v9 =	vld [tilespmem:s30+$0xD280];
	v13 =	vmul.f32 v13, v48  }
0x210: {  	v6 =	vmul.f32 v6, v55;
	v8 =	vadd.f32 v8, v10;
	v10 =	vld [tilespmem:$0x1FF80]  }
0x211: {  	v13 =	vadd.f32 v13, v15;
	v15 =	vld [tilespmem:s30+$0xE180]  }
0x212: {  	v6 =	vadd.f32 v6, v8;
	v8 =	vld [tilespmem:$0x1FFA0];
	v12 =	vmul.f32 v24, v12;
	v17 =	vmul.f32 v17, v18  }
0x213: {  	v11 =	vmul.f32 v11, v49;
	v22 =	vld [tilespmem:s30+$0xE100]  }
0x214: {  	v12 =	vadd.f32 v12, v14;
	v14 =	vadd.f32 v17, v16;
	v16 =	vld [tilespmem:$0x1FF90]  }
0x215: {  	v4 =	vmul.f32 v4, v50;
	v11 =	vadd.f32 v11, v13;
	v13 =	vld [tilespmem:s30+$0xE380]  }
0x216: {  	v9 =	vmul.f32 v9, v52;
	v20 =	vld [tilespmem:s30+$0xE300]  }
0x217: {  	v4 =	vadd.f32 v4, v6;
	v6 =	vld [tilespmem:$0x1FFC0]  }
0x218: {  	v2 =	vmul.f32 v2, v57;
	v7 =	vmul.f32 v7, v56;
	v9 =	vadd.f32 v9, v11;
	v18 =	vld [tilespmem:s30+$0xF100]  }
0x219: {  	v11 =	vld [tilespmem:s30+$0xF180];
	v10 =	vmul.f32 v22, v10;
	v15 =	vmul.f32 v15, v16  }
0x21a: {  	v5 =	vmul.f32 v5, v58;
	v2 =	vadd.f32 v2, v4;
	v4 =	vld [tilespmem:$0x1FFE0];
	v7 =	vadd.f32 v7, v9  }
0x21b: {  	v10 =	vadd.f32 v10, v12;
	v8 =	vmul.f32 v20, v8;
	v12 =	vadd.f32 v15, v14;
	v14 =	vld [tilespmem:$0x1FFB0]  }
0x21c: {  	v3 =	vmul.f32 v3, v60;
	v9 =	vld [tilespmem:s30+$0xF380]  }
0x21d: {  	v5 =	vadd.f32 v5, v7;
	v7 =	vadd.f32 v8, v10;
	v10 =	vld [tilespmem:$0x1FFD0];
	v6 =	vmul.f32 v18, v6  }
0x21e: {  	v16 =	vld [tilespmem:s30+$0xF300]  }
0x21f: {  	v3 =	vadd.f32 v3, v5;
	v5 =	vadd.f32 v6, v7;
	v7 =	vld [tilespmem:$0x1FFF0]  }
0x220: {  	v13 =	vmul.f32 v13, v14;
	_ =	sdelay $0x1  }
0x221: {  	v10 =	vmul.f32 v11, v10;
	v8 =	vadd.f32 v13, v12  }
0x222: {  	v0 =	vmul.f32 v0, v63;
	v1 =	vmul.f32 v1, v54  }
0x223: {  	v4 =	vmul.f32 v16, v4;
	v7 =	vmul.f32 v9, v7;
	v6 =	vadd.f32 v10, v8  }
0x224: {  	v0 =	vadd.f32 v0, v2;
	v1 =	vadd.f32 v1, v3  }
0x225: {  	v2 =	vadd.f32 v4, v5;
	v3 =	vadd.f32 v7, v6;
	_ =	sdelay $0x1  }
0x226: {  	v0 =	vadd.f32 v1, v0;
	v1 =	vadd.f32 v3, v2;
	_ =	sdelay $0x1  }
0x227: {  	s31 =	simm.s32 $0x10;
	s28 =	simm.s32 $0x80;
	v0 =	vadd.f32 v1, v0  }
0x228: {  	s26 =	sand.u32 $0x70, s31;
	s29 =	sand.u32 $0xC00, s28;
	s25 =	simm.s32 $0x10280  }
0x229: {  	s26 =	sor.u32 s26, s29;
	[tilespmem:s25+$0x0] =	vst v0  }
0x22a: {  	v0 =	vld [tilespmem:s26+$0xF200]  }
0x22b: {  	v1 =	vld [tilespmem:s26+$0xF280]  }
0x22c: {  	v2 =	vld [tilespmem:s26+$0xF000]  }
0x22d: {  	v4 =	vld [tilespmem:s26+$0xF080]  }
0x22e: {  	v5 =	vld [tilespmem:s26+$0xE200]  }
0x22f: {  	v6 =	vld [tilespmem:s26+$0xE280]  }
0x230: {  	v7 =	vld [tilespmem:s26+$0xE000]  }
0x231: {  	v8 =	vld [tilespmem:s26+$0xE080]  }
0x232: {  	v9 =	vld [tilespmem:s26+$0xD200]  }
0x233: {  	v10 =	vld [tilespmem:s26+$0xD280]  }
0x234: {  	v11 =	vld [tilespmem:s26+$0xD000]  }
0x235: {  	v12 =	vld [tilespmem:s26+$0xD080]  }
0x236: {  	v13 =	vld [tilespmem:s26+$0xC200]  }
0x237: {  	v14 =	vld [tilespmem:s26+$0xC280]  }
0x238: {  	v15 =	vld [tilespmem:s26+$0xC000]  }
0x239: {  	v16 =	vld [tilespmem:s26+$0xC080]  }
0x23a: {  	v17 =	vld [tilespmem:s26+$0xB200]  }
0x23b: {  	v18 =	vld [tilespmem:s26+$0xB280]  }
0x23c: {  	v19 =	vld [tilespmem:s26+$0xB000]  }
0x23d: {  	v40 =	vld [tilespmem:s26+$0xB080]  }
0x23e: {  	v21 =	vld [tilespmem:s26+$0xA200]  }
0x23f: {  	v20 =	vld [tilespmem:s26+$0xA280]  }
0x240: {  	v22 =	vld [tilespmem:s26+$0xA000];
	v0 =	vmul.f32 v0, v63;
	v1 =	vmul.f32 v1, v54  }
0x241: {  	v23 =	vld [tilespmem:s26+$0xA080];
	v3 =	vmul.f32 v2, v57;
	v2 =	vmul.f32 v4, v60  }
0x242: {  	v24 =	vld [tilespmem:s26+$0x9200];
	v5 =	vmul.f32 v5, v50;
	v4 =	vmul.f32 v6, v58  }
0x243: {  	v25 =	vld [tilespmem:s26+$0x9280];
	v7 =	vmul.f32 v7, v55;
	v6 =	vmul.f32 v8, v56  }
0x244: {  	v27 =	vld [tilespmem:s26+$0x9000];
	v9 =	vmul.f32 v9, v53;
	v8 =	vmul.f32 v10, v52  }
0x245: {  	v26 =	vld [tilespmem:s26+$0x9080];
	v11 =	vmul.f32 v11, v51;
	v10 =	vmul.f32 v12, v49  }
0x246: {  	v28 =	vld [tilespmem:s26+$0x8200];
	v13 =	vmul.f32 v13, v47;
	v12 =	vmul.f32 v14, v48  }
0x247: {  	v29 =	vld [tilespmem:s26+$0x8280];
	v15 =	vmul.f32 v15, v45;
	v14 =	vmul.f32 v16, v46  }
0x248: {  	v30 =	vld [tilespmem:s26+$0x8000];
	v17 =	vmul.f32 v17, v43;
	v16 =	vmul.f32 v18, v44  }
0x249: {  	s29 =	simm.s32 $0x20;
	v31 =	vld [tilespmem:s26+$0x8080];
	v19 =	vmul.f32 v19, v41;
	v18 =	vmul.f32 v40, v42  }
.LBB2_5:
0x24a: {  	v40 =	vld [tilespmem:$0x1FDD0];
	_ =	sdelay $0x2  }
0x24b: {  	v32 =	vld [tilespmem:s26+$0x8100]  }
0x24c: {  	v37 =	vld [tilespmem:$0x1FE90]  }
0x24d: {  	v26 =	vmul.f32 v26, v40;
	v40 =	vld [tilespmem:$0x1FD80]  }
0x24e: {  	v33 =	vld [tilespmem:$0x1FE80]  }
0x24f: {  	v34 =	vld [tilespmem:$0x1FE40]  }
0x250: {  	v38 =	vld [tilespmem:$0x1FE50]  }
0x251: {  	v20 =	vmul.f32 v20, v37;
	v37 =	vld [tilespmem:$0x1FD40]  }
0x252: {  	v28 =	vmul.f32 v28, v40;
	v40 =	vld [tilespmem:$0x1FD90]  }
0x253: {  	v35 =	vld [tilespmem:$0x1FE00]  }
0x254: {  	v36 =	vld [tilespmem:$0x1FDC0]  }
0x255: {  	v39 =	vld [tilespmem:$0x1FE10]  }
0x256: {  	v21 =	vmul.f32 v21, v33;
	v33 =	vld [tilespmem:s26+$0x8180]  }
0x257: {  	v30 =	vmul.f32 v30, v37;
	v29 =	vmul.f32 v29, v40;
	v40 =	vld [tilespmem:$0x1FD50]  }
0x258: {  	v22 =	vmul.f32 v22, v34;
	v34 =	vld [tilespmem:s26+$0x8300]  }
0x259: {  	v27 =	vmul.f32 v27, v36;
	v36 =	vld [tilespmem:s26+$0x9100];
	v30 =	vadd.f32 $0.0e+00, v30  }
0x25a: {  	v23 =	vmul.f32 v23, v38;
	v38 =	vld [tilespmem:$0x1FD60]  }
0x25b: {  	v28 =	vadd.f32 v28, v30;
	v30 =	vld [tilespmem:$0x1FDE0]  }
0x25c: {  	v31 =	vmul.f32 v31, v40;
	v40 =	vld [tilespmem:$0x1FD70]  }
0x25d: {  	v24 =	vmul.f32 v24, v35;
	v35 =	vld [tilespmem:s26+$0x8380]  }
0x25e: {  	v25 =	vmul.f32 v25, v39;
	v39 =	vld [tilespmem:$0x1FDA0]  }
0x25f: {  	v37 =	vld [tilespmem:s26+$0x9180]  }
0x260: {  	v30 =	vmul.f32 v36, v30;
	v36 =	vld [tilespmem:$0x1FDF0]  }
0x261: {  	v32 =	vmul.f32 v32, v38;
	v33 =	vmul.f32 v33, v40;
	v40 =	vld [tilespmem:$0x1FDB0]  }
0x262: {  	v38 =	vld [tilespmem:s26+$0x9300]  }
0x263: {  	v34 =	vmul.f32 v34, v39;
	v39 =	vld [tilespmem:s26+$0x9380];
	v32 =	vadd.f32 $0.0e+00, v32  }
0x264: {  	v27 =	vadd.f32 v27, v28;
	v28 =	vld [tilespmem:$0x1FE20];
	v31 =	vadd.f32 $0.0e+00, v31  }
0x265: {  	v32 =	vadd.f32 v34, v32;
	v34 =	vmul.f32 v37, v36;
	v36 =	vld [tilespmem:$0x1FE30]  }
0x266: {  	v29 =	vadd.f32 v29, v31;
	v33 =	vadd.f32 $0.0e+00, v33;
	v35 =	vmul.f32 v35, v40;
	_ =	sdelay $0x1  }
0x267: {  	v26 =	vadd.f32 v26, v29;
	v33 =	vadd.f32 v35, v33  }
0x268: {  	v28 =	vmul.f32 v38, v28;
	v30 =	vadd.f32 v30, v32;
	v31 =	vld [tilespmem:s26+$0xA180]  }
0x269: {  	v25 =	vadd.f32 v25, v26;
	v26 =	vld [tilespmem:$0x1FE60];
	v38 =	vadd.f32 v34, v33;
	v33 =	vmul.f32 v39, v36  }
0x26a: {  	v40 =	vld [tilespmem:s26+$0xA100]  }
0x26b: {  	v28 =	vadd.f32 v28, v30;
	v30 =	vadd.f32 v33, v38;
	v38 =	vld [tilespmem:$0x1FE70];
	_ =	sdelay $0x1  }
0x26c: {  	v24 =	vadd.f32 v24, v27;
	_ =	sdelay $0x1  }
0x26d: {  	v22 =	vadd.f32 v22, v24;
	v24 =	vld [tilespmem:$0x1FEA0]  }
0x26e: {  	v29 =	vld [tilespmem:s26+$0xA380];
	v26 =	vmul.f32 v40, v26;
	v31 =	vmul.f32 v31, v38  }
0x26f: {  	v35 =	vld [tilespmem:s26+$0xA300]  }
0x270: {  	v26 =	vadd.f32 v26, v28;
	v28 =	vadd.f32 v31, v30;
	v30 =	vld [tilespmem:$0x1FEB0];
	_ =	sdelay $0x3  }
0x271: {  	v27 =	vld [tilespmem:s26+$0xB180]  }
0x272: {  	v21 =	vadd.f32 v21, v22;
	v22 =	vld [tilespmem:$0x1FEC0];
	v24 =	vmul.f32 v35, v24;
	v29 =	vmul.f32 v29, v30  }
0x273: {  	v37 =	vld [tilespmem:s26+$0xB100]  }
0x274: {  	v24 =	vadd.f32 v24, v26;
	v26 =	vadd.f32 v29, v28;
	v28 =	vld [tilespmem:$0x1FED0];
	_ =	sdelay $0x1  }
0x275: {  	v23 =	vadd.f32 v23, v25;
	_ =	sdelay $0x1  }
0x276: {  	v25 =	vld [tilespmem:s26+$0xB380];
	v20 =	vadd.f32 v20, v23  }
0x277: {  	v22 =	vmul.f32 v37, v22;
	v39 =	vld [tilespmem:s26+$0xB300];
	v27 =	vmul.f32 v27, v28  }
0x278: {  	v18 =	vadd.f32 v18, v20;
	v20 =	vld [tilespmem:$0x1FEE0]  }
0x279: {  	v22 =	vadd.f32 v22, v24;
	v24 =	vadd.f32 v27, v26;
	v26 =	vld [tilespmem:$0x1FEF0];
	_ =	sdelay $0x3  }
0x27a: {  	v23 =	vld [tilespmem:s26+$0xC180]  }
0x27b: {  	v16 =	vadd.f32 v16, v18;
	v18 =	vld [tilespmem:$0x1FF00];
	v20 =	vmul.f32 v39, v20;
	v25 =	vmul.f32 v25, v26  }
0x27c: {  	v30 =	vld [tilespmem:s26+$0xC100]  }
0x27d: {  	v20 =	vadd.f32 v20, v22;
	v22 =	vadd.f32 v25, v24;
	v24 =	vld [tilespmem:$0x1FF10];
	_ =	sdelay $0x3  }
0x27e: {  	v19 =	vadd.f32 v19, v21;
	v21 =	vld [tilespmem:s26+$0xC380]  }
0x27f: {  	v14 =	vadd.f32 v14, v16;
	v16 =	vld [tilespmem:$0x1FF20];
	v18 =	vmul.f32 v30, v18;
	v23 =	vmul.f32 v23, v24  }
0x280: {  	v28 =	vld [tilespmem:s26+$0xC300]  }
0x281: {  	v18 =	vadd.f32 v18, v20;
	v20 =	vadd.f32 v23, v22;
	v22 =	vld [tilespmem:$0x1FF30];
	_ =	sdelay $0x3  }
0x282: {  	v17 =	vadd.f32 v17, v19;
	v19 =	vld [tilespmem:s26+$0xD180]  }
0x283: {  	v12 =	vadd.f32 v12, v14;
	v14 =	vld [tilespmem:$0x1FF40];
	v16 =	vmul.f32 v28, v16;
	v21 =	vmul.f32 v21, v22  }
0x284: {  	v26 =	vld [tilespmem:s26+$0xD100]  }
0x285: {  	v16 =	vadd.f32 v16, v18;
	v18 =	vadd.f32 v21, v20;
	v20 =	vld [tilespmem:$0x1FF50];
	_ =	sdelay $0x3  }
0x286: {  	v15 =	vadd.f32 v15, v17;
	v17 =	vld [tilespmem:s26+$0xD380]  }
0x287: {  	v10 =	vadd.f32 v10, v12;
	v12 =	vld [tilespmem:$0x1FF60];
	v14 =	vmul.f32 v26, v14;
	v19 =	vmul.f32 v19, v20  }
0x288: {  	v24 =	vld [tilespmem:s26+$0xD300]  }
0x289: {  	v14 =	vadd.f32 v14, v16;
	v16 =	vadd.f32 v19, v18;
	v18 =	vld [tilespmem:$0x1FF70];
	_ =	sdelay $0x3  }
0x28a: {  	v13 =	vadd.f32 v13, v15;
	v15 =	vld [tilespmem:s26+$0xE180]  }
0x28b: {  	v8 =	vadd.f32 v8, v10;
	v10 =	vld [tilespmem:$0x1FF80];
	v12 =	vmul.f32 v24, v12;
	v17 =	vmul.f32 v17, v18  }
0x28c: {  	v22 =	vld [tilespmem:s26+$0xE100]  }
0x28d: {  	v12 =	vadd.f32 v12, v14;
	v14 =	vadd.f32 v17, v16;
	v16 =	vld [tilespmem:$0x1FF90];
	_ =	sdelay $0x2  }
0x28e: {  	v11 =	vadd.f32 v11, v13;
	v13 =	vld [tilespmem:s26+$0xE380];
	v6 =	vadd.f32 v6, v8  }
0x28f: {  	v8 =	vld [tilespmem:$0x1FFA0]  }
0x290: {  	v4 =	vadd.f32 v4, v6;
	v6 =	vld [tilespmem:$0x1FFC0];
	v10 =	vmul.f32 v22, v10;
	v15 =	vmul.f32 v15, v16  }
0x291: {  	v20 =	vld [tilespmem:s26+$0xE300]  }
0x292: {  	v10 =	vadd.f32 v10, v12;
	v12 =	vadd.f32 v15, v14;
	v14 =	vld [tilespmem:$0x1FFB0]  }
0x293: {  	v9 =	vadd.f32 v9, v11;
	v18 =	vld [tilespmem:s26+$0xF100]  }
0x294: {  	v11 =	vld [tilespmem:s26+$0xF180]  }
0x295: {  	v7 =	vadd.f32 v7, v9;
	v9 =	vld [tilespmem:s26+$0xF380]  }
0x296: {  	v8 =	vmul.f32 v20, v8;
	v16 =	vld [tilespmem:s26+$0xF300]  }
0x297: {  	v5 =	vadd.f32 v5, v7;
	v13 =	vmul.f32 v13, v14  }
0x298: {  	v7 =	vadd.f32 v8, v10;
	v6 =	vmul.f32 v18, v6  }
0x299: {  	v3 =	vadd.f32 v3, v5;
	v10 =	vmul.f32 v11, v62;
	v8 =	vadd.f32 v13, v12  }
0x29a: {  	v2 =	vadd.f32 v2, v4;
	v5 =	vadd.f32 v6, v7  }
0x29b: {  	v7 =	vmul.f32 v9, v61;
	v4 =	vmul.f32 v16, v59;
	v6 =	vadd.f32 v10, v8  }
0x29c: {  	v0 =	vadd.f32 v0, v3;
	v1 =	vadd.f32 v1, v2  }
0x29d: {  	v2 =	vadd.f32 v4, v5;
	v3 =	vadd.f32 v7, v6;
	_ =	sdelay $0x1  }
0x29e: {  	v0 =	vadd.f32 v1, v0;
	v1 =	vadd.f32 v3, v2;
	_ =	sdelay $0x1  }
0x29f: {  	s28 =	sadd.s32 $0x80, s28;
	v0 =	vadd.f32 v1, v0  }
0x2a0: {  	s31 =	sand.u32 $0x70, s29;
	s25 =	sadd.s32 $0x10, s25;
	s30 =	sand.u32 $0xC00, s28  }
0x2a1: {  	s26 =	sor.u32 s31, s30;
	[tilespmem:s25+$0x0] =	vst v0  }
0x2a2: {  	v0 =	vld [tilespmem:s26+$0xF200]  }
0x2a3: {  	v1 =	vld [tilespmem:s26+$0xF280]  }
0x2a4: {  	v2 =	vld [tilespmem:s26+$0xF000]  }
0x2a5: {  	v4 =	vld [tilespmem:s26+$0xF080]  }
0x2a6: {  	v5 =	vld [tilespmem:s26+$0xE200]  }
0x2a7: {  	v6 =	vld [tilespmem:s26+$0xE280]  }
0x2a8: {  	v7 =	vld [tilespmem:s26+$0xE000]  }
0x2a9: {  	v8 =	vld [tilespmem:s26+$0xE080]  }
0x2aa: {  	v9 =	vld [tilespmem:s26+$0xD200]  }
0x2ab: {  	v10 =	vld [tilespmem:s26+$0xD280]  }
0x2ac: {  	v11 =	vld [tilespmem:s26+$0xD000]  }
0x2ad: {  	v12 =	vld [tilespmem:s26+$0xD080]  }
0x2ae: {  	v13 =	vld [tilespmem:s26+$0xC200]  }
0x2af: {  	v14 =	vld [tilespmem:s26+$0xC280]  }
0x2b0: {  	v15 =	vld [tilespmem:s26+$0xC000]  }
0x2b1: {  	v16 =	vld [tilespmem:s26+$0xC080]  }
0x2b2: {  	v17 =	vld [tilespmem:s26+$0xB200]  }
0x2b3: {  	v18 =	vld [tilespmem:s26+$0xB280]  }
0x2b4: {  	v19 =	vld [tilespmem:s26+$0xB000]  }
0x2b5: {  	v40 =	vld [tilespmem:s26+$0xB080]  }
0x2b6: {  	v21 =	vld [tilespmem:s26+$0xA200]  }
0x2b7: {  	v20 =	vld [tilespmem:s26+$0xA280]  }
0x2b8: {  	v22 =	vld [tilespmem:s26+$0xA000];
	v0 =	vmul.f32 v0, v63;
	v1 =	vmul.f32 v1, v54  }
0x2b9: {  	v23 =	vld [tilespmem:s26+$0xA080];
	v3 =	vmul.f32 v2, v57;
	v2 =	vmul.f32 v4, v60  }
0x2ba: {  	v24 =	vld [tilespmem:s26+$0x9200];
	v5 =	vmul.f32 v5, v50;
	v4 =	vmul.f32 v6, v58  }
0x2bb: {  	v25 =	vld [tilespmem:s26+$0x9280];
	v7 =	vmul.f32 v7, v55;
	v6 =	vmul.f32 v8, v56  }
0x2bc: {  	p0 =	sne.s32 s29, $0x1F0;
	v27 =	vld [tilespmem:s26+$0x9000];
	v9 =	vmul.f32 v9, v53;
	v8 =	vmul.f32 v10, v52  }
.Ltmp1:
0x2bd: {  	v26 =	vld [tilespmem:s26+$0x9080];
	v11 =	vmul.f32 v11, v51;
	v10 =	vmul.f32 v12, v49;
	(pc) =	sbr.rel @p0 .LBB2_5-.Ltmp1, $4  }
0x2be: {  	v28 =	vld [tilespmem:s26+$0x8200];
	v13 =	vmul.f32 v13, v47;
	v12 =	vmul.f32 v14, v48  }
0x2bf: {  	v29 =	vld [tilespmem:s26+$0x8280];
	v15 =	vmul.f32 v15, v45;
	v14 =	vmul.f32 v16, v46  }
0x2c0: {  	v30 =	vld [tilespmem:s26+$0x8000];
	v17 =	vmul.f32 v17, v43;
	v16 =	vmul.f32 v18, v44  }
0x2c1: {  	s29 =	sadd.s32 $0x10, s29;
	v31 =	vld [tilespmem:s26+$0x8080];
	v19 =	vmul.f32 v19, v41;
	v18 =	vmul.f32 v40, v42  }
0x2c2: {  	v40 =	vld [tilespmem:$0x1FDC0];
	_ =	sdelay $0x4  }
0x2c3: {  	v27 =	vmul.f32 v27, v40;
	v40 =	vld [tilespmem:$0x1FD80];
	_ =	sdelay $0x4  }
0x2c4: {  	v28 =	vmul.f32 v28, v40;
	v40 =	vld [tilespmem:$0x1FD90]  }
0x2c5: {  	v32 =	vld [tilespmem:s26+$0x8100]  }
0x2c6: {  	v33 =	vld [tilespmem:s26+$0x8180]  }
0x2c7: {  	v34 =	vld [tilespmem:s26+$0x8300]  }
0x2c8: {  	v36 =	vld [tilespmem:$0x1FD40]  }
0x2c9: {  	v29 =	vmul.f32 v29, v40;
	v40 =	vld [tilespmem:$0x1FD70]  }
0x2ca: {  	v35 =	vld [tilespmem:s26+$0x8380]  }
0x2cb: {  	v38 =	vld [tilespmem:$0x1FD60]  }
0x2cc: {  	v37 =	vld [tilespmem:$0x1FD50]  }
0x2cd: {  	v39 =	vld [tilespmem:$0x1FDF0]  }
0x2ce: {  	v30 =	vmul.f32 v30, v36;
	v33 =	vmul.f32 v33, v40;
	v40 =	vld [tilespmem:$0x1FDA0]  }
0x2cf: {  	v36 =	vld [tilespmem:s26+$0x9100]  }
0x2d0: {  	v32 =	vmul.f32 v32, v38;
	v38 =	vld [tilespmem:$0x1FDE0];
	v30 =	vadd.f32 $0.0e+00, v30  }
0x2d1: {  	v31 =	vmul.f32 v31, v37;
	v37 =	vld [tilespmem:s26+$0x9180]  }
0x2d2: {  	v28 =	vadd.f32 v28, v30;
	v30 =	vld [tilespmem:s26+$0x9300]  }
0x2d3: {  	v31 =	vadd.f32 $0.0e+00, v31;
	v32 =	vadd.f32 $0.0e+00, v32;
	v34 =	vmul.f32 v34, v40;
	v40 =	vld [tilespmem:$0x1FDB0]  }
0x2d4: {  	v27 =	vadd.f32 v27, v28;
	v28 =	vld [tilespmem:s26+$0xA100]  }
0x2d5: {  	v29 =	vadd.f32 v29, v31;
	v31 =	vld [tilespmem:s26+$0x9380];
	v32 =	vadd.f32 v34, v32;
	v34 =	vmul.f32 v36, v38  }
0x2d6: {  	v38 =	vld [tilespmem:$0x1FE20]  }
0x2d7: {  	v36 =	vadd.f32 v34, v32;
	v32 =	vld [tilespmem:s26+$0xA180]  }
0x2d8: {  	v33 =	vadd.f32 $0.0e+00, v33;
	v35 =	vmul.f32 v35, v40;
	v40 =	vld [tilespmem:$0x1FDD0]  }
0x2d9: {  	v34 =	vld [tilespmem:s26+$0xA300]  }
0x2da: {  	v33 =	vadd.f32 v35, v33;
	v35 =	vmul.f32 v37, v39;
	v37 =	vld [tilespmem:$0x1FE10]  }
0x2db: {  	v39 =	vld [tilespmem:$0x1FE40]  }
0x2dc: {  	v30 =	vmul.f32 v30, v38;
	v38 =	vld [tilespmem:$0x1FE70]  }
0x2dd: {  	v33 =	vadd.f32 v35, v33;
	v35 =	vld [tilespmem:$0x1FE50];
	v26 =	vmul.f32 v26, v40  }
0x2de: {  	v40 =	vld [tilespmem:$0x1FE00]  }
0x2df: {  	v26 =	vadd.f32 v26, v29;
	v29 =	vld [tilespmem:s26+$0xB100]  }
0x2e0: {  	v25 =	vmul.f32 v25, v37;
	v37 =	vld [tilespmem:$0x1FE80]  }
0x2e1: {  	v22 =	vmul.f32 v22, v39;
	v39 =	vld [tilespmem:$0x1FE90]  }
0x2e2: {  	v25 =	vadd.f32 v25, v26;
	v26 =	vadd.f32 v30, v36;
	v36 =	vld [tilespmem:$0x1FE60]  }
0x2e3: {  	v23 =	vmul.f32 v23, v35;
	v35 =	vld [tilespmem:$0x1FEF0]  }
0x2e4: {  	v24 =	vmul.f32 v24, v40;
	v40 =	vld [tilespmem:$0x1FE30]  }
0x2e5: {  	v23 =	vadd.f32 v23, v25;
	v25 =	vld [tilespmem:s26+$0xB300]  }
0x2e6: {  	v24 =	vadd.f32 v24, v27;
	v27 =	vld [tilespmem:s26+$0xA380]  }
0x2e7: {  	v21 =	vmul.f32 v21, v37;
	v37 =	vld [tilespmem:$0x1FEB0]  }
0x2e8: {  	v20 =	vmul.f32 v20, v39;
	v39 =	vld [tilespmem:$0x1FEC0]  }
0x2e9: {  	v22 =	vadd.f32 v22, v24;
	v24 =	vld [tilespmem:s26+$0xB180]  }
0x2ea: {  	v28 =	vmul.f32 v28, v36;
	v36 =	vld [tilespmem:s26+$0xB380]  }
0x2eb: {  	v31 =	vmul.f32 v31, v40;
	v40 =	vld [tilespmem:$0x1FEA0]  }
0x2ec: {  	v26 =	vadd.f32 v28, v26;
	v28 =	vld [tilespmem:$0x1FF20]  }
0x2ed: {  	v21 =	vadd.f32 v21, v22;
	v22 =	vld [tilespmem:s26+$0xF100]  }
0x2ee: {  	v30 =	vadd.f32 v31, v33;
	v31 =	vmul.f32 v32, v38;
	v38 =	vld [tilespmem:s26+$0xC100]  }
0x2ef: {  	v20 =	vadd.f32 v20, v23;
	v23 =	vmul.f32 v29, v39;
	v29 =	vld [tilespmem:s26+$0xC180]  }
0x2f0: {  	v33 =	vld [tilespmem:$0x1FEE0]  }
0x2f1: {  	v27 =	vmul.f32 v27, v37;
	v37 =	vld [tilespmem:$0x1FF00]  }
0x2f2: {  	v32 =	vmul.f32 v34, v40;
	v40 =	vld [tilespmem:$0x1FED0]  }
0x2f3: {  	v30 =	vadd.f32 v31, v30;
	v31 =	vld [tilespmem:$0x1FF30]  }
0x2f4: {  	v34 =	vld [tilespmem:s26+$0xC380];
	v26 =	vadd.f32 v32, v26  }
0x2f5: {  	v18 =	vadd.f32 v18, v20;
	v20 =	vmul.f32 v25, v33;
	v33 =	vld [tilespmem:$0x1FF40]  }
0x2f6: {  	v23 =	vadd.f32 v23, v26;
	v26 =	vmul.f32 v36, v35;
	v36 =	vld [tilespmem:s26+$0xD100]  }
0x2f7: {  	v16 =	vadd.f32 v16, v18;
	v24 =	vmul.f32 v24, v40;
	v40 =	vld [tilespmem:$0x1FF10]  }
0x2f8: {  	v27 =	vadd.f32 v27, v30;
	v32 =	vld [tilespmem:s26+$0xC300]  }
0x2f9: {  	v14 =	vadd.f32 v14, v16;
	v18 =	vmul.f32 v38, v37;
	v38 =	vld [tilespmem:s26+$0xD180]  }
0x2fa: {  	v19 =	vadd.f32 v19, v21;
	v37 =	vld [tilespmem:s26+$0xE300];
	v24 =	vadd.f32 v24, v27  }
0x2fb: {  	v12 =	vadd.f32 v12, v14;
	v20 =	vadd.f32 v20, v23;
	v14 =	vmul.f32 v36, v33;
	v36 =	vld [tilespmem:$0x1FF50]  }
0x2fc: {  	v23 =	vmul.f32 v34, v31;
	v34 =	vld [tilespmem:s26+$0xE180];
	v39 =	vadd.f32 v26, v24;
	v24 =	vmul.f32 v29, v40  }
0x2fd: {  	v31 =	vld [tilespmem:$0x1FFB0]  }
0x2fe: {  	v17 =	vadd.f32 v17, v19;
	v27 =	vld [tilespmem:s26+$0xD300];
	v30 =	vadd.f32 v24, v39  }
0x2ff: {  	v16 =	vmul.f32 v32, v28;
	v32 =	vld [tilespmem:s26+$0xE100]  }
0x300: {  	v15 =	vadd.f32 v15, v17;
	v29 =	vld [tilespmem:s26+$0xD380];
	v35 =	vadd.f32 v23, v30;
	v21 =	vmul.f32 v38, v36  }
0x301: {  	v38 =	vld [tilespmem:$0x1FF60]  }
0x302: {  	v13 =	vadd.f32 v13, v15;
	v40 =	vadd.f32 v21, v35;
	v21 =	vld [tilespmem:$0x1FF70]  }
0x303: {  	v18 =	vadd.f32 v18, v20;
	v26 =	vld [tilespmem:$0x1FF90]  }
0x304: {  	v11 =	vadd.f32 v11, v13;
	v23 =	vld [tilespmem:$0x1FF80]  }
0x305: {  	v28 =	vld [tilespmem:$0x1FFA0];
	v16 =	vadd.f32 v16, v18  }
0x306: {  	v10 =	vadd.f32 v10, v12;
	v9 =	vadd.f32 v9, v11;
	v39 =	vld [tilespmem:s26+$0xE380]  }
0x307: {  	v14 =	vadd.f32 v14, v16;
	v24 =	vld [tilespmem:s26+$0xF180];
	v12 =	vmul.f32 v27, v38;
	v19 =	vmul.f32 v29, v21  }
0x308: {  	v8 =	vadd.f32 v8, v10;
	v33 =	vld [tilespmem:$0x1FFC0];
	v7 =	vadd.f32 v7, v9;
	v17 =	vmul.f32 v34, v26  }
0x309: {  	v10 =	vmul.f32 v32, v23;
	v27 =	vld [tilespmem:s26+$0xF300];
	v12 =	vadd.f32 v12, v14;
	v25 =	vadd.f32 v19, v40  }
0x30a: {  	v6 =	vadd.f32 v6, v8;
	v8 =	vmul.f32 v37, v28;
	v5 =	vadd.f32 v5, v7;
	v29 =	vld [tilespmem:s26+$0xF380]  }
0x30b: {  	v7 =	vmul.f32 v39, v31;
	v10 =	vadd.f32 v10, v12;
	v30 =	vadd.f32 v17, v25  }
0x30c: {  	v4 =	vadd.f32 v4, v6;
	v34 =	vmul.f32 v24, v62  }
0x30d: {  	v32 =	vadd.f32 v8, v10;
	v8 =	vmul.f32 v22, v33;
	v7 =	vadd.f32 v7, v30  }
0x30e: {  	v2 =	vadd.f32 v2, v4;
	v3 =	vadd.f32 v3, v5;
	v36 =	vmul.f32 v27, v59  }
0x30f: {  	v37 =	vmul.f32 v29, v61;
	v35 =	vadd.f32 v8, v32;
	v5 =	vadd.f32 v34, v7  }
0x310: {  	v1 =	vadd.f32 v1, v2;
	v0 =	vadd.f32 v0, v3  }
0x311: {  	v38 =	vadd.f32 v36, v35;
	v39 =	vadd.f32 v37, v5;
	_ =	sdelay $0x1  }
0x312: {  	v0 =	vadd.f32 v1, v0;
	v40 =	vadd.f32 v39, v38  }
0x313: {  	s23 =	sadd.s32 $0x1, s23  }
0x314: {  	s29 =	sadd.s32 s24, s9;
	p0 =	sne.s32 s23, $0xE;
	v0 =	vadd.f32 v40, v0  }
.Ltmp2:
0x315: {  	s25 =	sadd.s32 $0x10, s25;
	s26 =	sshrl.u32 s29, $0x3;
	(pc) =	sbr.rel @p0 .LBB2_2-.Ltmp2, $4  }
0x316: {  	s30 =	sadd.s32 s6, s26;
	[tilespmem:s25+$0x0] =	vst v0  }
0x317: {  	[hbm4b:s30+s2] =	stream.linear.scatter [tilespmem:s20], [sflag:$0x3], $0x200, $0x38;
	[tilespmem:$0x10480] =	vst v63  }
0x318: {  	s31 =	sadd.s32 s24, s10  }
0x319: {  	[tilespmem:s16], [sflag:$0x2] =	stream.strided.gather [hbm4b:s31+s14], $0x8000, s15, s14, $0x38;
	[tilespmem:$0x10480] =	vst v63  }
0x31a: {  	_ =	swait.ge [sflag:s17], $0x8000  }
0x31b: {  	[sflag:s17] =	ssyncset.done $0x0  }
0x31c: {  	[sflag:s17] =	ssyncadd.s32 $0xFFFF8000  }
0x31d: {  	_ =	swait.ge [sflag:s19], $0x8000  }
0x31e: {  	[sflag:s19] =	ssyncset.done $0x0  }
0x31f: {  	s22 =	sadd.s32 $0x1, s22;
	[sflag:s19] =	ssyncadd.s32 $0xFFFF8000  }
0x320: {  	p0 =	sne.s32 s22, s11;
	_ =	swait.ge [sflag:s21], $0x200  }
.Ltmp3:
0x321: {  	[sflag:s21] =	ssyncset.done $0x0;
	(pc) =	sbr.rel @p0 .LBB2_1-.Ltmp3, $4  }
0x322: {  	[sflag:s21] =	ssyncadd.s32 $0xFFFFFE00  }
0x323: {  	_ =	swait.ge [sflag:s21], $0x200  }
0x324: {  	[sflag:s21] =	ssyncset.done $0x0  }
0x325: {  	[sflag:s21] =	ssyncadd.s32 $0xFFFFFE00  }
0x326: {  	_ =	sfence.sel $0x180000  }
0x327: {  	[bflag:$0x0] =	sbarrier.arrive $0xFFFF  }
0x328: {  	p0 =	sne.s32 s1, $0x0;
	_ =	strace $0x90000047  }
0x329: {  	s0 =	sadd.s32 @!p0 $0x100000, s0;
	[bflag:$0x2] =	sbarrier.arrive $0xFFFF  }
0x32a: {  	[sflag:s0] =	ssyncadd.tile.s32 @!p0 $0x1;
	_ =	shalt  }
.Lfunc_end2:
_tile_overlayer_lowered:
.L_overlay_start_2:
0x32b: {  	(tag) =	ssettag $0x2  }
0x32c: {  	s0 =	rddreg [dreg:$0x0];
	s2 =	stileid.u32  }
0x32d: {  	s1 =	rddreg [dreg:$0x1];
	p0 =	sne.s32 s2, $0x0  }
0x32e: {  	s3 =	rddreg [dreg:$0x2];
	[bflag:$0x3] =	sbarrier.arrive $0xFFFF;
	s2 =	simm.s32 @!p0 $0x1C04  }
0x32f: {  	[timem:s3], [sflag:s2] =	dma.local @!p0 [hbm:s0], s1  }
0x330: {  	s0 =	simm.s32 @!p0 $0x4  }
0x331: {  	_ =	swait.ge @!p0 [sflag:s0], s1  }
0x332: {  	s1 =	ssub.s32 @!p0 $0x0, s1;
	[sflag:s0] =	ssyncset.done @!p0 $0x0  }
0x333: {  	[sflag:s0] =	ssyncadd.s32 @!p0 s1  }
0x334: {  	[bflag:$0x3] =	sbarrier.arrive $0xFFFF  }
0x335: {  	_ =	shalt  }

// kernel: kernel.9.cloned.1.call-start
scs
__scs_entry_jumppad:
0x0: {  	(pc) =	sbr.rel $0x88, $3  }
0x1: {  	(tag) =	ssettag $0x0;
	lr =	simm.s32 $0x1  }
0x2: {  	[smem:$0x3F9B] =	sst lr;
	_ =	strace $0xD0000000  }
0x3: {  	_ = 	snop  }
0x4: {  	_ = 	snop  }
0x5: {  	_ = 	snop  }
0x6: {  	_ = 	snop  }
0x7: {  	_ = 	snop  }
__scs_overlays_trampoline_lowered:
0x8: {  	[smem:$0x3FAA] =	sst s0  }
0x9: {  	[smem:$0x3FAB] =	sst s1  }
0xa: {  	[smem:$0x3FAC] =	sst s2  }
0xb: {  	[smem:$0x3FAD] =	sst s3  }
0xc: {  	[smem:$0x3FAE] =	sst s4  }
0xd: {  	[smem:$0x3FAF] =	sst s5  }
0xe: {  	[smem:$0x3FB0] =	sst s6  }
0xf: {  	[smem:$0x3FB1] =	sst s7  }
0x10: {  	[smem:$0x3FB2] =	sst s8  }
0x11: {  	[smem:$0x3FB3] =	sst s9;
	s0 =	simm.s32 @!p0 $0x0  }
0x12: {  	s1 =	sld [smem:$0x3F99];
	s0 =	simm.s32 @p0 $0x1  }
0x13: {  	[smem:$0x3FB4] =	sst s0;
	s0 =	simm.s32 @!p1 $0x0  }
0x14: {  	s2 =	sld [smem:$0x3F98];
	s0 =	simm.s32 @p1 $0x1  }
0x15: {  	[smem:$0x3FB5] =	sst s0;
	s0 =	simm.s32 @!p2 $0x0  }
0x16: {  	s3 =	sld [smem:$0x3FDB];
	s0 =	simm.s32 @p2 $0x1  }
0x17: {  	s4 =	simm.s32 $0x1BF5;
	[smem:$0x3FB7] =	sst s0  }
0x18: {  	s0 =	sld [smem:$0x3F9A];
	_ =	swait.ge [sflag:s4], $0x0  }
0x19: {  	s7 =	sld [smem:$0x3F9B]  }
0x1a: {  	s8 =	sadd.s32 $0xFFFFE003, lr  }
0x1b: {  	s9 =	sadd.s32 $0xFFFFFEF7, lr;
	s5 =	simm.s32 $0xFFFFFFFF;
	p2 =	slt.u32 s8, $0xFFFFF086  }
0x1c: {  	p1 =	slt.u32 s9, $0xF7A;
	s5 =	simm.s32 @!p2 $0x0  }
0x1d: {  	s5 =	simm.s32 @p1 $0x1;
	p0 =	seq.s32 s7, s2  }
0x1e: {  	s7 =	smul.u32 @!p0 $0xF7A, s2;
	p2 =	seq.s32 @!p0 s5, $0x0  }
0x1f: {  	s9 =	smul.u32 $0xF7A, s1;
	s8 =	simm.s32 @!p0 $0x1BF5;
	p2 =	por !p2, p0  }
0x20: {  	[sflag:s8] =	ssyncset.s32 @!p0 $0xFFFFF086;
	s6 =	sadd.s32 @!p0 s3, s7;
	s7 =	simm.s32 @!p0 $0x108  }
0x21: {  	s3 =	sadd.s32 s3, s9;
	s6 =	sadd.s32 @!p0 $0x88, s6;
	s7 =	simm.s32 @p2 $0x1082  }
0x22: {  	[simem:s7], [sflag:s8] =	dma.local @!p0 [hbm:s6], $0xF7A  }
0x23: {  	s9 =	sor.u32 $0xD0000000, s2;
	s6 =	simm.s32 $0x108;
	_ =	swait.ge @!p0 [sflag:s8], $0x0  }
0x24: {  	s3 =	sadd.s32 $0x88, s3;
	s6 =	simm.s32 @!p1 $0x1082;
	[sflag:s4] =	ssyncset.s32 $0xFFFFF086  }
0x25: {  	[simem:s6], [sflag:s4] =	dma.local [hbm:s3], $0xF7A  }
0x26: {  	[smem:$0x3F9B] =	sst s1;
	(tag) =	ssettag s2;
	_ =	strace s9  }
0x27: {  	s1 =	sld [smem:$0x3FAB]  }
0x28: {  	s2 =	sld [smem:$0x3FAC]  }
0x29: {  	s4 =	sld [smem:$0x3FAE]  }
0x2a: {  	p0 =	seq.s32 s5, $0x0;
	s5 =	sld [smem:$0x3FAF]  }
0x2b: {  	s6 =	sld [smem:$0x3FB0]  }
0x2c: {  	s7 =	sld [smem:$0x3FB1]  }
0x2d: {  	s3 =	simm.s32 $0x108;
	s8 =	sld [smem:$0x3FB2]  }
0x2e: {  	s3 =	simm.s32 @!p0 $0x1082;
	s9 =	sld [smem:$0x3FB3]  }
0x2f: {  	lr =	sadd.s32 s0, s3;
	s0 =	sld [smem:$0x3FAA]  }
0x30: {  	s3 =	sld [smem:$0x3FAD]  }
0x31: {  	[smem:$0x3FB6] =	sst s10  }
0x32: {  	s10 =	sld [smem:$0x3FB4];
	_ =	sdelay $0x3  }
0x33: {  	p0 =	seq.s32 s10, $0x1;
	s10 =	sld [smem:$0x3FB6];
	_ =	sdelay $0x3  }
0x34: {  	[smem:$0x3FB6] =	sst s10  }
0x35: {  	s10 =	sld [smem:$0x3FB5];
	_ =	sdelay $0x3  }
0x36: {  	p1 =	seq.s32 s10, $0x1;
	s10 =	sld [smem:$0x3FB6];
	_ =	sdelay $0x3  }
0x37: {  	[smem:$0x3FB6] =	sst s10  }
0x38: {  	s10 =	sld [smem:$0x3FB7]  }
0x39: {  	_ = 	snop;
	(pc) =	sbr.ind lr, $3  }
0x3a: {  	_ = 	snop  }
0x3b: {  	_ = 	snop  }
0x3c: {  	p2 =	seq.s32 s10, $0x1;
	s10 =	sld [smem:$0x3FB6]  }
0x3d: {  	_ =	shalt  }
0x3e: {  	_ =	shalt  }
0x3f: {  	_ =	shalt  }
0x40: {  	_ =	shalt  }
0x41: {  	_ =	shalt  }
0x42: {  	_ =	shalt  }
0x43: {  	_ =	shalt  }
0x44: {  	_ =	shalt  }
0x45: {  	_ =	shalt  }
0x46: {  	_ =	shalt  }
0x47: {  	_ =	shalt  }
0x48: {  	_ =	shalt  }
0x49: {  	_ =	shalt  }
0x4a: {  	_ =	shalt  }
0x4b: {  	_ =	shalt  }
0x4c: {  	_ =	shalt  }
0x4d: {  	_ =	shalt  }
0x4e: {  	_ =	shalt  }
0x4f: {  	_ =	shalt  }
0x50: {  	_ =	shalt  }
0x51: {  	_ =	shalt  }
0x52: {  	_ =	shalt  }
0x53: {  	_ =	shalt  }
0x54: {  	_ =	shalt  }
0x55: {  	_ =	shalt  }
0x56: {  	_ =	shalt  }
0x57: {  	_ =	shalt  }
0x58: {  	_ =	shalt  }
0x59: {  	_ =	shalt  }
0x5a: {  	_ =	shalt  }
0x5b: {  	_ =	shalt  }
0x5c: {  	_ =	shalt  }
0x5d: {  	_ =	shalt  }
0x5e: {  	_ =	shalt  }
0x5f: {  	_ =	shalt  }
0x60: {  	_ =	shalt  }
0x61: {  	_ =	shalt  }
0x62: {  	_ =	shalt  }
0x63: {  	_ =	shalt  }
0x64: {  	_ =	shalt  }
0x65: {  	_ =	shalt  }
0x66: {  	_ =	shalt  }
0x67: {  	_ =	shalt  }
0x68: {  	_ =	shalt  }
0x69: {  	_ =	shalt  }
0x6a: {  	_ =	shalt  }
0x6b: {  	_ =	shalt  }
0x6c: {  	_ =	shalt  }
0x6d: {  	_ =	shalt  }
0x6e: {  	_ =	shalt  }
0x6f: {  	_ =	shalt  }
0x70: {  	_ =	shalt  }
0x71: {  	_ =	shalt  }
0x72: {  	_ =	shalt  }
0x73: {  	_ =	shalt  }
0x74: {  	_ =	shalt  }
0x75: {  	_ =	shalt  }
0x76: {  	_ =	shalt  }
0x77: {  	_ =	shalt  }
0x78: {  	_ =	shalt  }
0x79: {  	_ =	shalt  }
0x7a: {  	_ =	shalt  }
0x7b: {  	_ =	shalt  }
0x7c: {  	_ =	shalt  }
0x7d: {  	_ =	shalt  }
0x7e: {  	_ =	shalt  }
0x7f: {  	_ =	shalt  }
0x80: {  	_ =	shalt  }
0x81: {  	_ =	shalt  }
0x82: {  	_ =	shalt  }
0x83: {  	_ =	shalt  }
0x84: {  	_ =	shalt  }
0x85: {  	_ =	shalt  }
0x86: {  	_ =	shalt  }
0x87: {  	_ =	shalt  }
.Lfunc_end0:
.L_simem_size_0:
called_computation.1_lowered:
.L_overlay_start_0:
0x88: {  	s2 =	sld [smem:$0x3FD9]  }
0x89: {  	s3 =	sld [smem:$0x3FFE];
	_ =	sdelay $0x1  }
0x8a: {  	s1 =	srdreg.scid  }
0x8b: {  	s0 =	sand.u32 $0x1, s1  }
0x8c: {  	s17 =	sshll.u32 s0, $0xA;
	s2 =	sadd.s32 s3, s2  }
0x8d: {  	s2 =	sadd.s32 s2, s17  }
0x8e: {  	[smem:$0x3FC2] =	sst s2  }
0x8f: {  	_ = 	snop  }
0x90: {  	s2 =	sld [smem:$0x3FC9]  }
0x91: {  	s18 =	sld [smem:$0x3FC8]  }
0x92: {  	s4 =	sld [smem:$0x3FD0];
	(tm) =	ssettm $0x1  }
0x93: {  	s5 =	sld [smem:$0x3FFB];
	_ =	sdelay $0x3  }
0x94: {  	_ =	strace s5  }
0x95: {  	s5 =	sld [smem:$0x3FFC];
	_ =	sdelay $0x3  }
0x96: {  	_ =	strace s5  }
0x97: {  	s5 =	sld [smem:$0x3FFD];
	_ =	sdelay $0x3  }
0x98: {  	_ =	strace s5  }
0x99: {  	_ =	strace $0x8FFFFFFF  }
0x9a: {  	s19 =	sld [smem:$0x3FDB];
	_ =	sdelay $0x1  }
0x9b: {  	s6 =	simm.s32 $_scs_section_size  }
0x9c: {  	s7 =	simm.s32 $_size__tile_overlayer_lowered;
	s8 =	simm.s32 $_tile_overlayer_lowered  }
0x9d: {  	s22 =	simm.s32 $0x1BFF;
	s21 =	sshll.u32 s8, $0x1;
	s5 =	sadd.s32 s6, s19  }
0x9e: {  	s9 =	simm.s32 $0x0;
	s20 =	sshll.u32 s7, $0x1;
	s7 =	sadd.s32 s21, s5  }
0x9f: {  	[timem:s9], [sflag:s22] =	dma.local [hbm:s7], s20  }
0xa0: {  	_ =	swait.ge [sflag:s22], s20  }
0xa1: {  	s6 =	ssub.s32 $0x0, s20;
	[sflag:s22] =	ssyncset.done $0x0  }
0xa2: {  	[sflag:s22] =	ssyncadd.s32 s6;
	_ =	sdelay $0x1  }
0xa3: {  	s23 =	simm.s32 $0x1B8B  }
0xa4: {  	_ =	swait.ge [sflag:s23], $0x1  }
0xa5: {  	[sflag:s23] =	ssyncset.done $0x0  }
0xa6: {  	s25 =	simm.s32 $0x1B8E;
	s24 =	sld [smem:$0x3FFE];
	[sflag:s23] =	ssyncadd.s32 $0xFFFFFFFF  }
0xa7: {  	s26 =	simm.s32 $execute0_lowered;
	[smem:$0x3FD2] =	sst s25  }
0xa8: {  	s7 =	sshll.u32 s26, $0x1;
	_ =	strace $0x80000049;
	[dreg:$0x1] =	wrdreg $0xFFFFFFFF  }
0xa9: {  	s28 =	simm.s32 $_size_execute0_lowered;
	s5 =	sadd.s32 s5, s7;
	[dreg:$0x0] =	wrdreg $0x0  }
0xaa: {  	s7 =	sshll.u32 s28, $0x1;
	[dreg:$0x2] =	wrdreg s5  }
0xab: {  	[dreg:$0x3] =	wrdreg s7  }
0xac: {  	[dreg:$0x4] =	wrdreg $0xC0  }
0xad: {  	_ =	task [dreg:s9], $0x5FFFF  }
0xae: {  	[dreg:$0x1] =	wrdreg $0xFFFFFFFF  }
0xaf: {  	[dreg:$0x0] =	wrdreg $0x60  }
0xb0: {  	[dreg:$0x2] =	wrdreg s2  }
0xb1: {  	[dreg:$0x3] =	wrdreg s18  }
0xb2: {  	[dreg:$0x4] =	wrdreg s24  }
0xb3: {  	[dreg:$0x5] =	wrdreg s4  }
0xb4: {  	[dreg:$0x6] =	wrdreg $0x9  }
0xb5: {  	_ =	task.clear_ibuf [dreg:s9], $0x7FFFF;
	_ =	strace $0x90000049  }
0xb6: {  	s29 =	simm.s32 $0x9;
	_ =	strace $0x8000004B  }
0xb7: {  	_ =	swait.ge [sflag:s29], $0x1  }
0xb8: {  	[sflag:s29] =	ssyncadd.s32 $0xFFFFFFFF  }
0xb9: {  	_ =	strace $0x9000004B  }
0xba: {  	_ =	sfence  }
0xbb: {  	s30 =	sld [smem:$0x0];
	_ =	sdelay $0x2  }
0xbc: {  	s31 =	sshll.u32 s1, $0xD;
	s1 =	sshrl.u32 s1, $0x2  }
0xbd: {  	s3 =	sand.u32 $0x4000, s31;
	s1 =	sadd.s32 s1, s30  }
0xbe: {  	s0 =	sor.u32 s3, s0;
	s1 =	sshll.u32 s1, $0x11  }
0xbf: {  	s0 =	sor.u32 s1, s0  }
0xc0: {  	s0 =	sadd.s32 $0x8F2B, s0  }
0xc1: {  	[sflag:s0] =	ssyncadd.remote.s32 $0x1  }
0xc2: {  	_ =	sfence.sel $0xFFFF  }
0xc3: {  	[dreg:$0x0] =	wrdreg $0xFFFFFFFF;
	(pc) =	sbr.abs _section_cstart, $3  }
0xc4: {  	[dreg:$0x1] =	wrdreg $0xFFFFFFFF  }
0xc5: {  	_ =	task.clear_ibuf [dreg:s9], $0x2FFFF;
	_ =	strace $0x9FFFFFFF  }
0xc6: {  	(tm) =	ssettm $0x7FFFFFFF  }
0xc7: {  	_ =	shalt  }
tec
execute0_lowered:
.L_overlay_start_1:
0x0: {  	(tag) =	ssettag $0x1  }
0x1: {  	s0 =	rddreg [dreg:$0x0]  }
0x2: {  	s7 =	rddreg [dreg:$0x1]  }
0x3: {  	s5 =	rddreg [dreg:$0x2]  }
0x4: {  	s8 =	rddreg [dreg:$0x3]  }
0x5: {  	s1 =	simm.s32 $0x0;
	s2 =	srdreg.scid;
	s12 =	simm.s32 $0x1  }
0x6: {  	s13 =	simm.s32 $0x2;
	s14 =	simm.s32 $0x80;
	s15 =	simm.s32 $0x800  }
0x7: {  	s16 =	simm.s32 $0x8800;
	s17 =	simm.s32 $0x4800;
	s18 =	simm.s32 $0x280  }
0x8: {  	s19 =	simm.s32 $0xC800;
	s20 =	simm.s32 $0x100;
	s21 =	simm.s32 $0x300  }
0x9: {  	s22 =	simm.s32 $0x180;
	s23 =	simm.s32 $0x380;
	s24 =	simm.s32 $0x10880  }
0xa: {  	s25 =	simm.s32 $0x3;
	s26 =	simm.s32 $0x0;
	[smem:$0x7FF] =	sst s1  }
0xb: {  	s3 =	sadd.s32 $0x12C00, s5;
	s6 =	sand.u32 $0x1, s2;
	s4 =	sadd.s32 $0xF400, s5  }
0xc: {  	s2 =	stileid.u32;
	s5 =	sadd.s32 $0x1000, s5;
	_ =	strace $0x8000004A  }
0xd: {  	s9 =	ssub.s32 $0x2, s6;
	s6 =	sshll.u32 s6, $0xA;
	s11 =	sshll.u32 s2, $0x6  }
0xe: {  	s10 =	sshrl.u32 s9, $0x1;
	s31 =	sor.u32 s11, s6;
	s11 =	simm.s32 $0x10800  }
0xf: {  	v0 =	vlaneseq.u32;
	s9 =	ssub.s32 s9, s10;
	s6 =	sadd.s32 s0, s31;
	s7 =	sadd.s32 s7, s31  }
0x10: {  	v0 =	vmul.u32 $0x80, v0;
	s8 =	sadd.s32 s8, s31;
	s10 =	simm.s32 $0x200;
	s9 =	smax.u32 s9, $0x1  }
.LBB2_1:
0x11: {  	[tilespmem:s1], [sflag:$0x1] =	stream.linear.gather [hbm4b:s6+s1], $0x200, $0x38;
	[tilespmem:$0x10A80] =	vst v63  }
0x12: {  	_ = 	snop  }
0x13: {  	[tilespmem:s10], [sflag:$0x2] =	stream.linear.gather [hbm4b:s7+s1], $0x200, $0x38;
	[tilespmem:$0x10A80] =	vst v63  }
0x14: {  	_ = 	snop  }
0x15: {  	[tilespmem:s11], [sflag:$0x1] =	stream.linear.gather [hbm4b:s5+s1], $0x80, $0x38;
	[tilespmem:$0x10A80] =	vst v63  }
0x16: {  	_ =	swait.ge [sflag:s12], $0x200  }
0x17: {  	[sflag:s12] =	ssyncset.done $0x0  }
0x18: {  	[sflag:s12] =	ssyncadd.s32 $0xFFFFFE00  }
0x19: {  	_ =	swait.ge [sflag:s13], $0x200  }
0x1a: {  	[sflag:s13] =	ssyncset.done $0x0  }
0x1b: {  	[sflag:s13] =	ssyncadd.s32 $0xFFFFFE00  }
0x1c: {  	_ =	swait.ge [sflag:s12], $0x80  }
0x1d: {  	[sflag:s12] =	ssyncset.done $0x0  }
0x1e: {  	[sflag:s12] =	ssyncadd.s32 $0xFFFFFF80  }
0x1f: {  	v1 =	vld [tilespmem:$0x0];
	_ =	sdelay $0x1  }
0x20: {  	v2 =	vld [tilespmem:$0x200];
	_ =	sdelay $0x1  }
0x21: {  	v3 =	vld [tilespmem:$0x10]  }
0x22: {  	v5 =	vld [tilespmem:$0x210];
	v4 =	vshrl.u32 v1, $0x7  }
0x23: {  	v1 =	vand.u32 $0x7F, v1;
	[tilespmem:$0x0] =	vst v4  }
0x24: {  	v4 =	vshrl.u32 v2, $0x7;
	[tilespmem:$0x400] =	vst v1  }
0x25: {  	v1 =	vand.u32 $0x7F, v2;
	v2 =	vld [tilespmem:$0x20];
	[tilespmem:$0x200] =	vst v4  }
0x26: {  	[tilespmem:$0x600] =	vst v1;
	v1 =	vshrl.u32 v3, $0x7;
	v4 =	vld [tilespmem:$0x220]  }
0x27: {  	[tilespmem:$0x10] =	vst v1;
	v1 =	vshrl.u32 v5, $0x7  }
0x28: {  	[tilespmem:$0x210] =	vst v1;
	v1 =	vand.u32 $0x7F, v3  }
0x29: {  	v3 =	vld [tilespmem:$0x30];
	[tilespmem:$0x410] =	vst v1;
	v1 =	vand.u32 $0x7F, v5  }
0x2a: {  	v5 =	vld [tilespmem:$0x230];
	[tilespmem:$0x610] =	vst v1;
	v1 =	vshrl.u32 v2, $0x7  }
0x2b: {  	[tilespmem:$0x20] =	vst v1;
	v1 =	vshrl.u32 v4, $0x7  }
0x2c: {  	[tilespmem:$0x220] =	vst v1;
	v1 =	vand.u32 $0x7F, v2  }
0x2d: {  	v2 =	vld [tilespmem:$0x40];
	[tilespmem:$0x420] =	vst v1;
	v1 =	vand.u32 $0x7F, v4  }
0x2e: {  	v4 =	vld [tilespmem:$0x240];
	[tilespmem:$0x620] =	vst v1;
	v1 =	vshrl.u32 v3, $0x7  }
0x2f: {  	[tilespmem:$0x30] =	vst v1;
	v1 =	vshrl.u32 v5, $0x7  }
0x30: {  	[tilespmem:$0x230] =	vst v1;
	v1 =	vand.u32 $0x7F, v3  }
0x31: {  	v3 =	vld [tilespmem:$0x50];
	[tilespmem:$0x430] =	vst v1;
	v1 =	vand.u32 $0x7F, v5  }
0x32: {  	v5 =	vld [tilespmem:$0x250];
	[tilespmem:$0x630] =	vst v1;
	v1 =	vshrl.u32 v2, $0x7  }
0x33: {  	[tilespmem:$0x40] =	vst v1;
	v1 =	vshrl.u32 v4, $0x7  }
0x34: {  	[tilespmem:$0x240] =	vst v1;
	v1 =	vand.u32 $0x7F, v2  }
0x35: {  	v2 =	vld [tilespmem:$0x60];
	[tilespmem:$0x440] =	vst v1;
	v1 =	vand.u32 $0x7F, v4  }
0x36: {  	v4 =	vld [tilespmem:$0x260];
	[tilespmem:$0x640] =	vst v1;
	v1 =	vshrl.u32 v3, $0x7  }
0x37: {  	[tilespmem:$0x50] =	vst v1;
	v1 =	vshrl.u32 v5, $0x7  }
0x38: {  	[tilespmem:$0x250] =	vst v1;
	v1 =	vand.u32 $0x7F, v3  }
0x39: {  	v3 =	vld [tilespmem:$0x70];
	[tilespmem:$0x450] =	vst v1;
	v1 =	vand.u32 $0x7F, v5  }
0x3a: {  	v5 =	vld [tilespmem:$0x270];
	[tilespmem:$0x650] =	vst v1;
	v1 =	vshrl.u32 v2, $0x7  }
0x3b: {  	[tilespmem:$0x60] =	vst v1;
	v1 =	vshrl.u32 v4, $0x7  }
0x3c: {  	[tilespmem:$0x260] =	vst v1;
	v1 =	vand.u32 $0x7F, v2  }
0x3d: {  	v2 =	vld [tilespmem:$0x80];
	[tilespmem:$0x460] =	vst v1;
	v1 =	vand.u32 $0x7F, v4  }
0x3e: {  	v4 =	vld [tilespmem:$0x280];
	[tilespmem:$0x660] =	vst v1;
	v1 =	vshrl.u32 v3, $0x7  }
0x3f: {  	[tilespmem:$0x70] =	vst v1;
	v1 =	vshrl.u32 v5, $0x7  }
0x40: {  	[tilespmem:$0x270] =	vst v1;
	v1 =	vand.u32 $0x7F, v3  }
0x41: {  	v3 =	vld [tilespmem:$0x90];
	[tilespmem:$0x470] =	vst v1;
	v1 =	vand.u32 $0x7F, v5  }
0x42: {  	v5 =	vld [tilespmem:$0x290];
	[tilespmem:$0x670] =	vst v1;
	v1 =	vshrl.u32 v2, $0x7  }
0x43: {  	[tilespmem:$0x80] =	vst v1;
	v1 =	vshrl.u32 v4, $0x7  }
0x44: {  	[tilespmem:$0x280] =	vst v1;
	v1 =	vand.u32 $0x7F, v2  }
0x45: {  	v2 =	vld [tilespmem:$0xA0];
	[tilespmem:$0x480] =	vst v1;
	v1 =	vand.u32 $0x7F, v4  }
0x46: {  	v4 =	vld [tilespmem:$0x2A0];
	[tilespmem:$0x680] =	vst v1;
	v1 =	vshrl.u32 v3, $0x7  }
0x47: {  	[tilespmem:$0x90] =	vst v1;
	v1 =	vshrl.u32 v5, $0x7  }
0x48: {  	[tilespmem:$0x290] =	vst v1;
	v1 =	vand.u32 $0x7F, v3  }
0x49: {  	v3 =	vld [tilespmem:$0xB0];
	[tilespmem:$0x490] =	vst v1;
	v1 =	vand.u32 $0x7F, v5  }
0x4a: {  	v5 =	vld [tilespmem:$0x2B0];
	[tilespmem:$0x690] =	vst v1;
	v1 =	vshrl.u32 v2, $0x7  }
0x4b: {  	[tilespmem:$0xA0] =	vst v1;
	v1 =	vshrl.u32 v4, $0x7  }
0x4c: {  	[tilespmem:$0x2A0] =	vst v1;
	v1 =	vand.u32 $0x7F, v2  }
0x4d: {  	v2 =	vld [tilespmem:$0xC0];
	[tilespmem:$0x4A0] =	vst v1;
	v1 =	vand.u32 $0x7F, v4  }
0x4e: {  	v4 =	vld [tilespmem:$0x2C0];
	[tilespmem:$0x6A0] =	vst v1;
	v1 =	vshrl.u32 v3, $0x7  }
0x4f: {  	[tilespmem:$0xB0] =	vst v1;
	v1 =	vshrl.u32 v5, $0x7  }
0x50: {  	[tilespmem:$0x2B0] =	vst v1;
	v1 =	vand.u32 $0x7F, v3  }
0x51: {  	v3 =	vld [tilespmem:$0xD0];
	[tilespmem:$0x4B0] =	vst v1;
	v1 =	vand.u32 $0x7F, v5  }
0x52: {  	v5 =	vld [tilespmem:$0x2D0];
	[tilespmem:$0x6B0] =	vst v1;
	v1 =	vshrl.u32 v2, $0x7  }
0x53: {  	[tilespmem:$0xC0] =	vst v1;
	v1 =	vshrl.u32 v4, $0x7  }
0x54: {  	[tilespmem:$0x2C0] =	vst v1;
	v1 =	vand.u32 $0x7F, v2  }
0x55: {  	v2 =	vld [tilespmem:$0xE0];
	[tilespmem:$0x4C0] =	vst v1;
	v1 =	vand.u32 $0x7F, v4  }
0x56: {  	v4 =	vld [tilespmem:$0x2E0];
	[tilespmem:$0x6C0] =	vst v1;
	v1 =	vshrl.u32 v3, $0x7  }
0x57: {  	[tilespmem:$0xD0] =	vst v1;
	v1 =	vshrl.u32 v5, $0x7  }
0x58: {  	[tilespmem:$0x2D0] =	vst v1;
	v1 =	vand.u32 $0x7F, v3  }
0x59: {  	v3 =	vld [tilespmem:$0xF0];
	[tilespmem:$0x4D0] =	vst v1;
	v1 =	vand.u32 $0x7F, v5  }
0x5a: {  	v5 =	vld [tilespmem:$0x2F0];
	[tilespmem:$0x6D0] =	vst v1;
	v1 =	vshrl.u32 v2, $0x7  }
0x5b: {  	[tilespmem:$0xE0] =	vst v1;
	v1 =	vshrl.u32 v4, $0x7  }
0x5c: {  	[tilespmem:$0x2E0] =	vst v1;
	v1 =	vand.u32 $0x7F, v2  }
0x5d: {  	v2 =	vld [tilespmem:$0x100];
	[tilespmem:$0x4E0] =	vst v1;
	v1 =	vand.u32 $0x7F, v4  }
0x5e: {  	v4 =	vld [tilespmem:$0x300];
	[tilespmem:$0x6E0] =	vst v1;
	v1 =	vshrl.u32 v3, $0x7  }
0x5f: {  	[tilespmem:$0xF0] =	vst v1;
	v1 =	vshrl.u32 v5, $0x7  }
0x60: {  	[tilespmem:$0x2F0] =	vst v1;
	v1 =	vand.u32 $0x7F, v3  }
0x61: {  	v3 =	vld [tilespmem:$0x110];
	[tilespmem:$0x4F0] =	vst v1;
	v1 =	vand.u32 $0x7F, v5  }
0x62: {  	v5 =	vld [tilespmem:$0x310];
	[tilespmem:$0x6F0] =	vst v1;
	v1 =	vshrl.u32 v2, $0x7  }
0x63: {  	[tilespmem:$0x100] =	vst v1;
	v1 =	vshrl.u32 v4, $0x7  }
0x64: {  	[tilespmem:$0x300] =	vst v1;
	v1 =	vand.u32 $0x7F, v2  }
0x65: {  	v2 =	vld [tilespmem:$0x120];
	[tilespmem:$0x500] =	vst v1;
	v1 =	vand.u32 $0x7F, v4  }
0x66: {  	v4 =	vld [tilespmem:$0x320];
	[tilespmem:$0x700] =	vst v1;
	v1 =	vshrl.u32 v3, $0x7  }
0x67: {  	[tilespmem:$0x110] =	vst v1;
	v1 =	vshrl.u32 v5, $0x7  }
0x68: {  	[tilespmem:$0x310] =	vst v1;
	v1 =	vand.u32 $0x7F, v3  }
0x69: {  	v3 =	vld [tilespmem:$0x130];
	[tilespmem:$0x510] =	vst v1;
	v1 =	vand.u32 $0x7F, v5  }
0x6a: {  	v5 =	vld [tilespmem:$0x330];
	[tilespmem:$0x710] =	vst v1;
	v1 =	vshrl.u32 v2, $0x7  }
0x6b: {  	[tilespmem:$0x120] =	vst v1;
	v1 =	vshrl.u32 v4, $0x7  }
0x6c: {  	[tilespmem:$0x320] =	vst v1;
	v1 =	vand.u32 $0x7F, v2  }
0x6d: {  	v2 =	vld [tilespmem:$0x140];
	[tilespmem:$0x520] =	vst v1;
	v1 =	vand.u32 $0x7F, v4  }
0x6e: {  	v4 =	vld [tilespmem:$0x340];
	[tilespmem:$0x720] =	vst v1;
	v1 =	vshrl.u32 v3, $0x7  }
0x6f: {  	[tilespmem:$0x130] =	vst v1;
	v1 =	vshrl.u32 v5, $0x7  }
0x70: {  	[tilespmem:$0x330] =	vst v1;
	v1 =	vand.u32 $0x7F, v3  }
0x71: {  	v3 =	vld [tilespmem:$0x150];
	[tilespmem:$0x530] =	vst v1;
	v1 =	vand.u32 $0x7F, v5  }
0x72: {  	v5 =	vld [tilespmem:$0x350];
	[tilespmem:$0x730] =	vst v1;
	v1 =	vshrl.u32 v2, $0x7  }
0x73: {  	[tilespmem:$0x140] =	vst v1;
	v1 =	vshrl.u32 v4, $0x7  }
0x74: {  	[tilespmem:$0x340] =	vst v1;
	v1 =	vand.u32 $0x7F, v2  }
0x75: {  	v2 =	vld [tilespmem:$0x160];
	[tilespmem:$0x540] =	vst v1;
	v1 =	vand.u32 $0x7F, v4  }
0x76: {  	v4 =	vld [tilespmem:$0x360];
	[tilespmem:$0x740] =	vst v1;
	v1 =	vshrl.u32 v3, $0x7  }
0x77: {  	[tilespmem:$0x150] =	vst v1;
	v1 =	vshrl.u32 v5, $0x7  }
0x78: {  	[tilespmem:$0x350] =	vst v1;
	v1 =	vand.u32 $0x7F, v3  }
0x79: {  	v3 =	vld [tilespmem:$0x170];
	[tilespmem:$0x550] =	vst v1;
	v1 =	vand.u32 $0x7F, v5  }
0x7a: {  	v5 =	vld [tilespmem:$0x370];
	[tilespmem:$0x750] =	vst v1;
	v1 =	vshrl.u32 v2, $0x7  }
0x7b: {  	[tilespmem:$0x160] =	vst v1;
	v1 =	vshrl.u32 v4, $0x7  }
0x7c: {  	[tilespmem:$0x360] =	vst v1;
	v1 =	vand.u32 $0x7F, v2  }
0x7d: {  	v2 =	vld [tilespmem:$0x180];
	[tilespmem:$0x560] =	vst v1;
	v1 =	vand.u32 $0x7F, v4  }
0x7e: {  	v4 =	vld [tilespmem:$0x380];
	[tilespmem:$0x760] =	vst v1;
	v1 =	vshrl.u32 v3, $0x7  }
0x7f: {  	[tilespmem:$0x170] =	vst v1;
	v1 =	vshrl.u32 v5, $0x7  }
0x80: {  	[tilespmem:$0x370] =	vst v1;
	v1 =	vand.u32 $0x7F, v3  }
0x81: {  	v3 =	vld [tilespmem:$0x190];
	[tilespmem:$0x570] =	vst v1;
	v1 =	vand.u32 $0x7F, v5  }
0x82: {  	v5 =	vld [tilespmem:$0x390];
	[tilespmem:$0x770] =	vst v1;
	v1 =	vshrl.u32 v2, $0x7  }
0x83: {  	[tilespmem:$0x180] =	vst v1;
	v1 =	vshrl.u32 v4, $0x7  }
0x84: {  	[tilespmem:$0x380] =	vst v1;
	v1 =	vand.u32 $0x7F, v2  }
0x85: {  	v2 =	vld [tilespmem:$0x1A0];
	[tilespmem:$0x580] =	vst v1;
	v1 =	vand.u32 $0x7F, v4  }
0x86: {  	v4 =	vld [tilespmem:$0x3A0];
	[tilespmem:$0x780] =	vst v1;
	v1 =	vshrl.u32 v3, $0x7  }
0x87: {  	[tilespmem:$0x190] =	vst v1;
	v1 =	vshrl.u32 v5, $0x7  }
0x88: {  	[tilespmem:$0x390] =	vst v1;
	v1 =	vand.u32 $0x7F, v3  }
0x89: {  	v3 =	vld [tilespmem:$0x1B0];
	[tilespmem:$0x590] =	vst v1;
	v1 =	vand.u32 $0x7F, v5  }
0x8a: {  	v5 =	vld [tilespmem:$0x3B0];
	[tilespmem:$0x790] =	vst v1;
	v1 =	vshrl.u32 v2, $0x7  }
0x8b: {  	[tilespmem:$0x1A0] =	vst v1;
	v1 =	vshrl.u32 v4, $0x7  }
0x8c: {  	[tilespmem:$0x3A0] =	vst v1;
	v1 =	vand.u32 $0x7F, v2  }
0x8d: {  	v2 =	vld [tilespmem:$0x1C0];
	[tilespmem:$0x5A0] =	vst v1;
	v1 =	vand.u32 $0x7F, v4  }
0x8e: {  	v4 =	vld [tilespmem:$0x3C0];
	[tilespmem:$0x7A0] =	vst v1;
	v1 =	vshrl.u32 v3, $0x7  }
0x8f: {  	[tilespmem:$0x1B0] =	vst v1;
	v1 =	vshrl.u32 v5, $0x7  }
0x90: {  	[tilespmem:$0x3B0] =	vst v1;
	v1 =	vand.u32 $0x7F, v3  }
0x91: {  	v3 =	vld [tilespmem:$0x1D0];
	[tilespmem:$0x5B0] =	vst v1;
	v1 =	vand.u32 $0x7F, v5  }
0x92: {  	v5 =	vld [tilespmem:$0x3D0];
	[tilespmem:$0x7B0] =	vst v1;
	v1 =	vshrl.u32 v2, $0x7  }
0x93: {  	[tilespmem:$0x1C0] =	vst v1;
	v1 =	vshrl.u32 v4, $0x7  }
0x94: {  	[tilespmem:$0x3C0] =	vst v1;
	v1 =	vand.u32 $0x7F, v2  }
0x95: {  	v2 =	vld [tilespmem:$0x1E0];
	[tilespmem:$0x5C0] =	vst v1;
	v1 =	vand.u32 $0x7F, v4  }
0x96: {  	v4 =	vld [tilespmem:$0x3E0];
	[tilespmem:$0x7C0] =	vst v1;
	v1 =	vshrl.u32 v3, $0x7  }
0x97: {  	[tilespmem:$0x1D0] =	vst v1;
	v1 =	vshrl.u32 v5, $0x7  }
0x98: {  	[tilespmem:$0x3D0] =	vst v1;
	v1 =	vand.u32 $0x7F, v3  }
0x99: {  	v3 =	vld [tilespmem:$0x1F0];
	[tilespmem:$0x5D0] =	vst v1;
	v1 =	vand.u32 $0x7F, v5  }
0x9a: {  	v5 =	vld [tilespmem:$0x3F0];
	[tilespmem:$0x7D0] =	vst v1;
	v1 =	vshrl.u32 v2, $0x7  }
0x9b: {  	[tilespmem:$0x1E0] =	vst v1;
	v1 =	vshrl.u32 v4, $0x7  }
0x9c: {  	[tilespmem:$0x3E0] =	vst v1;
	v1 =	vand.u32 $0x7F, v2  }
0x9d: {  	[tilespmem:$0x5E0] =	vst v1;
	v1 =	vand.u32 $0x7F, v4  }
0x9e: {  	[tilespmem:$0x7E0] =	vst v1;
	v1 =	vshrl.u32 v3, $0x7  }
0x9f: {  	[tilespmem:$0x1F0] =	vst v1;
	v1 =	vshrl.u32 v5, $0x7  }
0xa0: {  	[tilespmem:$0x3F0] =	vst v1;
	v1 =	vand.u32 $0x7F, v3  }
0xa1: {  	[tilespmem:$0x5F0] =	vst v1;
	v1 =	vand.u32 $0x7F, v5  }
0xa2: {  	[tilespmem:$0x7F0] =	vst v1  }
0xa3: {  	v1 =	vld.msk [tilespmem:$0x10800 ss:$0x0], $0xffff;
	[tilespmem:s15], [sflag:$0x1] =	stream.indirect.gather [hbm4b:s3+s14], $0x80, s1, s14, $0xb8  }
0xa4: {  	_ = 	snop  }
0xa5: {  	[tilespmem:s16], [sflag:$0x2] =	stream.indirect.gather [hbm4b:s4+s14], $0x80, s10, s14, $0xb8;
	[tilespmem:$0x10A80] =	vst v63  }
0xa6: {  	_ = 	snop  }
0xa7: {  	[tilespmem:s17], [sflag:$0x1] =	stream.indirect.gather [hbm4b:s3+s14], $0x80, s14, s14, $0xb8;
	[tilespmem:$0x10A80] =	vst v63  }
0xa8: {  	_ = 	snop  }
0xa9: {  	[tilespmem:s19], [sflag:$0x2] =	stream.indirect.gather [hbm4b:s4+s14], $0x80, s18, s14, $0xb8;
	[tilespmem:$0x10A80] =	vst v63  }
0xaa: {  	_ =	swait.ge [sflag:s12], $0x4000  }
0xab: {  	[sflag:s12] =	ssyncset.done $0x0  }
0xac: {  	[sflag:s12] =	ssyncadd.s32 $0xFFFFC000  }
0xad: {  	_ =	swait.ge [sflag:s13], $0x4000  }
0xae: {  	[sflag:s13] =	ssyncset.done $0x0  }
0xaf: {  	s0 =	simm.s32 $0x400;
	[sflag:s13] =	ssyncadd.s32 $0xFFFFC000  }
0xb0: {  	s28 =	simm.s32 $0x600;
	v2 =	vld [tilespmem:s0+$0x0]  }
0xb1: {  	v3 =	vld [tilespmem:s28+$0x0];
	_ =	sdelay $0x1  }
0xb2: {  	v4 =	vmov s1  }
0xb3: {  	v4 =	vshll.u32 v4, $0x7  }
0xb4: {  	v4 =	vor.u32 v0, v4;
	v5 =	vand.u32 $0xFFFFFF80, v2  }
0xb5: {  	v2 =	vand.u32 $0x7F, v2;
	v6 =	vand.u32 $0xFFFFFF80, v3;
	v5 =	vadd.s32 v4, v5  }
0xb6: {  	v3 =	vand.u32 $0x7F, v3;
	v4 =	vadd.s32 v4, v6;
	v2 =	vor.u32 v2, v5  }
0xb7: {  	v3 =	vor.u32 v3, v4;
	_ =	sdelay $0x3  }
0xb8: {  	v2 =	vld.idx.msk [tilespmem:v2+s15+$0x0], $0xffff  }
0xb9: {  	v3 =	vld.idx.msk [tilespmem:v3+s16+$0x0], $0xffff;
	_ =	sdelay $0x4  }
0xba: {  	v2 =	vadd.f32 v3, v2;
	_ =	sdelay $0x1  }
0xbb: {  	v2 =	vadd.f32 v2, v1;
	_ =	sdelay $0x1  }
0xbc: {  	s29 =	simm.s32 $0x410;
	[tilespmem:s24+$0x0] =	vst v2  }
0xbd: {  	s30 =	simm.s32 $0x610;
	v3 =	vld [tilespmem:s29+$0x0]  }
0xbe: {  	s31 =	simm.s32 $0x10;
	s0 =	simm.s32 $0x20;
	s28 =	simm.s32 $0x10880;
	v2 =	vld [tilespmem:s30+$0x0]  }
.LBB2_2:
0xbf: {  	p0 =	sne.s32 s0, $0x70  }
0xc0: {  	v4 =	vmov s31;
	s31 =	smov.u32 s0  }
0xc1: {  	v4 =	vshll.u32 v4, $0x7  }
0xc2: {  	v4 =	vor.u32 v0, v4;
	v5 =	vand.u32 $0xFFFFFF80, v3  }
0xc3: {  	v3 =	vand.u32 $0x7F, v3;
	v5 =	vadd.s32 v4, v5;
	v6 =	vand.u32 $0xFFFFFF80, v2  }
0xc4: {  	v2 =	vand.u32 $0x7F, v2;
	v3 =	vor.u32 v3, v5;
	v4 =	vadd.s32 v4, v6  }
0xc5: {  	v2 =	vor.u32 v2, v4;
	_ =	sdelay $0x3  }
0xc6: {  	v3 =	vld.idx.msk [tilespmem:v3+s15+$0x0], $0xffff  }
0xc7: {  	v2 =	vld.idx.msk [tilespmem:v2+s16+$0x0], $0xffff;
	_ =	sdelay $0x5  }
0xc8: {  	v2 =	vadd.f32 v2, v3;
	_ =	sdelay $0x1  }
.Ltmp0:
0xc9: {  	v2 =	vadd.f32 v2, v1;
	(pc) =	sbr.rel @p0 .LBB2_2-.Ltmp0, $4  }
0xca: {  	s28 =	sadd.s32 $0x10, s28  }
0xcb: {  	s29 =	sadd.s32 $0x10, s29;
	[tilespmem:s28+$0x0] =	vst v2  }
0xcc: {  	s30 =	sadd.s32 $0x10, s30;
	v3 =	vld [tilespmem:s29+$0x0]  }
0xcd: {  	s0 =	sadd.s32 $0x10, s0;
	v2 =	vld [tilespmem:s30+$0x0]  }
0xce: {  	_ = 	snop  }
0xcf: {  	v4 =	vmov s31  }
0xd0: {  	v4 =	vshll.u32 v4, $0x7  }
0xd1: {  	v4 =	vor.u32 v0, v4;
	v5 =	vand.u32 $0xFFFFFF80, v3  }
0xd2: {  	v3 =	vand.u32 $0x7F, v3;
	v5 =	vadd.s32 v4, v5;
	v6 =	vand.u32 $0xFFFFFF80, v2  }
0xd3: {  	v2 =	vand.u32 $0x7F, v2;
	v3 =	vor.u32 v3, v5;
	v4 =	vadd.s32 v4, v6  }
0xd4: {  	v2 =	vor.u32 v2, v4;
	_ =	sdelay $0x3  }
0xd5: {  	v3 =	vld.idx.msk [tilespmem:v3+s15+$0x0], $0xffff  }
0xd6: {  	v2 =	vld.idx.msk [tilespmem:v2+s16+$0x0], $0xffff;
	_ =	sdelay $0x4  }
0xd7: {  	v2 =	vadd.f32 v2, v3;
	_ =	sdelay $0x1  }
0xd8: {  	v2 =	vadd.f32 v2, v1  }
0xd9: {  	s0 =	sadd.s32 $0x10, s28  }
0xda: {  	[tilespmem:s0+$0x0] =	vst v2  }
0xdb: {  	[tilespmem:s15], [sflag:$0x1] =	stream.indirect.gather [hbm4b:s3+s14], $0x80, s20, s14, $0xb8;
	[tilespmem:$0x10A80] =	vst v63  }
0xdc: {  	_ = 	snop  }
0xdd: {  	[tilespmem:s16], [sflag:$0x2] =	stream.indirect.gather [hbm4b:s4+s14], $0x80, s21, s14, $0xb8;
	[tilespmem:$0x10A80] =	vst v63  }
0xde: {  	_ =	swait.ge [sflag:s12], $0x4000  }
0xdf: {  	[sflag:s12] =	ssyncset.done $0x0  }
0xe0: {  	[sflag:s12] =	ssyncadd.s32 $0xFFFFC000  }
0xe1: {  	_ =	swait.ge [sflag:s13], $0x4000  }
0xe2: {  	[sflag:s13] =	ssyncset.done $0x0  }
0xe3: {  	s0 =	simm.s32 $0x480;
	[sflag:s13] =	ssyncadd.s32 $0xFFFFC000  }
0xe4: {  	s28 =	simm.s32 $0x680;
	v2 =	vld [tilespmem:s0+$0x0]  }
0xe5: {  	v3 =	vld [tilespmem:s28+$0x0]  }
0xe6: {  	s0 =	simm.s32 $0x0  }
0xe7: {  	v4 =	vmov s0  }
0xe8: {  	v4 =	vshll.u32 v4, $0x7  }
0xe9: {  	v4 =	vor.u32 v0, v4;
	v5 =	vand.u32 $0xFFFFFF80, v2  }
0xea: {  	v2 =	vand.u32 $0x7F, v2;
	v63 =	vand.u32 $0xFFFFFF80, v3;
	v5 =	vadd.s32 v4, v5  }
0xeb: {  	v3 =	vand.u32 $0x7F, v3;
	v4 =	vadd.s32 v4, v63;
	v2 =	vor.u32 v2, v5  }
0xec: {  	v3 =	vor.u32 v3, v4;
	_ =	sdelay $0x3  }
0xed: {  	v2 =	vld.idx.msk [tilespmem:v2+s17+$0x0], $0xffff  }
0xee: {  	v3 =	vld.idx.msk [tilespmem:v3+s19+$0x0], $0xffff;
	_ =	sdelay $0x4  }
0xef: {  	v2 =	vadd.f32 v3, v2;
	_ =	sdelay $0x1  }
0xf0: {  	v2 =	vadd.f32 v2, v1  }
0xf1: {  	s28 =	simm.s32 $0x10900  }
0xf2: {  	s29 =	simm.s32 $0x490;
	[tilespmem:s28+$0x0] =	vst v2  }
0xf3: {  	s30 =	simm.s32 $0x690;
	v3 =	vld [tilespmem:s29+$0x0]  }
0xf4: {  	s31 =	simm.s32 $0x10;
	s0 =	simm.s32 $0x20;
	v2 =	vld [tilespmem:s30+$0x0]  }
.LBB2_4:
0xf5: {  	p0 =	sne.s32 s0, $0x70  }
0xf6: {  	v4 =	vmov s31;
	s31 =	smov.u32 s0  }
0xf7: {  	v4 =	vshll.u32 v4, $0x7  }
0xf8: {  	v4 =	vor.u32 v0, v4;
	v5 =	vand.u32 $0xFFFFFF80, v3  }
0xf9: {  	v3 =	vand.u32 $0x7F, v3;
	v5 =	vadd.s32 v4, v5;
	v6 =	vand.u32 $0xFFFFFF80, v2  }
0xfa: {  	v2 =	vand.u32 $0x7F, v2;
	v3 =	vor.u32 v3, v5;
	v4 =	vadd.s32 v4, v6  }
0xfb: {  	v2 =	vor.u32 v2, v4;
	_ =	sdelay $0x3  }
0xfc: {  	v3 =	vld.idx.msk [tilespmem:v3+s17+$0x0], $0xffff  }
0xfd: {  	v2 =	vld.idx.msk [tilespmem:v2+s19+$0x0], $0xffff;
	_ =	sdelay $0x5  }
0xfe: {  	v2 =	vadd.f32 v2, v3;
	_ =	sdelay $0x1  }
.Ltmp1:
0xff: {  	v2 =	vadd.f32 v2, v1;
	(pc) =	sbr.rel @p0 .LBB2_4-.Ltmp1, $4  }
0x100: {  	s28 =	sadd.s32 $0x10, s28  }
0x101: {  	s29 =	sadd.s32 $0x10, s29;
	[tilespmem:s28+$0x0] =	vst v2  }
0x102: {  	s30 =	sadd.s32 $0x10, s30;
	v3 =	vld [tilespmem:s29+$0x0]  }
0x103: {  	s0 =	sadd.s32 $0x10, s0;
	v2 =	vld [tilespmem:s30+$0x0]  }
0x104: {  	_ = 	snop  }
0x105: {  	v4 =	vmov s31  }
0x106: {  	v4 =	vshll.u32 v4, $0x7  }
0x107: {  	v4 =	vor.u32 v0, v4;
	v5 =	vand.u32 $0xFFFFFF80, v3  }
0x108: {  	v3 =	vand.u32 $0x7F, v3;
	v5 =	vadd.s32 v4, v5;
	v6 =	vand.u32 $0xFFFFFF80, v2  }
0x109: {  	v2 =	vand.u32 $0x7F, v2;
	v3 =	vor.u32 v3, v5;
	v4 =	vadd.s32 v4, v6  }
0x10a: {  	v2 =	vor.u32 v2, v4;
	_ =	sdelay $0x3  }
0x10b: {  	v3 =	vld.idx.msk [tilespmem:v3+s17+$0x0], $0xffff  }
0x10c: {  	v2 =	vld.idx.msk [tilespmem:v2+s19+$0x0], $0xffff;
	_ =	sdelay $0x4  }
0x10d: {  	v2 =	vadd.f32 v2, v3;
	_ =	sdelay $0x1  }
0x10e: {  	v2 =	vadd.f32 v2, v1  }
0x10f: {  	s0 =	sadd.s32 $0x10, s28  }
0x110: {  	[tilespmem:s0+$0x0] =	vst v2  }
0x111: {  	[tilespmem:s17], [sflag:$0x1] =	stream.indirect.gather [hbm4b:s3+s14], $0x80, s22, s14, $0xb8;
	[tilespmem:$0x10A80] =	vst v63  }
0x112: {  	_ = 	snop  }
0x113: {  	[tilespmem:s19], [sflag:$0x2] =	stream.indirect.gather [hbm4b:s4+s14], $0x80, s23, s14, $0xb8;
	[tilespmem:$0x10A80] =	vst v63  }
0x114: {  	_ =	swait.ge [sflag:s12], $0x4000  }
0x115: {  	[sflag:s12] =	ssyncset.done $0x0  }
0x116: {  	[sflag:s12] =	ssyncadd.s32 $0xFFFFC000  }
0x117: {  	_ =	swait.ge [sflag:s13], $0x4000  }
0x118: {  	[sflag:s13] =	ssyncset.done $0x0  }
0x119: {  	s0 =	simm.s32 $0x500;
	[sflag:s13] =	ssyncadd.s32 $0xFFFFC000  }
0x11a: {  	s28 =	simm.s32 $0x700;
	v2 =	vld [tilespmem:s0+$0x0]  }
0x11b: {  	v3 =	vld [tilespmem:s28+$0x0]  }
0x11c: {  	s0 =	simm.s32 $0x0  }
0x11d: {  	v4 =	vmov s0  }
0x11e: {  	v4 =	vshll.u32 v4, $0x7  }
0x11f: {  	v4 =	vor.u32 v0, v4;
	v5 =	vand.u32 $0xFFFFFF80, v2  }
0x120: {  	v2 =	vand.u32 $0x7F, v2;
	v63 =	vand.u32 $0xFFFFFF80, v3;
	v5 =	vadd.s32 v4, v5  }
0x121: {  	v3 =	vand.u32 $0x7F, v3;
	v4 =	vadd.s32 v4, v63;
	v2 =	vor.u32 v2, v5  }
0x122: {  	v3 =	vor.u32 v3, v4;
	_ =	sdelay $0x3  }
0x123: {  	v2 =	vld.idx.msk [tilespmem:v2+s15+$0x0], $0xffff  }
0x124: {  	v3 =	vld.idx.msk [tilespmem:v3+s16+$0x0], $0xffff;
	_ =	sdelay $0x4  }
0x125: {  	v2 =	vadd.f32 v3, v2;
	_ =	sdelay $0x1  }
0x126: {  	v2 =	vadd.f32 v2, v1  }
0x127: {  	s28 =	simm.s32 $0x10980  }
0x128: {  	s29 =	simm.s32 $0x510;
	[tilespmem:s28+$0x0] =	vst v2  }
0x129: {  	s30 =	simm.s32 $0x710;
	v3 =	vld [tilespmem:s29+$0x0]  }
0x12a: {  	s31 =	simm.s32 $0x10;
	s0 =	simm.s32 $0x20;
	v2 =	vld [tilespmem:s30+$0x0]  }
.LBB2_6:
0x12b: {  	p0 =	sne.s32 s0, $0x70  }
0x12c: {  	v4 =	vmov s31;
	s31 =	smov.u32 s0  }
0x12d: {  	v4 =	vshll.u32 v4, $0x7  }
0x12e: {  	v4 =	vor.u32 v0, v4;
	v5 =	vand.u32 $0xFFFFFF80, v3  }
0x12f: {  	v3 =	vand.u32 $0x7F, v3;
	v5 =	vadd.s32 v4, v5;
	v6 =	vand.u32 $0xFFFFFF80, v2  }
0x130: {  	v2 =	vand.u32 $0x7F, v2;
	v3 =	vor.u32 v3, v5;
	v4 =	vadd.s32 v4, v6  }
0x131: {  	v2 =	vor.u32 v2, v4;
	_ =	sdelay $0x3  }
0x132: {  	v3 =	vld.idx.msk [tilespmem:v3+s15+$0x0], $0xffff  }
0x133: {  	v2 =	vld.idx.msk [tilespmem:v2+s16+$0x0], $0xffff;
	_ =	sdelay $0x5  }
0x134: {  	v2 =	vadd.f32 v2, v3;
	_ =	sdelay $0x1  }
.Ltmp2:
0x135: {  	v2 =	vadd.f32 v2, v1;
	(pc) =	sbr.rel @p0 .LBB2_6-.Ltmp2, $4  }
0x136: {  	s28 =	sadd.s32 $0x10, s28  }
0x137: {  	s29 =	sadd.s32 $0x10, s29;
	[tilespmem:s28+$0x0] =	vst v2  }
0x138: {  	s30 =	sadd.s32 $0x10, s30;
	v3 =	vld [tilespmem:s29+$0x0]  }
0x139: {  	s0 =	sadd.s32 $0x10, s0;
	v2 =	vld [tilespmem:s30+$0x0]  }
0x13a: {  	_ = 	snop  }
0x13b: {  	v4 =	vmov s31  }
0x13c: {  	v4 =	vshll.u32 v4, $0x7  }
0x13d: {  	v4 =	vor.u32 v0, v4;
	v5 =	vand.u32 $0xFFFFFF80, v3  }
0x13e: {  	v3 =	vand.u32 $0x7F, v3;
	v5 =	vadd.s32 v4, v5;
	v6 =	vand.u32 $0xFFFFFF80, v2  }
0x13f: {  	v2 =	vand.u32 $0x7F, v2;
	v3 =	vor.u32 v3, v5;
	v4 =	vadd.s32 v4, v6  }
0x140: {  	v2 =	vor.u32 v2, v4;
	_ =	sdelay $0x3  }
0x141: {  	v3 =	vld.idx.msk [tilespmem:v3+s15+$0x0], $0xffff  }
0x142: {  	v2 =	vld.idx.msk [tilespmem:v2+s16+$0x0], $0xffff;
	_ =	sdelay $0x4  }
0x143: {  	v2 =	vadd.f32 v2, v3;
	_ =	sdelay $0x1  }
0x144: {  	v2 =	vadd.f32 v2, v1  }
0x145: {  	s0 =	sadd.s32 $0x10, s28  }
0x146: {  	[tilespmem:s0+$0x0] =	vst v2  }
0x147: {  	_ =	swait.ge [sflag:s12], $0x4000  }
0x148: {  	[sflag:s12] =	ssyncset.done $0x0  }
0x149: {  	[sflag:s12] =	ssyncadd.s32 $0xFFFFC000  }
0x14a: {  	_ =	swait.ge [sflag:s13], $0x4000  }
0x14b: {  	[sflag:s13] =	ssyncset.done $0x0  }
0x14c: {  	s0 =	simm.s32 $0x580;
	[sflag:s13] =	ssyncadd.s32 $0xFFFFC000  }
0x14d: {  	s28 =	simm.s32 $0x780;
	v2 =	vld [tilespmem:s0+$0x0]  }
0x14e: {  	v3 =	vld [tilespmem:s28+$0x0]  }
0x14f: {  	s0 =	simm.s32 $0x0  }
0x150: {  	v4 =	vmov s0  }
0x151: {  	v4 =	vshll.u32 v4, $0x7  }
0x152: {  	v4 =	vor.u32 v0, v4;
	v5 =	vand.u32 $0xFFFFFF80, v2  }
0x153: {  	v2 =	vand.u32 $0x7F, v2;
	v63 =	vand.u32 $0xFFFFFF80, v3;
	v5 =	vadd.s32 v4, v5  }
0x154: {  	v3 =	vand.u32 $0x7F, v3;
	v4 =	vadd.s32 v4, v63;
	v2 =	vor.u32 v2, v5  }
0x155: {  	v3 =	vor.u32 v3, v4;
	_ =	sdelay $0x3  }
0x156: {  	v2 =	vld.idx.msk [tilespmem:v2+s17+$0x0], $0xffff  }
0x157: {  	v3 =	vld.idx.msk [tilespmem:v3+s19+$0x0], $0xffff;
	_ =	sdelay $0x4  }
0x158: {  	v2 =	vadd.f32 v3, v2;
	_ =	sdelay $0x1  }
0x159: {  	v2 =	vadd.f32 v2, v1  }
0x15a: {  	s28 =	simm.s32 $0x10A00  }
0x15b: {  	s29 =	simm.s32 $0x590;
	[tilespmem:s28+$0x0] =	vst v2  }
0x15c: {  	s30 =	simm.s32 $0x790;
	v3 =	vld [tilespmem:s29+$0x0]  }
0x15d: {  	s31 =	simm.s32 $0x10;
	s0 =	simm.s32 $0x20;
	v2 =	vld [tilespmem:s30+$0x0]  }
.LBB2_8:
0x15e: {  	p0 =	sne.s32 s0, $0x70  }
0x15f: {  	v4 =	vmov s31;
	s31 =	smov.u32 s0  }
0x160: {  	v4 =	vshll.u32 v4, $0x7  }
0x161: {  	v4 =	vor.u32 v0, v4;
	v5 =	vand.u32 $0xFFFFFF80, v3  }
0x162: {  	v3 =	vand.u32 $0x7F, v3;
	v5 =	vadd.s32 v4, v5;
	v6 =	vand.u32 $0xFFFFFF80, v2  }
0x163: {  	v2 =	vand.u32 $0x7F, v2;
	v3 =	vor.u32 v3, v5;
	v4 =	vadd.s32 v4, v6  }
0x164: {  	v2 =	vor.u32 v2, v4;
	_ =	sdelay $0x3  }
0x165: {  	v3 =	vld.idx.msk [tilespmem:v3+s17+$0x0], $0xffff  }
0x166: {  	v2 =	vld.idx.msk [tilespmem:v2+s19+$0x0], $0xffff;
	_ =	sdelay $0x5  }
0x167: {  	v2 =	vadd.f32 v2, v3;
	_ =	sdelay $0x1  }
.Ltmp3:
0x168: {  	v2 =	vadd.f32 v2, v1;
	(pc) =	sbr.rel @p0 .LBB2_8-.Ltmp3, $4  }
0x169: {  	s28 =	sadd.s32 $0x10, s28  }
0x16a: {  	s29 =	sadd.s32 $0x10, s29;
	[tilespmem:s28+$0x0] =	vst v2  }
0x16b: {  	s30 =	sadd.s32 $0x10, s30;
	v3 =	vld [tilespmem:s29+$0x0]  }
0x16c: {  	s0 =	sadd.s32 $0x10, s0;
	v2 =	vld [tilespmem:s30+$0x0]  }
0x16d: {  	_ = 	snop  }
0x16e: {  	v4 =	vmov s31  }
0x16f: {  	v4 =	vshll.u32 v4, $0x7  }
0x170: {  	v4 =	vor.u32 v0, v4;
	v5 =	vand.u32 $0xFFFFFF80, v3  }
0x171: {  	v3 =	vand.u32 $0x7F, v3;
	v5 =	vadd.s32 v4, v5;
	v6 =	vand.u32 $0xFFFFFF80, v2  }
0x172: {  	v2 =	vand.u32 $0x7F, v2;
	v3 =	vor.u32 v3, v5;
	v4 =	vadd.s32 v4, v6  }
0x173: {  	v2 =	vor.u32 v2, v4;
	_ =	sdelay $0x3  }
0x174: {  	v3 =	vld.idx.msk [tilespmem:v3+s17+$0x0], $0xffff  }
0x175: {  	v2 =	vld.idx.msk [tilespmem:v2+s19+$0x0], $0xffff;
	_ =	sdelay $0x4  }
0x176: {  	v2 =	vadd.f32 v2, v3;
	_ =	sdelay $0x1  }
0x177: {  	s26 =	sadd.s32 $0x1, s26;
	v1 =	vadd.f32 v2, v1  }
0x178: {  	s0 =	sadd.s32 $0x10, s28;
	p0 =	sne.s32 s26, s9  }
.Ltmp4:
0x179: {  	[tilespmem:s0+$0x0] =	vst v1;
	(pc) =	sbr.rel @p0 .LBB2_1-.Ltmp4, $4  }
0x17a: {  	[hbm4b:s8+s1] =	stream.linear.scatter [tilespmem:s24], [sflag:$0x3], $0x200, $0x38;
	[tilespmem:$0x10A80] =	vst v63  }
0x17b: {  	_ =	swait.ge [sflag:s25], $0x200  }
0x17c: {  	[sflag:s25] =	ssyncset.done $0x0  }
0x17d: {  	[sflag:s25] =	ssyncadd.s32 $0xFFFFFE00  }
0x17e: {  	_ =	sfence.sel $0x180000  }
0x17f: {  	[bflag:$0x0] =	sbarrier.arrive $0xFFFF  }
0x180: {  	_ =	strace $0x9000004A  }
0x181: {  	[bflag:$0x2] =	sbarrier.arrive $0xFFFF  }
0x182: {  	p0 =	sne.s32 s2, $0x0;
	s0 =	rddreg [dreg:$0x4]  }
0x183: {  	s0 =	sadd.s32 @!p0 $0x100000, s0  }
0x184: {  	[sflag:s0] =	ssyncadd.tile.s32 @!p0 $0x1;
	_ =	shalt  }
.Lfunc_end2:
_tile_overlayer_lowered:
.L_overlay_start_2:
0x185: {  	(tag) =	ssettag $0x2  }
0x186: {  	s0 =	rddreg [dreg:$0x0];
	s2 =	stileid.u32  }
0x187: {  	s1 =	rddreg [dreg:$0x1];
	p0 =	sne.s32 s2, $0x0  }
0x188: {  	s3 =	rddreg [dreg:$0x2];
	[bflag:$0x3] =	sbarrier.arrive $0xFFFF;
	s2 =	simm.s32 @!p0 $0x1C03  }
0x189: {  	[timem:s3], [sflag:s2] =	dma.local @!p0 [hbm:s0], s1  }
0x18a: {  	s0 =	simm.s32 @!p0 $0x3  }
0x18b: {  	_ =	swait.ge @!p0 [sflag:s0], s1  }
0x18c: {  	s1 =	ssub.s32 @!p0 $0x0, s1;
	[sflag:s0] =	ssyncset.done @!p0 $0x0  }
0x18d: {  	[sflag:s0] =	ssyncadd.s32 @!p0 s1  }
0x18e: {  	[bflag:$0x3] =	sbarrier.arrive $0xFFFF  }
0x18f: {  	_ =	shalt  }

</sc_bundles>
